<compile_context>
chip_gen: v7x
topology: tpu7x:2x2x1
jax: 0.10.2.dev20260603
libtpu: 0.0.44.dev20260713+nightly
codegen_flags: <defaults>
</compile_context>

<pallas_src>
import functools

import numpy as np
import jax
import jax.numpy as jnp
from jax import lax
from jax.experimental import pallas as pl
from jax.experimental.pallas import tpu as pltpu
from jax.experimental.pallas import tpu_sc as plsc

B = 1024
N = 100000
K = 10
NC = 2
NS = 16
NW = NC * NS
ROWS_PW = B // NW
RB = 8
NBLK = ROWS_PW // RB
CHUNK = 3200
NCH = 31
TAIL = N - NCH * CHUNK
GROUP = 400
NVREG = GROUP // 16
NG_REG = CHUNK // GROUP
NG_TAIL = TAIL // GROUP
SURV = GROUP + 16

_W = np.zeros(16, np.float32)
_W[:K] = (1.0 / np.log2(np.arange(1, K + 1, dtype=np.float64) + 1.0)).astype(
    np.float32)


def _ndcg_rows(predictions, relevance):
  mesh = plsc.VectorSubcoreMesh(
      core_axis_name="c", subcore_axis_name="s", num_cores=NC,
      num_subcores=NS)

  @functools.partial(
      pl.kernel,
      out_type=jax.ShapeDtypeStruct((B,), jnp.float32),
      mesh=mesh,
      compiler_params=pltpu.CompilerParams(
          needs_layout_passes=False, allow_input_fusion=[True, True]),
      scratch_types=[
          pltpu.VMEM((2 * RB, CHUNK), jnp.float32),
          pltpu.VMEM((2 * RB, CHUNK), jnp.float32),
          pltpu.VMEM((RB, TAIL), jnp.float32),
          pltpu.VMEM((RB, TAIL), jnp.float32),
          pltpu.VMEM((RB * 16,), jnp.float32),
          pltpu.VMEM((RB * 16,), jnp.float32),
          pltpu.VMEM((RB * 16,), jnp.float32),
          pltpu.VMEM((RB * 16,), jnp.float32),
          pltpu.VMEM((RB * 16,), jnp.float32),
          pltpu.VMEM((SURV,), jnp.float32),
          pltpu.VMEM((SURV,), jnp.float32),
          pltpu.VMEM((ROWS_PW,), jnp.float32),
          pltpu.SemaphoreType.DMA,
          pltpu.SemaphoreType.DMA,
      ],
  )
  def ndcg_kernel(pred_hbm, rel_hbm, out_hbm, pred_buf, rel_buf, pred_tl,
                  rel_tl, st_pv, st_pr, st_tp, st_rv, st_tr, sv_buf, sp_buf,
                  ndcg_buf, psem, rsem):
    wid = lax.axis_index("s") * NC + lax.axis_index("c")
    lane = lax.iota(jnp.int32, 16)
    w_vec = jnp.zeros((16,), jnp.float32)
    for k in range(K):
      w_vec = jnp.where(lane == k, float(_W[k]), w_vec)
    neg_inf = jnp.full((16,), -jnp.inf, jnp.float32)
    row0 = wid * ROWS_PW

    def fetch_reg(b, c, parity):
      r8 = row0 + b * RB
      pltpu.async_copy(pred_hbm.at[pl.ds(r8, RB), pl.ds(c * CHUNK, CHUNK)],
                       pred_buf.at[pl.ds(parity * RB, RB)], psem)
      pltpu.async_copy(rel_hbm.at[pl.ds(r8, RB), pl.ds(c * CHUNK, CHUNK)],
                       rel_buf.at[pl.ds(parity * RB, RB)], rsem)

    def wait_reg(b, c, parity):
      r8 = row0 + b * RB
      pltpu.make_async_copy(
          pred_hbm.at[pl.ds(r8, RB), pl.ds(c * CHUNK, CHUNK)],
          pred_buf.at[pl.ds(parity * RB, RB)], psem).wait()
      pltpu.make_async_copy(
          rel_hbm.at[pl.ds(r8, RB), pl.ds(c * CHUNK, CHUNK)],
          rel_buf.at[pl.ds(parity * RB, RB)], rsem).wait()

    def fetch_tail(b):
      r8 = row0 + b * RB
      pltpu.async_copy(pred_hbm.at[pl.ds(r8, RB), pl.ds(NCH * CHUNK, TAIL)],
                       pred_tl, psem)
      pltpu.async_copy(rel_hbm.at[pl.ds(r8, RB), pl.ds(NCH * CHUNK, TAIL)],
                       rel_tl, rsem)

    def wait_tail(b):
      r8 = row0 + b * RB
      pltpu.make_async_copy(
          pred_hbm.at[pl.ds(r8, RB), pl.ds(NCH * CHUNK, TAIL)],
          pred_tl, psem).wait()
      pltpu.make_async_copy(
          rel_hbm.at[pl.ds(r8, RB), pl.ds(NCH * CHUNK, TAIL)],
          rel_tl, rsem).wait()

    def merge_pred_sorted(so, sv, sp):
      rsv = lax.rev(sv, (0,))
      rsp = lax.rev(sp, (0,))
      cur_v = st_pv[pl.ds(so, 16)]
      cur_p = st_pr[pl.ds(so, 16)]
      take = rsv > cur_v
      nv = jnp.where(take, rsv, cur_v)
      np_ = jnp.where(take, rsp, cur_p)
      nv, np_ = plsc.sort_key_val(nv, np_, descending=True)
      st_pv[pl.ds(so, 16)] = nv
      st_pr[pl.ds(so, 16)] = np_
      st_tp[pl.ds(so, 16)] = jnp.broadcast_to(nv[K - 1], (16,))

    def merge_rel_sorted(so, sv):
      rsv = lax.rev(sv, (0,))
      cur = st_rv[pl.ds(so, 16)]
      take = rsv > cur
      nv = jnp.where(take, rsv, cur)
      nv, _ = plsc.sort_key_val(nv, nv, descending=True)
      st_rv[pl.ds(so, 16)] = nv
      st_tr[pl.ds(so, 16)] = jnp.broadcast_to(nv[K - 1], (16,))

    def scan_chunk(pbuf, rbuf, prow0, ngroups):
      def row_scan(r, carry):
        so = pl.multiple_of(r * 16, 16)
        prow = prow0 + r

        def locate(buf, tvec, gb):
          cnt_a = jnp.zeros((16,), jnp.int32)
          cnt_b = jnp.zeros((16,), jnp.int32)
          for j in range(NVREG):
            v = buf[prow, pl.ds(gb + 16 * j, 16)]
            c = plsc.all_reduce_population_count(v > tvec)
            if j < 16:
              cnt_a = jnp.where(lane == j, c, cnt_a)
            else:
              cnt_b = jnp.where(lane == j - 16, c, cnt_b)
          return cnt_a, cnt_b

        def hot_cond(st):
          ma, mb = st
          return jnp.any(ma > 0) | jnp.any(mb > 0)

        def next_hot(ma, mb):
          anyA = jnp.any(ma > 0)
          ja = plsc.all_reduce_ffs(ma > 0)[0]
          jb = plsc.all_reduce_ffs(mb > 0)[0]
          j = jnp.where(anyA, ja, jb + 16)
          ma2 = jnp.where(lane == j, 0, ma)
          mb2 = jnp.where(lane == j - 16, 0, mb)
          return j, ma2, mb2

        def trigger_pred(tvec, gb):
          counts = locate(pbuf, tvec, gb)

          def body(st):
            ma, mb = st
            j, ma2, mb2 = next_hot(ma, mb)
            v = pbuf[prow, pl.ds(gb + 16 * j, 16)]
            pv = rbuf[prow, pl.ds(gb + 16 * j, 16)]
            m = v > st_tp[pl.ds(so, 16)]
            cnt = plsc.all_reduce_population_count(m)[0]
            plsc.store_compressed(sv_buf.at[pl.ds(0, 16)], v, mask=m)
            plsc.store_compressed(sp_buf.at[pl.ds(0, 16)], pv, mask=m)
            sv = sv_buf[pl.ds(0, 16)]
            sp = sp_buf[pl.ds(0, 16)]
            sv_buf[pl.ds(0, 16)] = neg_inf
            sv, sp = lax.cond(
                cnt > 1,
                lambda: tuple(plsc.sort_key_val(sv, sp, descending=True)),
                lambda: (sv, sp))

            @pl.when(cnt > 0)
            def _():
              merge_pred_sorted(so, sv, sp)

            return ma2, mb2

          lax.while_loop(hot_cond, body, counts)

        def trigger_rel(tvec, gb):
          counts = locate(rbuf, tvec, gb)

          def body(st):
            ma, mb = st
            j, ma2, mb2 = next_hot(ma, mb)
            v = rbuf[prow, pl.ds(gb + 16 * j, 16)]
            m = v > st_tr[pl.ds(so, 16)]
            cnt = plsc.all_reduce_population_count(m)[0]
            plsc.store_compressed(sv_buf.at[pl.ds(0, 16)], v, mask=m)
            sv = sv_buf[pl.ds(0, 16)]
            sv_buf[pl.ds(0, 16)] = neg_inf
            sv = lax.cond(
                cnt > 1,
                lambda: plsc.sort_key_val(sv, sv, descending=True)[0],
                lambda: sv)

            @pl.when(cnt > 0)
            def _():
              merge_rel_sorted(so, sv)

            return ma2, mb2

          lax.while_loop(hot_cond, body, counts)

        def group_body(g, c3):
          gb = pl.multiple_of(g * GROUP, GROUP)
          tp_vec = st_tp[pl.ds(so, 16)]
          tr_vec = st_tr[pl.ds(so, 16)]
          acc = [None] * 4
          for j in range(NVREG):
            v = pbuf[prow, pl.ds(gb + 16 * j, 16)]
            a = j % 4
            acc[a] = v if acc[a] is None else jnp.maximum(acc[a], v)
          pmax = jnp.maximum(jnp.maximum(acc[0], acc[1]),
                             jnp.maximum(acc[2], acc[3]))
          racc = [None] * 4
          for j in range(NVREG):
            v = rbuf[prow, pl.ds(gb + 16 * j, 16)]
            a = j % 4
            racc[a] = v if racc[a] is None else jnp.maximum(racc[a], v)
          rmax = jnp.maximum(jnp.maximum(racc[0], racc[1]),
                             jnp.maximum(racc[2], racc[3]))
          pcnt = plsc.all_reduce_population_count(pmax > tp_vec)[0]
          rcnt = plsc.all_reduce_population_count(rmax > tr_vec)[0]

          @pl.when(pcnt + rcnt > 0)
          def _():
            @pl.when(pcnt > 0)
            def _():
              trigger_pred(tp_vec, gb)

            @pl.when(rcnt > 0)
            def _():
              trigger_rel(tr_vec, gb)

          return c3

        return lax.fori_loop(0, ngroups, group_body, carry)

      lax.fori_loop(0, RB, row_scan, 0)

    for i in range(SURV // 16):
      sv_buf[pl.ds(16 * i, 16)] = neg_inf
    fetch_reg(0, 0, 0)

    def block_body(b, carry):
      for i in range(RB):
        so = pl.multiple_of(i * 16, 16)
        st_pv[pl.ds(so, 16)] = neg_inf
        st_pr[pl.ds(so, 16)] = jnp.zeros((16,), jnp.float32)
        st_tp[pl.ds(so, 16)] = neg_inf
        st_rv[pl.ds(so, 16)] = neg_inf
        st_tr[pl.ds(so, 16)] = neg_inf

      def chunk_body(c, c2):
        parity = c % 2
        wait_reg(b, c, parity)

        @pl.when(c < NCH - 1)
        def _():
          fetch_reg(b, c + 1, 1 - parity)

        @pl.when(c == NCH - 1)
        def _():
          fetch_tail(b)

        scan_chunk(pred_buf, rel_buf, parity * RB, NG_REG)
        return c2

      lax.fori_loop(0, NCH, chunk_body, 0)

      wait_tail(b)

      @pl.when(b < NBLK - 1)
      def _():
        fetch_reg(b + 1, 0, 0)

      scan_chunk(pred_tl, rel_tl, 0, NG_TAIL)

      def finalize(r, c4):
        so = pl.multiple_of(r * 16, 16)
        dcg = jnp.sum(jnp.where(lane < K, st_pr[pl.ds(so, 16)] * w_vec, 0.0))
        idcg = jnp.sum(jnp.where(lane < K, st_rv[pl.ds(so, 16)] * w_vec, 0.0))
        ndcg_v = jnp.broadcast_to(dcg, (16,)) / (
            jnp.broadcast_to(idcg, (16,)) + 1e-8)
        plsc.store_scatter(
            ndcg_buf,
            [jnp.broadcast_to(b * RB + r, (16,)).astype(jnp.int32)], ndcg_v,
            mask=lane == 0)
        return c4

      lax.fori_loop(0, RB, finalize, 0)
      return carry

    lax.fori_loop(0, NBLK, block_body, 0)
    pltpu.sync_copy(ndcg_buf, out_hbm.at[pl.ds(row0, ROWS_PW)])

  return ndcg_kernel(predictions, relevance)


def kernel(predictions, relevance_scores):
  ndcg = _ndcg_rows(predictions, relevance_scores)
  return 1.0 - jnp.mean(ndcg)

# --- scband reference (transcript-rebuilt; emitter-appended) ---
"""Pipeline reference for scband-ndcgloss-7060926235072 (READ-ONLY COPY).

The authoritative reference and input builder live on the scoring server;
editing this copy changes nothing except your own understanding.
"""

import jax, jax.numpy as jnp
import numpy as np

K = 10
TEMPERATURE = 1.0

def setup_inputs(seed: int = 0) -> dict:
    key = jax.random.key(seed)
    k1, k2 = jax.random.split(key)
    predictions = jax.random.normal(k1, (1024, 100000), dtype=jnp.float32)
    relevance_scores = jax.random.uniform(k2, (1024, 100000), dtype=jnp.float32)
    return {"predictions": predictions, "relevance_scores": relevance_scores}

def reference(predictions, relevance_scores):
    p = predictions / TEMPERATURE
    # top-k of predictions (descending sort + slice in torch == top_k)
    _, top_k_indices = jax.lax.top_k(p, K)
    gathered_relevance = jnp.take_along_axis(relevance_scores, top_k_indices, axis=1)
    positions = jnp.arange(1, K + 1, dtype=jnp.float32)
    position_weights = 1.0 / jnp.log2(positions + 1.0)
    dcg = jnp.sum(gathered_relevance * position_weights[None, :], axis=1)
    # ideal top-k from relevance scores
    _, ideal_top_k = jax.lax.top_k(relevance_scores, K)
    ideal_relevance = jnp.take_along_axis(relevance_scores, ideal_top_k, axis=1)
    idcg = jnp.sum(ideal_relevance * position_weights[None, :], axis=1)
    ndcg = dcg / (idcg + 1e-08)
    return 1.0 - jnp.mean(ndcg)

if __name__ == "__main__":
    import jax
    _d = setup_inputs()
    print(jax.jit(kernel)(*tuple(_d.values())))

</pallas_src>

<mosaic_0001>
#map = affine_map<(d0, d1) -> (0, 0)>
#map1 = affine_map<(d0, d1) -> (0)>
module attributes {stable_mosaic.version = 14 : i64} {
  func.func @ndcg_kernel(%arg0: i32, %arg1: i32, %arg2: memref<1024x100000xf32, #tpu.memory_space<hbm>>, %arg3: memref<1024x100000xf32, #tpu.memory_space<hbm>>, %arg4: memref<1024xf32, #tpu.memory_space<hbm>>, %arg5: memref<16x3200xf32, #tpu.memory_space<vmem>>, %arg6: memref<16x3200xf32, #tpu.memory_space<vmem>>, %arg7: memref<8x800xf32, #tpu.memory_space<vmem>>, %arg8: memref<8x800xf32, #tpu.memory_space<vmem>>, %arg9: memref<128xf32, #tpu.memory_space<vmem>>, %arg10: memref<128xf32, #tpu.memory_space<vmem>>, %arg11: memref<128xf32, #tpu.memory_space<vmem>>, %arg12: memref<128xf32, #tpu.memory_space<vmem>>, %arg13: memref<128xf32, #tpu.memory_space<vmem>>, %arg14: memref<416xf32, #tpu.memory_space<vmem>>, %arg15: memref<416xf32, #tpu.memory_space<vmem>>, %arg16: memref<32xf32, #tpu.memory_space<vmem>>, %arg17: memref<!tpu.dma_semaphore, #tpu.memory_space<semaphore_mem>>, %arg18: memref<!tpu.dma_semaphore, #tpu.memory_space<semaphore_mem>>) attributes {dimension_semantics = [#tpu.dimension_semantics<core_parallel>, #tpu.dimension_semantics<subcore_parallel>], iteration_bounds = array<i64: 2, 16>, scalar_prefetch = 0 : i64, scratch_operands = 14 : i64, tpu.core_type = #tpu.core_type<sc_vector_subcore>, window_params = [{transform_indices = #map}, {transform_indices = #map}, {transform_indices = #map1}]} {
    %mul3A = arith.constant 2 : i32
    %mul3A_0 = arith.muli %arg1, %mul3A : i32
    %add3A = arith.addi %mul3A_0, %arg0 : i32
    %iota3A = tpu.iota {dimensions = array<i32: 0>} : vector<16xi32>
    %broadcast_in_dim3A = arith.constant 0.000000e+00 : f32
    %broadcast_in_dim3A_1 = vector.broadcast %broadcast_in_dim3A : f32 to vector<16xf32>
    %eq3A = arith.constant 0 : i32
    %eq3A_2 = vector.broadcast %eq3A : i32 to vector<16xi32>
    %eq3A_3 = arith.cmpi eq, %iota3A, %eq3A_2 : vector<16xi32>
    %jit3A = arith.constant 1.000000e+00 : f32
    %broadcast_in_dim3A_4 = vector.broadcast %jit3A : f32 to vector<16xf32>
    %select_n3A = arith.select %eq3A_3, %broadcast_in_dim3A_4, %broadcast_in_dim3A_1 : vector<16xi1>, vector<16xf32>
    %eq3A_5 = arith.constant 1 : i32
    %eq3A_6 = vector.broadcast %eq3A_5 : i32 to vector<16xi32>
    %eq3A_7 = arith.cmpi eq, %iota3A, %eq3A_6 : vector<16xi32>
    %jit3A_8 = arith.constant 0.630929768 : f32
    %broadcast_in_dim3A_9 = vector.broadcast %jit3A_8 : f32 to vector<16xf32>
    %select_n3A_10 = arith.select %eq3A_7, %broadcast_in_dim3A_9, %select_n3A : vector<16xi1>, vector<16xf32>
    %eq3A_11 = arith.constant 2 : i32
    %eq3A_12 = vector.broadcast %eq3A_11 : i32 to vector<16xi32>
    %eq3A_13 = arith.cmpi eq, %iota3A, %eq3A_12 : vector<16xi32>
    %jit3A_14 = arith.constant 5.000000e-01 : f32
    %broadcast_in_dim3A_15 = vector.broadcast %jit3A_14 : f32 to vector<16xf32>
    %select_n3A_16 = arith.select %eq3A_13, %broadcast_in_dim3A_15, %select_n3A_10 : vector<16xi1>, vector<16xf32>
    %eq3A_17 = arith.constant 3 : i32
    %eq3A_18 = vector.broadcast %eq3A_17 : i32 to vector<16xi32>
    %eq3A_19 = arith.cmpi eq, %iota3A, %eq3A_18 : vector<16xi32>
    %jit3A_20 = arith.constant 0.43067655 : f32
    %broadcast_in_dim3A_21 = vector.broadcast %jit3A_20 : f32 to vector<16xf32>
    %select_n3A_22 = arith.select %eq3A_19, %broadcast_in_dim3A_21, %select_n3A_16 : vector<16xi1>, vector<16xf32>
    %eq3A_23 = arith.constant 4 : i32
    %eq3A_24 = vector.broadcast %eq3A_23 : i32 to vector<16xi32>
    %eq3A_25 = arith.cmpi eq, %iota3A, %eq3A_24 : vector<16xi32>
    %jit3A_26 = arith.constant 0.386852801 : f32
    %broadcast_in_dim3A_27 = vector.broadcast %jit3A_26 : f32 to vector<16xf32>
    %select_n3A_28 = arith.select %eq3A_25, %broadcast_in_dim3A_27, %select_n3A_22 : vector<16xi1>, vector<16xf32>
    %eq3A_29 = arith.constant 5 : i32
    %eq3A_30 = vector.broadcast %eq3A_29 : i32 to vector<16xi32>
    %eq3A_31 = arith.cmpi eq, %iota3A, %eq3A_30 : vector<16xi32>
    %jit3A_32 = arith.constant 0.356207192 : f32
    %broadcast_in_dim3A_33 = vector.broadcast %jit3A_32 : f32 to vector<16xf32>
    %select_n3A_34 = arith.select %eq3A_31, %broadcast_in_dim3A_33, %select_n3A_28 : vector<16xi1>, vector<16xf32>
    %eq3A_35 = arith.constant 6 : i32
    %eq3A_36 = vector.broadcast %eq3A_35 : i32 to vector<16xi32>
    %eq3A_37 = arith.cmpi eq, %iota3A, %eq3A_36 : vector<16xi32>
    %jit3A_38 = arith.constant 0.333333343 : f32
    %broadcast_in_dim3A_39 = vector.broadcast %jit3A_38 : f32 to vector<16xf32>
    %select_n3A_40 = arith.select %eq3A_37, %broadcast_in_dim3A_39, %select_n3A_34 : vector<16xi1>, vector<16xf32>
    %eq3A_41 = arith.constant 7 : i32
    %eq3A_42 = vector.broadcast %eq3A_41 : i32 to vector<16xi32>
    %eq3A_43 = arith.cmpi eq, %iota3A, %eq3A_42 : vector<16xi32>
    %jit3A_44 = arith.constant 0.315464884 : f32
    %broadcast_in_dim3A_45 = vector.broadcast %jit3A_44 : f32 to vector<16xf32>
    %select_n3A_46 = arith.select %eq3A_43, %broadcast_in_dim3A_45, %select_n3A_40 : vector<16xi1>, vector<16xf32>
    %eq3A_47 = arith.constant 8 : i32
    %eq3A_48 = vector.broadcast %eq3A_47 : i32 to vector<16xi32>
    %eq3A_49 = arith.cmpi eq, %iota3A, %eq3A_48 : vector<16xi32>
    %jit3A_50 = arith.constant 3.010300e-01 : f32
    %broadcast_in_dim3A_51 = vector.broadcast %jit3A_50 : f32 to vector<16xf32>
    %select_n3A_52 = arith.select %eq3A_49, %broadcast_in_dim3A_51, %select_n3A_46 : vector<16xi1>, vector<16xf32>
    %eq3A_53 = arith.constant 9 : i32
    %eq3A_54 = vector.broadcast %eq3A_53 : i32 to vector<16xi32>
    %eq3A_55 = arith.cmpi eq, %iota3A, %eq3A_54 : vector<16xi32>
    %jit3A_56 = arith.constant 0.289064825 : f32
    %broadcast_in_dim3A_57 = vector.broadcast %jit3A_56 : f32 to vector<16xf32>
    %select_n3A_58 = arith.select %eq3A_55, %broadcast_in_dim3A_57, %select_n3A_52 : vector<16xi1>, vector<16xf32>
    %broadcast_in_dim3A_59 = arith.constant 0xFF800000 : f32
    %broadcast_in_dim3A_60 = vector.broadcast %broadcast_in_dim3A_59 : f32 to vector<16xf32>
    %mul3A_61 = arith.constant 32 : i32
    %mul3A_62 = arith.muli %add3A, %mul3A_61 : i32
    %swap3A = arith.constant 0 : index
    %swap3A_63 = tpu.vector_load %arg14[%swap3A] {strides = array<i32>} : memref<416xf32, #tpu.memory_space<vmem>>, vector<16xf32>,
    tpu.vector_store %arg14[%swap3A], %broadcast_in_dim3A_60 {strides = array<i32>} : memref<416xf32, #tpu.memory_space<vmem>>, vector<16xf32>,
    %swap3A_64 = arith.constant 16 : index
    %swap3A_65 = tpu.vector_load %arg14[%swap3A_64] {strides = array<i32>} : memref<416xf32, #tpu.memory_space<vmem>>, vector<16xf32>,
    tpu.vector_store %arg14[%swap3A_64], %broadcast_in_dim3A_60 {strides = array<i32>} : memref<416xf32, #tpu.memory_space<vmem>>, vector<16xf32>,
    %swap3A_66 = arith.constant 32 : index
    %swap3A_67 = tpu.vector_load %arg14[%swap3A_66] {strides = array<i32>} : memref<416xf32, #tpu.memory_space<vmem>>, vector<16xf32>,
    tpu.vector_store %arg14[%swap3A_66], %broadcast_in_dim3A_60 {strides = array<i32>} : memref<416xf32, #tpu.memory_space<vmem>>, vector<16xf32>,
    %swap3A_68 = arith.constant 48 : index
    %swap3A_69 = tpu.vector_load %arg14[%swap3A_68] {strides = array<i32>} : memref<416xf32, #tpu.memory_space<vmem>>, vector<16xf32>,
    tpu.vector_store %arg14[%swap3A_68], %broadcast_in_dim3A_60 {strides = array<i32>} : memref<416xf32, #tpu.memory_space<vmem>>, vector<16xf32>,
    %swap3A_70 = arith.constant 64 : index
    %swap3A_71 = tpu.vector_load %arg14[%swap3A_70] {strides = array<i32>} : memref<416xf32, #tpu.memory_space<vmem>>, vector<16xf32>,
    tpu.vector_store %arg14[%swap3A_70], %broadcast_in_dim3A_60 {strides = array<i32>} : memref<416xf32, #tpu.memory_space<vmem>>, vector<16xf32>,
    %swap3A_72 = arith.constant 80 : index
    %swap3A_73 = tpu.vector_load %arg14[%swap3A_72] {strides = array<i32>} : memref<416xf32, #tpu.memory_space<vmem>>, vector<16xf32>,
    tpu.vector_store %arg14[%swap3A_72], %broadcast_in_dim3A_60 {strides = array<i32>} : memref<416xf32, #tpu.memory_space<vmem>>, vector<16xf32>,
    %swap3A_74 = arith.constant 96 : index
    %swap3A_75 = tpu.vector_load %arg14[%swap3A_74] {strides = array<i32>} : memref<416xf32, #tpu.memory_space<vmem>>, vector<16xf32>,
    tpu.vector_store %arg14[%swap3A_74], %broadcast_in_dim3A_60 {strides = array<i32>} : memref<416xf32, #tpu.memory_space<vmem>>, vector<16xf32>,
    %swap3A_76 = arith.constant 112 : index
    %swap3A_77 = tpu.vector_load %arg14[%swap3A_76] {strides = array<i32>} : memref<416xf32, #tpu.memory_space<vmem>>, vector<16xf32>,
    tpu.vector_store %arg14[%swap3A_76], %broadcast_in_dim3A_60 {strides = array<i32>} : memref<416xf32, #tpu.memory_space<vmem>>, vector<16xf32>,
    %swap3A_78 = arith.constant 128 : index
    %swap3A_79 = tpu.vector_load %arg14[%swap3A_78] {strides = array<i32>} : memref<416xf32, #tpu.memory_space<vmem>>, vector<16xf32>,
    tpu.vector_store %arg14[%swap3A_78], %broadcast_in_dim3A_60 {strides = array<i32>} : memref<416xf32, #tpu.memory_space<vmem>>, vector<16xf32>,
    %swap3A_80 = arith.constant 144 : index
    %swap3A_81 = tpu.vector_load %arg14[%swap3A_80] {strides = array<i32>} : memref<416xf32, #tpu.memory_space<vmem>>, vector<16xf32>,
    tpu.vector_store %arg14[%swap3A_80], %broadcast_in_dim3A_60 {strides = array<i32>} : memref<416xf32, #tpu.memory_space<vmem>>, vector<16xf32>,
    %swap3A_82 = arith.constant 160 : index
    %swap3A_83 = tpu.vector_load %arg14[%swap3A_82] {strides = array<i32>} : memref<416xf32, #tpu.memory_space<vmem>>, vector<16xf32>,
    tpu.vector_store %arg14[%swap3A_82], %broadcast_in_dim3A_60 {strides = array<i32>} : memref<416xf32, #tpu.memory_space<vmem>>, vector<16xf32>,
    %swap3A_84 = arith.constant 176 : index
    %swap3A_85 = tpu.vector_load %arg14[%swap3A_84] {strides = array<i32>} : memref<416xf32, #tpu.memory_space<vmem>>, vector<16xf32>,
    tpu.vector_store %arg14[%swap3A_84], %broadcast_in_dim3A_60 {strides = array<i32>} : memref<416xf32, #tpu.memory_space<vmem>>, vector<16xf32>,
    %swap3A_86 = arith.constant 192 : index
    %swap3A_87 = tpu.vector_load %arg14[%swap3A_86] {strides = array<i32>} : memref<416xf32, #tpu.memory_space<vmem>>, vector<16xf32>,
    tpu.vector_store %arg14[%swap3A_86], %broadcast_in_dim3A_60 {strides = array<i32>} : memref<416xf32, #tpu.memory_space<vmem>>, vector<16xf32>,
    %swap3A_88 = arith.constant 208 : index
    %swap3A_89 = tpu.vector_load %arg14[%swap3A_88] {strides = array<i32>} : memref<416xf32, #tpu.memory_space<vmem>>, vector<16xf32>,
    tpu.vector_store %arg14[%swap3A_88], %broadcast_in_dim3A_60 {strides = array<i32>} : memref<416xf32, #tpu.memory_space<vmem>>, vector<16xf32>,
    %swap3A_90 = arith.constant 224 : index
    %swap3A_91 = tpu.vector_load %arg14[%swap3A_90] {strides = array<i32>} : memref<416xf32, #tpu.memory_space<vmem>>, vector<16xf32>,
    tpu.vector_store %arg14[%swap3A_90], %broadcast_in_dim3A_60 {strides = array<i32>} : memref<416xf32, #tpu.memory_space<vmem>>, vector<16xf32>,
    %swap3A_92 = arith.constant 240 : index
    %swap3A_93 = tpu.vector_load %arg14[%swap3A_92] {strides = array<i32>} : memref<416xf32, #tpu.memory_space<vmem>>, vector<16xf32>,
    tpu.vector_store %arg14[%swap3A_92], %broadcast_in_dim3A_60 {strides = array<i32>} : memref<416xf32, #tpu.memory_space<vmem>>, vector<16xf32>,
    %swap3A_94 = arith.constant 256 : index
    %swap3A_95 = tpu.vector_load %arg14[%swap3A_94] {strides = array<i32>} : memref<416xf32, #tpu.memory_space<vmem>>, vector<16xf32>,
    tpu.vector_store %arg14[%swap3A_94], %broadcast_in_dim3A_60 {strides = array<i32>} : memref<416xf32, #tpu.memory_space<vmem>>, vector<16xf32>,
    %swap3A_96 = arith.constant 272 : index
    %swap3A_97 = tpu.vector_load %arg14[%swap3A_96] {strides = array<i32>} : memref<416xf32, #tpu.memory_space<vmem>>, vector<16xf32>,
    tpu.vector_store %arg14[%swap3A_96], %broadcast_in_dim3A_60 {strides = array<i32>} : memref<416xf32, #tpu.memory_space<vmem>>, vector<16xf32>,
    %swap3A_98 = arith.constant 288 : index
    %swap3A_99 = tpu.vector_load %arg14[%swap3A_98] {strides = array<i32>} : memref<416xf32, #tpu.memory_space<vmem>>, vector<16xf32>,
    tpu.vector_store %arg14[%swap3A_98], %broadcast_in_dim3A_60 {strides = array<i32>} : memref<416xf32, #tpu.memory_space<vmem>>, vector<16xf32>,
    %swap3A_100 = arith.constant 304 : index
    %swap3A_101 = tpu.vector_load %arg14[%swap3A_100] {strides = array<i32>} : memref<416xf32, #tpu.memory_space<vmem>>, vector<16xf32>,
    tpu.vector_store %arg14[%swap3A_100], %broadcast_in_dim3A_60 {strides = array<i32>} : memref<416xf32, #tpu.memory_space<vmem>>, vector<16xf32>,
    %swap3A_102 = arith.constant 320 : index
    %swap3A_103 = tpu.vector_load %arg14[%swap3A_102] {strides = array<i32>} : memref<416xf32, #tpu.memory_space<vmem>>, vector<16xf32>,
    tpu.vector_store %arg14[%swap3A_102], %broadcast_in_dim3A_60 {strides = array<i32>} : memref<416xf32, #tpu.memory_space<vmem>>, vector<16xf32>,
    %swap3A_104 = arith.constant 336 : index
    %swap3A_105 = tpu.vector_load %arg14[%swap3A_104] {strides = array<i32>} : memref<416xf32, #tpu.memory_space<vmem>>, vector<16xf32>,
    tpu.vector_store %arg14[%swap3A_104], %broadcast_in_dim3A_60 {strides = array<i32>} : memref<416xf32, #tpu.memory_space<vmem>>, vector<16xf32>,
    %swap3A_106 = arith.constant 352 : index
    %swap3A_107 = tpu.vector_load %arg14[%swap3A_106] {strides = array<i32>} : memref<416xf32, #tpu.memory_space<vmem>>, vector<16xf32>,
    tpu.vector_store %arg14[%swap3A_106], %broadcast_in_dim3A_60 {strides = array<i32>} : memref<416xf32, #tpu.memory_space<vmem>>, vector<16xf32>,
    %swap3A_108 = arith.constant 368 : index
    %swap3A_109 = tpu.vector_load %arg14[%swap3A_108] {strides = array<i32>} : memref<416xf32, #tpu.memory_space<vmem>>, vector<16xf32>,
    tpu.vector_store %arg14[%swap3A_108], %broadcast_in_dim3A_60 {strides = array<i32>} : memref<416xf32, #tpu.memory_space<vmem>>, vector<16xf32>,
    %swap3A_110 = arith.constant 384 : index
    %swap3A_111 = tpu.vector_load %arg14[%swap3A_110] {strides = array<i32>} : memref<416xf32, #tpu.memory_space<vmem>>, vector<16xf32>,
    tpu.vector_store %arg14[%swap3A_110], %broadcast_in_dim3A_60 {strides = array<i32>} : memref<416xf32, #tpu.memory_space<vmem>>, vector<16xf32>,
    %swap3A_112 = arith.constant 400 : index
    %swap3A_113 = tpu.vector_load %arg14[%swap3A_112] {strides = array<i32>} : memref<416xf32, #tpu.memory_space<vmem>>, vector<16xf32>,
    tpu.vector_store %arg14[%swap3A_112], %broadcast_in_dim3A_60 {strides = array<i32>} : memref<416xf32, #tpu.memory_space<vmem>>, vector<16xf32>,
    %add3A_114 = arith.constant 0 : i32
    %add3A_115 = arith.addi %mul3A_62, %add3A_114 : i32
    %dma_start3A = arith.constant 0 : i32
    %dma_start3A_116 = arith.constant 0 : i32
    %dma_start3A_117 = tpu.memref_slice %arg5[%dma_start3A, %dma_start3A_116] : memref<16x3200xf32, #tpu.memory_space<vmem>> -> memref<8x3200xf32, #tpu.memory_space<vmem>>
    %dma_start3A_118 = arith.constant 0 : i32
    %dma_start3A_119 = tpu.memref_slice %arg2[%add3A_115, %dma_start3A_118] : memref<1024x100000xf32, #tpu.memory_space<hbm>> -> memref<8x3200xf32, #tpu.memory_space<hbm>>
    %dma_start3A_120 = arith.constant 0 : i32
    %dma_start3A_121 = arith.constant 0 : i32
    %dma_start3A_122 = tpu.memref_slice %arg5[%dma_start3A_120, %dma_start3A_121] : memref<16x3200xf32, #tpu.memory_space<vmem>> -> memref<8x3200xf32, #tpu.memory_space<vmem>>
    %dma_start3A_123 = arith.constant 0 : i32
    %dma_start3A_124 = tpu.memref_slice %arg2[%add3A_115, %dma_start3A_123] : memref<1024x100000xf32, #tpu.memory_space<hbm>> -> memref<8x3200xf32, #tpu.memory_space<hbm>>
    tpu.enqueue_dma source(%dma_start3A_124 : memref<8x3200xf32, #tpu.memory_space<hbm>>) target(%dma_start3A_122 : memref<8x3200xf32, #tpu.memory_space<vmem>>) target_semaphore(%arg17 : memref<!tpu.dma_semaphore, #tpu.memory_space<semaphore_mem>>)
    %dma_start3A_125 = arith.constant 0 : i32
    %dma_start3A_126 = arith.constant 0 : i32
    %dma_start3A_127 = tpu.memref_slice %arg6[%dma_start3A_125, %dma_start3A_126] : memref<16x3200xf32, #tpu.memory_space<vmem>> -> memref<8x3200xf32, #tpu.memory_space<vmem>>
    %dma_start3A_128 = arith.constant 0 : i32
    %dma_start3A_129 = tpu.memref_slice %arg3[%add3A_115, %dma_start3A_128] : memref<1024x100000xf32, #tpu.memory_space<hbm>> -> memref<8x3200xf32, #tpu.memory_space<hbm>>
    %dma_start3A_130 = arith.constant 0 : i32
    %dma_start3A_131 = arith.constant 0 : i32
    %dma_start3A_132 = tpu.memref_slice %arg6[%dma_start3A_130, %dma_start3A_131] : memref<16x3200xf32, #tpu.memory_space<vmem>> -> memref<8x3200xf32, #tpu.memory_space<vmem>>
    %dma_start3A_133 = arith.constant 0 : i32
    %dma_start3A_134 = tpu.memref_slice %arg3[%add3A_115, %dma_start3A_133] : memref<1024x100000xf32, #tpu.memory_space<hbm>> -> memref<8x3200xf32, #tpu.memory_space<hbm>>
    tpu.enqueue_dma source(%dma_start3A_134 : memref<8x3200xf32, #tpu.memory_space<hbm>>) target(%dma_start3A_132 : memref<8x3200xf32, #tpu.memory_space<vmem>>) target_semaphore(%arg18 : memref<!tpu.dma_semaphore, #tpu.memory_space<semaphore_mem>>)
    %scan3A = arith.constant 0 : i32
    %scan3A_135 = arith.constant 0 : i32
    %scan3A_136 = arith.constant 4 : i32
    %scan3A_137 = arith.addi %scan3A_135, %scan3A_136 : i32
    %scan3A_138 = arith.constant 1 : i32
    scf.for %scan3A_140 = %scan3A_135 to %scan3A_137 step %scan3A_138  : i32 {
      %multiple_of3A = arith.constant 0 : i32
      %multiple_of3A_141 = tpu.assume_multiple %multiple_of3A, 16 : i32
      %swap3A_142 = arith.index_cast %multiple_of3A_141 : i32 to index
      %swap3A_143 = tpu.vector_load %arg9[%swap3A_142] {strides = array<i32>} : memref<128xf32, #tpu.memory_space<vmem>>, vector<16xf32>,
      tpu.vector_store %arg9[%swap3A_142], %broadcast_in_dim3A_60 {strides = array<i32>} : memref<128xf32, #tpu.memory_space<vmem>>, vector<16xf32>,
      %broadcast_in_dim3A_144 = arith.constant 0.000000e+00 : f32
      %broadcast_in_dim3A_145 = vector.broadcast %broadcast_in_dim3A_144 : f32 to vector<16xf32>
      %swap3A_146 = arith.index_cast %multiple_of3A_141 : i32 to index
      %swap3A_147 = tpu.vector_load %arg10[%swap3A_146] {strides = array<i32>} : memref<128xf32, #tpu.memory_space<vmem>>, vector<16xf32>,
      tpu.vector_store %arg10[%swap3A_146], %broadcast_in_dim3A_145 {strides = array<i32>} : memref<128xf32, #tpu.memory_space<vmem>>, vector<16xf32>,
      %swap3A_148 = arith.index_cast %multiple_of3A_141 : i32 to index
      %swap3A_149 = tpu.vector_load %arg11[%swap3A_148] {strides = array<i32>} : memref<128xf32, #tpu.memory_space<vmem>>, vector<16xf32>,
      tpu.vector_store %arg11[%swap3A_148], %broadcast_in_dim3A_60 {strides = array<i32>} : memref<128xf32, #tpu.memory_space<vmem>>, vector<16xf32>,
      %swap3A_150 = arith.index_cast %multiple_of3A_141 : i32 to index
      %swap3A_151 = tpu.vector_load %arg12[%swap3A_150] {strides = array<i32>} : memref<128xf32, #tpu.memory_space<vmem>>, vector<16xf32>,
      tpu.vector_store %arg12[%swap3A_150], %broadcast_in_dim3A_60 {strides = array<i32>} : memref<128xf32, #tpu.memory_space<vmem>>, vector<16xf32>,
      %swap3A_152 = arith.index_cast %multiple_of3A_141 : i32 to index
      %swap3A_153 = tpu.vector_load %arg13[%swap3A_152] {strides = array<i32>} : memref<128xf32, #tpu.memory_space<vmem>>, vector<16xf32>,
      tpu.vector_store %arg13[%swap3A_152], %broadcast_in_dim3A_60 {strides = array<i32>} : memref<128xf32, #tpu.memory_space<vmem>>, vector<16xf32>,
      %multiple_of3A_154 = arith.constant 16 : i32
      %multiple_of3A_155 = tpu.assume_multiple %multiple_of3A_154, 16 : i32
      %swap3A_156 = arith.index_cast %multiple_of3A_155 : i32 to index
      %swap3A_157 = tpu.vector_load %arg9[%swap3A_156] {strides = array<i32>} : memref<128xf32, #tpu.memory_space<vmem>>, vector<16xf32>,
      tpu.vector_store %arg9[%swap3A_156], %broadcast_in_dim3A_60 {strides = array<i32>} : memref<128xf32, #tpu.memory_space<vmem>>, vector<16xf32>,
      %broadcast_in_dim3A_158 = arith.constant 0.000000e+00 : f32
      %broadcast_in_dim3A_159 = vector.broadcast %broadcast_in_dim3A_158 : f32 to vector<16xf32>
      %swap3A_160 = arith.index_cast %multiple_of3A_155 : i32 to index
      %swap3A_161 = tpu.vector_load %arg10[%swap3A_160] {strides = array<i32>} : memref<128xf32, #tpu.memory_space<vmem>>, vector<16xf32>,
      tpu.vector_store %arg10[%swap3A_160], %broadcast_in_dim3A_159 {strides = array<i32>} : memref<128xf32, #tpu.memory_space<vmem>>, vector<16xf32>,
      %swap3A_162 = arith.index_cast %multiple_of3A_155 : i32 to index
      %swap3A_163 = tpu.vector_load %arg11[%swap3A_162] {strides = array<i32>} : memref<128xf32, #tpu.memory_space<vmem>>, vector<16xf32>,
      tpu.vector_store %arg11[%swap3A_162], %broadcast_in_dim3A_60 {strides = array<i32>} : memref<128xf32, #tpu.memory_space<vmem>>, vector<16xf32>,
      %swap3A_164 = arith.index_cast %multiple_of3A_155 : i32 to index
      %swap3A_165 = tpu.vector_load %arg12[%swap3A_164] {strides = array<i32>} : memref<128xf32, #tpu.memory_space<vmem>>, vector<16xf32>,
      tpu.vector_store %arg12[%swap3A_164], %broadcast_in_dim3A_60 {strides = array<i32>} : memref<128xf32, #tpu.memory_space<vmem>>, vector<16xf32>,
      %swap3A_166 = arith.index_cast %multiple_of3A_155 : i32 to index
      %swap3A_167 = tpu.vector_load %arg13[%swap3A_166] {strides = array<i32>} : memref<128xf32, #tpu.memory_space<vmem>>, vector<16xf32>,
      tpu.vector_store %arg13[%swap3A_166], %broadcast_in_dim3A_60 {strides = array<i32>} : memref<128xf32, #tpu.memory_space<vmem>>, vector<16xf32>,
      %multiple_of3A_168 = arith.constant 32 : i32
      %multiple_of3A_169 = tpu.assume_multiple %multiple_of3A_168, 16 : i32
      %swap3A_170 = arith.index_cast %multiple_of3A_169 : i32 to index
      %swap3A_171 = tpu.vector_load %arg9[%swap3A_170] {strides = array<i32>} : memref<128xf32, #tpu.memory_space<vmem>>, vector<16xf32>,
      tpu.vector_store %arg9[%swap3A_170], %broadcast_in_dim3A_60 {strides = array<i32>} : memref<128xf32, #tpu.memory_space<vmem>>, vector<16xf32>,
      %broadcast_in_dim3A_172 = arith.constant 0.000000e+00 : f32
      %broadcast_in_dim3A_173 = vector.broadcast %broadcast_in_dim3A_172 : f32 to vector<16xf32>
      %swap3A_174 = arith.index_cast %multiple_of3A_169 : i32 to index
      %swap3A_175 = tpu.vector_load %arg10[%swap3A_174] {strides = array<i32>} : memref<128xf32, #tpu.memory_space<vmem>>, vector<16xf32>,
      tpu.vector_store %arg10[%swap3A_174], %broadcast_in_dim3A_173 {strides = array<i32>} : memref<128xf32, #tpu.memory_space<vmem>>, vector<16xf32>,
      %swap3A_176 = arith.index_cast %multiple_of3A_169 : i32 to index
      %swap3A_177 = tpu.vector_load %arg11[%swap3A_176] {strides = array<i32>} : memref<128xf32, #tpu.memory_space<vmem>>, vector<16xf32>,
      tpu.vector_store %arg11[%swap3A_176], %broadcast_in_dim3A_60 {strides = array<i32>} : memref<128xf32, #tpu.memory_space<vmem>>, vector<16xf32>,
      %swap3A_178 = arith.index_cast %multiple_of3A_169 : i32 to index
      %swap3A_179 = tpu.vector_load %arg12[%swap3A_178] {strides = array<i32>} : memref<128xf32, #tpu.memory_space<vmem>>, vector<16xf32>,
      tpu.vector_store %arg12[%swap3A_178], %broadcast_in_dim3A_60 {strides = array<i32>} : memref<128xf32, #tpu.memory_space<vmem>>, vector<16xf32>,
      %swap3A_180 = arith.index_cast %multiple_of3A_169 : i32 to index
      %swap3A_181 = tpu.vector_load %arg13[%swap3A_180] {strides = array<i32>} : memref<128xf32, #tpu.memory_space<vmem>>, vector<16xf32>,
      tpu.vector_store %arg13[%swap3A_180], %broadcast_in_dim3A_60 {strides = array<i32>} : memref<128xf32, #tpu.memory_space<vmem>>, vector<16xf32>,
      %multiple_of3A_182 = arith.constant 48 : i32
      %multiple_of3A_183 = tpu.assume_multiple %multiple_of3A_182, 16 : i32
      %swap3A_184 = arith.index_cast %multiple_of3A_183 : i32 to index
      %swap3A_185 = tpu.vector_load %arg9[%swap3A_184] {strides = array<i32>} : memref<128xf32, #tpu.memory_space<vmem>>, vector<16xf32>,
      tpu.vector_store %arg9[%swap3A_184], %broadcast_in_dim3A_60 {strides = array<i32>} : memref<128xf32, #tpu.memory_space<vmem>>, vector<16xf32>,
      %broadcast_in_dim3A_186 = arith.constant 0.000000e+00 : f32
      %broadcast_in_dim3A_187 = vector.broadcast %broadcast_in_dim3A_186 : f32 to vector<16xf32>
      %swap3A_188 = arith.index_cast %multiple_of3A_183 : i32 to index
      %swap3A_189 = tpu.vector_load %arg10[%swap3A_188] {strides = array<i32>} : memref<128xf32, #tpu.memory_space<vmem>>, vector<16xf32>,
      tpu.vector_store %arg10[%swap3A_188], %broadcast_in_dim3A_187 {strides = array<i32>} : memref<128xf32, #tpu.memory_space<vmem>>, vector<16xf32>,
      %swap3A_190 = arith.index_cast %multiple_of3A_183 : i32 to index
      %swap3A_191 = tpu.vector_load %arg11[%swap3A_190] {strides = array<i32>} : memref<128xf32, #tpu.memory_space<vmem>>, vector<16xf32>,
      tpu.vector_store %arg11[%swap3A_190], %broadcast_in_dim3A_60 {strides = array<i32>} : memref<128xf32, #tpu.memory_space<vmem>>, vector<16xf32>,
      %swap3A_192 = arith.index_cast %multiple_of3A_183 : i32 to index
      %swap3A_193 = tpu.vector_load %arg12[%swap3A_192] {strides = array<i32>} : memref<128xf32, #tpu.memory_space<vmem>>, vector<16xf32>,
      tpu.vector_store %arg12[%swap3A_192], %broadcast_in_dim3A_60 {strides = array<i32>} : memref<128xf32, #tpu.memory_space<vmem>>, vector<16xf32>,
      %swap3A_194 = arith.index_cast %multiple_of3A_183 : i32 to index
      %swap3A_195 = tpu.vector_load %arg13[%swap3A_194] {strides = array<i32>} : memref<128xf32, #tpu.memory_space<vmem>>, vector<16xf32>,
      tpu.vector_store %arg13[%swap3A_194], %broadcast_in_dim3A_60 {strides = array<i32>} : memref<128xf32, #tpu.memory_space<vmem>>, vector<16xf32>,
      %multiple_of3A_196 = arith.constant 64 : i32
      %multiple_of3A_197 = tpu.assume_multiple %multiple_of3A_196, 16 : i32
      %swap3A_198 = arith.index_cast %multiple_of3A_197 : i32 to index
      %swap3A_199 = tpu.vector_load %arg9[%swap3A_198] {strides = array<i32>} : memref<128xf32, #tpu.memory_space<vmem>>, vector<16xf32>,
      tpu.vector_store %arg9[%swap3A_198], %broadcast_in_dim3A_60 {strides = array<i32>} : memref<128xf32, #tpu.memory_space<vmem>>, vector<16xf32>,
      %broadcast_in_dim3A_200 = arith.constant 0.000000e+00 : f32
      %broadcast_in_dim3A_201 = vector.broadcast %broadcast_in_dim3A_200 : f32 to vector<16xf32>
      %swap3A_202 = arith.index_cast %multiple_of3A_197 : i32 to index
      %swap3A_203 = tpu.vector_load %arg10[%swap3A_202] {strides = array<i32>} : memref<128xf32, #tpu.memory_space<vmem>>, vector<16xf32>,
      tpu.vector_store %arg10[%swap3A_202], %broadcast_in_dim3A_201 {strides = array<i32>} : memref<128xf32, #tpu.memory_space<vmem>>, vector<16xf32>,
      %swap3A_204 = arith.index_cast %multiple_of3A_197 : i32 to index
      %swap3A_205 = tpu.vector_load %arg11[%swap3A_204] {strides = array<i32>} : memref<128xf32, #tpu.memory_space<vmem>>, vector<16xf32>,
      tpu.vector_store %arg11[%swap3A_204], %broadcast_in_dim3A_60 {strides = array<i32>} : memref<128xf32, #tpu.memory_space<vmem>>, vector<16xf32>,
      %swap3A_206 = arith.index_cast %multiple_of3A_197 : i32 to index
      %swap3A_207 = tpu.vector_load %arg12[%swap3A_206] {strides = array<i32>} : memref<128xf32, #tpu.memory_space<vmem>>, vector<16xf32>,
      tpu.vector_store %arg12[%swap3A_206], %broadcast_in_dim3A_60 {strides = array<i32>} : memref<128xf32, #tpu.memory_space<vmem>>, vector<16xf32>,
      %swap3A_208 = arith.index_cast %multiple_of3A_197 : i32 to index
      %swap3A_209 = tpu.vector_load %arg13[%swap3A_208] {strides = array<i32>} : memref<128xf32, #tpu.memory_space<vmem>>, vector<16xf32>,
      tpu.vector_store %arg13[%swap3A_208], %broadcast_in_dim3A_60 {strides = array<i32>} : memref<128xf32, #tpu.memory_space<vmem>>, vector<16xf32>,
      %multiple_of3A_210 = arith.constant 80 : i32
      %multiple_of3A_211 = tpu.assume_multiple %multiple_of3A_210, 16 : i32
      %swap3A_212 = arith.index_cast %multiple_of3A_211 : i32 to index
      %swap3A_213 = tpu.vector_load %arg9[%swap3A_212] {strides = array<i32>} : memref<128xf32, #tpu.memory_space<vmem>>, vector<16xf32>,
      tpu.vector_store %arg9[%swap3A_212], %broadcast_in_dim3A_60 {strides = array<i32>} : memref<128xf32, #tpu.memory_space<vmem>>, vector<16xf32>,
      %broadcast_in_dim3A_214 = arith.constant 0.000000e+00 : f32
      %broadcast_in_dim3A_215 = vector.broadcast %broadcast_in_dim3A_214 : f32 to vector<16xf32>
      %swap3A_216 = arith.index_cast %multiple_of3A_211 : i32 to index
      %swap3A_217 = tpu.vector_load %arg10[%swap3A_216] {strides = array<i32>} : memref<128xf32, #tpu.memory_space<vmem>>, vector<16xf32>,
      tpu.vector_store %arg10[%swap3A_216], %broadcast_in_dim3A_215 {strides = array<i32>} : memref<128xf32, #tpu.memory_space<vmem>>, vector<16xf32>,
      %swap3A_218 = arith.index_cast %multiple_of3A_211 : i32 to index
      %swap3A_219 = tpu.vector_load %arg11[%swap3A_218] {strides = array<i32>} : memref<128xf32, #tpu.memory_space<vmem>>, vector<16xf32>,
      tpu.vector_store %arg11[%swap3A_218], %broadcast_in_dim3A_60 {strides = array<i32>} : memref<128xf32, #tpu.memory_space<vmem>>, vector<16xf32>,
      %swap3A_220 = arith.index_cast %multiple_of3A_211 : i32 to index
      %swap3A_221 = tpu.vector_load %arg12[%swap3A_220] {strides = array<i32>} : memref<128xf32, #tpu.memory_space<vmem>>, vector<16xf32>,
      tpu.vector_store %arg12[%swap3A_220], %broadcast_in_dim3A_60 {strides = array<i32>} : memref<128xf32, #tpu.memory_space<vmem>>, vector<16xf32>,
      %swap3A_222 = arith.index_cast %multiple_of3A_211 : i32 to index
      %swap3A_223 = tpu.vector_load %arg13[%swap3A_222] {strides = array<i32>} : memref<128xf32, #tpu.memory_space<vmem>>, vector<16xf32>,
      tpu.vector_store %arg13[%swap3A_222], %broadcast_in_dim3A_60 {strides = array<i32>} : memref<128xf32, #tpu.memory_space<vmem>>, vector<16xf32>,
      %multiple_of3A_224 = arith.constant 96 : i32
      %multiple_of3A_225 = tpu.assume_multiple %multiple_of3A_224, 16 : i32
      %swap3A_226 = arith.index_cast %multiple_of3A_225 : i32 to index
      %swap3A_227 = tpu.vector_load %arg9[%swap3A_226] {strides = array<i32>} : memref<128xf32, #tpu.memory_space<vmem>>, vector<16xf32>,
      tpu.vector_store %arg9[%swap3A_226], %broadcast_in_dim3A_60 {strides = array<i32>} : memref<128xf32, #tpu.memory_space<vmem>>, vector<16xf32>,
      %broadcast_in_dim3A_228 = arith.constant 0.000000e+00 : f32
      %broadcast_in_dim3A_229 = vector.broadcast %broadcast_in_dim3A_228 : f32 to vector<16xf32>
      %swap3A_230 = arith.index_cast %multiple_of3A_225 : i32 to index
      %swap3A_231 = tpu.vector_load %arg10[%swap3A_230] {strides = array<i32>} : memref<128xf32, #tpu.memory_space<vmem>>, vector<16xf32>,
      tpu.vector_store %arg10[%swap3A_230], %broadcast_in_dim3A_229 {strides = array<i32>} : memref<128xf32, #tpu.memory_space<vmem>>, vector<16xf32>,
      %swap3A_232 = arith.index_cast %multiple_of3A_225 : i32 to index
      %swap3A_233 = tpu.vector_load %arg11[%swap3A_232] {strides = array<i32>} : memref<128xf32, #tpu.memory_space<vmem>>, vector<16xf32>,
      tpu.vector_store %arg11[%swap3A_232], %broadcast_in_dim3A_60 {strides = array<i32>} : memref<128xf32, #tpu.memory_space<vmem>>, vector<16xf32>,
      %swap3A_234 = arith.index_cast %multiple_of3A_225 : i32 to index
      %swap3A_235 = tpu.vector_load %arg12[%swap3A_234] {strides = array<i32>} : memref<128xf32, #tpu.memory_space<vmem>>, vector<16xf32>,
      tpu.vector_store %arg12[%swap3A_234], %broadcast_in_dim3A_60 {strides = array<i32>} : memref<128xf32, #tpu.memory_space<vmem>>, vector<16xf32>,
      %swap3A_236 = arith.index_cast %multiple_of3A_225 : i32 to index
      %swap3A_237 = tpu.vector_load %arg13[%swap3A_236] {strides = array<i32>} : memref<128xf32, #tpu.memory_space<vmem>>, vector<16xf32>,
      tpu.vector_store %arg13[%swap3A_236], %broadcast_in_dim3A_60 {strides = array<i32>} : memref<128xf32, #tpu.memory_space<vmem>>, vector<16xf32>,
      %multiple_of3A_238 = arith.constant 112 : i32
      %multiple_of3A_239 = tpu.assume_multiple %multiple_of3A_238, 16 : i32
      %swap3A_240 = arith.index_cast %multiple_of3A_239 : i32 to index
      %swap3A_241 = tpu.vector_load %arg9[%swap3A_240] {strides = array<i32>} : memref<128xf32, #tpu.memory_space<vmem>>, vector<16xf32>,
      tpu.vector_store %arg9[%swap3A_240], %broadcast_in_dim3A_60 {strides = array<i32>} : memref<128xf32, #tpu.memory_space<vmem>>, vector<16xf32>,
      %broadcast_in_dim3A_242 = arith.constant 0.000000e+00 : f32
      %broadcast_in_dim3A_243 = vector.broadcast %broadcast_in_dim3A_242 : f32 to vector<16xf32>
      %swap3A_244 = arith.index_cast %multiple_of3A_239 : i32 to index
      %swap3A_245 = tpu.vector_load %arg10[%swap3A_244] {strides = array<i32>} : memref<128xf32, #tpu.memory_space<vmem>>, vector<16xf32>,
      tpu.vector_store %arg10[%swap3A_244], %broadcast_in_dim3A_243 {strides = array<i32>} : memref<128xf32, #tpu.memory_space<vmem>>, vector<16xf32>,
      %swap3A_246 = arith.index_cast %multiple_of3A_239 : i32 to index
      %swap3A_247 = tpu.vector_load %arg11[%swap3A_246] {strides = array<i32>} : memref<128xf32, #tpu.memory_space<vmem>>, vector<16xf32>,
      tpu.vector_store %arg11[%swap3A_246], %broadcast_in_dim3A_60 {strides = array<i32>} : memref<128xf32, #tpu.memory_space<vmem>>, vector<16xf32>,
      %swap3A_248 = arith.index_cast %multiple_of3A_239 : i32 to index
      %swap3A_249 = tpu.vector_load %arg12[%swap3A_248] {strides = array<i32>} : memref<128xf32, #tpu.memory_space<vmem>>, vector<16xf32>,
      tpu.vector_store %arg12[%swap3A_248], %broadcast_in_dim3A_60 {strides = array<i32>} : memref<128xf32, #tpu.memory_space<vmem>>, vector<16xf32>,
      %swap3A_250 = arith.index_cast %multiple_of3A_239 : i32 to index
      %swap3A_251 = tpu.vector_load %arg13[%swap3A_250] {strides = array<i32>} : memref<128xf32, #tpu.memory_space<vmem>>, vector<16xf32>,
      tpu.vector_store %arg13[%swap3A_250], %broadcast_in_dim3A_60 {strides = array<i32>} : memref<128xf32, #tpu.memory_space<vmem>>, vector<16xf32>,
      %scan3A_252 = arith.constant 0 : i32
      %scan3A_253 = arith.constant 0 : i32
      %scan3A_254 = arith.constant 31 : i32
      %scan3A_255 = arith.addi %scan3A_253, %scan3A_254 : i32
      %scan3A_256 = arith.constant 1 : i32
      scf.for %scan3A_282 = %scan3A_253 to %scan3A_255 step %scan3A_256  : i32 {
        %jit3A_283 = arith.constant 2 : i32
        %eq3A_284 = arith.constant 0 : i32
        %eq3A_285 = arith.cmpi eq, %jit3A_283, %eq3A_284 : i32
        %jit3A_286 = arith.constant 1 : i32
        %select_n3A_287 = arith.select %eq3A_285, %jit3A_286, %jit3A_283 : i32
        %rem3A = arith.remsi %scan3A_282, %select_n3A_287 : i32
        %ne3A = arith.constant 0 : i32
        %ne3A_288 = arith.cmpi ne, %rem3A, %ne3A : i32
        %lt3A_289 = arith.constant 0 : i32
        %lt3A_290 = arith.cmpi slt, %rem3A, %lt3A_289 : i32
        %lt3A_291 = arith.constant 0 : i32
        %lt3A_292 = arith.cmpi slt, %select_n3A_287, %lt3A_291 : i32
        %ne3A_293 = arith.xori %lt3A_290, %lt3A_292 : i1
        %and3A = arith.andi %ne3A_293, %ne3A_288 : i1
        %add3A_294 = arith.addi %rem3A, %select_n3A_287 : i32
        %select_n3A_295 = arith.select %and3A, %add3A_294, %rem3A : i32
        %mul3A_296 = arith.constant 8 : i32
        %mul3A_297 = arith.muli %scan3A_140, %mul3A_296 : i32
        %add3A_298 = arith.addi %mul3A_62, %mul3A_297 : i32
        %mul3A_299 = arith.constant 3200 : i32
        %mul3A_300 = arith.muli %scan3A_282, %mul3A_299 : i32
        %mul3A_301 = arith.constant 8 : i32
        %mul3A_302 = arith.muli %select_n3A_295, %mul3A_301 : i32
        %dma_wait3A_303 = arith.constant 0 : i32
        %dma_wait3A_304 = tpu.memref_slice %arg5[%mul3A_302, %dma_wait3A_303] : memref<16x3200xf32, #tpu.memory_space<vmem>> -> memref<8x3200xf32, #tpu.memory_space<vmem>>
        %dma_wait3A_305 = tpu.memref_slice %arg2[%add3A_298, %mul3A_300] : memref<1024x100000xf32, #tpu.memory_space<hbm>> -> memref<8x3200xf32, #tpu.memory_space<hbm>>
        %dma_wait3A_306 = arith.constant 0 : i32
        %dma_wait3A_307 = tpu.memref_slice %arg5[%mul3A_302, %dma_wait3A_306] : memref<16x3200xf32, #tpu.memory_space<vmem>> -> memref<8x3200xf32, #tpu.memory_space<vmem>>
        %dma_wait3A_308 = tpu.memref_slice %arg2[%add3A_298, %mul3A_300] : memref<1024x100000xf32, #tpu.memory_space<hbm>> -> memref<8x3200xf32, #tpu.memory_space<hbm>>
        tpu.wait_dma2 semaphore(%arg17 : memref<!tpu.dma_semaphore, #tpu.memory_space<semaphore_mem>>) src(%dma_wait3A_308 : memref<8x3200xf32, #tpu.memory_space<hbm>>) dst(%dma_wait3A_307 : memref<8x3200xf32, #tpu.memory_space<vmem>>)
        %mul3A_309 = arith.constant 3200 : i32
        %mul3A_310 = arith.muli %scan3A_282, %mul3A_309 : i32
        %mul3A_311 = arith.constant 8 : i32
        %mul3A_312 = arith.muli %select_n3A_295, %mul3A_311 : i32
        %dma_wait3A_313 = arith.constant 0 : i32
        %dma_wait3A_314 = tpu.memref_slice %arg6[%mul3A_312, %dma_wait3A_313] : memref<16x3200xf32, #tpu.memory_space<vmem>> -> memref<8x3200xf32, #tpu.memory_space<vmem>>
        %dma_wait3A_315 = tpu.memref_slice %arg3[%add3A_298, %mul3A_310] : memref<1024x100000xf32, #tpu.memory_space<hbm>> -> memref<8x3200xf32, #tpu.memory_space<hbm>>
        %dma_wait3A_316 = arith.constant 0 : i32
        %dma_wait3A_317 = tpu.memref_slice %arg6[%mul3A_312, %dma_wait3A_316] : memref<16x3200xf32, #tpu.memory_space<vmem>> -> memref<8x3200xf32, #tpu.memory_space<vmem>>
        %dma_wait3A_318 = tpu.memref_slice %arg3[%add3A_298, %mul3A_310] : memref<1024x100000xf32, #tpu.memory_space<hbm>> -> memref<8x3200xf32, #tpu.memory_space<hbm>>
        tpu.wait_dma2 semaphore(%arg18 : memref<!tpu.dma_semaphore, #tpu.memory_space<semaphore_mem>>) src(%dma_wait3A_318 : memref<8x3200xf32, #tpu.memory_space<hbm>>) dst(%dma_wait3A_317 : memref<8x3200xf32, #tpu.memory_space<vmem>>)
        %lt3A_319 = arith.constant 30 : i32
        %lt3A_320 = arith.cmpi slt, %scan3A_282, %lt3A_319 : i32
        %convert_element_type3A_321 = arith.extui %lt3A_320 : i1 to i32
        %cond3A_322 = arith.constant 0 : i32
        %cond3A_323 = arith.cmpi ne, %convert_element_type3A_321, %cond3A_322 : i32
        scf.if %cond3A_323 {
          %add3A_337 = arith.constant 1 : i32
          %add3A_338 = arith.addi %scan3A_282, %add3A_337 : i32
          %sub3A = arith.constant 1 : i32
          %sub3A_339 = arith.subi %sub3A, %select_n3A_295 : i32
          %mul3A_340 = arith.constant 8 : i32
          %mul3A_341 = arith.muli %scan3A_140, %mul3A_340 : i32
          %add3A_342 = arith.addi %mul3A_62, %mul3A_341 : i32
          %mul3A_343 = arith.constant 3200 : i32
          %mul3A_344 = arith.muli %add3A_338, %mul3A_343 : i32
          %mul3A_345 = arith.constant 8 : i32
          %mul3A_346 = arith.muli %sub3A_339, %mul3A_345 : i32
          %dma_start3A_347 = arith.constant 0 : i32
          %dma_start3A_348 = tpu.memref_slice %arg5[%mul3A_346, %dma_start3A_347] : memref<16x3200xf32, #tpu.memory_space<vmem>> -> memref<8x3200xf32, #tpu.memory_space<vmem>>
          %dma_start3A_349 = tpu.memref_slice %arg2[%add3A_342, %mul3A_344] : memref<1024x100000xf32, #tpu.memory_space<hbm>> -> memref<8x3200xf32, #tpu.memory_space<hbm>>
          %dma_start3A_350 = arith.constant 0 : i32
          %dma_start3A_351 = tpu.memref_slice %arg5[%mul3A_346, %dma_start3A_350] : memref<16x3200xf32, #tpu.memory_space<vmem>> -> memref<8x3200xf32, #tpu.memory_space<vmem>>
          %dma_start3A_352 = tpu.memref_slice %arg2[%add3A_342, %mul3A_344] : memref<1024x100000xf32, #tpu.memory_space<hbm>> -> memref<8x3200xf32, #tpu.memory_space<hbm>>
          tpu.enqueue_dma source(%dma_start3A_352 : memref<8x3200xf32, #tpu.memory_space<hbm>>) target(%dma_start3A_351 : memref<8x3200xf32, #tpu.memory_space<vmem>>) target_semaphore(%arg17 : memref<!tpu.dma_semaphore, #tpu.memory_space<semaphore_mem>>)
          %mul3A_353 = arith.constant 3200 : i32
          %mul3A_354 = arith.muli %add3A_338, %mul3A_353 : i32
          %mul3A_355 = arith.constant 8 : i32
          %mul3A_356 = arith.muli %sub3A_339, %mul3A_355 : i32
          %dma_start3A_357 = arith.constant 0 : i32
          %dma_start3A_358 = tpu.memref_slice %arg6[%mul3A_356, %dma_start3A_357] : memref<16x3200xf32, #tpu.memory_space<vmem>> -> memref<8x3200xf32, #tpu.memory_space<vmem>>
          %dma_start3A_359 = tpu.memref_slice %arg3[%add3A_342, %mul3A_354] : memref<1024x100000xf32, #tpu.memory_space<hbm>> -> memref<8x3200xf32, #tpu.memory_space<hbm>>
          %dma_start3A_360 = arith.constant 0 : i32
          %dma_start3A_361 = tpu.memref_slice %arg6[%mul3A_356, %dma_start3A_360] : memref<16x3200xf32, #tpu.memory_space<vmem>> -> memref<8x3200xf32, #tpu.memory_space<vmem>>
          %dma_start3A_362 = tpu.memref_slice %arg3[%add3A_342, %mul3A_354] : memref<1024x100000xf32, #tpu.memory_space<hbm>> -> memref<8x3200xf32, #tpu.memory_space<hbm>>
          tpu.enqueue_dma source(%dma_start3A_362 : memref<8x3200xf32, #tpu.memory_space<hbm>>) target(%dma_start3A_361 : memref<8x3200xf32, #tpu.memory_space<vmem>>) target_semaphore(%arg18 : memref<!tpu.dma_semaphore, #tpu.memory_space<semaphore_mem>>)
        } else {
        }
        %eq3A_324 = arith.constant 30 : i32
        %eq3A_325 = arith.cmpi eq, %scan3A_282, %eq3A_324 : i32
        %convert_element_type3A_326 = arith.extui %eq3A_325 : i1 to i32
        %cond3A_327 = arith.constant 0 : i32
        %cond3A_328 = arith.cmpi ne, %convert_element_type3A_326, %cond3A_327 : i32
        scf.if %cond3A_328 {
          %mul3A_337 = arith.constant 8 : i32
          %mul3A_338 = arith.muli %scan3A_140, %mul3A_337 : i32
          %add3A_339 = arith.addi %mul3A_62, %mul3A_338 : i32
          %dma_start3A_340 = arith.constant 99200 : i32
          %dma_start3A_341 = tpu.memref_slice %arg2[%add3A_339, %dma_start3A_340] : memref<1024x100000xf32, #tpu.memory_space<hbm>> -> memref<8x800xf32, #tpu.memory_space<hbm>>
          %dma_start3A_342 = arith.constant 99200 : i32
          %dma_start3A_343 = tpu.memref_slice %arg2[%add3A_339, %dma_start3A_342] : memref<1024x100000xf32, #tpu.memory_space<hbm>> -> memref<8x800xf32, #tpu.memory_space<hbm>>
          tpu.enqueue_dma source(%dma_start3A_343 : memref<8x800xf32, #tpu.memory_space<hbm>>) target(%arg7 : memref<8x800xf32, #tpu.memory_space<vmem>>) target_semaphore(%arg17 : memref<!tpu.dma_semaphore, #tpu.memory_space<semaphore_mem>>)
          %dma_start3A_344 = arith.constant 99200 : i32
          %dma_start3A_345 = tpu.memref_slice %arg3[%add3A_339, %dma_start3A_344] : memref<1024x100000xf32, #tpu.memory_space<hbm>> -> memref<8x800xf32, #tpu.memory_space<hbm>>
          %dma_start3A_346 = arith.constant 99200 : i32
          %dma_start3A_347 = tpu.memref_slice %arg3[%add3A_339, %dma_start3A_346] : memref<1024x100000xf32, #tpu.memory_space<hbm>> -> memref<8x800xf32, #tpu.memory_space<hbm>>
          tpu.enqueue_dma source(%dma_start3A_347 : memref<8x800xf32, #tpu.memory_space<hbm>>) target(%arg8 : memref<8x800xf32, #tpu.memory_space<vmem>>) target_semaphore(%arg18 : memref<!tpu.dma_semaphore, #tpu.memory_space<semaphore_mem>>)
        } else {
        }
        %mul3A_329 = arith.constant 8 : i32
        %mul3A_330 = arith.muli %select_n3A_295, %mul3A_329 : i32
        %scan3A_331 = arith.constant 0 : i32
        %scan3A_332 = arith.constant 0 : i32
        %scan3A_333 = arith.constant 8 : i32
        %scan3A_334 = arith.addi %scan3A_332, %scan3A_333 : i32
        %scan3A_335 = arith.constant 1 : i32
        scf.for %scan3A_337 = %scan3A_332 to %scan3A_334 step %scan3A_335  : i32 {
          %mul3A_338 = arith.constant 16 : i32
          %mul3A_339 = arith.muli %scan3A_337, %mul3A_338 : i32
          %multiple_of3A_340 = tpu.assume_multiple %mul3A_339, 16 : i32
          %add3A_341 = arith.addi %mul3A_330, %scan3A_337 : i32
          %scan3A_342 = arith.constant 0 : i32
          %scan3A_343 = arith.constant 8 : i32
          %scan3A_344 = arith.addi %scan3A_342, %scan3A_343 : i32
          %scan3A_345 = arith.constant 1 : i32
          scf.for %scan3A_347 = %scan3A_342 to %scan3A_344 step %scan3A_345  : i32 {
            %mul3A_348 = arith.constant 400 : i32
            %mul3A_349 = arith.muli %scan3A_347, %mul3A_348 : i32
            %multiple_of3A_350 = tpu.assume_multiple %mul3A_349, 400 : i32
            %get3A = arith.index_cast %multiple_of3A_340 : i32 to index
            %get3A_351 = tpu.vector_load %arg11[%get3A] {strides = array<i32>} : memref<128xf32, #tpu.memory_space<vmem>>, vector<16xf32>,
            %get3A_352 = arith.index_cast %multiple_of3A_340 : i32 to index
            %get3A_353 = tpu.vector_load %arg13[%get3A_352] {strides = array<i32>} : memref<128xf32, #tpu.memory_space<vmem>>, vector<16xf32>,
            %add3A_354 = arith.constant 0 : i32
            %add3A_355 = arith.addi %multiple_of3A_350, %add3A_354 : i32
            %get3A_356 = arith.index_cast %add3A_341 : i32 to index
            %get3A_357 = arith.index_cast %add3A_355 : i32 to index
            %get3A_358 = tpu.vector_load %arg5[%get3A_356, %get3A_357] {strides = array<i32>} : memref<16x3200xf32, #tpu.memory_space<vmem>>, vector<16xf32>,
            %add3A_359 = arith.constant 16 : i32
            %add3A_360 = arith.addi %multiple_of3A_350, %add3A_359 : i32
            %get3A_361 = arith.index_cast %add3A_341 : i32 to index
            %get3A_362 = arith.index_cast %add3A_360 : i32 to index
            %get3A_363 = tpu.vector_load %arg5[%get3A_361, %get3A_362] {strides = array<i32>} : memref<16x3200xf32, #tpu.memory_space<vmem>>, vector<16xf32>,
            %add3A_364 = arith.constant 32 : i32
            %add3A_365 = arith.addi %multiple_of3A_350, %add3A_364 : i32
            %get3A_366 = arith.index_cast %add3A_341 : i32 to index
            %get3A_367 = arith.index_cast %add3A_365 : i32 to index
            %get3A_368 = tpu.vector_load %arg5[%get3A_366, %get3A_367] {strides = array<i32>} : memref<16x3200xf32, #tpu.memory_space<vmem>>, vector<16xf32>,
            %add3A_369 = arith.constant 48 : i32
            %add3A_370 = arith.addi %multiple_of3A_350, %add3A_369 : i32
            %get3A_371 = arith.index_cast %add3A_341 : i32 to index
            %get3A_372 = arith.index_cast %add3A_370 : i32 to index
            %get3A_373 = tpu.vector_load %arg5[%get3A_371, %get3A_372] {strides = array<i32>} : memref<16x3200xf32, #tpu.memory_space<vmem>>, vector<16xf32>,
            %add3A_374 = arith.constant 64 : i32
            %add3A_375 = arith.addi %multiple_of3A_350, %add3A_374 : i32
            %get3A_376 = arith.index_cast %add3A_341 : i32 to index
            %get3A_377 = arith.index_cast %add3A_375 : i32 to index
            %get3A_378 = tpu.vector_load %arg5[%get3A_376, %get3A_377] {strides = array<i32>} : memref<16x3200xf32, #tpu.memory_space<vmem>>, vector<16xf32>,
            %max3A = arith.maximumf %get3A_358, %get3A_378 : vector<16xf32>
            %add3A_379 = arith.constant 80 : i32
            %add3A_380 = arith.addi %multiple_of3A_350, %add3A_379 : i32
            %get3A_381 = arith.index_cast %add3A_341 : i32 to index
            %get3A_382 = arith.index_cast %add3A_380 : i32 to index
            %get3A_383 = tpu.vector_load %arg5[%get3A_381, %get3A_382] {strides = array<i32>} : memref<16x3200xf32, #tpu.memory_space<vmem>>, vector<16xf32>,
            %max3A_384 = arith.maximumf %get3A_363, %get3A_383 : vector<16xf32>
            %add3A_385 = arith.constant 96 : i32
            %add3A_386 = arith.addi %multiple_of3A_350, %add3A_385 : i32
            %get3A_387 = arith.index_cast %add3A_341 : i32 to index
            %get3A_388 = arith.index_cast %add3A_386 : i32 to index
            %get3A_389 = tpu.vector_load %arg5[%get3A_387, %get3A_388] {strides = array<i32>} : memref<16x3200xf32, #tpu.memory_space<vmem>>, vector<16xf32>,
            %max3A_390 = arith.maximumf %get3A_368, %get3A_389 : vector<16xf32>
            %add3A_391 = arith.constant 112 : i32
            %add3A_392 = arith.addi %multiple_of3A_350, %add3A_391 : i32
            %get3A_393 = arith.index_cast %add3A_341 : i32 to index
            %get3A_394 = arith.index_cast %add3A_392 : i32 to index
            %get3A_395 = tpu.vector_load %arg5[%get3A_393, %get3A_394] {strides = array<i32>} : memref<16x3200xf32, #tpu.memory_space<vmem>>, vector<16xf32>,
            %max3A_396 = arith.maximumf %get3A_373, %get3A_395 : vector<16xf32>
            %add3A_397 = arith.constant 128 : i32
            %add3A_398 = arith.addi %multiple_of3A_350, %add3A_397 : i32
            %get3A_399 = arith.index_cast %add3A_341 : i32 to index
            %get3A_400 = arith.index_cast %add3A_398 : i32 to index
            %get3A_401 = tpu.vector_load %arg5[%get3A_399, %get3A_400] {strides = array<i32>} : memref<16x3200xf32, #tpu.memory_space<vmem>>, vector<16xf32>,
            %max3A_402 = arith.maximumf %max3A, %get3A_401 : vector<16xf32>
            %add3A_403 = arith.constant 144 : i32
            %add3A_404 = arith.addi %multiple_of3A_350, %add3A_403 : i32
            %get3A_405 = arith.index_cast %add3A_341 : i32 to index
            %get3A_406 = arith.index_cast %add3A_404 : i32 to index
            %get3A_407 = tpu.vector_load %arg5[%get3A_405, %get3A_406] {strides = array<i32>} : memref<16x3200xf32, #tpu.memory_space<vmem>>, vector<16xf32>,
            %max3A_408 = arith.maximumf %max3A_384, %get3A_407 : vector<16xf32>
            %add3A_409 = arith.constant 160 : i32
            %add3A_410 = arith.addi %multiple_of3A_350, %add3A_409 : i32
            %get3A_411 = arith.index_cast %add3A_341 : i32 to index
            %get3A_412 = arith.index_cast %add3A_410 : i32 to index
            %get3A_413 = tpu.vector_load %arg5[%get3A_411, %get3A_412] {strides = array<i32>} : memref<16x3200xf32, #tpu.memory_space<vmem>>, vector<16xf32>,
            %max3A_414 = arith.maximumf %max3A_390, %get3A_413 : vector<16xf32>
            %add3A_415 = arith.constant 176 : i32
            %add3A_416 = arith.addi %multiple_of3A_350, %add3A_415 : i32
            %get3A_417 = arith.index_cast %add3A_341 : i32 to index
            %get3A_418 = arith.index_cast %add3A_416 : i32 to index
            %get3A_419 = tpu.vector_load %arg5[%get3A_417, %get3A_418] {strides = array<i32>} : memref<16x3200xf32, #tpu.memory_space<vmem>>, vector<16xf32>,
            %max3A_420 = arith.maximumf %max3A_396, %get3A_419 : vector<16xf32>
            %add3A_421 = arith.constant 192 : i32
            %add3A_422 = arith.addi %multiple_of3A_350, %add3A_421 : i32
            %get3A_423 = arith.index_cast %add3A_341 : i32 to index
            %get3A_424 = arith.index_cast %add3A_422 : i32 to index
            %get3A_425 = tpu.vector_load %arg5[%get3A_423, %get3A_424] {strides = array<i32>} : memref<16x3200xf32, #tpu.memory_space<vmem>>, vector<16xf32>,
            %max3A_426 = arith.maximumf %max3A_402, %get3A_425 : vector<16xf32>
            %add3A_427 = arith.constant 208 : i32
            %add3A_428 = arith.addi %multiple_of3A_350, %add3A_427 : i32
            %get3A_429 = arith.index_cast %add3A_341 : i32 to index
            %get3A_430 = arith.index_cast %add3A_428 : i32 to index
            %get3A_431 = tpu.vector_load %arg5[%get3A_429, %get3A_430] {strides = array<i32>} : memref<16x3200xf32, #tpu.memory_space<vmem>>, vector<16xf32>,
            %max3A_432 = arith.maximumf %max3A_408, %get3A_431 : vector<16xf32>
            %add3A_433 = arith.constant 224 : i32
            %add3A_434 = arith.addi %multiple_of3A_350, %add3A_433 : i32
            %get3A_435 = arith.index_cast %add3A_341 : i32 to index
            %get3A_436 = arith.index_cast %add3A_434 : i32 to index
            %get3A_437 = tpu.vector_load %arg5[%get3A_435, %get3A_436] {strides = array<i32>} : memref<16x3200xf32, #tpu.memory_space<vmem>>, vector<16xf32>,
            %max3A_438 = arith.maximumf %max3A_414, %get3A_437 : vector<16xf32>
            %add3A_439 = arith.constant 240 : i32
            %add3A_440 = arith.addi %multiple_of3A_350, %add3A_439 : i32
            %get3A_441 = arith.index_cast %add3A_341 : i32 to index
            %get3A_442 = arith.index_cast %add3A_440 : i32 to index
            %get3A_443 = tpu.vector_load %arg5[%get3A_441, %get3A_442] {strides = array<i32>} : memref<16x3200xf32, #tpu.memory_space<vmem>>, vector<16xf32>,
            %max3A_444 = arith.maximumf %max3A_420, %get3A_443 : vector<16xf32>
            %add3A_445 = arith.constant 256 : i32
            %add3A_446 = arith.addi %multiple_of3A_350, %add3A_445 : i32
            %get3A_447 = arith.index_cast %add3A_341 : i32 to index
            %get3A_448 = arith.index_cast %add3A_446 : i32 to index
            %get3A_449 = tpu.vector_load %arg5[%get3A_447, %get3A_448] {strides = array<i32>} : memref<16x3200xf32, #tpu.memory_space<vmem>>, vector<16xf32>,
            %max3A_450 = arith.maximumf %max3A_426, %get3A_449 : vector<16xf32>
            %add3A_451 = arith.constant 272 : i32
            %add3A_452 = arith.addi %multiple_of3A_350, %add3A_451 : i32
            %get3A_453 = arith.index_cast %add3A_341 : i32 to index
            %get3A_454 = arith.index_cast %add3A_452 : i32 to index
            %get3A_455 = tpu.vector_load %arg5[%get3A_453, %get3A_454] {strides = array<i32>} : memref<16x3200xf32, #tpu.memory_space<vmem>>, vector<16xf32>,
            %max3A_456 = arith.maximumf %max3A_432, %get3A_455 : vector<16xf32>
            %add3A_457 = arith.constant 288 : i32
            %add3A_458 = arith.addi %multiple_of3A_350, %add3A_457 : i32
            %get3A_459 = arith.index_cast %add3A_341 : i32 to index
            %get3A_460 = arith.index_cast %add3A_458 : i32 to index
            %get3A_461 = tpu.vector_load %arg5[%get3A_459, %get3A_460] {strides = array<i32>} : memref<16x3200xf32, #tpu.memory_space<vmem>>, vector<16xf32>,
            %max3A_462 = arith.maximumf %max3A_438, %get3A_461 : vector<16xf32>
            %add3A_463 = arith.constant 304 : i32
            %add3A_464 = arith.addi %multiple_of3A_350, %add3A_463 : i32
            %get3A_465 = arith.index_cast %add3A_341 : i32 to index
            %get3A_466 = arith.index_cast %add3A_464 : i32 to index
            %get3A_467 = tpu.vector_load %arg5[%get3A_465, %get3A_466] {strides = array<i32>} : memref<16x3200xf32, #tpu.memory_space<vmem>>, vector<16xf32>,
            %max3A_468 = arith.maximumf %max3A_444, %get3A_467 : vector<16xf32>
            %add3A_469 = arith.constant 320 : i32
            %add3A_470 = arith.addi %multiple_of3A_350, %add3A_469 : i32
            %get3A_471 = arith.index_cast %add3A_341 : i32 to index
            %get3A_472 = arith.index_cast %add3A_470 : i32 to index
            %get3A_473 = tpu.vector_load %arg5[%get3A_471, %get3A_472] {strides = array<i32>} : memref<16x3200xf32, #tpu.memory_space<vmem>>, vector<16xf32>,
            %max3A_474 = arith.maximumf %max3A_450, %get3A_473 : vector<16xf32>
            %add3A_475 = arith.constant 336 : i32
            %add3A_476 = arith.addi %multiple_of3A_350, %add3A_475 : i32
            %get3A_477 = arith.index_cast %add3A_341 : i32 to index
            %get3A_478 = arith.index_cast %add3A_476 : i32 to index
            %get3A_479 = tpu.vector_load %arg5[%get3A_477, %get3A_478] {strides = array<i32>} : memref<16x3200xf32, #tpu.memory_space<vmem>>, vector<16xf32>,
            %max3A_480 = arith.maximumf %max3A_456, %get3A_479 : vector<16xf32>
            %add3A_481 = arith.constant 352 : i32
            %add3A_482 = arith.addi %multiple_of3A_350, %add3A_481 : i32
            %get3A_483 = arith.index_cast %add3A_341 : i32 to index
            %get3A_484 = arith.index_cast %add3A_482 : i32 to index
            %get3A_485 = tpu.vector_load %arg5[%get3A_483, %get3A_484] {strides = array<i32>} : memref<16x3200xf32, #tpu.memory_space<vmem>>, vector<16xf32>,
            %max3A_486 = arith.maximumf %max3A_462, %get3A_485 : vector<16xf32>
            %add3A_487 = arith.constant 368 : i32
            %add3A_488 = arith.addi %multiple_of3A_350, %add3A_487 : i32
            %get3A_489 = arith.index_cast %add3A_341 : i32 to index
            %get3A_490 = arith.index_cast %add3A_488 : i32 to index
            %get3A_491 = tpu.vector_load %arg5[%get3A_489, %get3A_490] {strides = array<i32>} : memref<16x3200xf32, #tpu.memory_space<vmem>>, vector<16xf32>,
            %max3A_492 = arith.maximumf %max3A_468, %get3A_491 : vector<16xf32>
            %add3A_493 = arith.constant 384 : i32
            %add3A_494 = arith.addi %multiple_of3A_350, %add3A_493 : i32
            %get3A_495 = arith.index_cast %add3A_341 : i32 to index
            %get3A_496 = arith.index_cast %add3A_494 : i32 to index
            %get3A_497 = tpu.vector_load %arg5[%get3A_495, %get3A_496] {strides = array<i32>} : memref<16x3200xf32, #tpu.memory_space<vmem>>, vector<16xf32>,
            %max3A_498 = arith.maximumf %max3A_474, %get3A_497 : vector<16xf32>
            %max3A_499 = arith.maximumf %max3A_498, %max3A_480 : vector<16xf32>
            %max3A_500 = arith.maximumf %max3A_486, %max3A_492 : vector<16xf32>
            %max3A_501 = arith.maximumf %max3A_499, %max3A_500 : vector<16xf32>
            %add3A_502 = arith.constant 0 : i32
            %add3A_503 = arith.addi %multiple_of3A_350, %add3A_502 : i32
            %get3A_504 = arith.index_cast %add3A_341 : i32 to index
            %get3A_505 = arith.index_cast %add3A_503 : i32 to index
            %get3A_506 = tpu.vector_load %arg6[%get3A_504, %get3A_505] {strides = array<i32>} : memref<16x3200xf32, #tpu.memory_space<vmem>>, vector<16xf32>,
            %add3A_507 = arith.constant 16 : i32
            %add3A_508 = arith.addi %multiple_of3A_350, %add3A_507 : i32
            %get3A_509 = arith.index_cast %add3A_341 : i32 to index
            %get3A_510 = arith.index_cast %add3A_508 : i32 to index
            %get3A_511 = tpu.vector_load %arg6[%get3A_509, %get3A_510] {strides = array<i32>} : memref<16x3200xf32, #tpu.memory_space<vmem>>, vector<16xf32>,
            %add3A_512 = arith.constant 32 : i32
            %add3A_513 = arith.addi %multiple_of3A_350, %add3A_512 : i32
            %get3A_514 = arith.index_cast %add3A_341 : i32 to index
            %get3A_515 = arith.index_cast %add3A_513 : i32 to index
            %get3A_516 = tpu.vector_load %arg6[%get3A_514, %get3A_515] {strides = array<i32>} : memref<16x3200xf32, #tpu.memory_space<vmem>>, vector<16xf32>,
            %add3A_517 = arith.constant 48 : i32
            %add3A_518 = arith.addi %multiple_of3A_350, %add3A_517 : i32
            %get3A_519 = arith.index_cast %add3A_341 : i32 to index
            %get3A_520 = arith.index_cast %add3A_518 : i32 to index
            %get3A_521 = tpu.vector_load %arg6[%get3A_519, %get3A_520] {strides = array<i32>} : memref<16x3200xf32, #tpu.memory_space<vmem>>, vector<16xf32>,
            %add3A_522 = arith.constant 64 : i32
            %add3A_523 = arith.addi %multiple_of3A_350, %add3A_522 : i32
            %get3A_524 = arith.index_cast %add3A_341 : i32 to index
            %get3A_525 = arith.index_cast %add3A_523 : i32 to index
            %get3A_526 = tpu.vector_load %arg6[%get3A_524, %get3A_525] {strides = array<i32>} : memref<16x3200xf32, #tpu.memory_space<vmem>>, vector<16xf32>,
            %max3A_527 = arith.maximumf %get3A_506, %get3A_526 : vector<16xf32>
            %add3A_528 = arith.constant 80 : i32
            %add3A_529 = arith.addi %multiple_of3A_350, %add3A_528 : i32
            %get3A_530 = arith.index_cast %add3A_341 : i32 to index
            %get3A_531 = arith.index_cast %add3A_529 : i32 to index
            %get3A_532 = tpu.vector_load %arg6[%get3A_530, %get3A_531] {strides = array<i32>} : memref<16x3200xf32, #tpu.memory_space<vmem>>, vector<16xf32>,
            %max3A_533 = arith.maximumf %get3A_511, %get3A_532 : vector<16xf32>
            %add3A_534 = arith.constant 96 : i32
            %add3A_535 = arith.addi %multiple_of3A_350, %add3A_534 : i32
            %get3A_536 = arith.index_cast %add3A_341 : i32 to index
            %get3A_537 = arith.index_cast %add3A_535 : i32 to index
            %get3A_538 = tpu.vector_load %arg6[%get3A_536, %get3A_537] {strides = array<i32>} : memref<16x3200xf32, #tpu.memory_space<vmem>>, vector<16xf32>,
            %max3A_539 = arith.maximumf %get3A_516, %get3A_538 : vector<16xf32>
            %add3A_540 = arith.constant 112 : i32
            %add3A_541 = arith.addi %multiple_of3A_350, %add3A_540 : i32
            %get3A_542 = arith.index_cast %add3A_341 : i32 to index
            %get3A_543 = arith.index_cast %add3A_541 : i32 to index
            %get3A_544 = tpu.vector_load %arg6[%get3A_542, %get3A_543] {strides = array<i32>} : memref<16x3200xf32, #tpu.memory_space<vmem>>, vector<16xf32>,
            %max3A_545 = arith.maximumf %get3A_521, %get3A_544 : vector<16xf32>
            %add3A_546 = arith.constant 128 : i32
            %add3A_547 = arith.addi %multiple_of3A_350, %add3A_546 : i32
            %get3A_548 = arith.index_cast %add3A_341 : i32 to index
            %get3A_549 = arith.index_cast %add3A_547 : i32 to index
            %get3A_550 = tpu.vector_load %arg6[%get3A_548, %get3A_549] {strides = array<i32>} : memref<16x3200xf32, #tpu.memory_space<vmem>>, vector<16xf32>,
            %max3A_551 = arith.maximumf %max3A_527, %get3A_550 : vector<16xf32>
            %add3A_552 = arith.constant 144 : i32
            %add3A_553 = arith.addi %multiple_of3A_350, %add3A_552 : i32
            %get3A_554 = arith.index_cast %add3A_341 : i32 to index
            %get3A_555 = arith.index_cast %add3A_553 : i32 to index
            %get3A_556 = tpu.vector_load %arg6[%get3A_554, %get3A_555] {strides = array<i32>} : memref<16x3200xf32, #tpu.memory_space<vmem>>, vector<16xf32>,
            %max3A_557 = arith.maximumf %max3A_533, %get3A_556 : vector<16xf32>
            %add3A_558 = arith.constant 160 : i32
            %add3A_559 = arith.addi %multiple_of3A_350, %add3A_558 : i32
            %get3A_560 = arith.index_cast %add3A_341 : i32 to index
            %get3A_561 = arith.index_cast %add3A_559 : i32 to index
            %get3A_562 = tpu.vector_load %arg6[%get3A_560, %get3A_561] {strides = array<i32>} : memref<16x3200xf32, #tpu.memory_space<vmem>>, vector<16xf32>,
            %max3A_563 = arith.maximumf %max3A_539, %get3A_562 : vector<16xf32>
            %add3A_564 = arith.constant 176 : i32
            %add3A_565 = arith.addi %multiple_of3A_350, %add3A_564 : i32
            %get3A_566 = arith.index_cast %add3A_341 : i32 to index
            %get3A_567 = arith.index_cast %add3A_565 : i32 to index
            %get3A_568 = tpu.vector_load %arg6[%get3A_566, %get3A_567] {strides = array<i32>} : memref<16x3200xf32, #tpu.memory_space<vmem>>, vector<16xf32>,
            %max3A_569 = arith.maximumf %max3A_545, %get3A_568 : vector<16xf32>
            %add3A_570 = arith.constant 192 : i32
            %add3A_571 = arith.addi %multiple_of3A_350, %add3A_570 : i32
            %get3A_572 = arith.index_cast %add3A_341 : i32 to index
            %get3A_573 = arith.index_cast %add3A_571 : i32 to index
            %get3A_574 = tpu.vector_load %arg6[%get3A_572, %get3A_573] {strides = array<i32>} : memref<16x3200xf32, #tpu.memory_space<vmem>>, vector<16xf32>,
            %max3A_575 = arith.maximumf %max3A_551, %get3A_574 : vector<16xf32>
            %add3A_576 = arith.constant 208 : i32
            %add3A_577 = arith.addi %multiple_of3A_350, %add3A_576 : i32
            %get3A_578 = arith.index_cast %add3A_341 : i32 to index
            %get3A_579 = arith.index_cast %add3A_577 : i32 to index
            %get3A_580 = tpu.vector_load %arg6[%get3A_578, %get3A_579] {strides = array<i32>} : memref<16x3200xf32, #tpu.memory_space<vmem>>, vector<16xf32>,
            %max3A_581 = arith.maximumf %max3A_557, %get3A_580 : vector<16xf32>
            %add3A_582 = arith.constant 224 : i32
            %add3A_583 = arith.addi %multiple_of3A_350, %add3A_582 : i32
            %get3A_584 = arith.index_cast %add3A_341 : i32 to index
            %get3A_585 = arith.index_cast %add3A_583 : i32 to index
            %get3A_586 = tpu.vector_load %arg6[%get3A_584, %get3A_585] {strides = array<i32>} : memref<16x3200xf32, #tpu.memory_space<vmem>>, vector<16xf32>,
            %max3A_587 = arith.maximumf %max3A_563, %get3A_586 : vector<16xf32>
            %add3A_588 = arith.constant 240 : i32
            %add3A_589 = arith.addi %multiple_of3A_350, %add3A_588 : i32
            %get3A_590 = arith.index_cast %add3A_341 : i32 to index
            %get3A_591 = arith.index_cast %add3A_589 : i32 to index
            %get3A_592 = tpu.vector_load %arg6[%get3A_590, %get3A_591] {strides = array<i32>} : memref<16x3200xf32, #tpu.memory_space<vmem>>, vector<16xf32>,
            %max3A_593 = arith.maximumf %max3A_569, %get3A_592 : vector<16xf32>
            %add3A_594 = arith.constant 256 : i32
            %add3A_595 = arith.addi %multiple_of3A_350, %add3A_594 : i32
            %get3A_596 = arith.index_cast %add3A_341 : i32 to index
            %get3A_597 = arith.index_cast %add3A_595 : i32 to index
            %get3A_598 = tpu.vector_load %arg6[%get3A_596, %get3A_597] {strides = array<i32>} : memref<16x3200xf32, #tpu.memory_space<vmem>>, vector<16xf32>,
            %max3A_599 = arith.maximumf %max3A_575, %get3A_598 : vector<16xf32>
            %add3A_600 = arith.constant 272 : i32
            %add3A_601 = arith.addi %multiple_of3A_350, %add3A_600 : i32
            %get3A_602 = arith.index_cast %add3A_341 : i32 to index
            %get3A_603 = arith.index_cast %add3A_601 : i32 to index
            %get3A_604 = tpu.vector_load %arg6[%get3A_602, %get3A_603] {strides = array<i32>} : memref<16x3200xf32, #tpu.memory_space<vmem>>, vector<16xf32>,
            %max3A_605 = arith.maximumf %max3A_581, %get3A_604 : vector<16xf32>
            %add3A_606 = arith.constant 288 : i32
            %add3A_607 = arith.addi %multiple_of3A_350, %add3A_606 : i32
            %get3A_608 = arith.index_cast %add3A_341 : i32 to index
            %get3A_609 = arith.index_cast %add3A_607 : i32 to index
            %get3A_610 = tpu.vector_load %arg6[%get3A_608, %get3A_609] {strides = array<i32>} : memref<16x3200xf32, #tpu.memory_space<vmem>>, vector<16xf32>,
            %max3A_611 = arith.maximumf %max3A_587, %get3A_610 : vector<16xf32>
            %add3A_612 = arith.constant 304 : i32
            %add3A_613 = arith.addi %multiple_of3A_350, %add3A_612 : i32
            %get3A_614 = arith.index_cast %add3A_341 : i32 to index
            %get3A_615 = arith.index_cast %add3A_613 : i32 to index
            %get3A_616 = tpu.vector_load %arg6[%get3A_614, %get3A_615] {strides = array<i32>} : memref<16x3200xf32, #tpu.memory_space<vmem>>, vector<16xf32>,
            %max3A_617 = arith.maximumf %max3A_593, %get3A_616 : vector<16xf32>
            %add3A_618 = arith.constant 320 : i32
            %add3A_619 = arith.addi %multiple_of3A_350, %add3A_618 : i32
            %get3A_620 = arith.index_cast %add3A_341 : i32 to index
            %get3A_621 = arith.index_cast %add3A_619 : i32 to index
            %get3A_622 = tpu.vector_load %arg6[%get3A_620, %get3A_621] {strides = array<i32>} : memref<16x3200xf32, #tpu.memory_space<vmem>>, vector<16xf32>,
            %max3A_623 = arith.maximumf %max3A_599, %get3A_622 : vector<16xf32>
            %add3A_624 = arith.constant 336 : i32
            %add3A_625 = arith.addi %multiple_of3A_350, %add3A_624 : i32
            %get3A_626 = arith.index_cast %add3A_341 : i32 to index
            %get3A_627 = arith.index_cast %add3A_625 : i32 to index
            %get3A_628 = tpu.vector_load %arg6[%get3A_626, %get3A_627] {strides = array<i32>} : memref<16x3200xf32, #tpu.memory_space<vmem>>, vector<16xf32>,
            %max3A_629 = arith.maximumf %max3A_605, %get3A_628 : vector<16xf32>
            %add3A_630 = arith.constant 352 : i32
            %add3A_631 = arith.addi %multiple_of3A_350, %add3A_630 : i32
            %get3A_632 = arith.index_cast %add3A_341 : i32 to index
            %get3A_633 = arith.index_cast %add3A_631 : i32 to index
            %get3A_634 = tpu.vector_load %arg6[%get3A_632, %get3A_633] {strides = array<i32>} : memref<16x3200xf32, #tpu.memory_space<vmem>>, vector<16xf32>,
            %max3A_635 = arith.maximumf %max3A_611, %get3A_634 : vector<16xf32>
            %add3A_636 = arith.constant 368 : i32
            %add3A_637 = arith.addi %multiple_of3A_350, %add3A_636 : i32
            %get3A_638 = arith.index_cast %add3A_341 : i32 to index
            %get3A_639 = arith.index_cast %add3A_637 : i32 to index
            %get3A_640 = tpu.vector_load %arg6[%get3A_638, %get3A_639] {strides = array<i32>} : memref<16x3200xf32, #tpu.memory_space<vmem>>, vector<16xf32>,
            %max3A_641 = arith.maximumf %max3A_617, %get3A_640 : vector<16xf32>
            %add3A_642 = arith.constant 384 : i32
            %add3A_643 = arith.addi %multiple_of3A_350, %add3A_642 : i32
            %get3A_644 = arith.index_cast %add3A_341 : i32 to index
            %get3A_645 = arith.index_cast %add3A_643 : i32 to index
            %get3A_646 = tpu.vector_load %arg6[%get3A_644, %get3A_645] {strides = array<i32>} : memref<16x3200xf32, #tpu.memory_space<vmem>>, vector<16xf32>,
            %max3A_647 = arith.maximumf %max3A_623, %get3A_646 : vector<16xf32>
            %max3A_648 = arith.maximumf %max3A_647, %max3A_629 : vector<16xf32>
            %max3A_649 = arith.maximumf %max3A_635, %max3A_641 : vector<16xf32>
            %max3A_650 = arith.maximumf %max3A_648, %max3A_649 : vector<16xf32>
            %gt3A = arith.cmpf ogt, %max3A_501, %get3A_351 : vector<16xf32>
            %all_reduce_population_count3A = tpu.all_reduce %gt3A {dim = 0 : i64, kind = #tpu.reduction_kind<sum>} : vector<16xi1> -> vector<16xi32>
            %slice3A = vector.extract_strided_slice %all_reduce_population_count3A {offsets = [0], sizes = [1], strides = [1]} : vector<16xi32> to vector<1xi32>
            %squeeze3A = vector.extract %slice3A[0] : i32 from vector<1xi32>
            %gt3A_651 = arith.cmpf ogt, %max3A_650, %get3A_353 : vector<16xf32>
            %all_reduce_population_count3A_652 = tpu.all_reduce %gt3A_651 {dim = 0 : i64, kind = #tpu.reduction_kind<sum>} : vector<16xi1> -> vector<16xi32>
            %slice3A_653 = vector.extract_strided_slice %all_reduce_population_count3A_652 {offsets = [0], sizes = [1], strides = [1]} : vector<16xi32> to vector<1xi32>
            %squeeze3A_654 = vector.extract %slice3A_653[0] : i32 from vector<1xi32>
            %add3A_655 = arith.addi %squeeze3A, %squeeze3A_654 : i32
            %gt3A_656 = arith.constant 0 : i32
            %gt3A_657 = arith.cmpi sgt, %add3A_655, %gt3A_656 : i32
            %convert_element_type3A_658 = arith.extui %gt3A_657 : i1 to i32
            %cond3A_659 = arith.constant 0 : i32
            %cond3A_660 = arith.cmpi ne, %convert_element_type3A_658, %cond3A_659 : i32
            scf.if %cond3A_660 {
              %gt3A_661 = arith.constant 0 : i32
              %gt3A_662 = arith.cmpi sgt, %squeeze3A, %gt3A_661 : i32
              %convert_element_type3A_663 = arith.extui %gt3A_662 : i1 to i32
              %cond3A_664 = arith.constant 0 : i32
              %cond3A_665 = arith.cmpi ne, %convert_element_type3A_663, %cond3A_664 : i32
              scf.if %cond3A_665 {
                %broadcast_in_dim3A_671 = arith.constant 0 : i32
                %broadcast_in_dim3A_672 = vector.broadcast %broadcast_in_dim3A_671 : i32 to vector<16xi32>
                %broadcast_in_dim3A_673 = arith.constant 0 : i32
                %broadcast_in_dim3A_674 = vector.broadcast %broadcast_in_dim3A_673 : i32 to vector<16xi32>
                %add3A_675 = arith.constant 0 : i32
                %add3A_676 = arith.addi %multiple_of3A_350, %add3A_675 : i32
                %get3A_677 = arith.index_cast %add3A_341 : i32 to index
                %get3A_678 = arith.index_cast %add3A_676 : i32 to index
                %get3A_679 = tpu.vector_load %arg5[%get3A_677, %get3A_678] {strides = array<i32>} : memref<16x3200xf32, #tpu.memory_space<vmem>>, vector<16xf32>,
                %gt3A_680 = arith.cmpf ogt, %get3A_679, %get3A_351 : vector<16xf32>
                %all_reduce_population_count3A_681 = tpu.all_reduce %gt3A_680 {dim = 0 : i64, kind = #tpu.reduction_kind<sum>} : vector<16xi1> -> vector<16xi32>
                %eq3A_682 = arith.constant 0 : i32
                %eq3A_683 = vector.broadcast %eq3A_682 : i32 to vector<16xi32>
                %eq3A_684 = arith.cmpi eq, %iota3A, %eq3A_683 : vector<16xi32>
                %select_n3A_685 = arith.select %eq3A_684, %all_reduce_population_count3A_681, %broadcast_in_dim3A_672 : vector<16xi1>, vector<16xi32>
                %add3A_686 = arith.constant 16 : i32
                %add3A_687 = arith.addi %multiple_of3A_350, %add3A_686 : i32
                %get3A_688 = arith.index_cast %add3A_341 : i32 to index
                %get3A_689 = arith.index_cast %add3A_687 : i32 to index
                %get3A_690 = tpu.vector_load %arg5[%get3A_688, %get3A_689] {strides = array<i32>} : memref<16x3200xf32, #tpu.memory_space<vmem>>, vector<16xf32>,
                %gt3A_691 = arith.cmpf ogt, %get3A_690, %get3A_351 : vector<16xf32>
                %all_reduce_population_count3A_692 = tpu.all_reduce %gt3A_691 {dim = 0 : i64, kind = #tpu.reduction_kind<sum>} : vector<16xi1> -> vector<16xi32>
                %eq3A_693 = arith.constant 1 : i32
                %eq3A_694 = vector.broadcast %eq3A_693 : i32 to vector<16xi32>
                %eq3A_695 = arith.cmpi eq, %iota3A, %eq3A_694 : vector<16xi32>
                %select_n3A_696 = arith.select %eq3A_695, %all_reduce_population_count3A_692, %select_n3A_685 : vector<16xi1>, vector<16xi32>
                %add3A_697 = arith.constant 32 : i32
                %add3A_698 = arith.addi %multiple_of3A_350, %add3A_697 : i32
                %get3A_699 = arith.index_cast %add3A_341 : i32 to index
                %get3A_700 = arith.index_cast %add3A_698 : i32 to index
                %get3A_701 = tpu.vector_load %arg5[%get3A_699, %get3A_700] {strides = array<i32>} : memref<16x3200xf32, #tpu.memory_space<vmem>>, vector<16xf32>,
                %gt3A_702 = arith.cmpf ogt, %get3A_701, %get3A_351 : vector<16xf32>
                %all_reduce_population_count3A_703 = tpu.all_reduce %gt3A_702 {dim = 0 : i64, kind = #tpu.reduction_kind<sum>} : vector<16xi1> -> vector<16xi32>
                %eq3A_704 = arith.constant 2 : i32
                %eq3A_705 = vector.broadcast %eq3A_704 : i32 to vector<16xi32>
                %eq3A_706 = arith.cmpi eq, %iota3A, %eq3A_705 : vector<16xi32>
                %select_n3A_707 = arith.select %eq3A_706, %all_reduce_population_count3A_703, %select_n3A_696 : vector<16xi1>, vector<16xi32>
                %add3A_708 = arith.constant 48 : i32
                %add3A_709 = arith.addi %multiple_of3A_350, %add3A_708 : i32
                %get3A_710 = arith.index_cast %add3A_341 : i32 to index
                %get3A_711 = arith.index_cast %add3A_709 : i32 to index
                %get3A_712 = tpu.vector_load %arg5[%get3A_710, %get3A_711] {strides = array<i32>} : memref<16x3200xf32, #tpu.memory_space<vmem>>, vector<16xf32>,
                %gt3A_713 = arith.cmpf ogt, %get3A_712, %get3A_351 : vector<16xf32>
                %all_reduce_population_count3A_714 = tpu.all_reduce %gt3A_713 {dim = 0 : i64, kind = #tpu.reduction_kind<sum>} : vector<16xi1> -> vector<16xi32>
                %eq3A_715 = arith.constant 3 : i32
                %eq3A_716 = vector.broadcast %eq3A_715 : i32 to vector<16xi32>
                %eq3A_717 = arith.cmpi eq, %iota3A, %eq3A_716 : vector<16xi32>
                %select_n3A_718 = arith.select %eq3A_717, %all_reduce_population_count3A_714, %select_n3A_707 : vector<16xi1>, vector<16xi32>
                %add3A_719 = arith.constant 64 : i32
                %add3A_720 = arith.addi %multiple_of3A_350, %add3A_719 : i32
                %get3A_721 = arith.index_cast %add3A_341 : i32 to index
                %get3A_722 = arith.index_cast %add3A_720 : i32 to index
                %get3A_723 = tpu.vector_load %arg5[%get3A_721, %get3A_722] {strides = array<i32>} : memref<16x3200xf32, #tpu.memory_space<vmem>>, vector<16xf32>,
                %gt3A_724 = arith.cmpf ogt, %get3A_723, %get3A_351 : vector<16xf32>
                %all_reduce_population_count3A_725 = tpu.all_reduce %gt3A_724 {dim = 0 : i64, kind = #tpu.reduction_kind<sum>} : vector<16xi1> -> vector<16xi32>
                %eq3A_726 = arith.constant 4 : i32
                %eq3A_727 = vector.broadcast %eq3A_726 : i32 to vector<16xi32>
                %eq3A_728 = arith.cmpi eq, %iota3A, %eq3A_727 : vector<16xi32>
                %select_n3A_729 = arith.select %eq3A_728, %all_reduce_population_count3A_725, %select_n3A_718 : vector<16xi1>, vector<16xi32>
                %add3A_730 = arith.constant 80 : i32
                %add3A_731 = arith.addi %multiple_of3A_350, %add3A_730 : i32
                %get3A_732 = arith.index_cast %add3A_341 : i32 to index
                %get3A_733 = arith.index_cast %add3A_731 : i32 to index
                %get3A_734 = tpu.vector_load %arg5[%get3A_732, %get3A_733] {strides = array<i32>} : memref<16x3200xf32, #tpu.memory_space<vmem>>, vector<16xf32>,
                %gt3A_735 = arith.cmpf ogt, %get3A_734, %get3A_351 : vector<16xf32>
                %all_reduce_population_count3A_736 = tpu.all_reduce %gt3A_735 {dim = 0 : i64, kind = #tpu.reduction_kind<sum>} : vector<16xi1> -> vector<16xi32>
                %eq3A_737 = arith.constant 5 : i32
                %eq3A_738 = vector.broadcast %eq3A_737 : i32 to vector<16xi32>
                %eq3A_739 = arith.cmpi eq, %iota3A, %eq3A_738 : vector<16xi32>
                %select_n3A_740 = arith.select %eq3A_739, %all_reduce_population_count3A_736, %select_n3A_729 : vector<16xi1>, vector<16xi32>
                %add3A_741 = arith.constant 96 : i32
                %add3A_742 = arith.addi %multiple_of3A_350, %add3A_741 : i32
                %get3A_743 = arith.index_cast %add3A_341 : i32 to index
                %get3A_744 = arith.index_cast %add3A_742 : i32 to index
                %get3A_745 = tpu.vector_load %arg5[%get3A_743, %get3A_744] {strides = array<i32>} : memref<16x3200xf32, #tpu.memory_space<vmem>>, vector<16xf32>,
                %gt3A_746 = arith.cmpf ogt, %get3A_745, %get3A_351 : vector<16xf32>
                %all_reduce_population_count3A_747 = tpu.all_reduce %gt3A_746 {dim = 0 : i64, kind = #tpu.reduction_kind<sum>} : vector<16xi1> -> vector<16xi32>
                %eq3A_748 = arith.constant 6 : i32
                %eq3A_749 = vector.broadcast %eq3A_748 : i32 to vector<16xi32>
                %eq3A_750 = arith.cmpi eq, %iota3A, %eq3A_749 : vector<16xi32>
                %select_n3A_751 = arith.select %eq3A_750, %all_reduce_population_count3A_747, %select_n3A_740 : vector<16xi1>, vector<16xi32>
                %add3A_752 = arith.constant 112 : i32
                %add3A_753 = arith.addi %multiple_of3A_350, %add3A_752 : i32
                %get3A_754 = arith.index_cast %add3A_341 : i32 to index
                %get3A_755 = arith.index_cast %add3A_753 : i32 to index
                %get3A_756 = tpu.vector_load %arg5[%get3A_754, %get3A_755] {strides = array<i32>} : memref<16x3200xf32, #tpu.memory_space<vmem>>, vector<16xf32>,
                %gt3A_757 = arith.cmpf ogt, %get3A_756, %get3A_351 : vector<16xf32>
                %all_reduce_population_count3A_758 = tpu.all_reduce %gt3A_757 {dim = 0 : i64, kind = #tpu.reduction_kind<sum>} : vector<16xi1> -> vector<16xi32>
                %eq3A_759 = arith.constant 7 : i32
                %eq3A_760 = vector.broadcast %eq3A_759 : i32 to vector<16xi32>
                %eq3A_761 = arith.cmpi eq, %iota3A, %eq3A_760 : vector<16xi32>
                %select_n3A_762 = arith.select %eq3A_761, %all_reduce_population_count3A_758, %select_n3A_751 : vector<16xi1>, vector<16xi32>
                %add3A_763 = arith.constant 128 : i32
                %add3A_764 = arith.addi %multiple_of3A_350, %add3A_763 : i32
                %get3A_765 = arith.index_cast %add3A_341 : i32 to index
                %get3A_766 = arith.index_cast %add3A_764 : i32 to index
                %get3A_767 = tpu.vector_load %arg5[%get3A_765, %get3A_766] {strides = array<i32>} : memref<16x3200xf32, #tpu.memory_space<vmem>>, vector<16xf32>,
                %gt3A_768 = arith.cmpf ogt, %get3A_767, %get3A_351 : vector<16xf32>
                %all_reduce_population_count3A_769 = tpu.all_reduce %gt3A_768 {dim = 0 : i64, kind = #tpu.reduction_kind<sum>} : vector<16xi1> -> vector<16xi32>
                %eq3A_770 = arith.constant 8 : i32
                %eq3A_771 = vector.broadcast %eq3A_770 : i32 to vector<16xi32>
                %eq3A_772 = arith.cmpi eq, %iota3A, %eq3A_771 : vector<16xi32>
                %select_n3A_773 = arith.select %eq3A_772, %all_reduce_population_count3A_769, %select_n3A_762 : vector<16xi1>, vector<16xi32>
                %add3A_774 = arith.constant 144 : i32
                %add3A_775 = arith.addi %multiple_of3A_350, %add3A_774 : i32
                %get3A_776 = arith.index_cast %add3A_341 : i32 to index
                %get3A_777 = arith.index_cast %add3A_775 : i32 to index
                %get3A_778 = tpu.vector_load %arg5[%get3A_776, %get3A_777] {strides = array<i32>} : memref<16x3200xf32, #tpu.memory_space<vmem>>, vector<16xf32>,
                %gt3A_779 = arith.cmpf ogt, %get3A_778, %get3A_351 : vector<16xf32>
                %all_reduce_population_count3A_780 = tpu.all_reduce %gt3A_779 {dim = 0 : i64, kind = #tpu.reduction_kind<sum>} : vector<16xi1> -> vector<16xi32>
                %eq3A_781 = arith.constant 9 : i32
                %eq3A_782 = vector.broadcast %eq3A_781 : i32 to vector<16xi32>
                %eq3A_783 = arith.cmpi eq, %iota3A, %eq3A_782 : vector<16xi32>
                %select_n3A_784 = arith.select %eq3A_783, %all_reduce_population_count3A_780, %select_n3A_773 : vector<16xi1>, vector<16xi32>
                %add3A_785 = arith.constant 160 : i32
                %add3A_786 = arith.addi %multiple_of3A_350, %add3A_785 : i32
                %get3A_787 = arith.index_cast %add3A_341 : i32 to index
                %get3A_788 = arith.index_cast %add3A_786 : i32 to index
                %get3A_789 = tpu.vector_load %arg5[%get3A_787, %get3A_788] {strides = array<i32>} : memref<16x3200xf32, #tpu.memory_space<vmem>>, vector<16xf32>,
                %gt3A_790 = arith.cmpf ogt, %get3A_789, %get3A_351 : vector<16xf32>
                %all_reduce_population_count3A_791 = tpu.all_reduce %gt3A_790 {dim = 0 : i64, kind = #tpu.reduction_kind<sum>} : vector<16xi1> -> vector<16xi32>
                %eq3A_792 = arith.constant 10 : i32
                %eq3A_793 = vector.broadcast %eq3A_792 : i32 to vector<16xi32>
                %eq3A_794 = arith.cmpi eq, %iota3A, %eq3A_793 : vector<16xi32>
                %select_n3A_795 = arith.select %eq3A_794, %all_reduce_population_count3A_791, %select_n3A_784 : vector<16xi1>, vector<16xi32>
                %add3A_796 = arith.constant 176 : i32
                %add3A_797 = arith.addi %multiple_of3A_350, %add3A_796 : i32
                %get3A_798 = arith.index_cast %add3A_341 : i32 to index
                %get3A_799 = arith.index_cast %add3A_797 : i32 to index
                %get3A_800 = tpu.vector_load %arg5[%get3A_798, %get3A_799] {strides = array<i32>} : memref<16x3200xf32, #tpu.memory_space<vmem>>, vector<16xf32>,
                %gt3A_801 = arith.cmpf ogt, %get3A_800, %get3A_351 : vector<16xf32>
                %all_reduce_population_count3A_802 = tpu.all_reduce %gt3A_801 {dim = 0 : i64, kind = #tpu.reduction_kind<sum>} : vector<16xi1> -> vector<16xi32>
                %eq3A_803 = arith.constant 11 : i32
                %eq3A_804 = vector.broadcast %eq3A_803 : i32 to vector<16xi32>
                %eq3A_805 = arith.cmpi eq, %iota3A, %eq3A_804 : vector<16xi32>
                %select_n3A_806 = arith.select %eq3A_805, %all_reduce_population_count3A_802, %select_n3A_795 : vector<16xi1>, vector<16xi32>
                %add3A_807 = arith.constant 192 : i32
                %add3A_808 = arith.addi %multiple_of3A_350, %add3A_807 : i32
                %get3A_809 = arith.index_cast %add3A_341 : i32 to index
                %get3A_810 = arith.index_cast %add3A_808 : i32 to index
                %get3A_811 = tpu.vector_load %arg5[%get3A_809, %get3A_810] {strides = array<i32>} : memref<16x3200xf32, #tpu.memory_space<vmem>>, vector<16xf32>,
                %gt3A_812 = arith.cmpf ogt, %get3A_811, %get3A_351 : vector<16xf32>
                %all_reduce_population_count3A_813 = tpu.all_reduce %gt3A_812 {dim = 0 : i64, kind = #tpu.reduction_kind<sum>} : vector<16xi1> -> vector<16xi32>
                %eq3A_814 = arith.constant 12 : i32
                %eq3A_815 = vector.broadcast %eq3A_814 : i32 to vector<16xi32>
                %eq3A_816 = arith.cmpi eq, %iota3A, %eq3A_815 : vector<16xi32>
                %select_n3A_817 = arith.select %eq3A_816, %all_reduce_population_count3A_813, %select_n3A_806 : vector<16xi1>, vector<16xi32>
                %add3A_818 = arith.constant 208 : i32
                %add3A_819 = arith.addi %multiple_of3A_350, %add3A_818 : i32
                %get3A_820 = arith.index_cast %add3A_341 : i32 to index
                %get3A_821 = arith.index_cast %add3A_819 : i32 to index
                %get3A_822 = tpu.vector_load %arg5[%get3A_820, %get3A_821] {strides = array<i32>} : memref<16x3200xf32, #tpu.memory_space<vmem>>, vector<16xf32>,
                %gt3A_823 = arith.cmpf ogt, %get3A_822, %get3A_351 : vector<16xf32>
                %all_reduce_population_count3A_824 = tpu.all_reduce %gt3A_823 {dim = 0 : i64, kind = #tpu.reduction_kind<sum>} : vector<16xi1> -> vector<16xi32>
                %eq3A_825 = arith.constant 13 : i32
                %eq3A_826 = vector.broadcast %eq3A_825 : i32 to vector<16xi32>
                %eq3A_827 = arith.cmpi eq, %iota3A, %eq3A_826 : vector<16xi32>
                %select_n3A_828 = arith.select %eq3A_827, %all_reduce_population_count3A_824, %select_n3A_817 : vector<16xi1>, vector<16xi32>
                %add3A_829 = arith.constant 224 : i32
                %add3A_830 = arith.addi %multiple_of3A_350, %add3A_829 : i32
                %get3A_831 = arith.index_cast %add3A_341 : i32 to index
                %get3A_832 = arith.index_cast %add3A_830 : i32 to index
                %get3A_833 = tpu.vector_load %arg5[%get3A_831, %get3A_832] {strides = array<i32>} : memref<16x3200xf32, #tpu.memory_space<vmem>>, vector<16xf32>,
                %gt3A_834 = arith.cmpf ogt, %get3A_833, %get3A_351 : vector<16xf32>
                %all_reduce_population_count3A_835 = tpu.all_reduce %gt3A_834 {dim = 0 : i64, kind = #tpu.reduction_kind<sum>} : vector<16xi1> -> vector<16xi32>
                %eq3A_836 = arith.constant 14 : i32
                %eq3A_837 = vector.broadcast %eq3A_836 : i32 to vector<16xi32>
                %eq3A_838 = arith.cmpi eq, %iota3A, %eq3A_837 : vector<16xi32>
                %select_n3A_839 = arith.select %eq3A_838, %all_reduce_population_count3A_835, %select_n3A_828 : vector<16xi1>, vector<16xi32>
                %add3A_840 = arith.constant 240 : i32
                %add3A_841 = arith.addi %multiple_of3A_350, %add3A_840 : i32
                %get3A_842 = arith.index_cast %add3A_341 : i32 to index
                %get3A_843 = arith.index_cast %add3A_841 : i32 to index
                %get3A_844 = tpu.vector_load %arg5[%get3A_842, %get3A_843] {strides = array<i32>} : memref<16x3200xf32, #tpu.memory_space<vmem>>, vector<16xf32>,
                %gt3A_845 = arith.cmpf ogt, %get3A_844, %get3A_351 : vector<16xf32>
                %all_reduce_population_count3A_846 = tpu.all_reduce %gt3A_845 {dim = 0 : i64, kind = #tpu.reduction_kind<sum>} : vector<16xi1> -> vector<16xi32>
                %eq3A_847 = arith.constant 15 : i32
                %eq3A_848 = vector.broadcast %eq3A_847 : i32 to vector<16xi32>
                %eq3A_849 = arith.cmpi eq, %iota3A, %eq3A_848 : vector<16xi32>
                %select_n3A_850 = arith.select %eq3A_849, %all_reduce_population_count3A_846, %select_n3A_839 : vector<16xi1>, vector<16xi32>
                %add3A_851 = arith.constant 256 : i32
                %add3A_852 = arith.addi %multiple_of3A_350, %add3A_851 : i32
                %get3A_853 = arith.index_cast %add3A_341 : i32 to index
                %get3A_854 = arith.index_cast %add3A_852 : i32 to index
                %get3A_855 = tpu.vector_load %arg5[%get3A_853, %get3A_854] {strides = array<i32>} : memref<16x3200xf32, #tpu.memory_space<vmem>>, vector<16xf32>,
                %gt3A_856 = arith.cmpf ogt, %get3A_855, %get3A_351 : vector<16xf32>
                %all_reduce_population_count3A_857 = tpu.all_reduce %gt3A_856 {dim = 0 : i64, kind = #tpu.reduction_kind<sum>} : vector<16xi1> -> vector<16xi32>
                %eq3A_858 = arith.constant 0 : i32
                %eq3A_859 = vector.broadcast %eq3A_858 : i32 to vector<16xi32>
                %eq3A_860 = arith.cmpi eq, %iota3A, %eq3A_859 : vector<16xi32>
                %select_n3A_861 = arith.select %eq3A_860, %all_reduce_population_count3A_857, %broadcast_in_dim3A_674 : vector<16xi1>, vector<16xi32>
                %add3A_862 = arith.constant 272 : i32
                %add3A_863 = arith.addi %multiple_of3A_350, %add3A_862 : i32
                %get3A_864 = arith.index_cast %add3A_341 : i32 to index
                %get3A_865 = arith.index_cast %add3A_863 : i32 to index
                %get3A_866 = tpu.vector_load %arg5[%get3A_864, %get3A_865] {strides = array<i32>} : memref<16x3200xf32, #tpu.memory_space<vmem>>, vector<16xf32>,
                %gt3A_867 = arith.cmpf ogt, %get3A_866, %get3A_351 : vector<16xf32>
                %all_reduce_population_count3A_868 = tpu.all_reduce %gt3A_867 {dim = 0 : i64, kind = #tpu.reduction_kind<sum>} : vector<16xi1> -> vector<16xi32>
                %eq3A_869 = arith.constant 1 : i32
                %eq3A_870 = vector.broadcast %eq3A_869 : i32 to vector<16xi32>
                %eq3A_871 = arith.cmpi eq, %iota3A, %eq3A_870 : vector<16xi32>
                %select_n3A_872 = arith.select %eq3A_871, %all_reduce_population_count3A_868, %select_n3A_861 : vector<16xi1>, vector<16xi32>
                %add3A_873 = arith.constant 288 : i32
                %add3A_874 = arith.addi %multiple_of3A_350, %add3A_873 : i32
                %get3A_875 = arith.index_cast %add3A_341 : i32 to index
                %get3A_876 = arith.index_cast %add3A_874 : i32 to index
                %get3A_877 = tpu.vector_load %arg5[%get3A_875, %get3A_876] {strides = array<i32>} : memref<16x3200xf32, #tpu.memory_space<vmem>>, vector<16xf32>,
                %gt3A_878 = arith.cmpf ogt, %get3A_877, %get3A_351 : vector<16xf32>
                %all_reduce_population_count3A_879 = tpu.all_reduce %gt3A_878 {dim = 0 : i64, kind = #tpu.reduction_kind<sum>} : vector<16xi1> -> vector<16xi32>
                %eq3A_880 = arith.constant 2 : i32
                %eq3A_881 = vector.broadcast %eq3A_880 : i32 to vector<16xi32>
                %eq3A_882 = arith.cmpi eq, %iota3A, %eq3A_881 : vector<16xi32>
                %select_n3A_883 = arith.select %eq3A_882, %all_reduce_population_count3A_879, %select_n3A_872 : vector<16xi1>, vector<16xi32>
                %add3A_884 = arith.constant 304 : i32
                %add3A_885 = arith.addi %multiple_of3A_350, %add3A_884 : i32
                %get3A_886 = arith.index_cast %add3A_341 : i32 to index
                %get3A_887 = arith.index_cast %add3A_885 : i32 to index
                %get3A_888 = tpu.vector_load %arg5[%get3A_886, %get3A_887] {strides = array<i32>} : memref<16x3200xf32, #tpu.memory_space<vmem>>, vector<16xf32>,
                %gt3A_889 = arith.cmpf ogt, %get3A_888, %get3A_351 : vector<16xf32>
                %all_reduce_population_count3A_890 = tpu.all_reduce %gt3A_889 {dim = 0 : i64, kind = #tpu.reduction_kind<sum>} : vector<16xi1> -> vector<16xi32>
                %eq3A_891 = arith.constant 3 : i32
                %eq3A_892 = vector.broadcast %eq3A_891 : i32 to vector<16xi32>
                %eq3A_893 = arith.cmpi eq, %iota3A, %eq3A_892 : vector<16xi32>
                %select_n3A_894 = arith.select %eq3A_893, %all_reduce_population_count3A_890, %select_n3A_883 : vector<16xi1>, vector<16xi32>
                %add3A_895 = arith.constant 320 : i32
                %add3A_896 = arith.addi %multiple_of3A_350, %add3A_895 : i32
                %get3A_897 = arith.index_cast %add3A_341 : i32 to index
                %get3A_898 = arith.index_cast %add3A_896 : i32 to index
                %get3A_899 = tpu.vector_load %arg5[%get3A_897, %get3A_898] {strides = array<i32>} : memref<16x3200xf32, #tpu.memory_space<vmem>>, vector<16xf32>,
                %gt3A_900 = arith.cmpf ogt, %get3A_899, %get3A_351 : vector<16xf32>
                %all_reduce_population_count3A_901 = tpu.all_reduce %gt3A_900 {dim = 0 : i64, kind = #tpu.reduction_kind<sum>} : vector<16xi1> -> vector<16xi32>
                %eq3A_902 = arith.constant 4 : i32
                %eq3A_903 = vector.broadcast %eq3A_902 : i32 to vector<16xi32>
                %eq3A_904 = arith.cmpi eq, %iota3A, %eq3A_903 : vector<16xi32>
                %select_n3A_905 = arith.select %eq3A_904, %all_reduce_population_count3A_901, %select_n3A_894 : vector<16xi1>, vector<16xi32>
                %add3A_906 = arith.constant 336 : i32
                %add3A_907 = arith.addi %multiple_of3A_350, %add3A_906 : i32
                %get3A_908 = arith.index_cast %add3A_341 : i32 to index
                %get3A_909 = arith.index_cast %add3A_907 : i32 to index
                %get3A_910 = tpu.vector_load %arg5[%get3A_908, %get3A_909] {strides = array<i32>} : memref<16x3200xf32, #tpu.memory_space<vmem>>, vector<16xf32>,
                %gt3A_911 = arith.cmpf ogt, %get3A_910, %get3A_351 : vector<16xf32>
                %all_reduce_population_count3A_912 = tpu.all_reduce %gt3A_911 {dim = 0 : i64, kind = #tpu.reduction_kind<sum>} : vector<16xi1> -> vector<16xi32>
                %eq3A_913 = arith.constant 5 : i32
                %eq3A_914 = vector.broadcast %eq3A_913 : i32 to vector<16xi32>
                %eq3A_915 = arith.cmpi eq, %iota3A, %eq3A_914 : vector<16xi32>
                %select_n3A_916 = arith.select %eq3A_915, %all_reduce_population_count3A_912, %select_n3A_905 : vector<16xi1>, vector<16xi32>
                %add3A_917 = arith.constant 352 : i32
                %add3A_918 = arith.addi %multiple_of3A_350, %add3A_917 : i32
                %get3A_919 = arith.index_cast %add3A_341 : i32 to index
                %get3A_920 = arith.index_cast %add3A_918 : i32 to index
                %get3A_921 = tpu.vector_load %arg5[%get3A_919, %get3A_920] {strides = array<i32>} : memref<16x3200xf32, #tpu.memory_space<vmem>>, vector<16xf32>,
                %gt3A_922 = arith.cmpf ogt, %get3A_921, %get3A_351 : vector<16xf32>
                %all_reduce_population_count3A_923 = tpu.all_reduce %gt3A_922 {dim = 0 : i64, kind = #tpu.reduction_kind<sum>} : vector<16xi1> -> vector<16xi32>
                %eq3A_924 = arith.constant 6 : i32
                %eq3A_925 = vector.broadcast %eq3A_924 : i32 to vector<16xi32>
                %eq3A_926 = arith.cmpi eq, %iota3A, %eq3A_925 : vector<16xi32>
                %select_n3A_927 = arith.select %eq3A_926, %all_reduce_population_count3A_923, %select_n3A_916 : vector<16xi1>, vector<16xi32>
                %add3A_928 = arith.constant 368 : i32
                %add3A_929 = arith.addi %multiple_of3A_350, %add3A_928 : i32
                %get3A_930 = arith.index_cast %add3A_341 : i32 to index
                %get3A_931 = arith.index_cast %add3A_929 : i32 to index
                %get3A_932 = tpu.vector_load %arg5[%get3A_930, %get3A_931] {strides = array<i32>} : memref<16x3200xf32, #tpu.memory_space<vmem>>, vector<16xf32>,
                %gt3A_933 = arith.cmpf ogt, %get3A_932, %get3A_351 : vector<16xf32>
                %all_reduce_population_count3A_934 = tpu.all_reduce %gt3A_933 {dim = 0 : i64, kind = #tpu.reduction_kind<sum>} : vector<16xi1> -> vector<16xi32>
                %eq3A_935 = arith.constant 7 : i32
                %eq3A_936 = vector.broadcast %eq3A_935 : i32 to vector<16xi32>
                %eq3A_937 = arith.cmpi eq, %iota3A, %eq3A_936 : vector<16xi32>
                %select_n3A_938 = arith.select %eq3A_937, %all_reduce_population_count3A_934, %select_n3A_927 : vector<16xi1>, vector<16xi32>
                %add3A_939 = arith.constant 384 : i32
                %add3A_940 = arith.addi %multiple_of3A_350, %add3A_939 : i32
                %get3A_941 = arith.index_cast %add3A_341 : i32 to index
                %get3A_942 = arith.index_cast %add3A_940 : i32 to index
                %get3A_943 = tpu.vector_load %arg5[%get3A_941, %get3A_942] {strides = array<i32>} : memref<16x3200xf32, #tpu.memory_space<vmem>>, vector<16xf32>,
                %gt3A_944 = arith.cmpf ogt, %get3A_943, %get3A_351 : vector<16xf32>
                %all_reduce_population_count3A_945 = tpu.all_reduce %gt3A_944 {dim = 0 : i64, kind = #tpu.reduction_kind<sum>} : vector<16xi1> -> vector<16xi32>
                %eq3A_946 = arith.constant 8 : i32
                %eq3A_947 = vector.broadcast %eq3A_946 : i32 to vector<16xi32>
                %eq3A_948 = arith.cmpi eq, %iota3A, %eq3A_947 : vector<16xi32>
                %select_n3A_949 = arith.select %eq3A_948, %all_reduce_population_count3A_945, %select_n3A_938 : vector<16xi1>, vector<16xi32>
                %while3A:2 = scf.while (%while3A_950 = %select_n3A_850, %while3A_951 = %select_n3A_949) : (vector<16xi32>, vector<16xi32>) -> (vector<16xi32>, vector<16xi32>) {
                  %gt3A_952 = arith.constant 0 : i32
                  %gt3A_953 = vector.broadcast %gt3A_952 : i32 to vector<16xi32>
                  %gt3A_954 = arith.cmpi sgt, %while3A_950, %gt3A_953 : vector<16xi32>
                  %reduce_or3A = arith.constant 1.000000e+00 : f32
                  %reduce_or3A_955 = arith.constant 0.000000e+00 : f32
                  %reduce_or3A_956 = vector.broadcast %reduce_or3A : f32 to vector<16xf32>
                  %reduce_or3A_957 = vector.broadcast %reduce_or3A_955 : f32 to vector<16xf32>
                  %reduce_or3A_958 = arith.select %gt3A_954, %reduce_or3A_956, %reduce_or3A_957 : vector<16xi1>, vector<16xf32>
                  %reduce_or3A_959 = arith.constant true
                  %reduce_or3A_960 = vector.broadcast %reduce_or3A_959 : i1 to vector<16xi1>
                  %reduce_or3A_961 = tpu.scan <max>, %reduce_or3A_958 masked %reduce_or3A_960 : vector<16xf32>, vector<16xi1> -> vector<16xf32>
                  %reduce_or3A_962 = vector.extract %reduce_or3A_961[15] : f32 from vector<16xf32>
                  %reduce_or3A_963 = arith.constant 0.000000e+00 : f32
                  %reduce_or3A_964 = arith.cmpf ogt, %reduce_or3A_962, %reduce_or3A_963 : f32
                  %gt3A_965 = arith.constant 0 : i32
                  %gt3A_966 = vector.broadcast %gt3A_965 : i32 to vector<16xi32>
                  %gt3A_967 = arith.cmpi sgt, %while3A_951, %gt3A_966 : vector<16xi32>
                  %reduce_or3A_968 = arith.constant 1.000000e+00 : f32
                  %reduce_or3A_969 = arith.constant 0.000000e+00 : f32
                  %reduce_or3A_970 = vector.broadcast %reduce_or3A_968 : f32 to vector<16xf32>
                  %reduce_or3A_971 = vector.broadcast %reduce_or3A_969 : f32 to vector<16xf32>
                  %reduce_or3A_972 = arith.select %gt3A_967, %reduce_or3A_970, %reduce_or3A_971 : vector<16xi1>, vector<16xf32>
                  %reduce_or3A_973 = arith.constant true
                  %reduce_or3A_974 = vector.broadcast %reduce_or3A_973 : i1 to vector<16xi1>
                  %reduce_or3A_975 = tpu.scan <max>, %reduce_or3A_972 masked %reduce_or3A_974 : vector<16xf32>, vector<16xi1> -> vector<16xf32>
                  %reduce_or3A_976 = vector.extract %reduce_or3A_975[15] : f32 from vector<16xf32>
                  %reduce_or3A_977 = arith.constant 0.000000e+00 : f32
                  %reduce_or3A_978 = arith.cmpf ogt, %reduce_or3A_976, %reduce_or3A_977 : f32
                  %or3A = arith.ori %reduce_or3A_964, %reduce_or3A_978 : i1
                  scf.condition(%or3A) %while3A_950, %while3A_951 : vector<16xi32>, vector<16xi32>
                } do {
                ^bb0(%while3A_950: vector<16xi32>, %while3A_951: vector<16xi32>):
                  %gt3A_952 = arith.constant 0 : i32
                  %gt3A_953 = vector.broadcast %gt3A_952 : i32 to vector<16xi32>
                  %gt3A_954 = arith.cmpi sgt, %while3A_950, %gt3A_953 : vector<16xi32>
                  %reduce_or3A = arith.constant 1.000000e+00 : f32
                  %reduce_or3A_955 = arith.constant 0.000000e+00 : f32
                  %reduce_or3A_956 = vector.broadcast %reduce_or3A : f32 to vector<16xf32>
                  %reduce_or3A_957 = vector.broadcast %reduce_or3A_955 : f32 to vector<16xf32>
                  %reduce_or3A_958 = arith.select %gt3A_954, %reduce_or3A_956, %reduce_or3A_957 : vector<16xi1>, vector<16xf32>
                  %reduce_or3A_959 = arith.constant true
                  %reduce_or3A_960 = vector.broadcast %reduce_or3A_959 : i1 to vector<16xi1>
                  %reduce_or3A_961 = tpu.scan <max>, %reduce_or3A_958 masked %reduce_or3A_960 : vector<16xf32>, vector<16xi1> -> vector<16xf32>
                  %reduce_or3A_962 = vector.extract %reduce_or3A_961[15] : f32 from vector<16xf32>
                  %reduce_or3A_963 = arith.constant 0.000000e+00 : f32
                  %reduce_or3A_964 = arith.cmpf ogt, %reduce_or3A_962, %reduce_or3A_963 : f32
                  %gt3A_965 = arith.constant 0 : i32
                  %gt3A_966 = vector.broadcast %gt3A_965 : i32 to vector<16xi32>
                  %gt3A_967 = arith.cmpi sgt, %while3A_950, %gt3A_966 : vector<16xi32>
                  %all_reduce_ffs3A = tpu.all_reduce %gt3A_967 {dim = 0 : i64, kind = #tpu.reduction_kind<find_first_set>} : vector<16xi1> -> vector<16xi32>
                  %slice3A_968 = vector.extract_strided_slice %all_reduce_ffs3A {offsets = [0], sizes = [1], strides = [1]} : vector<16xi32> to vector<1xi32>
                  %squeeze3A_969 = vector.extract %slice3A_968[0] : i32 from vector<1xi32>
                  %gt3A_970 = arith.constant 0 : i32
                  %gt3A_971 = vector.broadcast %gt3A_970 : i32 to vector<16xi32>
                  %gt3A_972 = arith.cmpi sgt, %while3A_951, %gt3A_971 : vector<16xi32>
                  %all_reduce_ffs3A_973 = tpu.all_reduce %gt3A_972 {dim = 0 : i64, kind = #tpu.reduction_kind<find_first_set>} : vector<16xi1> -> vector<16xi32>
                  %slice3A_974 = vector.extract_strided_slice %all_reduce_ffs3A_973 {offsets = [0], sizes = [1], strides = [1]} : vector<16xi32> to vector<1xi32>
                  %squeeze3A_975 = vector.extract %slice3A_974[0] : i32 from vector<1xi32>
                  %add3A_976 = arith.constant 16 : i32
                  %add3A_977 = arith.addi %squeeze3A_975, %add3A_976 : i32
                  %select_n3A_978 = arith.select %reduce_or3A_964, %squeeze3A_969, %add3A_977 : i32
                  %eq3A_979 = vector.broadcast %select_n3A_978 : i32 to vector<16xi32>
                  %eq3A_980 = arith.cmpi eq, %iota3A, %eq3A_979 : vector<16xi32>
                  %jit3A_981 = arith.constant 0 : i32
                  %broadcast_in_dim3A_982 = vector.broadcast %jit3A_981 : i32 to vector<16xi32>
                  %select_n3A_983 = arith.select %eq3A_980, %broadcast_in_dim3A_982, %while3A_950 : vector<16xi1>, vector<16xi32>
                  %sub3A = arith.constant 16 : i32
                  %sub3A_984 = arith.subi %select_n3A_978, %sub3A : i32
                  %eq3A_985 = vector.broadcast %sub3A_984 : i32 to vector<16xi32>
                  %eq3A_986 = arith.cmpi eq, %iota3A, %eq3A_985 : vector<16xi32>
                  %jit3A_987 = arith.constant 0 : i32
                  %broadcast_in_dim3A_988 = vector.broadcast %jit3A_987 : i32 to vector<16xi32>
                  %select_n3A_989 = arith.select %eq3A_986, %broadcast_in_dim3A_988, %while3A_951 : vector<16xi1>, vector<16xi32>
                  %mul3A_990 = arith.constant 16 : i32
                  %mul3A_991 = arith.muli %mul3A_990, %select_n3A_978 : i32
                  %add3A_992 = arith.addi %multiple_of3A_350, %mul3A_991 : i32
                  %get3A_993 = arith.index_cast %add3A_341 : i32 to index
                  %get3A_994 = arith.index_cast %add3A_992 : i32 to index
                  %get3A_995 = tpu.vector_load %arg5[%get3A_993, %get3A_994] {strides = array<i32>} : memref<16x3200xf32, #tpu.memory_space<vmem>>, vector<16xf32>,
                  %mul3A_996 = arith.constant 16 : i32
                  %mul3A_997 = arith.muli %mul3A_996, %select_n3A_978 : i32
                  %add3A_998 = arith.addi %multiple_of3A_350, %mul3A_997 : i32
                  %get3A_999 = arith.index_cast %add3A_341 : i32 to index
                  %get3A_1000 = arith.index_cast %add3A_998 : i32 to index
                  %get3A_1001 = tpu.vector_load %arg6[%get3A_999, %get3A_1000] {strides = array<i32>} : memref<16x3200xf32, #tpu.memory_space<vmem>>, vector<16xf32>,
                  %get3A_1002 = arith.index_cast %multiple_of3A_340 : i32 to index
                  %get3A_1003 = tpu.vector_load %arg11[%get3A_1002] {strides = array<i32>} : memref<128xf32, #tpu.memory_space<vmem>>, vector<16xf32>,
                  %gt3A_1004 = arith.cmpf ogt, %get3A_995, %get3A_1003 : vector<16xf32>
                  %all_reduce_population_count3A_1005 = tpu.all_reduce %gt3A_1004 {dim = 0 : i64, kind = #tpu.reduction_kind<sum>} : vector<16xi1> -> vector<16xi32>
                  %slice3A_1006 = vector.extract_strided_slice %all_reduce_population_count3A_1005 {offsets = [0], sizes = [1], strides = [1]} : vector<16xi32> to vector<1xi32>
                  %squeeze3A_1007 = vector.extract %slice3A_1006[0] : i32 from vector<1xi32>
                  %swap3A_1008 = arith.constant 0 : index
                  %swap3A_1009 = tpu.vector_load %arg14[%swap3A_1008] masked %gt3A_1004 {strides = array<i32>} : memref<416xf32, #tpu.memory_space<vmem>>, vector<16xf32>, vector<16xi1>
                  tpu.vector_store %arg14[%swap3A_1008], %get3A_995 masked %gt3A_1004 {strides = array<i32>} : memref<416xf32, #tpu.memory_space<vmem>>, vector<16xf32>, vector<16xi1>
                  %swap3A_1010 = arith.constant 0 : index
                  %swap3A_1011 = tpu.vector_load %arg15[%swap3A_1010] masked %gt3A_1004 {strides = array<i32>} : memref<416xf32, #tpu.memory_space<vmem>>, vector<16xf32>, vector<16xi1>
                  tpu.vector_store %arg15[%swap3A_1010], %get3A_1001 masked %gt3A_1004 {strides = array<i32>} : memref<416xf32, #tpu.memory_space<vmem>>, vector<16xf32>, vector<16xi1>
                  %get3A_1012 = arith.constant 0 : index
                  %get3A_1013 = tpu.vector_load %arg14[%get3A_1012] {strides = array<i32>} : memref<416xf32, #tpu.memory_space<vmem>>, vector<16xf32>,
                  %get3A_1014 = arith.constant 0 : index
                  %get3A_1015 = tpu.vector_load %arg15[%get3A_1014] {strides = array<i32>} : memref<416xf32, #tpu.memory_space<vmem>>, vector<16xf32>,
                  %swap3A_1016 = arith.constant 0 : index
                  %swap3A_1017 = tpu.vector_load %arg14[%swap3A_1016] {strides = array<i32>} : memref<416xf32, #tpu.memory_space<vmem>>, vector<16xf32>,
                  tpu.vector_store %arg14[%swap3A_1016], %broadcast_in_dim3A_60 {strides = array<i32>} : memref<416xf32, #tpu.memory_space<vmem>>, vector<16xf32>,
                  %gt3A_1018 = arith.constant 1 : i32
                  %gt3A_1019 = arith.cmpi sgt, %squeeze3A_1007, %gt3A_1018 : i32
                  %convert_element_type3A_1020 = arith.extui %gt3A_1019 : i1 to i32
                  %cond3A_1021 = arith.constant 0 : i32
                  %cond3A_1022 = arith.cmpi ne, %convert_element_type3A_1020, %cond3A_1021 : i32
                  %cond3A_1023:2 = scf.if %cond3A_1022 -> (vector<16xf32>, vector<16xf32>) {
                    %masked_sort3A = arith.constant dense<true> : vector<16xi1>
                    %masked_sort3A_1029, %masked_sort3A_1030, %masked_sort3A_1031 = tpu.sort %get3A_1013, %get3A_1015 masked %masked_sort3A {descending = true} : (vector<16xf32>, vector<16xf32>, vector<16xi1>) -> (vector<16xi1>, vector<16xf32>, vector<16xf32>)
                    scf.yield %masked_sort3A_1030, %masked_sort3A_1031 : vector<16xf32>, vector<16xf32>
                  } else {
                    scf.yield %get3A_1013, %get3A_1015 : vector<16xf32>, vector<16xf32>
                  }
                  %gt3A_1024 = arith.constant 0 : i32
                  %gt3A_1025 = arith.cmpi sgt, %squeeze3A_1007, %gt3A_1024 : i32
                  %convert_element_type3A_1026 = arith.extui %gt3A_1025 : i1 to i32
                  %cond3A_1027 = arith.constant 0 : i32
                  %cond3A_1028 = arith.cmpi ne, %convert_element_type3A_1026, %cond3A_1027 : i32
                  scf.if %cond3A_1028 {
                    %rev3A = arith.constant 15 : i32
                    %rev3A_1029 = vector.broadcast %rev3A : i32 to vector<16xi32>
                    %rev3A_1030 = tpu.iota {dimensions = array<i32: 0>} : vector<16xi32>
                    %rev3A_1031 = arith.subi %rev3A_1029, %rev3A_1030 : vector<16xi32>
                    %rev3A_1032 = tpu.dynamic_gather %cond3A_1023#0[%rev3A_1031] in [0] : vector<16xf32>, vector<16xi32> -> vector<16xf32>
                    %rev3A_1033 = arith.constant 15 : i32
                    %rev3A_1034 = vector.broadcast %rev3A_1033 : i32 to vector<16xi32>
                    %rev3A_1035 = tpu.iota {dimensions = array<i32: 0>} : vector<16xi32>
                    %rev3A_1036 = arith.subi %rev3A_1034, %rev3A_1035 : vector<16xi32>
                    %rev3A_1037 = tpu.dynamic_gather %cond3A_1023#1[%rev3A_1036] in [0] : vector<16xf32>, vector<16xi32> -> vector<16xf32>
                    %get3A_1038 = arith.index_cast %multiple_of3A_340 : i32 to index
                    %get3A_1039 = tpu.vector_load %arg9[%get3A_1038] {strides = array<i32>} : memref<128xf32, #tpu.memory_space<vmem>>, vector<16xf32>,
                    %get3A_1040 = arith.index_cast %multiple_of3A_340 : i32 to index
                    %get3A_1041 = tpu.vector_load %arg10[%get3A_1040] {strides = array<i32>} : memref<128xf32, #tpu.memory_space<vmem>>, vector<16xf32>,
                    %gt3A_1042 = arith.cmpf ogt, %rev3A_1032, %get3A_1039 : vector<16xf32>
                    %select_n3A_1043 = arith.select %gt3A_1042, %rev3A_1032, %get3A_1039 : vector<16xi1>, vector<16xf32>
                    %select_n3A_1044 = arith.select %gt3A_1042, %rev3A_1037, %get3A_1041 : vector<16xi1>, vector<16xf32>
                    %masked_sort3A = arith.constant dense<true> : vector<16xi1>
                    %masked_sort3A_1045, %masked_sort3A_1046, %masked_sort3A_1047 = tpu.sort %select_n3A_1043, %select_n3A_1044 masked %masked_sort3A {descending = true} : (vector<16xf32>, vector<16xf32>, vector<16xi1>) -> (vector<16xi1>, vector<16xf32>, vector<16xf32>)
                    %swap3A_1048 = arith.index_cast %multiple_of3A_340 : i32 to index
                    %swap3A_1049 = tpu.vector_load %arg9[%swap3A_1048] {strides = array<i32>} : memref<128xf32, #tpu.memory_space<vmem>>, vector<16xf32>,
                    tpu.vector_store %arg9[%swap3A_1048], %masked_sort3A_1046 {strides = array<i32>} : memref<128xf32, #tpu.memory_space<vmem>>, vector<16xf32>,
                    %swap3A_1050 = arith.index_cast %multiple_of3A_340 : i32 to index
                    %swap3A_1051 = tpu.vector_load %arg10[%swap3A_1050] {strides = array<i32>} : memref<128xf32, #tpu.memory_space<vmem>>, vector<16xf32>,
                    tpu.vector_store %arg10[%swap3A_1050], %masked_sort3A_1047 {strides = array<i32>} : memref<128xf32, #tpu.memory_space<vmem>>, vector<16xf32>,
                    %slice3A_1052 = vector.extract_strided_slice %masked_sort3A_1046 {offsets = [9], sizes = [1], strides = [1]} : vector<16xf32> to vector<1xf32>
                    %squeeze3A_1053 = vector.extract %slice3A_1052[0] : f32 from vector<1xf32>
                    %broadcast_in_dim3A_1054 = vector.broadcast %squeeze3A_1053 : f32 to vector<16xf32>
                    %swap3A_1055 = arith.index_cast %multiple_of3A_340 : i32 to index
                    %swap3A_1056 = tpu.vector_load %arg11[%swap3A_1055] {strides = array<i32>} : memref<128xf32, #tpu.memory_space<vmem>>, vector<16xf32>,
                    tpu.vector_store %arg11[%swap3A_1055], %broadcast_in_dim3A_1054 {strides = array<i32>} : memref<128xf32, #tpu.memory_space<vmem>>, vector<16xf32>,
                  } else {
                  }
                  scf.yield %select_n3A_983, %select_n3A_989 : vector<16xi32>, vector<16xi32>
                }
              } else {
              }
              %gt3A_666 = arith.constant 0 : i32
              %gt3A_667 = arith.cmpi sgt, %squeeze3A_654, %gt3A_666 : i32
              %convert_element_type3A_668 = arith.extui %gt3A_667 : i1 to i32
              %cond3A_669 = arith.constant 0 : i32
              %cond3A_670 = arith.cmpi ne, %convert_element_type3A_668, %cond3A_669 : i32
              scf.if %cond3A_670 {
                %broadcast_in_dim3A_671 = arith.constant 0 : i32
                %broadcast_in_dim3A_672 = vector.broadcast %broadcast_in_dim3A_671 : i32 to vector<16xi32>
                %broadcast_in_dim3A_673 = arith.constant 0 : i32
                %broadcast_in_dim3A_674 = vector.broadcast %broadcast_in_dim3A_673 : i32 to vector<16xi32>
                %add3A_675 = arith.constant 0 : i32
                %add3A_676 = arith.addi %multiple_of3A_350, %add3A_675 : i32
                %get3A_677 = arith.index_cast %add3A_341 : i32 to index
                %get3A_678 = arith.index_cast %add3A_676 : i32 to index
                %get3A_679 = tpu.vector_load %arg6[%get3A_677, %get3A_678] {strides = array<i32>} : memref<16x3200xf32, #tpu.memory_space<vmem>>, vector<16xf32>,
                %gt3A_680 = arith.cmpf ogt, %get3A_679, %get3A_353 : vector<16xf32>
                %all_reduce_population_count3A_681 = tpu.all_reduce %gt3A_680 {dim = 0 : i64, kind = #tpu.reduction_kind<sum>} : vector<16xi1> -> vector<16xi32>
                %eq3A_682 = arith.constant 0 : i32
                %eq3A_683 = vector.broadcast %eq3A_682 : i32 to vector<16xi32>
                %eq3A_684 = arith.cmpi eq, %iota3A, %eq3A_683 : vector<16xi32>
                %select_n3A_685 = arith.select %eq3A_684, %all_reduce_population_count3A_681, %broadcast_in_dim3A_672 : vector<16xi1>, vector<16xi32>
                %add3A_686 = arith.constant 16 : i32
                %add3A_687 = arith.addi %multiple_of3A_350, %add3A_686 : i32
                %get3A_688 = arith.index_cast %add3A_341 : i32 to index
                %get3A_689 = arith.index_cast %add3A_687 : i32 to index
                %get3A_690 = tpu.vector_load %arg6[%get3A_688, %get3A_689] {strides = array<i32>} : memref<16x3200xf32, #tpu.memory_space<vmem>>, vector<16xf32>,
                %gt3A_691 = arith.cmpf ogt, %get3A_690, %get3A_353 : vector<16xf32>
                %all_reduce_population_count3A_692 = tpu.all_reduce %gt3A_691 {dim = 0 : i64, kind = #tpu.reduction_kind<sum>} : vector<16xi1> -> vector<16xi32>
                %eq3A_693 = arith.constant 1 : i32
                %eq3A_694 = vector.broadcast %eq3A_693 : i32 to vector<16xi32>
                %eq3A_695 = arith.cmpi eq, %iota3A, %eq3A_694 : vector<16xi32>
                %select_n3A_696 = arith.select %eq3A_695, %all_reduce_population_count3A_692, %select_n3A_685 : vector<16xi1>, vector<16xi32>
                %add3A_697 = arith.constant 32 : i32
                %add3A_698 = arith.addi %multiple_of3A_350, %add3A_697 : i32
                %get3A_699 = arith.index_cast %add3A_341 : i32 to index
                %get3A_700 = arith.index_cast %add3A_698 : i32 to index
                %get3A_701 = tpu.vector_load %arg6[%get3A_699, %get3A_700] {strides = array<i32>} : memref<16x3200xf32, #tpu.memory_space<vmem>>, vector<16xf32>,
                %gt3A_702 = arith.cmpf ogt, %get3A_701, %get3A_353 : vector<16xf32>
                %all_reduce_population_count3A_703 = tpu.all_reduce %gt3A_702 {dim = 0 : i64, kind = #tpu.reduction_kind<sum>} : vector<16xi1> -> vector<16xi32>
                %eq3A_704 = arith.constant 2 : i32
                %eq3A_705 = vector.broadcast %eq3A_704 : i32 to vector<16xi32>
                %eq3A_706 = arith.cmpi eq, %iota3A, %eq3A_705 : vector<16xi32>
                %select_n3A_707 = arith.select %eq3A_706, %all_reduce_population_count3A_703, %select_n3A_696 : vector<16xi1>, vector<16xi32>
                %add3A_708 = arith.constant 48 : i32
                %add3A_709 = arith.addi %multiple_of3A_350, %add3A_708 : i32
                %get3A_710 = arith.index_cast %add3A_341 : i32 to index
                %get3A_711 = arith.index_cast %add3A_709 : i32 to index
                %get3A_712 = tpu.vector_load %arg6[%get3A_710, %get3A_711] {strides = array<i32>} : memref<16x3200xf32, #tpu.memory_space<vmem>>, vector<16xf32>,
                %gt3A_713 = arith.cmpf ogt, %get3A_712, %get3A_353 : vector<16xf32>
                %all_reduce_population_count3A_714 = tpu.all_reduce %gt3A_713 {dim = 0 : i64, kind = #tpu.reduction_kind<sum>} : vector<16xi1> -> vector<16xi32>
                %eq3A_715 = arith.constant 3 : i32
                %eq3A_716 = vector.broadcast %eq3A_715 : i32 to vector<16xi32>
                %eq3A_717 = arith.cmpi eq, %iota3A, %eq3A_716 : vector<16xi32>
                %select_n3A_718 = arith.select %eq3A_717, %all_reduce_population_count3A_714, %select_n3A_707 : vector<16xi1>, vector<16xi32>
                %add3A_719 = arith.constant 64 : i32
                %add3A_720 = arith.addi %multiple_of3A_350, %add3A_719 : i32
                %get3A_721 = arith.index_cast %add3A_341 : i32 to index
                %get3A_722 = arith.index_cast %add3A_720 : i32 to index
                %get3A_723 = tpu.vector_load %arg6[%get3A_721, %get3A_722] {strides = array<i32>} : memref<16x3200xf32, #tpu.memory_space<vmem>>, vector<16xf32>,
                %gt3A_724 = arith.cmpf ogt, %get3A_723, %get3A_353 : vector<16xf32>
                %all_reduce_population_count3A_725 = tpu.all_reduce %gt3A_724 {dim = 0 : i64, kind = #tpu.reduction_kind<sum>} : vector<16xi1> -> vector<16xi32>
                %eq3A_726 = arith.constant 4 : i32
                %eq3A_727 = vector.broadcast %eq3A_726 : i32 to vector<16xi32>
                %eq3A_728 = arith.cmpi eq, %iota3A, %eq3A_727 : vector<16xi32>
                %select_n3A_729 = arith.select %eq3A_728, %all_reduce_population_count3A_725, %select_n3A_718 : vector<16xi1>, vector<16xi32>
                %add3A_730 = arith.constant 80 : i32
                %add3A_731 = arith.addi %multiple_of3A_350, %add3A_730 : i32
                %get3A_732 = arith.index_cast %add3A_341 : i32 to index
                %get3A_733 = arith.index_cast %add3A_731 : i32 to index
                %get3A_734 = tpu.vector_load %arg6[%get3A_732, %get3A_733] {strides = array<i32>} : memref<16x3200xf32, #tpu.memory_space<vmem>>, vector<16xf32>,
                %gt3A_735 = arith.cmpf ogt, %get3A_734, %get3A_353 : vector<16xf32>
                %all_reduce_population_count3A_736 = tpu.all_reduce %gt3A_735 {dim = 0 : i64, kind = #tpu.reduction_kind<sum>} : vector<16xi1> -> vector<16xi32>
                %eq3A_737 = arith.constant 5 : i32
                %eq3A_738 = vector.broadcast %eq3A_737 : i32 to vector<16xi32>
                %eq3A_739 = arith.cmpi eq, %iota3A, %eq3A_738 : vector<16xi32>
                %select_n3A_740 = arith.select %eq3A_739, %all_reduce_population_count3A_736, %select_n3A_729 : vector<16xi1>, vector<16xi32>
                %add3A_741 = arith.constant 96 : i32
                %add3A_742 = arith.addi %multiple_of3A_350, %add3A_741 : i32
                %get3A_743 = arith.index_cast %add3A_341 : i32 to index
                %get3A_744 = arith.index_cast %add3A_742 : i32 to index
                %get3A_745 = tpu.vector_load %arg6[%get3A_743, %get3A_744] {strides = array<i32>} : memref<16x3200xf32, #tpu.memory_space<vmem>>, vector<16xf32>,
                %gt3A_746 = arith.cmpf ogt, %get3A_745, %get3A_353 : vector<16xf32>
                %all_reduce_population_count3A_747 = tpu.all_reduce %gt3A_746 {dim = 0 : i64, kind = #tpu.reduction_kind<sum>} : vector<16xi1> -> vector<16xi32>
                %eq3A_748 = arith.constant 6 : i32
                %eq3A_749 = vector.broadcast %eq3A_748 : i32 to vector<16xi32>
                %eq3A_750 = arith.cmpi eq, %iota3A, %eq3A_749 : vector<16xi32>
                %select_n3A_751 = arith.select %eq3A_750, %all_reduce_population_count3A_747, %select_n3A_740 : vector<16xi1>, vector<16xi32>
                %add3A_752 = arith.constant 112 : i32
                %add3A_753 = arith.addi %multiple_of3A_350, %add3A_752 : i32
                %get3A_754 = arith.index_cast %add3A_341 : i32 to index
                %get3A_755 = arith.index_cast %add3A_753 : i32 to index
                %get3A_756 = tpu.vector_load %arg6[%get3A_754, %get3A_755] {strides = array<i32>} : memref<16x3200xf32, #tpu.memory_space<vmem>>, vector<16xf32>,
                %gt3A_757 = arith.cmpf ogt, %get3A_756, %get3A_353 : vector<16xf32>
                %all_reduce_population_count3A_758 = tpu.all_reduce %gt3A_757 {dim = 0 : i64, kind = #tpu.reduction_kind<sum>} : vector<16xi1> -> vector<16xi32>
                %eq3A_759 = arith.constant 7 : i32
                %eq3A_760 = vector.broadcast %eq3A_759 : i32 to vector<16xi32>
                %eq3A_761 = arith.cmpi eq, %iota3A, %eq3A_760 : vector<16xi32>
                %select_n3A_762 = arith.select %eq3A_761, %all_reduce_population_count3A_758, %select_n3A_751 : vector<16xi1>, vector<16xi32>
                %add3A_763 = arith.constant 128 : i32
                %add3A_764 = arith.addi %multiple_of3A_350, %add3A_763 : i32
                %get3A_765 = arith.index_cast %add3A_341 : i32 to index
                %get3A_766 = arith.index_cast %add3A_764 : i32 to index
                %get3A_767 = tpu.vector_load %arg6[%get3A_765, %get3A_766] {strides = array<i32>} : memref<16x3200xf32, #tpu.memory_space<vmem>>, vector<16xf32>,
                %gt3A_768 = arith.cmpf ogt, %get3A_767, %get3A_353 : vector<16xf32>
                %all_reduce_population_count3A_769 = tpu.all_reduce %gt3A_768 {dim = 0 : i64, kind = #tpu.reduction_kind<sum>} : vector<16xi1> -> vector<16xi32>
                %eq3A_770 = arith.constant 8 : i32
                %eq3A_771 = vector.broadcast %eq3A_770 : i32 to vector<16xi32>
                %eq3A_772 = arith.cmpi eq, %iota3A, %eq3A_771 : vector<16xi32>
                %select_n3A_773 = arith.select %eq3A_772, %all_reduce_population_count3A_769, %select_n3A_762 : vector<16xi1>, vector<16xi32>
                %add3A_774 = arith.constant 144 : i32
                %add3A_775 = arith.addi %multiple_of3A_350, %add3A_774 : i32
                %get3A_776 = arith.index_cast %add3A_341 : i32 to index
                %get3A_777 = arith.index_cast %add3A_775 : i32 to index
                %get3A_778 = tpu.vector_load %arg6[%get3A_776, %get3A_777] {strides = array<i32>} : memref<16x3200xf32, #tpu.memory_space<vmem>>, vector<16xf32>,
                %gt3A_779 = arith.cmpf ogt, %get3A_778, %get3A_353 : vector<16xf32>
                %all_reduce_population_count3A_780 = tpu.all_reduce %gt3A_779 {dim = 0 : i64, kind = #tpu.reduction_kind<sum>} : vector<16xi1> -> vector<16xi32>
                %eq3A_781 = arith.constant 9 : i32
                %eq3A_782 = vector.broadcast %eq3A_781 : i32 to vector<16xi32>
                %eq3A_783 = arith.cmpi eq, %iota3A, %eq3A_782 : vector<16xi32>
                %select_n3A_784 = arith.select %eq3A_783, %all_reduce_population_count3A_780, %select_n3A_773 : vector<16xi1>, vector<16xi32>
                %add3A_785 = arith.constant 160 : i32
                %add3A_786 = arith.addi %multiple_of3A_350, %add3A_785 : i32
                %get3A_787 = arith.index_cast %add3A_341 : i32 to index
                %get3A_788 = arith.index_cast %add3A_786 : i32 to index
                %get3A_789 = tpu.vector_load %arg6[%get3A_787, %get3A_788] {strides = array<i32>} : memref<16x3200xf32, #tpu.memory_space<vmem>>, vector<16xf32>,
                %gt3A_790 = arith.cmpf ogt, %get3A_789, %get3A_353 : vector<16xf32>
                %all_reduce_population_count3A_791 = tpu.all_reduce %gt3A_790 {dim = 0 : i64, kind = #tpu.reduction_kind<sum>} : vector<16xi1> -> vector<16xi32>
                %eq3A_792 = arith.constant 10 : i32
                %eq3A_793 = vector.broadcast %eq3A_792 : i32 to vector<16xi32>
                %eq3A_794 = arith.cmpi eq, %iota3A, %eq3A_793 : vector<16xi32>
                %select_n3A_795 = arith.select %eq3A_794, %all_reduce_population_count3A_791, %select_n3A_784 : vector<16xi1>, vector<16xi32>
                %add3A_796 = arith.constant 176 : i32
                %add3A_797 = arith.addi %multiple_of3A_350, %add3A_796 : i32
                %get3A_798 = arith.index_cast %add3A_341 : i32 to index
                %get3A_799 = arith.index_cast %add3A_797 : i32 to index
                %get3A_800 = tpu.vector_load %arg6[%get3A_798, %get3A_799] {strides = array<i32>} : memref<16x3200xf32, #tpu.memory_space<vmem>>, vector<16xf32>,
                %gt3A_801 = arith.cmpf ogt, %get3A_800, %get3A_353 : vector<16xf32>
                %all_reduce_population_count3A_802 = tpu.all_reduce %gt3A_801 {dim = 0 : i64, kind = #tpu.reduction_kind<sum>} : vector<16xi1> -> vector<16xi32>
                %eq3A_803 = arith.constant 11 : i32
                %eq3A_804 = vector.broadcast %eq3A_803 : i32 to vector<16xi32>
                %eq3A_805 = arith.cmpi eq, %iota3A, %eq3A_804 : vector<16xi32>
                %select_n3A_806 = arith.select %eq3A_805, %all_reduce_population_count3A_802, %select_n3A_795 : vector<16xi1>, vector<16xi32>
                %add3A_807 = arith.constant 192 : i32
                %add3A_808 = arith.addi %multiple_of3A_350, %add3A_807 : i32
                %get3A_809 = arith.index_cast %add3A_341 : i32 to index
                %get3A_810 = arith.index_cast %add3A_808 : i32 to index
                %get3A_811 = tpu.vector_load %arg6[%get3A_809, %get3A_810] {strides = array<i32>} : memref<16x3200xf32, #tpu.memory_space<vmem>>, vector<16xf32>,
                %gt3A_812 = arith.cmpf ogt, %get3A_811, %get3A_353 : vector<16xf32>
                %all_reduce_population_count3A_813 = tpu.all_reduce %gt3A_812 {dim = 0 : i64, kind = #tpu.reduction_kind<sum>} : vector<16xi1> -> vector<16xi32>
                %eq3A_814 = arith.constant 12 : i32
                %eq3A_815 = vector.broadcast %eq3A_814 : i32 to vector<16xi32>
                %eq3A_816 = arith.cmpi eq, %iota3A, %eq3A_815 : vector<16xi32>
                %select_n3A_817 = arith.select %eq3A_816, %all_reduce_population_count3A_813, %select_n3A_806 : vector<16xi1>, vector<16xi32>
                %add3A_818 = arith.constant 208 : i32
                %add3A_819 = arith.addi %multiple_of3A_350, %add3A_818 : i32
                %get3A_820 = arith.index_cast %add3A_341 : i32 to index
                %get3A_821 = arith.index_cast %add3A_819 : i32 to index
                %get3A_822 = tpu.vector_load %arg6[%get3A_820, %get3A_821] {strides = array<i32>} : memref<16x3200xf32, #tpu.memory_space<vmem>>, vector<16xf32>,
                %gt3A_823 = arith.cmpf ogt, %get3A_822, %get3A_353 : vector<16xf32>
                %all_reduce_population_count3A_824 = tpu.all_reduce %gt3A_823 {dim = 0 : i64, kind = #tpu.reduction_kind<sum>} : vector<16xi1> -> vector<16xi32>
                %eq3A_825 = arith.constant 13 : i32
                %eq3A_826 = vector.broadcast %eq3A_825 : i32 to vector<16xi32>
                %eq3A_827 = arith.cmpi eq, %iota3A, %eq3A_826 : vector<16xi32>
                %select_n3A_828 = arith.select %eq3A_827, %all_reduce_population_count3A_824, %select_n3A_817 : vector<16xi1>, vector<16xi32>
                %add3A_829 = arith.constant 224 : i32
                %add3A_830 = arith.addi %multiple_of3A_350, %add3A_829 : i32
                %get3A_831 = arith.index_cast %add3A_341 : i32 to index
                %get3A_832 = arith.index_cast %add3A_830 : i32 to index
                %get3A_833 = tpu.vector_load %arg6[%get3A_831, %get3A_832] {strides = array<i32>} : memref<16x3200xf32, #tpu.memory_space<vmem>>, vector<16xf32>,
                %gt3A_834 = arith.cmpf ogt, %get3A_833, %get3A_353 : vector<16xf32>
                %all_reduce_population_count3A_835 = tpu.all_reduce %gt3A_834 {dim = 0 : i64, kind = #tpu.reduction_kind<sum>} : vector<16xi1> -> vector<16xi32>
                %eq3A_836 = arith.constant 14 : i32
                %eq3A_837 = vector.broadcast %eq3A_836 : i32 to vector<16xi32>
                %eq3A_838 = arith.cmpi eq, %iota3A, %eq3A_837 : vector<16xi32>
                %select_n3A_839 = arith.select %eq3A_838, %all_reduce_population_count3A_835, %select_n3A_828 : vector<16xi1>, vector<16xi32>
                %add3A_840 = arith.constant 240 : i32
                %add3A_841 = arith.addi %multiple_of3A_350, %add3A_840 : i32
                %get3A_842 = arith.index_cast %add3A_341 : i32 to index
                %get3A_843 = arith.index_cast %add3A_841 : i32 to index
                %get3A_844 = tpu.vector_load %arg6[%get3A_842, %get3A_843] {strides = array<i32>} : memref<16x3200xf32, #tpu.memory_space<vmem>>, vector<16xf32>,
                %gt3A_845 = arith.cmpf ogt, %get3A_844, %get3A_353 : vector<16xf32>
                %all_reduce_population_count3A_846 = tpu.all_reduce %gt3A_845 {dim = 0 : i64, kind = #tpu.reduction_kind<sum>} : vector<16xi1> -> vector<16xi32>
                %eq3A_847 = arith.constant 15 : i32
                %eq3A_848 = vector.broadcast %eq3A_847 : i32 to vector<16xi32>
                %eq3A_849 = arith.cmpi eq, %iota3A, %eq3A_848 : vector<16xi32>
                %select_n3A_850 = arith.select %eq3A_849, %all_reduce_population_count3A_846, %select_n3A_839 : vector<16xi1>, vector<16xi32>
                %add3A_851 = arith.constant 256 : i32
                %add3A_852 = arith.addi %multiple_of3A_350, %add3A_851 : i32
                %get3A_853 = arith.index_cast %add3A_341 : i32 to index
                %get3A_854 = arith.index_cast %add3A_852 : i32 to index
                %get3A_855 = tpu.vector_load %arg6[%get3A_853, %get3A_854] {strides = array<i32>} : memref<16x3200xf32, #tpu.memory_space<vmem>>, vector<16xf32>,
                %gt3A_856 = arith.cmpf ogt, %get3A_855, %get3A_353 : vector<16xf32>
                %all_reduce_population_count3A_857 = tpu.all_reduce %gt3A_856 {dim = 0 : i64, kind = #tpu.reduction_kind<sum>} : vector<16xi1> -> vector<16xi32>
                %eq3A_858 = arith.constant 0 : i32
                %eq3A_859 = vector.broadcast %eq3A_858 : i32 to vector<16xi32>
                %eq3A_860 = arith.cmpi eq, %iota3A, %eq3A_859 : vector<16xi32>
                %select_n3A_861 = arith.select %eq3A_860, %all_reduce_population_count3A_857, %broadcast_in_dim3A_674 : vector<16xi1>, vector<16xi32>
                %add3A_862 = arith.constant 272 : i32
                %add3A_863 = arith.addi %multiple_of3A_350, %add3A_862 : i32
                %get3A_864 = arith.index_cast %add3A_341 : i32 to index
                %get3A_865 = arith.index_cast %add3A_863 : i32 to index
                %get3A_866 = tpu.vector_load %arg6[%get3A_864, %get3A_865] {strides = array<i32>} : memref<16x3200xf32, #tpu.memory_space<vmem>>, vector<16xf32>,
                %gt3A_867 = arith.cmpf ogt, %get3A_866, %get3A_353 : vector<16xf32>
                %all_reduce_population_count3A_868 = tpu.all_reduce %gt3A_867 {dim = 0 : i64, kind = #tpu.reduction_kind<sum>} : vector<16xi1> -> vector<16xi32>
                %eq3A_869 = arith.constant 1 : i32
                %eq3A_870 = vector.broadcast %eq3A_869 : i32 to vector<16xi32>
                %eq3A_871 = arith.cmpi eq, %iota3A, %eq3A_870 : vector<16xi32>
                %select_n3A_872 = arith.select %eq3A_871, %all_reduce_population_count3A_868, %select_n3A_861 : vector<16xi1>, vector<16xi32>
                %add3A_873 = arith.constant 288 : i32
                %add3A_874 = arith.addi %multiple_of3A_350, %add3A_873 : i32
                %get3A_875 = arith.index_cast %add3A_341 : i32 to index
                %get3A_876 = arith.index_cast %add3A_874 : i32 to index
                %get3A_877 = tpu.vector_load %arg6[%get3A_875, %get3A_876] {strides = array<i32>} : memref<16x3200xf32, #tpu.memory_space<vmem>>, vector<16xf32>,
                %gt3A_878 = arith.cmpf ogt, %get3A_877, %get3A_353 : vector<16xf32>
                %all_reduce_population_count3A_879 = tpu.all_reduce %gt3A_878 {dim = 0 : i64, kind = #tpu.reduction_kind<sum>} : vector<16xi1> -> vector<16xi32>
                %eq3A_880 = arith.constant 2 : i32
                %eq3A_881 = vector.broadcast %eq3A_880 : i32 to vector<16xi32>
                %eq3A_882 = arith.cmpi eq, %iota3A, %eq3A_881 : vector<16xi32>
                %select_n3A_883 = arith.select %eq3A_882, %all_reduce_population_count3A_879, %select_n3A_872 : vector<16xi1>, vector<16xi32>
                %add3A_884 = arith.constant 304 : i32
                %add3A_885 = arith.addi %multiple_of3A_350, %add3A_884 : i32
                %get3A_886 = arith.index_cast %add3A_341 : i32 to index
                %get3A_887 = arith.index_cast %add3A_885 : i32 to index
                %get3A_888 = tpu.vector_load %arg6[%get3A_886, %get3A_887] {strides = array<i32>} : memref<16x3200xf32, #tpu.memory_space<vmem>>, vector<16xf32>,
                %gt3A_889 = arith.cmpf ogt, %get3A_888, %get3A_353 : vector<16xf32>
                %all_reduce_population_count3A_890 = tpu.all_reduce %gt3A_889 {dim = 0 : i64, kind = #tpu.reduction_kind<sum>} : vector<16xi1> -> vector<16xi32>
                %eq3A_891 = arith.constant 3 : i32
                %eq3A_892 = vector.broadcast %eq3A_891 : i32 to vector<16xi32>
                %eq3A_893 = arith.cmpi eq, %iota3A, %eq3A_892 : vector<16xi32>
                %select_n3A_894 = arith.select %eq3A_893, %all_reduce_population_count3A_890, %select_n3A_883 : vector<16xi1>, vector<16xi32>
                %add3A_895 = arith.constant 320 : i32
                %add3A_896 = arith.addi %multiple_of3A_350, %add3A_895 : i32
                %get3A_897 = arith.index_cast %add3A_341 : i32 to index
                %get3A_898 = arith.index_cast %add3A_896 : i32 to index
                %get3A_899 = tpu.vector_load %arg6[%get3A_897, %get3A_898] {strides = array<i32>} : memref<16x3200xf32, #tpu.memory_space<vmem>>, vector<16xf32>,
                %gt3A_900 = arith.cmpf ogt, %get3A_899, %get3A_353 : vector<16xf32>
                %all_reduce_population_count3A_901 = tpu.all_reduce %gt3A_900 {dim = 0 : i64, kind = #tpu.reduction_kind<sum>} : vector<16xi1> -> vector<16xi32>
                %eq3A_902 = arith.constant 4 : i32
                %eq3A_903 = vector.broadcast %eq3A_902 : i32 to vector<16xi32>
                %eq3A_904 = arith.cmpi eq, %iota3A, %eq3A_903 : vector<16xi32>
                %select_n3A_905 = arith.select %eq3A_904, %all_reduce_population_count3A_901, %select_n3A_894 : vector<16xi1>, vector<16xi32>
                %add3A_906 = arith.constant 336 : i32
                %add3A_907 = arith.addi %multiple_of3A_350, %add3A_906 : i32
                %get3A_908 = arith.index_cast %add3A_341 : i32 to index
                %get3A_909 = arith.index_cast %add3A_907 : i32 to index
                %get3A_910 = tpu.vector_load %arg6[%get3A_908, %get3A_909] {strides = array<i32>} : memref<16x3200xf32, #tpu.memory_space<vmem>>, vector<16xf32>,
                %gt3A_911 = arith.cmpf ogt, %get3A_910, %get3A_353 : vector<16xf32>
                %all_reduce_population_count3A_912 = tpu.all_reduce %gt3A_911 {dim = 0 : i64, kind = #tpu.reduction_kind<sum>} : vector<16xi1> -> vector<16xi32>
                %eq3A_913 = arith.constant 5 : i32
                %eq3A_914 = vector.broadcast %eq3A_913 : i32 to vector<16xi32>
                %eq3A_915 = arith.cmpi eq, %iota3A, %eq3A_914 : vector<16xi32>
                %select_n3A_916 = arith.select %eq3A_915, %all_reduce_population_count3A_912, %select_n3A_905 : vector<16xi1>, vector<16xi32>
                %add3A_917 = arith.constant 352 : i32
                %add3A_918 = arith.addi %multiple_of3A_350, %add3A_917 : i32
                %get3A_919 = arith.index_cast %add3A_341 : i32 to index
                %get3A_920 = arith.index_cast %add3A_918 : i32 to index
                %get3A_921 = tpu.vector_load %arg6[%get3A_919, %get3A_920] {strides = array<i32>} : memref<16x3200xf32, #tpu.memory_space<vmem>>, vector<16xf32>,
                %gt3A_922 = arith.cmpf ogt, %get3A_921, %get3A_353 : vector<16xf32>
                %all_reduce_population_count3A_923 = tpu.all_reduce %gt3A_922 {dim = 0 : i64, kind = #tpu.reduction_kind<sum>} : vector<16xi1> -> vector<16xi32>
                %eq3A_924 = arith.constant 6 : i32
                %eq3A_925 = vector.broadcast %eq3A_924 : i32 to vector<16xi32>
                %eq3A_926 = arith.cmpi eq, %iota3A, %eq3A_925 : vector<16xi32>
                %select_n3A_927 = arith.select %eq3A_926, %all_reduce_population_count3A_923, %select_n3A_916 : vector<16xi1>, vector<16xi32>
                %add3A_928 = arith.constant 368 : i32
                %add3A_929 = arith.addi %multiple_of3A_350, %add3A_928 : i32
                %get3A_930 = arith.index_cast %add3A_341 : i32 to index
                %get3A_931 = arith.index_cast %add3A_929 : i32 to index
                %get3A_932 = tpu.vector_load %arg6[%get3A_930, %get3A_931] {strides = array<i32>} : memref<16x3200xf32, #tpu.memory_space<vmem>>, vector<16xf32>,
                %gt3A_933 = arith.cmpf ogt, %get3A_932, %get3A_353 : vector<16xf32>
                %all_reduce_population_count3A_934 = tpu.all_reduce %gt3A_933 {dim = 0 : i64, kind = #tpu.reduction_kind<sum>} : vector<16xi1> -> vector<16xi32>
                %eq3A_935 = arith.constant 7 : i32
                %eq3A_936 = vector.broadcast %eq3A_935 : i32 to vector<16xi32>
                %eq3A_937 = arith.cmpi eq, %iota3A, %eq3A_936 : vector<16xi32>
                %select_n3A_938 = arith.select %eq3A_937, %all_reduce_population_count3A_934, %select_n3A_927 : vector<16xi1>, vector<16xi32>
                %add3A_939 = arith.constant 384 : i32
                %add3A_940 = arith.addi %multiple_of3A_350, %add3A_939 : i32
                %get3A_941 = arith.index_cast %add3A_341 : i32 to index
                %get3A_942 = arith.index_cast %add3A_940 : i32 to index
                %get3A_943 = tpu.vector_load %arg6[%get3A_941, %get3A_942] {strides = array<i32>} : memref<16x3200xf32, #tpu.memory_space<vmem>>, vector<16xf32>,
                %gt3A_944 = arith.cmpf ogt, %get3A_943, %get3A_353 : vector<16xf32>
                %all_reduce_population_count3A_945 = tpu.all_reduce %gt3A_944 {dim = 0 : i64, kind = #tpu.reduction_kind<sum>} : vector<16xi1> -> vector<16xi32>
                %eq3A_946 = arith.constant 8 : i32
                %eq3A_947 = vector.broadcast %eq3A_946 : i32 to vector<16xi32>
                %eq3A_948 = arith.cmpi eq, %iota3A, %eq3A_947 : vector<16xi32>
                %select_n3A_949 = arith.select %eq3A_948, %all_reduce_population_count3A_945, %select_n3A_938 : vector<16xi1>, vector<16xi32>
                %while3A:2 = scf.while (%while3A_950 = %select_n3A_850, %while3A_951 = %select_n3A_949) : (vector<16xi32>, vector<16xi32>) -> (vector<16xi32>, vector<16xi32>) {
                  %gt3A_952 = arith.constant 0 : i32
                  %gt3A_953 = vector.broadcast %gt3A_952 : i32 to vector<16xi32>
                  %gt3A_954 = arith.cmpi sgt, %while3A_950, %gt3A_953 : vector<16xi32>
                  %reduce_or3A = arith.constant 1.000000e+00 : f32
                  %reduce_or3A_955 = arith.constant 0.000000e+00 : f32
                  %reduce_or3A_956 = vector.broadcast %reduce_or3A : f32 to vector<16xf32>
                  %reduce_or3A_957 = vector.broadcast %reduce_or3A_955 : f32 to vector<16xf32>
                  %reduce_or3A_958 = arith.select %gt3A_954, %reduce_or3A_956, %reduce_or3A_957 : vector<16xi1>, vector<16xf32>
                  %reduce_or3A_959 = arith.constant true
                  %reduce_or3A_960 = vector.broadcast %reduce_or3A_959 : i1 to vector<16xi1>
                  %reduce_or3A_961 = tpu.scan <max>, %reduce_or3A_958 masked %reduce_or3A_960 : vector<16xf32>, vector<16xi1> -> vector<16xf32>
                  %reduce_or3A_962 = vector.extract %reduce_or3A_961[15] : f32 from vector<16xf32>
                  %reduce_or3A_963 = arith.constant 0.000000e+00 : f32
                  %reduce_or3A_964 = arith.cmpf ogt, %reduce_or3A_962, %reduce_or3A_963 : f32
                  %gt3A_965 = arith.constant 0 : i32
                  %gt3A_966 = vector.broadcast %gt3A_965 : i32 to vector<16xi32>
                  %gt3A_967 = arith.cmpi sgt, %while3A_951, %gt3A_966 : vector<16xi32>
                  %reduce_or3A_968 = arith.constant 1.000000e+00 : f32
                  %reduce_or3A_969 = arith.constant 0.000000e+00 : f32
                  %reduce_or3A_970 = vector.broadcast %reduce_or3A_968 : f32 to vector<16xf32>
                  %reduce_or3A_971 = vector.broadcast %reduce_or3A_969 : f32 to vector<16xf32>
                  %reduce_or3A_972 = arith.select %gt3A_967, %reduce_or3A_970, %reduce_or3A_971 : vector<16xi1>, vector<16xf32>
                  %reduce_or3A_973 = arith.constant true
                  %reduce_or3A_974 = vector.broadcast %reduce_or3A_973 : i1 to vector<16xi1>
                  %reduce_or3A_975 = tpu.scan <max>, %reduce_or3A_972 masked %reduce_or3A_974 : vector<16xf32>, vector<16xi1> -> vector<16xf32>
                  %reduce_or3A_976 = vector.extract %reduce_or3A_975[15] : f32 from vector<16xf32>
                  %reduce_or3A_977 = arith.constant 0.000000e+00 : f32
                  %reduce_or3A_978 = arith.cmpf ogt, %reduce_or3A_976, %reduce_or3A_977 : f32
                  %or3A = arith.ori %reduce_or3A_964, %reduce_or3A_978 : i1
                  scf.condition(%or3A) %while3A_950, %while3A_951 : vector<16xi32>, vector<16xi32>
                } do {
                ^bb0(%while3A_950: vector<16xi32>, %while3A_951: vector<16xi32>):
                  %gt3A_952 = arith.constant 0 : i32
                  %gt3A_953 = vector.broadcast %gt3A_952 : i32 to vector<16xi32>
                  %gt3A_954 = arith.cmpi sgt, %while3A_950, %gt3A_953 : vector<16xi32>
                  %reduce_or3A = arith.constant 1.000000e+00 : f32
                  %reduce_or3A_955 = arith.constant 0.000000e+00 : f32
                  %reduce_or3A_956 = vector.broadcast %reduce_or3A : f32 to vector<16xf32>
                  %reduce_or3A_957 = vector.broadcast %reduce_or3A_955 : f32 to vector<16xf32>
                  %reduce_or3A_958 = arith.select %gt3A_954, %reduce_or3A_956, %reduce_or3A_957 : vector<16xi1>, vector<16xf32>
                  %reduce_or3A_959 = arith.constant true
                  %reduce_or3A_960 = vector.broadcast %reduce_or3A_959 : i1 to vector<16xi1>
                  %reduce_or3A_961 = tpu.scan <max>, %reduce_or3A_958 masked %reduce_or3A_960 : vector<16xf32>, vector<16xi1> -> vector<16xf32>
                  %reduce_or3A_962 = vector.extract %reduce_or3A_961[15] : f32 from vector<16xf32>
                  %reduce_or3A_963 = arith.constant 0.000000e+00 : f32
                  %reduce_or3A_964 = arith.cmpf ogt, %reduce_or3A_962, %reduce_or3A_963 : f32
                  %gt3A_965 = arith.constant 0 : i32
                  %gt3A_966 = vector.broadcast %gt3A_965 : i32 to vector<16xi32>
                  %gt3A_967 = arith.cmpi sgt, %while3A_950, %gt3A_966 : vector<16xi32>
                  %all_reduce_ffs3A = tpu.all_reduce %gt3A_967 {dim = 0 : i64, kind = #tpu.reduction_kind<find_first_set>} : vector<16xi1> -> vector<16xi32>
                  %slice3A_968 = vector.extract_strided_slice %all_reduce_ffs3A {offsets = [0], sizes = [1], strides = [1]} : vector<16xi32> to vector<1xi32>
                  %squeeze3A_969 = vector.extract %slice3A_968[0] : i32 from vector<1xi32>
                  %gt3A_970 = arith.constant 0 : i32
                  %gt3A_971 = vector.broadcast %gt3A_970 : i32 to vector<16xi32>
                  %gt3A_972 = arith.cmpi sgt, %while3A_951, %gt3A_971 : vector<16xi32>
                  %all_reduce_ffs3A_973 = tpu.all_reduce %gt3A_972 {dim = 0 : i64, kind = #tpu.reduction_kind<find_first_set>} : vector<16xi1> -> vector<16xi32>
                  %slice3A_974 = vector.extract_strided_slice %all_reduce_ffs3A_973 {offsets = [0], sizes = [1], strides = [1]} : vector<16xi32> to vector<1xi32>
                  %squeeze3A_975 = vector.extract %slice3A_974[0] : i32 from vector<1xi32>
                  %add3A_976 = arith.constant 16 : i32
                  %add3A_977 = arith.addi %squeeze3A_975, %add3A_976 : i32
                  %select_n3A_978 = arith.select %reduce_or3A_964, %squeeze3A_969, %add3A_977 : i32
                  %eq3A_979 = vector.broadcast %select_n3A_978 : i32 to vector<16xi32>
                  %eq3A_980 = arith.cmpi eq, %iota3A, %eq3A_979 : vector<16xi32>
                  %jit3A_981 = arith.constant 0 : i32
                  %broadcast_in_dim3A_982 = vector.broadcast %jit3A_981 : i32 to vector<16xi32>
                  %select_n3A_983 = arith.select %eq3A_980, %broadcast_in_dim3A_982, %while3A_950 : vector<16xi1>, vector<16xi32>
                  %sub3A = arith.constant 16 : i32
                  %sub3A_984 = arith.subi %select_n3A_978, %sub3A : i32
                  %eq3A_985 = vector.broadcast %sub3A_984 : i32 to vector<16xi32>
                  %eq3A_986 = arith.cmpi eq, %iota3A, %eq3A_985 : vector<16xi32>
                  %jit3A_987 = arith.constant 0 : i32
                  %broadcast_in_dim3A_988 = vector.broadcast %jit3A_987 : i32 to vector<16xi32>
                  %select_n3A_989 = arith.select %eq3A_986, %broadcast_in_dim3A_988, %while3A_951 : vector<16xi1>, vector<16xi32>
                  %mul3A_990 = arith.constant 16 : i32
                  %mul3A_991 = arith.muli %mul3A_990, %select_n3A_978 : i32
                  %add3A_992 = arith.addi %multiple_of3A_350, %mul3A_991 : i32
                  %get3A_993 = arith.index_cast %add3A_341 : i32 to index
                  %get3A_994 = arith.index_cast %add3A_992 : i32 to index
                  %get3A_995 = tpu.vector_load %arg6[%get3A_993, %get3A_994] {strides = array<i32>} : memref<16x3200xf32, #tpu.memory_space<vmem>>, vector<16xf32>,
                  %get3A_996 = arith.index_cast %multiple_of3A_340 : i32 to index
                  %get3A_997 = tpu.vector_load %arg13[%get3A_996] {strides = array<i32>} : memref<128xf32, #tpu.memory_space<vmem>>, vector<16xf32>,
                  %gt3A_998 = arith.cmpf ogt, %get3A_995, %get3A_997 : vector<16xf32>
                  %all_reduce_population_count3A_999 = tpu.all_reduce %gt3A_998 {dim = 0 : i64, kind = #tpu.reduction_kind<sum>} : vector<16xi1> -> vector<16xi32>
                  %slice3A_1000 = vector.extract_strided_slice %all_reduce_population_count3A_999 {offsets = [0], sizes = [1], strides = [1]} : vector<16xi32> to vector<1xi32>
                  %squeeze3A_1001 = vector.extract %slice3A_1000[0] : i32 from vector<1xi32>
                  %swap3A_1002 = arith.constant 0 : index
                  %swap3A_1003 = tpu.vector_load %arg14[%swap3A_1002] masked %gt3A_998 {strides = array<i32>} : memref<416xf32, #tpu.memory_space<vmem>>, vector<16xf32>, vector<16xi1>
                  tpu.vector_store %arg14[%swap3A_1002], %get3A_995 masked %gt3A_998 {strides = array<i32>} : memref<416xf32, #tpu.memory_space<vmem>>, vector<16xf32>, vector<16xi1>
                  %get3A_1004 = arith.constant 0 : index
                  %get3A_1005 = tpu.vector_load %arg14[%get3A_1004] {strides = array<i32>} : memref<416xf32, #tpu.memory_space<vmem>>, vector<16xf32>,
                  %swap3A_1006 = arith.constant 0 : index
                  %swap3A_1007 = tpu.vector_load %arg14[%swap3A_1006] {strides = array<i32>} : memref<416xf32, #tpu.memory_space<vmem>>, vector<16xf32>,
                  tpu.vector_store %arg14[%swap3A_1006], %broadcast_in_dim3A_60 {strides = array<i32>} : memref<416xf32, #tpu.memory_space<vmem>>, vector<16xf32>,
                  %gt3A_1008 = arith.constant 1 : i32
                  %gt3A_1009 = arith.cmpi sgt, %squeeze3A_1001, %gt3A_1008 : i32
                  %convert_element_type3A_1010 = arith.extui %gt3A_1009 : i1 to i32
                  %cond3A_1011 = arith.constant 0 : i32
                  %cond3A_1012 = arith.cmpi ne, %convert_element_type3A_1010, %cond3A_1011 : i32
                  %cond3A_1013 = scf.if %cond3A_1012 -> (vector<16xf32>) {
                    %masked_sort3A = arith.constant dense<true> : vector<16xi1>
                    %masked_sort3A_1019, %masked_sort3A_1020, %masked_sort3A_1021 = tpu.sort %get3A_1005, %get3A_1005 masked %masked_sort3A {descending = true} : (vector<16xf32>, vector<16xf32>, vector<16xi1>) -> (vector<16xi1>, vector<16xf32>, vector<16xf32>)
                    scf.yield %masked_sort3A_1020 : vector<16xf32>
                  } else {
                    scf.yield %get3A_1005 : vector<16xf32>
                  }
                  %gt3A_1014 = arith.constant 0 : i32
                  %gt3A_1015 = arith.cmpi sgt, %squeeze3A_1001, %gt3A_1014 : i32
                  %convert_element_type3A_1016 = arith.extui %gt3A_1015 : i1 to i32
                  %cond3A_1017 = arith.constant 0 : i32
                  %cond3A_1018 = arith.cmpi ne, %convert_element_type3A_1016, %cond3A_1017 : i32
                  scf.if %cond3A_1018 {
                    %rev3A = arith.constant 15 : i32
                    %rev3A_1019 = vector.broadcast %rev3A : i32 to vector<16xi32>
                    %rev3A_1020 = tpu.iota {dimensions = array<i32: 0>} : vector<16xi32>
                    %rev3A_1021 = arith.subi %rev3A_1019, %rev3A_1020 : vector<16xi32>
                    %rev3A_1022 = tpu.dynamic_gather %cond3A_1013[%rev3A_1021] in [0] : vector<16xf32>, vector<16xi32> -> vector<16xf32>
                    %get3A_1023 = arith.index_cast %multiple_of3A_340 : i32 to index
                    %get3A_1024 = tpu.vector_load %arg12[%get3A_1023] {strides = array<i32>} : memref<128xf32, #tpu.memory_space<vmem>>, vector<16xf32>,
                    %gt3A_1025 = arith.cmpf ogt, %rev3A_1022, %get3A_1024 : vector<16xf32>
                    %select_n3A_1026 = arith.select %gt3A_1025, %rev3A_1022, %get3A_1024 : vector<16xi1>, vector<16xf32>
                    %masked_sort3A = arith.constant dense<true> : vector<16xi1>
                    %masked_sort3A_1027, %masked_sort3A_1028, %masked_sort3A_1029 = tpu.sort %select_n3A_1026, %select_n3A_1026 masked %masked_sort3A {descending = true} : (vector<16xf32>, vector<16xf32>, vector<16xi1>) -> (vector<16xi1>, vector<16xf32>, vector<16xf32>)
                    %swap3A_1030 = arith.index_cast %multiple_of3A_340 : i32 to index
                    %swap3A_1031 = tpu.vector_load %arg12[%swap3A_1030] {strides = array<i32>} : memref<128xf32, #tpu.memory_space<vmem>>, vector<16xf32>,
                    tpu.vector_store %arg12[%swap3A_1030], %masked_sort3A_1028 {strides = array<i32>} : memref<128xf32, #tpu.memory_space<vmem>>, vector<16xf32>,
                    %slice3A_1032 = vector.extract_strided_slice %masked_sort3A_1028 {offsets = [9], sizes = [1], strides = [1]} : vector<16xf32> to vector<1xf32>
                    %squeeze3A_1033 = vector.extract %slice3A_1032[0] : f32 from vector<1xf32>
                    %broadcast_in_dim3A_1034 = vector.broadcast %squeeze3A_1033 : f32 to vector<16xf32>
                    %swap3A_1035 = arith.index_cast %multiple_of3A_340 : i32 to index
                    %swap3A_1036 = tpu.vector_load %arg13[%swap3A_1035] {strides = array<i32>} : memref<128xf32, #tpu.memory_space<vmem>>, vector<16xf32>,
                    tpu.vector_store %arg13[%swap3A_1035], %broadcast_in_dim3A_1034 {strides = array<i32>} : memref<128xf32, #tpu.memory_space<vmem>>, vector<16xf32>,
                  } else {
                  }
                  scf.yield %select_n3A_983, %select_n3A_989 : vector<16xi32>, vector<16xi32>
                }
              } else {
              }
            } else {
            }
          }
          %scan3A_346 = arith.constant 8 : i32
        }
        %scan3A_336 = arith.constant 8 : i32
      }
      %scan3A_257 = arith.constant 31 : i32
      %mul3A_258 = arith.constant 8 : i32
      %mul3A_259 = arith.muli %scan3A_140, %mul3A_258 : i32
      %add3A_260 = arith.addi %mul3A_62, %mul3A_259 : i32
      %dma_wait3A = arith.constant 99200 : i32
      %dma_wait3A_261 = tpu.memref_slice %arg2[%add3A_260, %dma_wait3A] : memref<1024x100000xf32, #tpu.memory_space<hbm>> -> memref<8x800xf32, #tpu.memory_space<hbm>>
      %dma_wait3A_262 = arith.constant 99200 : i32
      %dma_wait3A_263 = tpu.memref_slice %arg2[%add3A_260, %dma_wait3A_262] : memref<1024x100000xf32, #tpu.memory_space<hbm>> -> memref<8x800xf32, #tpu.memory_space<hbm>>
      tpu.wait_dma2 semaphore(%arg17 : memref<!tpu.dma_semaphore, #tpu.memory_space<semaphore_mem>>) src(%dma_wait3A_263 : memref<8x800xf32, #tpu.memory_space<hbm>>) dst(%arg7 : memref<8x800xf32, #tpu.memory_space<vmem>>)
      %dma_wait3A_264 = arith.constant 99200 : i32
      %dma_wait3A_265 = tpu.memref_slice %arg3[%add3A_260, %dma_wait3A_264] : memref<1024x100000xf32, #tpu.memory_space<hbm>> -> memref<8x800xf32, #tpu.memory_space<hbm>>
      %dma_wait3A_266 = arith.constant 99200 : i32
      %dma_wait3A_267 = tpu.memref_slice %arg3[%add3A_260, %dma_wait3A_266] : memref<1024x100000xf32, #tpu.memory_space<hbm>> -> memref<8x800xf32, #tpu.memory_space<hbm>>
      tpu.wait_dma2 semaphore(%arg18 : memref<!tpu.dma_semaphore, #tpu.memory_space<semaphore_mem>>) src(%dma_wait3A_267 : memref<8x800xf32, #tpu.memory_space<hbm>>) dst(%arg8 : memref<8x800xf32, #tpu.memory_space<vmem>>)
      %lt3A = arith.constant 3 : i32
      %lt3A_268 = arith.cmpi slt, %scan3A_140, %lt3A : i32
      %convert_element_type3A = arith.extui %lt3A_268 : i1 to i32
      %cond3A = arith.constant 0 : i32
      %cond3A_269 = arith.cmpi ne, %convert_element_type3A, %cond3A : i32
      scf.if %cond3A_269 {
        %add3A_282 = arith.constant 1 : i32
        %add3A_283 = arith.addi %scan3A_140, %add3A_282 : i32
        %mul3A_284 = arith.constant 8 : i32
        %mul3A_285 = arith.muli %add3A_283, %mul3A_284 : i32
        %add3A_286 = arith.addi %mul3A_62, %mul3A_285 : i32
        %dma_start3A_287 = arith.constant 0 : i32
        %dma_start3A_288 = arith.constant 0 : i32
        %dma_start3A_289 = tpu.memref_slice %arg5[%dma_start3A_287, %dma_start3A_288] : memref<16x3200xf32, #tpu.memory_space<vmem>> -> memref<8x3200xf32, #tpu.memory_space<vmem>>
        %dma_start3A_290 = arith.constant 0 : i32
        %dma_start3A_291 = tpu.memref_slice %arg2[%add3A_286, %dma_start3A_290] : memref<1024x100000xf32, #tpu.memory_space<hbm>> -> memref<8x3200xf32, #tpu.memory_space<hbm>>
        %dma_start3A_292 = arith.constant 0 : i32
        %dma_start3A_293 = arith.constant 0 : i32
        %dma_start3A_294 = tpu.memref_slice %arg5[%dma_start3A_292, %dma_start3A_293] : memref<16x3200xf32, #tpu.memory_space<vmem>> -> memref<8x3200xf32, #tpu.memory_space<vmem>>
        %dma_start3A_295 = arith.constant 0 : i32
        %dma_start3A_296 = tpu.memref_slice %arg2[%add3A_286, %dma_start3A_295] : memref<1024x100000xf32, #tpu.memory_space<hbm>> -> memref<8x3200xf32, #tpu.memory_space<hbm>>
        tpu.enqueue_dma source(%dma_start3A_296 : memref<8x3200xf32, #tpu.memory_space<hbm>>) target(%dma_start3A_294 : memref<8x3200xf32, #tpu.memory_space<vmem>>) target_semaphore(%arg17 : memref<!tpu.dma_semaphore, #tpu.memory_space<semaphore_mem>>)
        %dma_start3A_297 = arith.constant 0 : i32
        %dma_start3A_298 = arith.constant 0 : i32
        %dma_start3A_299 = tpu.memref_slice %arg6[%dma_start3A_297, %dma_start3A_298] : memref<16x3200xf32, #tpu.memory_space<vmem>> -> memref<8x3200xf32, #tpu.memory_space<vmem>>
        %dma_start3A_300 = arith.constant 0 : i32
        %dma_start3A_301 = tpu.memref_slice %arg3[%add3A_286, %dma_start3A_300] : memref<1024x100000xf32, #tpu.memory_space<hbm>> -> memref<8x3200xf32, #tpu.memory_space<hbm>>
        %dma_start3A_302 = arith.constant 0 : i32
        %dma_start3A_303 = arith.constant 0 : i32
        %dma_start3A_304 = tpu.memref_slice %arg6[%dma_start3A_302, %dma_start3A_303] : memref<16x3200xf32, #tpu.memory_space<vmem>> -> memref<8x3200xf32, #tpu.memory_space<vmem>>
        %dma_start3A_305 = arith.constant 0 : i32
        %dma_start3A_306 = tpu.memref_slice %arg3[%add3A_286, %dma_start3A_305] : memref<1024x100000xf32, #tpu.memory_space<hbm>> -> memref<8x3200xf32, #tpu.memory_space<hbm>>
        tpu.enqueue_dma source(%dma_start3A_306 : memref<8x3200xf32, #tpu.memory_space<hbm>>) target(%dma_start3A_304 : memref<8x3200xf32, #tpu.memory_space<vmem>>) target_semaphore(%arg18 : memref<!tpu.dma_semaphore, #tpu.memory_space<semaphore_mem>>)
      } else {
      }
      %scan3A_270 = arith.constant 0 : i32
      %scan3A_271 = arith.constant 0 : i32
      %scan3A_272 = arith.constant 8 : i32
      %scan3A_273 = arith.addi %scan3A_271, %scan3A_272 : i32
      %scan3A_274 = arith.constant 1 : i32
      scf.for %scan3A_282 = %scan3A_271 to %scan3A_273 step %scan3A_274  : i32 {
        %mul3A_283 = arith.constant 16 : i32
        %mul3A_284 = arith.muli %scan3A_282, %mul3A_283 : i32
        %multiple_of3A_285 = tpu.assume_multiple %mul3A_284, 16 : i32
        %add3A_286 = arith.constant 0 : i32
        %add3A_287 = arith.addi %add3A_286, %scan3A_282 : i32
        %scan3A_288 = arith.constant 0 : i32
        %scan3A_289 = arith.constant 2 : i32
        %scan3A_290 = arith.addi %scan3A_288, %scan3A_289 : i32
        %scan3A_291 = arith.constant 1 : i32
        scf.for %scan3A_293 = %scan3A_288 to %scan3A_290 step %scan3A_291  : i32 {
          %mul3A_294 = arith.constant 400 : i32
          %mul3A_295 = arith.muli %scan3A_293, %mul3A_294 : i32
          %multiple_of3A_296 = tpu.assume_multiple %mul3A_295, 400 : i32
          %get3A = arith.index_cast %multiple_of3A_285 : i32 to index
          %get3A_297 = tpu.vector_load %arg11[%get3A] {strides = array<i32>} : memref<128xf32, #tpu.memory_space<vmem>>, vector<16xf32>,
          %get3A_298 = arith.index_cast %multiple_of3A_285 : i32 to index
          %get3A_299 = tpu.vector_load %arg13[%get3A_298] {strides = array<i32>} : memref<128xf32, #tpu.memory_space<vmem>>, vector<16xf32>,
          %add3A_300 = arith.constant 0 : i32
          %add3A_301 = arith.addi %multiple_of3A_296, %add3A_300 : i32
          %get3A_302 = arith.index_cast %add3A_287 : i32 to index
          %get3A_303 = arith.index_cast %add3A_301 : i32 to index
          %get3A_304 = tpu.vector_load %arg7[%get3A_302, %get3A_303] {strides = array<i32>} : memref<8x800xf32, #tpu.memory_space<vmem>>, vector<16xf32>,
          %add3A_305 = arith.constant 16 : i32
          %add3A_306 = arith.addi %multiple_of3A_296, %add3A_305 : i32
          %get3A_307 = arith.index_cast %add3A_287 : i32 to index
          %get3A_308 = arith.index_cast %add3A_306 : i32 to index
          %get3A_309 = tpu.vector_load %arg7[%get3A_307, %get3A_308] {strides = array<i32>} : memref<8x800xf32, #tpu.memory_space<vmem>>, vector<16xf32>,
          %add3A_310 = arith.constant 32 : i32
          %add3A_311 = arith.addi %multiple_of3A_296, %add3A_310 : i32
          %get3A_312 = arith.index_cast %add3A_287 : i32 to index
          %get3A_313 = arith.index_cast %add3A_311 : i32 to index
          %get3A_314 = tpu.vector_load %arg7[%get3A_312, %get3A_313] {strides = array<i32>} : memref<8x800xf32, #tpu.memory_space<vmem>>, vector<16xf32>,
          %add3A_315 = arith.constant 48 : i32
          %add3A_316 = arith.addi %multiple_of3A_296, %add3A_315 : i32
          %get3A_317 = arith.index_cast %add3A_287 : i32 to index
          %get3A_318 = arith.index_cast %add3A_316 : i32 to index
          %get3A_319 = tpu.vector_load %arg7[%get3A_317, %get3A_318] {strides = array<i32>} : memref<8x800xf32, #tpu.memory_space<vmem>>, vector<16xf32>,
          %add3A_320 = arith.constant 64 : i32
          %add3A_321 = arith.addi %multiple_of3A_296, %add3A_320 : i32
          %get3A_322 = arith.index_cast %add3A_287 : i32 to index
          %get3A_323 = arith.index_cast %add3A_321 : i32 to index
          %get3A_324 = tpu.vector_load %arg7[%get3A_322, %get3A_323] {strides = array<i32>} : memref<8x800xf32, #tpu.memory_space<vmem>>, vector<16xf32>,
          %max3A = arith.maximumf %get3A_304, %get3A_324 : vector<16xf32>
          %add3A_325 = arith.constant 80 : i32
          %add3A_326 = arith.addi %multiple_of3A_296, %add3A_325 : i32
          %get3A_327 = arith.index_cast %add3A_287 : i32 to index
          %get3A_328 = arith.index_cast %add3A_326 : i32 to index
          %get3A_329 = tpu.vector_load %arg7[%get3A_327, %get3A_328] {strides = array<i32>} : memref<8x800xf32, #tpu.memory_space<vmem>>, vector<16xf32>,
          %max3A_330 = arith.maximumf %get3A_309, %get3A_329 : vector<16xf32>
          %add3A_331 = arith.constant 96 : i32
          %add3A_332 = arith.addi %multiple_of3A_296, %add3A_331 : i32
          %get3A_333 = arith.index_cast %add3A_287 : i32 to index
          %get3A_334 = arith.index_cast %add3A_332 : i32 to index
          %get3A_335 = tpu.vector_load %arg7[%get3A_333, %get3A_334] {strides = array<i32>} : memref<8x800xf32, #tpu.memory_space<vmem>>, vector<16xf32>,
          %max3A_336 = arith.maximumf %get3A_314, %get3A_335 : vector<16xf32>
          %add3A_337 = arith.constant 112 : i32
          %add3A_338 = arith.addi %multiple_of3A_296, %add3A_337 : i32
          %get3A_339 = arith.index_cast %add3A_287 : i32 to index
          %get3A_340 = arith.index_cast %add3A_338 : i32 to index
          %get3A_341 = tpu.vector_load %arg7[%get3A_339, %get3A_340] {strides = array<i32>} : memref<8x800xf32, #tpu.memory_space<vmem>>, vector<16xf32>,
          %max3A_342 = arith.maximumf %get3A_319, %get3A_341 : vector<16xf32>
          %add3A_343 = arith.constant 128 : i32
          %add3A_344 = arith.addi %multiple_of3A_296, %add3A_343 : i32
          %get3A_345 = arith.index_cast %add3A_287 : i32 to index
          %get3A_346 = arith.index_cast %add3A_344 : i32 to index
          %get3A_347 = tpu.vector_load %arg7[%get3A_345, %get3A_346] {strides = array<i32>} : memref<8x800xf32, #tpu.memory_space<vmem>>, vector<16xf32>,
          %max3A_348 = arith.maximumf %max3A, %get3A_347 : vector<16xf32>
          %add3A_349 = arith.constant 144 : i32
          %add3A_350 = arith.addi %multiple_of3A_296, %add3A_349 : i32
          %get3A_351 = arith.index_cast %add3A_287 : i32 to index
          %get3A_352 = arith.index_cast %add3A_350 : i32 to index
          %get3A_353 = tpu.vector_load %arg7[%get3A_351, %get3A_352] {strides = array<i32>} : memref<8x800xf32, #tpu.memory_space<vmem>>, vector<16xf32>,
          %max3A_354 = arith.maximumf %max3A_330, %get3A_353 : vector<16xf32>
          %add3A_355 = arith.constant 160 : i32
          %add3A_356 = arith.addi %multiple_of3A_296, %add3A_355 : i32
          %get3A_357 = arith.index_cast %add3A_287 : i32 to index
          %get3A_358 = arith.index_cast %add3A_356 : i32 to index
          %get3A_359 = tpu.vector_load %arg7[%get3A_357, %get3A_358] {strides = array<i32>} : memref<8x800xf32, #tpu.memory_space<vmem>>, vector<16xf32>,
          %max3A_360 = arith.maximumf %max3A_336, %get3A_359 : vector<16xf32>
          %add3A_361 = arith.constant 176 : i32
          %add3A_362 = arith.addi %multiple_of3A_296, %add3A_361 : i32
          %get3A_363 = arith.index_cast %add3A_287 : i32 to index
          %get3A_364 = arith.index_cast %add3A_362 : i32 to index
          %get3A_365 = tpu.vector_load %arg7[%get3A_363, %get3A_364] {strides = array<i32>} : memref<8x800xf32, #tpu.memory_space<vmem>>, vector<16xf32>,
          %max3A_366 = arith.maximumf %max3A_342, %get3A_365 : vector<16xf32>
          %add3A_367 = arith.constant 192 : i32
          %add3A_368 = arith.addi %multiple_of3A_296, %add3A_367 : i32
          %get3A_369 = arith.index_cast %add3A_287 : i32 to index
          %get3A_370 = arith.index_cast %add3A_368 : i32 to index
          %get3A_371 = tpu.vector_load %arg7[%get3A_369, %get3A_370] {strides = array<i32>} : memref<8x800xf32, #tpu.memory_space<vmem>>, vector<16xf32>,
          %max3A_372 = arith.maximumf %max3A_348, %get3A_371 : vector<16xf32>
          %add3A_373 = arith.constant 208 : i32
          %add3A_374 = arith.addi %multiple_of3A_296, %add3A_373 : i32
          %get3A_375 = arith.index_cast %add3A_287 : i32 to index
          %get3A_376 = arith.index_cast %add3A_374 : i32 to index
          %get3A_377 = tpu.vector_load %arg7[%get3A_375, %get3A_376] {strides = array<i32>} : memref<8x800xf32, #tpu.memory_space<vmem>>, vector<16xf32>,
          %max3A_378 = arith.maximumf %max3A_354, %get3A_377 : vector<16xf32>
          %add3A_379 = arith.constant 224 : i32
          %add3A_380 = arith.addi %multiple_of3A_296, %add3A_379 : i32
          %get3A_381 = arith.index_cast %add3A_287 : i32 to index
          %get3A_382 = arith.index_cast %add3A_380 : i32 to index
          %get3A_383 = tpu.vector_load %arg7[%get3A_381, %get3A_382] {strides = array<i32>} : memref<8x800xf32, #tpu.memory_space<vmem>>, vector<16xf32>,
          %max3A_384 = arith.maximumf %max3A_360, %get3A_383 : vector<16xf32>
          %add3A_385 = arith.constant 240 : i32
          %add3A_386 = arith.addi %multiple_of3A_296, %add3A_385 : i32
          %get3A_387 = arith.index_cast %add3A_287 : i32 to index
          %get3A_388 = arith.index_cast %add3A_386 : i32 to index
          %get3A_389 = tpu.vector_load %arg7[%get3A_387, %get3A_388] {strides = array<i32>} : memref<8x800xf32, #tpu.memory_space<vmem>>, vector<16xf32>,
          %max3A_390 = arith.maximumf %max3A_366, %get3A_389 : vector<16xf32>
          %add3A_391 = arith.constant 256 : i32
          %add3A_392 = arith.addi %multiple_of3A_296, %add3A_391 : i32
          %get3A_393 = arith.index_cast %add3A_287 : i32 to index
          %get3A_394 = arith.index_cast %add3A_392 : i32 to index
          %get3A_395 = tpu.vector_load %arg7[%get3A_393, %get3A_394] {strides = array<i32>} : memref<8x800xf32, #tpu.memory_space<vmem>>, vector<16xf32>,
          %max3A_396 = arith.maximumf %max3A_372, %get3A_395 : vector<16xf32>
          %add3A_397 = arith.constant 272 : i32
          %add3A_398 = arith.addi %multiple_of3A_296, %add3A_397 : i32
          %get3A_399 = arith.index_cast %add3A_287 : i32 to index
          %get3A_400 = arith.index_cast %add3A_398 : i32 to index
          %get3A_401 = tpu.vector_load %arg7[%get3A_399, %get3A_400] {strides = array<i32>} : memref<8x800xf32, #tpu.memory_space<vmem>>, vector<16xf32>,
          %max3A_402 = arith.maximumf %max3A_378, %get3A_401 : vector<16xf32>
          %add3A_403 = arith.constant 288 : i32
          %add3A_404 = arith.addi %multiple_of3A_296, %add3A_403 : i32
          %get3A_405 = arith.index_cast %add3A_287 : i32 to index
          %get3A_406 = arith.index_cast %add3A_404 : i32 to index
          %get3A_407 = tpu.vector_load %arg7[%get3A_405, %get3A_406] {strides = array<i32>} : memref<8x800xf32, #tpu.memory_space<vmem>>, vector<16xf32>,
          %max3A_408 = arith.maximumf %max3A_384, %get3A_407 : vector<16xf32>
          %add3A_409 = arith.constant 304 : i32
          %add3A_410 = arith.addi %multiple_of3A_296, %add3A_409 : i32
          %get3A_411 = arith.index_cast %add3A_287 : i32 to index
          %get3A_412 = arith.index_cast %add3A_410 : i32 to index
          %get3A_413 = tpu.vector_load %arg7[%get3A_411, %get3A_412] {strides = array<i32>} : memref<8x800xf32, #tpu.memory_space<vmem>>, vector<16xf32>,
          %max3A_414 = arith.maximumf %max3A_390, %get3A_413 : vector<16xf32>
          %add3A_415 = arith.constant 320 : i32
          %add3A_416 = arith.addi %multiple_of3A_296, %add3A_415 : i32
          %get3A_417 = arith.index_cast %add3A_287 : i32 to index
          %get3A_418 = arith.index_cast %add3A_416 : i32 to index
          %get3A_419 = tpu.vector_load %arg7[%get3A_417, %get3A_418] {strides = array<i32>} : memref<8x800xf32, #tpu.memory_space<vmem>>, vector<16xf32>,
          %max3A_420 = arith.maximumf %max3A_396, %get3A_419 : vector<16xf32>
          %add3A_421 = arith.constant 336 : i32
          %add3A_422 = arith.addi %multiple_of3A_296, %add3A_421 : i32
          %get3A_423 = arith.index_cast %add3A_287 : i32 to index
          %get3A_424 = arith.index_cast %add3A_422 : i32 to index
          %get3A_425 = tpu.vector_load %arg7[%get3A_423, %get3A_424] {strides = array<i32>} : memref<8x800xf32, #tpu.memory_space<vmem>>, vector<16xf32>,
          %max3A_426 = arith.maximumf %max3A_402, %get3A_425 : vector<16xf32>
          %add3A_427 = arith.constant 352 : i32
          %add3A_428 = arith.addi %multiple_of3A_296, %add3A_427 : i32
          %get3A_429 = arith.index_cast %add3A_287 : i32 to index
          %get3A_430 = arith.index_cast %add3A_428 : i32 to index
          %get3A_431 = tpu.vector_load %arg7[%get3A_429, %get3A_430] {strides = array<i32>} : memref<8x800xf32, #tpu.memory_space<vmem>>, vector<16xf32>,
          %max3A_432 = arith.maximumf %max3A_408, %get3A_431 : vector<16xf32>
          %add3A_433 = arith.constant 368 : i32
          %add3A_434 = arith.addi %multiple_of3A_296, %add3A_433 : i32
          %get3A_435 = arith.index_cast %add3A_287 : i32 to index
          %get3A_436 = arith.index_cast %add3A_434 : i32 to index
          %get3A_437 = tpu.vector_load %arg7[%get3A_435, %get3A_436] {strides = array<i32>} : memref<8x800xf32, #tpu.memory_space<vmem>>, vector<16xf32>,
          %max3A_438 = arith.maximumf %max3A_414, %get3A_437 : vector<16xf32>
          %add3A_439 = arith.constant 384 : i32
          %add3A_440 = arith.addi %multiple_of3A_296, %add3A_439 : i32
          %get3A_441 = arith.index_cast %add3A_287 : i32 to index
          %get3A_442 = arith.index_cast %add3A_440 : i32 to index
          %get3A_443 = tpu.vector_load %arg7[%get3A_441, %get3A_442] {strides = array<i32>} : memref<8x800xf32, #tpu.memory_space<vmem>>, vector<16xf32>,
          %max3A_444 = arith.maximumf %max3A_420, %get3A_443 : vector<16xf32>
          %max3A_445 = arith.maximumf %max3A_444, %max3A_426 : vector<16xf32>
          %max3A_446 = arith.maximumf %max3A_432, %max3A_438 : vector<16xf32>
          %max3A_447 = arith.maximumf %max3A_445, %max3A_446 : vector<16xf32>
          %add3A_448 = arith.constant 0 : i32
          %add3A_449 = arith.addi %multiple_of3A_296, %add3A_448 : i32
          %get3A_450 = arith.index_cast %add3A_287 : i32 to index
          %get3A_451 = arith.index_cast %add3A_449 : i32 to index
          %get3A_452 = tpu.vector_load %arg8[%get3A_450, %get3A_451] {strides = array<i32>} : memref<8x800xf32, #tpu.memory_space<vmem>>, vector<16xf32>,
          %add3A_453 = arith.constant 16 : i32
          %add3A_454 = arith.addi %multiple_of3A_296, %add3A_453 : i32
          %get3A_455 = arith.index_cast %add3A_287 : i32 to index
          %get3A_456 = arith.index_cast %add3A_454 : i32 to index
          %get3A_457 = tpu.vector_load %arg8[%get3A_455, %get3A_456] {strides = array<i32>} : memref<8x800xf32, #tpu.memory_space<vmem>>, vector<16xf32>,
          %add3A_458 = arith.constant 32 : i32
          %add3A_459 = arith.addi %multiple_of3A_296, %add3A_458 : i32
          %get3A_460 = arith.index_cast %add3A_287 : i32 to index
          %get3A_461 = arith.index_cast %add3A_459 : i32 to index
          %get3A_462 = tpu.vector_load %arg8[%get3A_460, %get3A_461] {strides = array<i32>} : memref<8x800xf32, #tpu.memory_space<vmem>>, vector<16xf32>,
          %add3A_463 = arith.constant 48 : i32
          %add3A_464 = arith.addi %multiple_of3A_296, %add3A_463 : i32
          %get3A_465 = arith.index_cast %add3A_287 : i32 to index
          %get3A_466 = arith.index_cast %add3A_464 : i32 to index
          %get3A_467 = tpu.vector_load %arg8[%get3A_465, %get3A_466] {strides = array<i32>} : memref<8x800xf32, #tpu.memory_space<vmem>>, vector<16xf32>,
          %add3A_468 = arith.constant 64 : i32
          %add3A_469 = arith.addi %multiple_of3A_296, %add3A_468 : i32
          %get3A_470 = arith.index_cast %add3A_287 : i32 to index
          %get3A_471 = arith.index_cast %add3A_469 : i32 to index
          %get3A_472 = tpu.vector_load %arg8[%get3A_470, %get3A_471] {strides = array<i32>} : memref<8x800xf32, #tpu.memory_space<vmem>>, vector<16xf32>,
          %max3A_473 = arith.maximumf %get3A_452, %get3A_472 : vector<16xf32>
          %add3A_474 = arith.constant 80 : i32
          %add3A_475 = arith.addi %multiple_of3A_296, %add3A_474 : i32
          %get3A_476 = arith.index_cast %add3A_287 : i32 to index
          %get3A_477 = arith.index_cast %add3A_475 : i32 to index
          %get3A_478 = tpu.vector_load %arg8[%get3A_476, %get3A_477] {strides = array<i32>} : memref<8x800xf32, #tpu.memory_space<vmem>>, vector<16xf32>,
          %max3A_479 = arith.maximumf %get3A_457, %get3A_478 : vector<16xf32>
          %add3A_480 = arith.constant 96 : i32
          %add3A_481 = arith.addi %multiple_of3A_296, %add3A_480 : i32
          %get3A_482 = arith.index_cast %add3A_287 : i32 to index
          %get3A_483 = arith.index_cast %add3A_481 : i32 to index
          %get3A_484 = tpu.vector_load %arg8[%get3A_482, %get3A_483] {strides = array<i32>} : memref<8x800xf32, #tpu.memory_space<vmem>>, vector<16xf32>,
          %max3A_485 = arith.maximumf %get3A_462, %get3A_484 : vector<16xf32>
          %add3A_486 = arith.constant 112 : i32
          %add3A_487 = arith.addi %multiple_of3A_296, %add3A_486 : i32
          %get3A_488 = arith.index_cast %add3A_287 : i32 to index
          %get3A_489 = arith.index_cast %add3A_487 : i32 to index
          %get3A_490 = tpu.vector_load %arg8[%get3A_488, %get3A_489] {strides = array<i32>} : memref<8x800xf32, #tpu.memory_space<vmem>>, vector<16xf32>,
          %max3A_491 = arith.maximumf %get3A_467, %get3A_490 : vector<16xf32>
          %add3A_492 = arith.constant 128 : i32
          %add3A_493 = arith.addi %multiple_of3A_296, %add3A_492 : i32
          %get3A_494 = arith.index_cast %add3A_287 : i32 to index
          %get3A_495 = arith.index_cast %add3A_493 : i32 to index
          %get3A_496 = tpu.vector_load %arg8[%get3A_494, %get3A_495] {strides = array<i32>} : memref<8x800xf32, #tpu.memory_space<vmem>>, vector<16xf32>,
          %max3A_497 = arith.maximumf %max3A_473, %get3A_496 : vector<16xf32>
          %add3A_498 = arith.constant 144 : i32
          %add3A_499 = arith.addi %multiple_of3A_296, %add3A_498 : i32
          %get3A_500 = arith.index_cast %add3A_287 : i32 to index
          %get3A_501 = arith.index_cast %add3A_499 : i32 to index
          %get3A_502 = tpu.vector_load %arg8[%get3A_500, %get3A_501] {strides = array<i32>} : memref<8x800xf32, #tpu.memory_space<vmem>>, vector<16xf32>,
          %max3A_503 = arith.maximumf %max3A_479, %get3A_502 : vector<16xf32>
          %add3A_504 = arith.constant 160 : i32
          %add3A_505 = arith.addi %multiple_of3A_296, %add3A_504 : i32
          %get3A_506 = arith.index_cast %add3A_287 : i32 to index
          %get3A_507 = arith.index_cast %add3A_505 : i32 to index
          %get3A_508 = tpu.vector_load %arg8[%get3A_506, %get3A_507] {strides = array<i32>} : memref<8x800xf32, #tpu.memory_space<vmem>>, vector<16xf32>,
          %max3A_509 = arith.maximumf %max3A_485, %get3A_508 : vector<16xf32>
          %add3A_510 = arith.constant 176 : i32
          %add3A_511 = arith.addi %multiple_of3A_296, %add3A_510 : i32
          %get3A_512 = arith.index_cast %add3A_287 : i32 to index
          %get3A_513 = arith.index_cast %add3A_511 : i32 to index
          %get3A_514 = tpu.vector_load %arg8[%get3A_512, %get3A_513] {strides = array<i32>} : memref<8x800xf32, #tpu.memory_space<vmem>>, vector<16xf32>,
          %max3A_515 = arith.maximumf %max3A_491, %get3A_514 : vector<16xf32>
          %add3A_516 = arith.constant 192 : i32
          %add3A_517 = arith.addi %multiple_of3A_296, %add3A_516 : i32
          %get3A_518 = arith.index_cast %add3A_287 : i32 to index
          %get3A_519 = arith.index_cast %add3A_517 : i32 to index
          %get3A_520 = tpu.vector_load %arg8[%get3A_518, %get3A_519] {strides = array<i32>} : memref<8x800xf32, #tpu.memory_space<vmem>>, vector<16xf32>,
          %max3A_521 = arith.maximumf %max3A_497, %get3A_520 : vector<16xf32>
          %add3A_522 = arith.constant 208 : i32
          %add3A_523 = arith.addi %multiple_of3A_296, %add3A_522 : i32
          %get3A_524 = arith.index_cast %add3A_287 : i32 to index
          %get3A_525 = arith.index_cast %add3A_523 : i32 to index
          %get3A_526 = tpu.vector_load %arg8[%get3A_524, %get3A_525] {strides = array<i32>} : memref<8x800xf32, #tpu.memory_space<vmem>>, vector<16xf32>,
          %max3A_527 = arith.maximumf %max3A_503, %get3A_526 : vector<16xf32>
          %add3A_528 = arith.constant 224 : i32
          %add3A_529 = arith.addi %multiple_of3A_296, %add3A_528 : i32
          %get3A_530 = arith.index_cast %add3A_287 : i32 to index
          %get3A_531 = arith.index_cast %add3A_529 : i32 to index
          %get3A_532 = tpu.vector_load %arg8[%get3A_530, %get3A_531] {strides = array<i32>} : memref<8x800xf32, #tpu.memory_space<vmem>>, vector<16xf32>,
          %max3A_533 = arith.maximumf %max3A_509, %get3A_532 : vector<16xf32>
          %add3A_534 = arith.constant 240 : i32
          %add3A_535 = arith.addi %multiple_of3A_296, %add3A_534 : i32
          %get3A_536 = arith.index_cast %add3A_287 : i32 to index
          %get3A_537 = arith.index_cast %add3A_535 : i32 to index
          %get3A_538 = tpu.vector_load %arg8[%get3A_536, %get3A_537] {strides = array<i32>} : memref<8x800xf32, #tpu.memory_space<vmem>>, vector<16xf32>,
          %max3A_539 = arith.maximumf %max3A_515, %get3A_538 : vector<16xf32>
          %add3A_540 = arith.constant 256 : i32
          %add3A_541 = arith.addi %multiple_of3A_296, %add3A_540 : i32
          %get3A_542 = arith.index_cast %add3A_287 : i32 to index
          %get3A_543 = arith.index_cast %add3A_541 : i32 to index
          %get3A_544 = tpu.vector_load %arg8[%get3A_542, %get3A_543] {strides = array<i32>} : memref<8x800xf32, #tpu.memory_space<vmem>>, vector<16xf32>,
          %max3A_545 = arith.maximumf %max3A_521, %get3A_544 : vector<16xf32>
          %add3A_546 = arith.constant 272 : i32
          %add3A_547 = arith.addi %multiple_of3A_296, %add3A_546 : i32
          %get3A_548 = arith.index_cast %add3A_287 : i32 to index
          %get3A_549 = arith.index_cast %add3A_547 : i32 to index
          %get3A_550 = tpu.vector_load %arg8[%get3A_548, %get3A_549] {strides = array<i32>} : memref<8x800xf32, #tpu.memory_space<vmem>>, vector<16xf32>,
          %max3A_551 = arith.maximumf %max3A_527, %get3A_550 : vector<16xf32>
          %add3A_552 = arith.constant 288 : i32
          %add3A_553 = arith.addi %multiple_of3A_296, %add3A_552 : i32
          %get3A_554 = arith.index_cast %add3A_287 : i32 to index
          %get3A_555 = arith.index_cast %add3A_553 : i32 to index
          %get3A_556 = tpu.vector_load %arg8[%get3A_554, %get3A_555] {strides = array<i32>} : memref<8x800xf32, #tpu.memory_space<vmem>>, vector<16xf32>,
          %max3A_557 = arith.maximumf %max3A_533, %get3A_556 : vector<16xf32>
          %add3A_558 = arith.constant 304 : i32
          %add3A_559 = arith.addi %multiple_of3A_296, %add3A_558 : i32
          %get3A_560 = arith.index_cast %add3A_287 : i32 to index
          %get3A_561 = arith.index_cast %add3A_559 : i32 to index
          %get3A_562 = tpu.vector_load %arg8[%get3A_560, %get3A_561] {strides = array<i32>} : memref<8x800xf32, #tpu.memory_space<vmem>>, vector<16xf32>,
          %max3A_563 = arith.maximumf %max3A_539, %get3A_562 : vector<16xf32>
          %add3A_564 = arith.constant 320 : i32
          %add3A_565 = arith.addi %multiple_of3A_296, %add3A_564 : i32
          %get3A_566 = arith.index_cast %add3A_287 : i32 to index
          %get3A_567 = arith.index_cast %add3A_565 : i32 to index
          %get3A_568 = tpu.vector_load %arg8[%get3A_566, %get3A_567] {strides = array<i32>} : memref<8x800xf32, #tpu.memory_space<vmem>>, vector<16xf32>,
          %max3A_569 = arith.maximumf %max3A_545, %get3A_568 : vector<16xf32>
          %add3A_570 = arith.constant 336 : i32
          %add3A_571 = arith.addi %multiple_of3A_296, %add3A_570 : i32
          %get3A_572 = arith.index_cast %add3A_287 : i32 to index
          %get3A_573 = arith.index_cast %add3A_571 : i32 to index
          %get3A_574 = tpu.vector_load %arg8[%get3A_572, %get3A_573] {strides = array<i32>} : memref<8x800xf32, #tpu.memory_space<vmem>>, vector<16xf32>,
          %max3A_575 = arith.maximumf %max3A_551, %get3A_574 : vector<16xf32>
          %add3A_576 = arith.constant 352 : i32
          %add3A_577 = arith.addi %multiple_of3A_296, %add3A_576 : i32
          %get3A_578 = arith.index_cast %add3A_287 : i32 to index
          %get3A_579 = arith.index_cast %add3A_577 : i32 to index
          %get3A_580 = tpu.vector_load %arg8[%get3A_578, %get3A_579] {strides = array<i32>} : memref<8x800xf32, #tpu.memory_space<vmem>>, vector<16xf32>,
          %max3A_581 = arith.maximumf %max3A_557, %get3A_580 : vector<16xf32>
          %add3A_582 = arith.constant 368 : i32
          %add3A_583 = arith.addi %multiple_of3A_296, %add3A_582 : i32
          %get3A_584 = arith.index_cast %add3A_287 : i32 to index
          %get3A_585 = arith.index_cast %add3A_583 : i32 to index
          %get3A_586 = tpu.vector_load %arg8[%get3A_584, %get3A_585] {strides = array<i32>} : memref<8x800xf32, #tpu.memory_space<vmem>>, vector<16xf32>,
          %max3A_587 = arith.maximumf %max3A_563, %get3A_586 : vector<16xf32>
          %add3A_588 = arith.constant 384 : i32
          %add3A_589 = arith.addi %multiple_of3A_296, %add3A_588 : i32
          %get3A_590 = arith.index_cast %add3A_287 : i32 to index
          %get3A_591 = arith.index_cast %add3A_589 : i32 to index
          %get3A_592 = tpu.vector_load %arg8[%get3A_590, %get3A_591] {strides = array<i32>} : memref<8x800xf32, #tpu.memory_space<vmem>>, vector<16xf32>,
          %max3A_593 = arith.maximumf %max3A_569, %get3A_592 : vector<16xf32>
          %max3A_594 = arith.maximumf %max3A_593, %max3A_575 : vector<16xf32>
          %max3A_595 = arith.maximumf %max3A_581, %max3A_587 : vector<16xf32>
          %max3A_596 = arith.maximumf %max3A_594, %max3A_595 : vector<16xf32>
          %gt3A = arith.cmpf ogt, %max3A_447, %get3A_297 : vector<16xf32>
          %all_reduce_population_count3A = tpu.all_reduce %gt3A {dim = 0 : i64, kind = #tpu.reduction_kind<sum>} : vector<16xi1> -> vector<16xi32>
          %slice3A = vector.extract_strided_slice %all_reduce_population_count3A {offsets = [0], sizes = [1], strides = [1]} : vector<16xi32> to vector<1xi32>
          %squeeze3A = vector.extract %slice3A[0] : i32 from vector<1xi32>
          %gt3A_597 = arith.cmpf ogt, %max3A_596, %get3A_299 : vector<16xf32>
          %all_reduce_population_count3A_598 = tpu.all_reduce %gt3A_597 {dim = 0 : i64, kind = #tpu.reduction_kind<sum>} : vector<16xi1> -> vector<16xi32>
          %slice3A_599 = vector.extract_strided_slice %all_reduce_population_count3A_598 {offsets = [0], sizes = [1], strides = [1]} : vector<16xi32> to vector<1xi32>
          %squeeze3A_600 = vector.extract %slice3A_599[0] : i32 from vector<1xi32>
          %add3A_601 = arith.addi %squeeze3A, %squeeze3A_600 : i32
          %gt3A_602 = arith.constant 0 : i32
          %gt3A_603 = arith.cmpi sgt, %add3A_601, %gt3A_602 : i32
          %convert_element_type3A_604 = arith.extui %gt3A_603 : i1 to i32
          %cond3A_605 = arith.constant 0 : i32
          %cond3A_606 = arith.cmpi ne, %convert_element_type3A_604, %cond3A_605 : i32
          scf.if %cond3A_606 {
            %gt3A_607 = arith.constant 0 : i32
            %gt3A_608 = arith.cmpi sgt, %squeeze3A, %gt3A_607 : i32
            %convert_element_type3A_609 = arith.extui %gt3A_608 : i1 to i32
            %cond3A_610 = arith.constant 0 : i32
            %cond3A_611 = arith.cmpi ne, %convert_element_type3A_609, %cond3A_610 : i32
            scf.if %cond3A_611 {
              %broadcast_in_dim3A_617 = arith.constant 0 : i32
              %broadcast_in_dim3A_618 = vector.broadcast %broadcast_in_dim3A_617 : i32 to vector<16xi32>
              %broadcast_in_dim3A_619 = arith.constant 0 : i32
              %broadcast_in_dim3A_620 = vector.broadcast %broadcast_in_dim3A_619 : i32 to vector<16xi32>
              %add3A_621 = arith.constant 0 : i32
              %add3A_622 = arith.addi %multiple_of3A_296, %add3A_621 : i32
              %get3A_623 = arith.index_cast %add3A_287 : i32 to index
              %get3A_624 = arith.index_cast %add3A_622 : i32 to index
              %get3A_625 = tpu.vector_load %arg7[%get3A_623, %get3A_624] {strides = array<i32>} : memref<8x800xf32, #tpu.memory_space<vmem>>, vector<16xf32>,
              %gt3A_626 = arith.cmpf ogt, %get3A_625, %get3A_297 : vector<16xf32>
              %all_reduce_population_count3A_627 = tpu.all_reduce %gt3A_626 {dim = 0 : i64, kind = #tpu.reduction_kind<sum>} : vector<16xi1> -> vector<16xi32>
              %eq3A_628 = arith.constant 0 : i32
              %eq3A_629 = vector.broadcast %eq3A_628 : i32 to vector<16xi32>
              %eq3A_630 = arith.cmpi eq, %iota3A, %eq3A_629 : vector<16xi32>
              %select_n3A_631 = arith.select %eq3A_630, %all_reduce_population_count3A_627, %broadcast_in_dim3A_618 : vector<16xi1>, vector<16xi32>
              %add3A_632 = arith.constant 16 : i32
              %add3A_633 = arith.addi %multiple_of3A_296, %add3A_632 : i32
              %get3A_634 = arith.index_cast %add3A_287 : i32 to index
              %get3A_635 = arith.index_cast %add3A_633 : i32 to index
              %get3A_636 = tpu.vector_load %arg7[%get3A_634, %get3A_635] {strides = array<i32>} : memref<8x800xf32, #tpu.memory_space<vmem>>, vector<16xf32>,
              %gt3A_637 = arith.cmpf ogt, %get3A_636, %get3A_297 : vector<16xf32>
              %all_reduce_population_count3A_638 = tpu.all_reduce %gt3A_637 {dim = 0 : i64, kind = #tpu.reduction_kind<sum>} : vector<16xi1> -> vector<16xi32>
              %eq3A_639 = arith.constant 1 : i32
              %eq3A_640 = vector.broadcast %eq3A_639 : i32 to vector<16xi32>
              %eq3A_641 = arith.cmpi eq, %iota3A, %eq3A_640 : vector<16xi32>
              %select_n3A_642 = arith.select %eq3A_641, %all_reduce_population_count3A_638, %select_n3A_631 : vector<16xi1>, vector<16xi32>
              %add3A_643 = arith.constant 32 : i32
              %add3A_644 = arith.addi %multiple_of3A_296, %add3A_643 : i32
              %get3A_645 = arith.index_cast %add3A_287 : i32 to index
              %get3A_646 = arith.index_cast %add3A_644 : i32 to index
              %get3A_647 = tpu.vector_load %arg7[%get3A_645, %get3A_646] {strides = array<i32>} : memref<8x800xf32, #tpu.memory_space<vmem>>, vector<16xf32>,
              %gt3A_648 = arith.cmpf ogt, %get3A_647, %get3A_297 : vector<16xf32>
              %all_reduce_population_count3A_649 = tpu.all_reduce %gt3A_648 {dim = 0 : i64, kind = #tpu.reduction_kind<sum>} : vector<16xi1> -> vector<16xi32>
              %eq3A_650 = arith.constant 2 : i32
              %eq3A_651 = vector.broadcast %eq3A_650 : i32 to vector<16xi32>
              %eq3A_652 = arith.cmpi eq, %iota3A, %eq3A_651 : vector<16xi32>
              %select_n3A_653 = arith.select %eq3A_652, %all_reduce_population_count3A_649, %select_n3A_642 : vector<16xi1>, vector<16xi32>
              %add3A_654 = arith.constant 48 : i32
              %add3A_655 = arith.addi %multiple_of3A_296, %add3A_654 : i32
              %get3A_656 = arith.index_cast %add3A_287 : i32 to index
              %get3A_657 = arith.index_cast %add3A_655 : i32 to index
              %get3A_658 = tpu.vector_load %arg7[%get3A_656, %get3A_657] {strides = array<i32>} : memref<8x800xf32, #tpu.memory_space<vmem>>, vector<16xf32>,
              %gt3A_659 = arith.cmpf ogt, %get3A_658, %get3A_297 : vector<16xf32>
              %all_reduce_population_count3A_660 = tpu.all_reduce %gt3A_659 {dim = 0 : i64, kind = #tpu.reduction_kind<sum>} : vector<16xi1> -> vector<16xi32>
              %eq3A_661 = arith.constant 3 : i32
              %eq3A_662 = vector.broadcast %eq3A_661 : i32 to vector<16xi32>
              %eq3A_663 = arith.cmpi eq, %iota3A, %eq3A_662 : vector<16xi32>
              %select_n3A_664 = arith.select %eq3A_663, %all_reduce_population_count3A_660, %select_n3A_653 : vector<16xi1>, vector<16xi32>
              %add3A_665 = arith.constant 64 : i32
              %add3A_666 = arith.addi %multiple_of3A_296, %add3A_665 : i32
              %get3A_667 = arith.index_cast %add3A_287 : i32 to index
              %get3A_668 = arith.index_cast %add3A_666 : i32 to index
              %get3A_669 = tpu.vector_load %arg7[%get3A_667, %get3A_668] {strides = array<i32>} : memref<8x800xf32, #tpu.memory_space<vmem>>, vector<16xf32>,
              %gt3A_670 = arith.cmpf ogt, %get3A_669, %get3A_297 : vector<16xf32>
              %all_reduce_population_count3A_671 = tpu.all_reduce %gt3A_670 {dim = 0 : i64, kind = #tpu.reduction_kind<sum>} : vector<16xi1> -> vector<16xi32>
              %eq3A_672 = arith.constant 4 : i32
              %eq3A_673 = vector.broadcast %eq3A_672 : i32 to vector<16xi32>
              %eq3A_674 = arith.cmpi eq, %iota3A, %eq3A_673 : vector<16xi32>
              %select_n3A_675 = arith.select %eq3A_674, %all_reduce_population_count3A_671, %select_n3A_664 : vector<16xi1>, vector<16xi32>
              %add3A_676 = arith.constant 80 : i32
              %add3A_677 = arith.addi %multiple_of3A_296, %add3A_676 : i32
              %get3A_678 = arith.index_cast %add3A_287 : i32 to index
              %get3A_679 = arith.index_cast %add3A_677 : i32 to index
              %get3A_680 = tpu.vector_load %arg7[%get3A_678, %get3A_679] {strides = array<i32>} : memref<8x800xf32, #tpu.memory_space<vmem>>, vector<16xf32>,
              %gt3A_681 = arith.cmpf ogt, %get3A_680, %get3A_297 : vector<16xf32>
              %all_reduce_population_count3A_682 = tpu.all_reduce %gt3A_681 {dim = 0 : i64, kind = #tpu.reduction_kind<sum>} : vector<16xi1> -> vector<16xi32>
              %eq3A_683 = arith.constant 5 : i32
              %eq3A_684 = vector.broadcast %eq3A_683 : i32 to vector<16xi32>
              %eq3A_685 = arith.cmpi eq, %iota3A, %eq3A_684 : vector<16xi32>
              %select_n3A_686 = arith.select %eq3A_685, %all_reduce_population_count3A_682, %select_n3A_675 : vector<16xi1>, vector<16xi32>
              %add3A_687 = arith.constant 96 : i32
              %add3A_688 = arith.addi %multiple_of3A_296, %add3A_687 : i32
              %get3A_689 = arith.index_cast %add3A_287 : i32 to index
              %get3A_690 = arith.index_cast %add3A_688 : i32 to index
              %get3A_691 = tpu.vector_load %arg7[%get3A_689, %get3A_690] {strides = array<i32>} : memref<8x800xf32, #tpu.memory_space<vmem>>, vector<16xf32>,
              %gt3A_692 = arith.cmpf ogt, %get3A_691, %get3A_297 : vector<16xf32>
              %all_reduce_population_count3A_693 = tpu.all_reduce %gt3A_692 {dim = 0 : i64, kind = #tpu.reduction_kind<sum>} : vector<16xi1> -> vector<16xi32>
              %eq3A_694 = arith.constant 6 : i32
              %eq3A_695 = vector.broadcast %eq3A_694 : i32 to vector<16xi32>
              %eq3A_696 = arith.cmpi eq, %iota3A, %eq3A_695 : vector<16xi32>
              %select_n3A_697 = arith.select %eq3A_696, %all_reduce_population_count3A_693, %select_n3A_686 : vector<16xi1>, vector<16xi32>
              %add3A_698 = arith.constant 112 : i32
              %add3A_699 = arith.addi %multiple_of3A_296, %add3A_698 : i32
              %get3A_700 = arith.index_cast %add3A_287 : i32 to index
              %get3A_701 = arith.index_cast %add3A_699 : i32 to index
              %get3A_702 = tpu.vector_load %arg7[%get3A_700, %get3A_701] {strides = array<i32>} : memref<8x800xf32, #tpu.memory_space<vmem>>, vector<16xf32>,
              %gt3A_703 = arith.cmpf ogt, %get3A_702, %get3A_297 : vector<16xf32>
              %all_reduce_population_count3A_704 = tpu.all_reduce %gt3A_703 {dim = 0 : i64, kind = #tpu.reduction_kind<sum>} : vector<16xi1> -> vector<16xi32>
              %eq3A_705 = arith.constant 7 : i32
              %eq3A_706 = vector.broadcast %eq3A_705 : i32 to vector<16xi32>
              %eq3A_707 = arith.cmpi eq, %iota3A, %eq3A_706 : vector<16xi32>
              %select_n3A_708 = arith.select %eq3A_707, %all_reduce_population_count3A_704, %select_n3A_697 : vector<16xi1>, vector<16xi32>
              %add3A_709 = arith.constant 128 : i32
              %add3A_710 = arith.addi %multiple_of3A_296, %add3A_709 : i32
              %get3A_711 = arith.index_cast %add3A_287 : i32 to index
              %get3A_712 = arith.index_cast %add3A_710 : i32 to index
              %get3A_713 = tpu.vector_load %arg7[%get3A_711, %get3A_712] {strides = array<i32>} : memref<8x800xf32, #tpu.memory_space<vmem>>, vector<16xf32>,
              %gt3A_714 = arith.cmpf ogt, %get3A_713, %get3A_297 : vector<16xf32>
              %all_reduce_population_count3A_715 = tpu.all_reduce %gt3A_714 {dim = 0 : i64, kind = #tpu.reduction_kind<sum>} : vector<16xi1> -> vector<16xi32>
              %eq3A_716 = arith.constant 8 : i32
              %eq3A_717 = vector.broadcast %eq3A_716 : i32 to vector<16xi32>
              %eq3A_718 = arith.cmpi eq, %iota3A, %eq3A_717 : vector<16xi32>
              %select_n3A_719 = arith.select %eq3A_718, %all_reduce_population_count3A_715, %select_n3A_708 : vector<16xi1>, vector<16xi32>
              %add3A_720 = arith.constant 144 : i32
              %add3A_721 = arith.addi %multiple_of3A_296, %add3A_720 : i32
              %get3A_722 = arith.index_cast %add3A_287 : i32 to index
              %get3A_723 = arith.index_cast %add3A_721 : i32 to index
              %get3A_724 = tpu.vector_load %arg7[%get3A_722, %get3A_723] {strides = array<i32>} : memref<8x800xf32, #tpu.memory_space<vmem>>, vector<16xf32>,
              %gt3A_725 = arith.cmpf ogt, %get3A_724, %get3A_297 : vector<16xf32>
              %all_reduce_population_count3A_726 = tpu.all_reduce %gt3A_725 {dim = 0 : i64, kind = #tpu.reduction_kind<sum>} : vector<16xi1> -> vector<16xi32>
              %eq3A_727 = arith.constant 9 : i32
              %eq3A_728 = vector.broadcast %eq3A_727 : i32 to vector<16xi32>
              %eq3A_729 = arith.cmpi eq, %iota3A, %eq3A_728 : vector<16xi32>
              %select_n3A_730 = arith.select %eq3A_729, %all_reduce_population_count3A_726, %select_n3A_719 : vector<16xi1>, vector<16xi32>
              %add3A_731 = arith.constant 160 : i32
              %add3A_732 = arith.addi %multiple_of3A_296, %add3A_731 : i32
              %get3A_733 = arith.index_cast %add3A_287 : i32 to index
              %get3A_734 = arith.index_cast %add3A_732 : i32 to index
              %get3A_735 = tpu.vector_load %arg7[%get3A_733, %get3A_734] {strides = array<i32>} : memref<8x800xf32, #tpu.memory_space<vmem>>, vector<16xf32>,
              %gt3A_736 = arith.cmpf ogt, %get3A_735, %get3A_297 : vector<16xf32>
              %all_reduce_population_count3A_737 = tpu.all_reduce %gt3A_736 {dim = 0 : i64, kind = #tpu.reduction_kind<sum>} : vector<16xi1> -> vector<16xi32>
              %eq3A_738 = arith.constant 10 : i32
              %eq3A_739 = vector.broadcast %eq3A_738 : i32 to vector<16xi32>
              %eq3A_740 = arith.cmpi eq, %iota3A, %eq3A_739 : vector<16xi32>
              %select_n3A_741 = arith.select %eq3A_740, %all_reduce_population_count3A_737, %select_n3A_730 : vector<16xi1>, vector<16xi32>
              %add3A_742 = arith.constant 176 : i32
              %add3A_743 = arith.addi %multiple_of3A_296, %add3A_742 : i32
              %get3A_744 = arith.index_cast %add3A_287 : i32 to index
              %get3A_745 = arith.index_cast %add3A_743 : i32 to index
              %get3A_746 = tpu.vector_load %arg7[%get3A_744, %get3A_745] {strides = array<i32>} : memref<8x800xf32, #tpu.memory_space<vmem>>, vector<16xf32>,
              %gt3A_747 = arith.cmpf ogt, %get3A_746, %get3A_297 : vector<16xf32>
              %all_reduce_population_count3A_748 = tpu.all_reduce %gt3A_747 {dim = 0 : i64, kind = #tpu.reduction_kind<sum>} : vector<16xi1> -> vector<16xi32>
              %eq3A_749 = arith.constant 11 : i32
              %eq3A_750 = vector.broadcast %eq3A_749 : i32 to vector<16xi32>
              %eq3A_751 = arith.cmpi eq, %iota3A, %eq3A_750 : vector<16xi32>
              %select_n3A_752 = arith.select %eq3A_751, %all_reduce_population_count3A_748, %select_n3A_741 : vector<16xi1>, vector<16xi32>
              %add3A_753 = arith.constant 192 : i32
              %add3A_754 = arith.addi %multiple_of3A_296, %add3A_753 : i32
              %get3A_755 = arith.index_cast %add3A_287 : i32 to index
              %get3A_756 = arith.index_cast %add3A_754 : i32 to index
              %get3A_757 = tpu.vector_load %arg7[%get3A_755, %get3A_756] {strides = array<i32>} : memref<8x800xf32, #tpu.memory_space<vmem>>, vector<16xf32>,
              %gt3A_758 = arith.cmpf ogt, %get3A_757, %get3A_297 : vector<16xf32>
              %all_reduce_population_count3A_759 = tpu.all_reduce %gt3A_758 {dim = 0 : i64, kind = #tpu.reduction_kind<sum>} : vector<16xi1> -> vector<16xi32>
              %eq3A_760 = arith.constant 12 : i32
              %eq3A_761 = vector.broadcast %eq3A_760 : i32 to vector<16xi32>
              %eq3A_762 = arith.cmpi eq, %iota3A, %eq3A_761 : vector<16xi32>
              %select_n3A_763 = arith.select %eq3A_762, %all_reduce_population_count3A_759, %select_n3A_752 : vector<16xi1>, vector<16xi32>
              %add3A_764 = arith.constant 208 : i32
              %add3A_765 = arith.addi %multiple_of3A_296, %add3A_764 : i32
              %get3A_766 = arith.index_cast %add3A_287 : i32 to index
              %get3A_767 = arith.index_cast %add3A_765 : i32 to index
              %get3A_768 = tpu.vector_load %arg7[%get3A_766, %get3A_767] {strides = array<i32>} : memref<8x800xf32, #tpu.memory_space<vmem>>, vector<16xf32>,
              %gt3A_769 = arith.cmpf ogt, %get3A_768, %get3A_297 : vector<16xf32>
              %all_reduce_population_count3A_770 = tpu.all_reduce %gt3A_769 {dim = 0 : i64, kind = #tpu.reduction_kind<sum>} : vector<16xi1> -> vector<16xi32>
              %eq3A_771 = arith.constant 13 : i32
              %eq3A_772 = vector.broadcast %eq3A_771 : i32 to vector<16xi32>
              %eq3A_773 = arith.cmpi eq, %iota3A, %eq3A_772 : vector<16xi32>
              %select_n3A_774 = arith.select %eq3A_773, %all_reduce_population_count3A_770, %select_n3A_763 : vector<16xi1>, vector<16xi32>
              %add3A_775 = arith.constant 224 : i32
              %add3A_776 = arith.addi %multiple_of3A_296, %add3A_775 : i32
              %get3A_777 = arith.index_cast %add3A_287 : i32 to index
              %get3A_778 = arith.index_cast %add3A_776 : i32 to index
              %get3A_779 = tpu.vector_load %arg7[%get3A_777, %get3A_778] {strides = array<i32>} : memref<8x800xf32, #tpu.memory_space<vmem>>, vector<16xf32>,
              %gt3A_780 = arith.cmpf ogt, %get3A_779, %get3A_297 : vector<16xf32>
              %all_reduce_population_count3A_781 = tpu.all_reduce %gt3A_780 {dim = 0 : i64, kind = #tpu.reduction_kind<sum>} : vector<16xi1> -> vector<16xi32>
              %eq3A_782 = arith.constant 14 : i32
              %eq3A_783 = vector.broadcast %eq3A_782 : i32 to vector<16xi32>
              %eq3A_784 = arith.cmpi eq, %iota3A, %eq3A_783 : vector<16xi32>
              %select_n3A_785 = arith.select %eq3A_784, %all_reduce_population_count3A_781, %select_n3A_774 : vector<16xi1>, vector<16xi32>
              %add3A_786 = arith.constant 240 : i32
              %add3A_787 = arith.addi %multiple_of3A_296, %add3A_786 : i32
              %get3A_788 = arith.index_cast %add3A_287 : i32 to index
              %get3A_789 = arith.index_cast %add3A_787 : i32 to index
              %get3A_790 = tpu.vector_load %arg7[%get3A_788, %get3A_789] {strides = array<i32>} : memref<8x800xf32, #tpu.memory_space<vmem>>, vector<16xf32>,
              %gt3A_791 = arith.cmpf ogt, %get3A_790, %get3A_297 : vector<16xf32>
              %all_reduce_population_count3A_792 = tpu.all_reduce %gt3A_791 {dim = 0 : i64, kind = #tpu.reduction_kind<sum>} : vector<16xi1> -> vector<16xi32>
              %eq3A_793 = arith.constant 15 : i32
              %eq3A_794 = vector.broadcast %eq3A_793 : i32 to vector<16xi32>
              %eq3A_795 = arith.cmpi eq, %iota3A, %eq3A_794 : vector<16xi32>
              %select_n3A_796 = arith.select %eq3A_795, %all_reduce_population_count3A_792, %select_n3A_785 : vector<16xi1>, vector<16xi32>
              %add3A_797 = arith.constant 256 : i32
              %add3A_798 = arith.addi %multiple_of3A_296, %add3A_797 : i32
              %get3A_799 = arith.index_cast %add3A_287 : i32 to index
              %get3A_800 = arith.index_cast %add3A_798 : i32 to index
              %get3A_801 = tpu.vector_load %arg7[%get3A_799, %get3A_800] {strides = array<i32>} : memref<8x800xf32, #tpu.memory_space<vmem>>, vector<16xf32>,
              %gt3A_802 = arith.cmpf ogt, %get3A_801, %get3A_297 : vector<16xf32>
              %all_reduce_population_count3A_803 = tpu.all_reduce %gt3A_802 {dim = 0 : i64, kind = #tpu.reduction_kind<sum>} : vector<16xi1> -> vector<16xi32>
              %eq3A_804 = arith.constant 0 : i32
              %eq3A_805 = vector.broadcast %eq3A_804 : i32 to vector<16xi32>
              %eq3A_806 = arith.cmpi eq, %iota3A, %eq3A_805 : vector<16xi32>
              %select_n3A_807 = arith.select %eq3A_806, %all_reduce_population_count3A_803, %broadcast_in_dim3A_620 : vector<16xi1>, vector<16xi32>
              %add3A_808 = arith.constant 272 : i32
              %add3A_809 = arith.addi %multiple_of3A_296, %add3A_808 : i32
              %get3A_810 = arith.index_cast %add3A_287 : i32 to index
              %get3A_811 = arith.index_cast %add3A_809 : i32 to index
              %get3A_812 = tpu.vector_load %arg7[%get3A_810, %get3A_811] {strides = array<i32>} : memref<8x800xf32, #tpu.memory_space<vmem>>, vector<16xf32>,
              %gt3A_813 = arith.cmpf ogt, %get3A_812, %get3A_297 : vector<16xf32>
              %all_reduce_population_count3A_814 = tpu.all_reduce %gt3A_813 {dim = 0 : i64, kind = #tpu.reduction_kind<sum>} : vector<16xi1> -> vector<16xi32>
              %eq3A_815 = arith.constant 1 : i32
              %eq3A_816 = vector.broadcast %eq3A_815 : i32 to vector<16xi32>
              %eq3A_817 = arith.cmpi eq, %iota3A, %eq3A_816 : vector<16xi32>
              %select_n3A_818 = arith.select %eq3A_817, %all_reduce_population_count3A_814, %select_n3A_807 : vector<16xi1>, vector<16xi32>
              %add3A_819 = arith.constant 288 : i32
              %add3A_820 = arith.addi %multiple_of3A_296, %add3A_819 : i32
              %get3A_821 = arith.index_cast %add3A_287 : i32 to index
              %get3A_822 = arith.index_cast %add3A_820 : i32 to index
              %get3A_823 = tpu.vector_load %arg7[%get3A_821, %get3A_822] {strides = array<i32>} : memref<8x800xf32, #tpu.memory_space<vmem>>, vector<16xf32>,
              %gt3A_824 = arith.cmpf ogt, %get3A_823, %get3A_297 : vector<16xf32>
              %all_reduce_population_count3A_825 = tpu.all_reduce %gt3A_824 {dim = 0 : i64, kind = #tpu.reduction_kind<sum>} : vector<16xi1> -> vector<16xi32>
              %eq3A_826 = arith.constant 2 : i32
              %eq3A_827 = vector.broadcast %eq3A_826 : i32 to vector<16xi32>
              %eq3A_828 = arith.cmpi eq, %iota3A, %eq3A_827 : vector<16xi32>
              %select_n3A_829 = arith.select %eq3A_828, %all_reduce_population_count3A_825, %select_n3A_818 : vector<16xi1>, vector<16xi32>
              %add3A_830 = arith.constant 304 : i32
              %add3A_831 = arith.addi %multiple_of3A_296, %add3A_830 : i32
              %get3A_832 = arith.index_cast %add3A_287 : i32 to index
              %get3A_833 = arith.index_cast %add3A_831 : i32 to index
              %get3A_834 = tpu.vector_load %arg7[%get3A_832, %get3A_833] {strides = array<i32>} : memref<8x800xf32, #tpu.memory_space<vmem>>, vector<16xf32>,
              %gt3A_835 = arith.cmpf ogt, %get3A_834, %get3A_297 : vector<16xf32>
              %all_reduce_population_count3A_836 = tpu.all_reduce %gt3A_835 {dim = 0 : i64, kind = #tpu.reduction_kind<sum>} : vector<16xi1> -> vector<16xi32>
              %eq3A_837 = arith.constant 3 : i32
              %eq3A_838 = vector.broadcast %eq3A_837 : i32 to vector<16xi32>
              %eq3A_839 = arith.cmpi eq, %iota3A, %eq3A_838 : vector<16xi32>
              %select_n3A_840 = arith.select %eq3A_839, %all_reduce_population_count3A_836, %select_n3A_829 : vector<16xi1>, vector<16xi32>
              %add3A_841 = arith.constant 320 : i32
              %add3A_842 = arith.addi %multiple_of3A_296, %add3A_841 : i32
              %get3A_843 = arith.index_cast %add3A_287 : i32 to index
              %get3A_844 = arith.index_cast %add3A_842 : i32 to index
              %get3A_845 = tpu.vector_load %arg7[%get3A_843, %get3A_844] {strides = array<i32>} : memref<8x800xf32, #tpu.memory_space<vmem>>, vector<16xf32>,
              %gt3A_846 = arith.cmpf ogt, %get3A_845, %get3A_297 : vector<16xf32>
              %all_reduce_population_count3A_847 = tpu.all_reduce %gt3A_846 {dim = 0 : i64, kind = #tpu.reduction_kind<sum>} : vector<16xi1> -> vector<16xi32>
              %eq3A_848 = arith.constant 4 : i32
              %eq3A_849 = vector.broadcast %eq3A_848 : i32 to vector<16xi32>
              %eq3A_850 = arith.cmpi eq, %iota3A, %eq3A_849 : vector<16xi32>
              %select_n3A_851 = arith.select %eq3A_850, %all_reduce_population_count3A_847, %select_n3A_840 : vector<16xi1>, vector<16xi32>
              %add3A_852 = arith.constant 336 : i32
              %add3A_853 = arith.addi %multiple_of3A_296, %add3A_852 : i32
              %get3A_854 = arith.index_cast %add3A_287 : i32 to index
              %get3A_855 = arith.index_cast %add3A_853 : i32 to index
              %get3A_856 = tpu.vector_load %arg7[%get3A_854, %get3A_855] {strides = array<i32>} : memref<8x800xf32, #tpu.memory_space<vmem>>, vector<16xf32>,
              %gt3A_857 = arith.cmpf ogt, %get3A_856, %get3A_297 : vector<16xf32>
              %all_reduce_population_count3A_858 = tpu.all_reduce %gt3A_857 {dim = 0 : i64, kind = #tpu.reduction_kind<sum>} : vector<16xi1> -> vector<16xi32>
              %eq3A_859 = arith.constant 5 : i32
              %eq3A_860 = vector.broadcast %eq3A_859 : i32 to vector<16xi32>
              %eq3A_861 = arith.cmpi eq, %iota3A, %eq3A_860 : vector<16xi32>
              %select_n3A_862 = arith.select %eq3A_861, %all_reduce_population_count3A_858, %select_n3A_851 : vector<16xi1>, vector<16xi32>
              %add3A_863 = arith.constant 352 : i32
              %add3A_864 = arith.addi %multiple_of3A_296, %add3A_863 : i32
              %get3A_865 = arith.index_cast %add3A_287 : i32 to index
              %get3A_866 = arith.index_cast %add3A_864 : i32 to index
              %get3A_867 = tpu.vector_load %arg7[%get3A_865, %get3A_866] {strides = array<i32>} : memref<8x800xf32, #tpu.memory_space<vmem>>, vector<16xf32>,
              %gt3A_868 = arith.cmpf ogt, %get3A_867, %get3A_297 : vector<16xf32>
              %all_reduce_population_count3A_869 = tpu.all_reduce %gt3A_868 {dim = 0 : i64, kind = #tpu.reduction_kind<sum>} : vector<16xi1> -> vector<16xi32>
              %eq3A_870 = arith.constant 6 : i32
              %eq3A_871 = vector.broadcast %eq3A_870 : i32 to vector<16xi32>
              %eq3A_872 = arith.cmpi eq, %iota3A, %eq3A_871 : vector<16xi32>
              %select_n3A_873 = arith.select %eq3A_872, %all_reduce_population_count3A_869, %select_n3A_862 : vector<16xi1>, vector<16xi32>
              %add3A_874 = arith.constant 368 : i32
              %add3A_875 = arith.addi %multiple_of3A_296, %add3A_874 : i32
              %get3A_876 = arith.index_cast %add3A_287 : i32 to index
              %get3A_877 = arith.index_cast %add3A_875 : i32 to index
              %get3A_878 = tpu.vector_load %arg7[%get3A_876, %get3A_877] {strides = array<i32>} : memref<8x800xf32, #tpu.memory_space<vmem>>, vector<16xf32>,
              %gt3A_879 = arith.cmpf ogt, %get3A_878, %get3A_297 : vector<16xf32>
              %all_reduce_population_count3A_880 = tpu.all_reduce %gt3A_879 {dim = 0 : i64, kind = #tpu.reduction_kind<sum>} : vector<16xi1> -> vector<16xi32>
              %eq3A_881 = arith.constant 7 : i32
              %eq3A_882 = vector.broadcast %eq3A_881 : i32 to vector<16xi32>
              %eq3A_883 = arith.cmpi eq, %iota3A, %eq3A_882 : vector<16xi32>
              %select_n3A_884 = arith.select %eq3A_883, %all_reduce_population_count3A_880, %select_n3A_873 : vector<16xi1>, vector<16xi32>
              %add3A_885 = arith.constant 384 : i32
              %add3A_886 = arith.addi %multiple_of3A_296, %add3A_885 : i32
              %get3A_887 = arith.index_cast %add3A_287 : i32 to index
              %get3A_888 = arith.index_cast %add3A_886 : i32 to index
              %get3A_889 = tpu.vector_load %arg7[%get3A_887, %get3A_888] {strides = array<i32>} : memref<8x800xf32, #tpu.memory_space<vmem>>, vector<16xf32>,
              %gt3A_890 = arith.cmpf ogt, %get3A_889, %get3A_297 : vector<16xf32>
              %all_reduce_population_count3A_891 = tpu.all_reduce %gt3A_890 {dim = 0 : i64, kind = #tpu.reduction_kind<sum>} : vector<16xi1> -> vector<16xi32>
              %eq3A_892 = arith.constant 8 : i32
              %eq3A_893 = vector.broadcast %eq3A_892 : i32 to vector<16xi32>
              %eq3A_894 = arith.cmpi eq, %iota3A, %eq3A_893 : vector<16xi32>
              %select_n3A_895 = arith.select %eq3A_894, %all_reduce_population_count3A_891, %select_n3A_884 : vector<16xi1>, vector<16xi32>
              %while3A:2 = scf.while (%while3A_896 = %select_n3A_796, %while3A_897 = %select_n3A_895) : (vector<16xi32>, vector<16xi32>) -> (vector<16xi32>, vector<16xi32>) {
                %gt3A_898 = arith.constant 0 : i32
                %gt3A_899 = vector.broadcast %gt3A_898 : i32 to vector<16xi32>
                %gt3A_900 = arith.cmpi sgt, %while3A_896, %gt3A_899 : vector<16xi32>
                %reduce_or3A = arith.constant 1.000000e+00 : f32
                %reduce_or3A_901 = arith.constant 0.000000e+00 : f32
                %reduce_or3A_902 = vector.broadcast %reduce_or3A : f32 to vector<16xf32>
                %reduce_or3A_903 = vector.broadcast %reduce_or3A_901 : f32 to vector<16xf32>
                %reduce_or3A_904 = arith.select %gt3A_900, %reduce_or3A_902, %reduce_or3A_903 : vector<16xi1>, vector<16xf32>
                %reduce_or3A_905 = arith.constant true
                %reduce_or3A_906 = vector.broadcast %reduce_or3A_905 : i1 to vector<16xi1>
                %reduce_or3A_907 = tpu.scan <max>, %reduce_or3A_904 masked %reduce_or3A_906 : vector<16xf32>, vector<16xi1> -> vector<16xf32>
                %reduce_or3A_908 = vector.extract %reduce_or3A_907[15] : f32 from vector<16xf32>
                %reduce_or3A_909 = arith.constant 0.000000e+00 : f32
                %reduce_or3A_910 = arith.cmpf ogt, %reduce_or3A_908, %reduce_or3A_909 : f32
                %gt3A_911 = arith.constant 0 : i32
                %gt3A_912 = vector.broadcast %gt3A_911 : i32 to vector<16xi32>
                %gt3A_913 = arith.cmpi sgt, %while3A_897, %gt3A_912 : vector<16xi32>
                %reduce_or3A_914 = arith.constant 1.000000e+00 : f32
                %reduce_or3A_915 = arith.constant 0.000000e+00 : f32
                %reduce_or3A_916 = vector.broadcast %reduce_or3A_914 : f32 to vector<16xf32>
                %reduce_or3A_917 = vector.broadcast %reduce_or3A_915 : f32 to vector<16xf32>
                %reduce_or3A_918 = arith.select %gt3A_913, %reduce_or3A_916, %reduce_or3A_917 : vector<16xi1>, vector<16xf32>
                %reduce_or3A_919 = arith.constant true
                %reduce_or3A_920 = vector.broadcast %reduce_or3A_919 : i1 to vector<16xi1>
                %reduce_or3A_921 = tpu.scan <max>, %reduce_or3A_918 masked %reduce_or3A_920 : vector<16xf32>, vector<16xi1> -> vector<16xf32>
                %reduce_or3A_922 = vector.extract %reduce_or3A_921[15] : f32 from vector<16xf32>
                %reduce_or3A_923 = arith.constant 0.000000e+00 : f32
                %reduce_or3A_924 = arith.cmpf ogt, %reduce_or3A_922, %reduce_or3A_923 : f32
                %or3A = arith.ori %reduce_or3A_910, %reduce_or3A_924 : i1
                scf.condition(%or3A) %while3A_896, %while3A_897 : vector<16xi32>, vector<16xi32>
              } do {
              ^bb0(%while3A_896: vector<16xi32>, %while3A_897: vector<16xi32>):
                %gt3A_898 = arith.constant 0 : i32
                %gt3A_899 = vector.broadcast %gt3A_898 : i32 to vector<16xi32>
                %gt3A_900 = arith.cmpi sgt, %while3A_896, %gt3A_899 : vector<16xi32>
                %reduce_or3A = arith.constant 1.000000e+00 : f32
                %reduce_or3A_901 = arith.constant 0.000000e+00 : f32
                %reduce_or3A_902 = vector.broadcast %reduce_or3A : f32 to vector<16xf32>
                %reduce_or3A_903 = vector.broadcast %reduce_or3A_901 : f32 to vector<16xf32>
                %reduce_or3A_904 = arith.select %gt3A_900, %reduce_or3A_902, %reduce_or3A_903 : vector<16xi1>, vector<16xf32>
                %reduce_or3A_905 = arith.constant true
                %reduce_or3A_906 = vector.broadcast %reduce_or3A_905 : i1 to vector<16xi1>
                %reduce_or3A_907 = tpu.scan <max>, %reduce_or3A_904 masked %reduce_or3A_906 : vector<16xf32>, vector<16xi1> -> vector<16xf32>
                %reduce_or3A_908 = vector.extract %reduce_or3A_907[15] : f32 from vector<16xf32>
                %reduce_or3A_909 = arith.constant 0.000000e+00 : f32
                %reduce_or3A_910 = arith.cmpf ogt, %reduce_or3A_908, %reduce_or3A_909 : f32
                %gt3A_911 = arith.constant 0 : i32
                %gt3A_912 = vector.broadcast %gt3A_911 : i32 to vector<16xi32>
                %gt3A_913 = arith.cmpi sgt, %while3A_896, %gt3A_912 : vector<16xi32>
                %all_reduce_ffs3A = tpu.all_reduce %gt3A_913 {dim = 0 : i64, kind = #tpu.reduction_kind<find_first_set>} : vector<16xi1> -> vector<16xi32>
                %slice3A_914 = vector.extract_strided_slice %all_reduce_ffs3A {offsets = [0], sizes = [1], strides = [1]} : vector<16xi32> to vector<1xi32>
                %squeeze3A_915 = vector.extract %slice3A_914[0] : i32 from vector<1xi32>
                %gt3A_916 = arith.constant 0 : i32
                %gt3A_917 = vector.broadcast %gt3A_916 : i32 to vector<16xi32>
                %gt3A_918 = arith.cmpi sgt, %while3A_897, %gt3A_917 : vector<16xi32>
                %all_reduce_ffs3A_919 = tpu.all_reduce %gt3A_918 {dim = 0 : i64, kind = #tpu.reduction_kind<find_first_set>} : vector<16xi1> -> vector<16xi32>
                %slice3A_920 = vector.extract_strided_slice %all_reduce_ffs3A_919 {offsets = [0], sizes = [1], strides = [1]} : vector<16xi32> to vector<1xi32>
                %squeeze3A_921 = vector.extract %slice3A_920[0] : i32 from vector<1xi32>
                %add3A_922 = arith.constant 16 : i32
                %add3A_923 = arith.addi %squeeze3A_921, %add3A_922 : i32
                %select_n3A_924 = arith.select %reduce_or3A_910, %squeeze3A_915, %add3A_923 : i32
                %eq3A_925 = vector.broadcast %select_n3A_924 : i32 to vector<16xi32>
                %eq3A_926 = arith.cmpi eq, %iota3A, %eq3A_925 : vector<16xi32>
                %jit3A_927 = arith.constant 0 : i32
                %broadcast_in_dim3A_928 = vector.broadcast %jit3A_927 : i32 to vector<16xi32>
                %select_n3A_929 = arith.select %eq3A_926, %broadcast_in_dim3A_928, %while3A_896 : vector<16xi1>, vector<16xi32>
                %sub3A = arith.constant 16 : i32
                %sub3A_930 = arith.subi %select_n3A_924, %sub3A : i32
                %eq3A_931 = vector.broadcast %sub3A_930 : i32 to vector<16xi32>
                %eq3A_932 = arith.cmpi eq, %iota3A, %eq3A_931 : vector<16xi32>
                %jit3A_933 = arith.constant 0 : i32
                %broadcast_in_dim3A_934 = vector.broadcast %jit3A_933 : i32 to vector<16xi32>
                %select_n3A_935 = arith.select %eq3A_932, %broadcast_in_dim3A_934, %while3A_897 : vector<16xi1>, vector<16xi32>
                %mul3A_936 = arith.constant 16 : i32
                %mul3A_937 = arith.muli %mul3A_936, %select_n3A_924 : i32
                %add3A_938 = arith.addi %multiple_of3A_296, %mul3A_937 : i32
                %get3A_939 = arith.index_cast %add3A_287 : i32 to index
                %get3A_940 = arith.index_cast %add3A_938 : i32 to index
                %get3A_941 = tpu.vector_load %arg7[%get3A_939, %get3A_940] {strides = array<i32>} : memref<8x800xf32, #tpu.memory_space<vmem>>, vector<16xf32>,
                %mul3A_942 = arith.constant 16 : i32
                %mul3A_943 = arith.muli %mul3A_942, %select_n3A_924 : i32
                %add3A_944 = arith.addi %multiple_of3A_296, %mul3A_943 : i32
                %get3A_945 = arith.index_cast %add3A_287 : i32 to index
                %get3A_946 = arith.index_cast %add3A_944 : i32 to index
                %get3A_947 = tpu.vector_load %arg8[%get3A_945, %get3A_946] {strides = array<i32>} : memref<8x800xf32, #tpu.memory_space<vmem>>, vector<16xf32>,
                %get3A_948 = arith.index_cast %multiple_of3A_285 : i32 to index
                %get3A_949 = tpu.vector_load %arg11[%get3A_948] {strides = array<i32>} : memref<128xf32, #tpu.memory_space<vmem>>, vector<16xf32>,
                %gt3A_950 = arith.cmpf ogt, %get3A_941, %get3A_949 : vector<16xf32>
                %all_reduce_population_count3A_951 = tpu.all_reduce %gt3A_950 {dim = 0 : i64, kind = #tpu.reduction_kind<sum>} : vector<16xi1> -> vector<16xi32>
                %slice3A_952 = vector.extract_strided_slice %all_reduce_population_count3A_951 {offsets = [0], sizes = [1], strides = [1]} : vector<16xi32> to vector<1xi32>
                %squeeze3A_953 = vector.extract %slice3A_952[0] : i32 from vector<1xi32>
                %swap3A_954 = arith.constant 0 : index
                %swap3A_955 = tpu.vector_load %arg14[%swap3A_954] masked %gt3A_950 {strides = array<i32>} : memref<416xf32, #tpu.memory_space<vmem>>, vector<16xf32>, vector<16xi1>
                tpu.vector_store %arg14[%swap3A_954], %get3A_941 masked %gt3A_950 {strides = array<i32>} : memref<416xf32, #tpu.memory_space<vmem>>, vector<16xf32>, vector<16xi1>
                %swap3A_956 = arith.constant 0 : index
                %swap3A_957 = tpu.vector_load %arg15[%swap3A_956] masked %gt3A_950 {strides = array<i32>} : memref<416xf32, #tpu.memory_space<vmem>>, vector<16xf32>, vector<16xi1>
                tpu.vector_store %arg15[%swap3A_956], %get3A_947 masked %gt3A_950 {strides = array<i32>} : memref<416xf32, #tpu.memory_space<vmem>>, vector<16xf32>, vector<16xi1>
                %get3A_958 = arith.constant 0 : index
                %get3A_959 = tpu.vector_load %arg14[%get3A_958] {strides = array<i32>} : memref<416xf32, #tpu.memory_space<vmem>>, vector<16xf32>,
                %get3A_960 = arith.constant 0 : index
                %get3A_961 = tpu.vector_load %arg15[%get3A_960] {strides = array<i32>} : memref<416xf32, #tpu.memory_space<vmem>>, vector<16xf32>,
                %swap3A_962 = arith.constant 0 : index
                %swap3A_963 = tpu.vector_load %arg14[%swap3A_962] {strides = array<i32>} : memref<416xf32, #tpu.memory_space<vmem>>, vector<16xf32>,
                tpu.vector_store %arg14[%swap3A_962], %broadcast_in_dim3A_60 {strides = array<i32>} : memref<416xf32, #tpu.memory_space<vmem>>, vector<16xf32>,
                %gt3A_964 = arith.constant 1 : i32
                %gt3A_965 = arith.cmpi sgt, %squeeze3A_953, %gt3A_964 : i32
                %convert_element_type3A_966 = arith.extui %gt3A_965 : i1 to i32
                %cond3A_967 = arith.constant 0 : i32
                %cond3A_968 = arith.cmpi ne, %convert_element_type3A_966, %cond3A_967 : i32
                %cond3A_969:2 = scf.if %cond3A_968 -> (vector<16xf32>, vector<16xf32>) {
                  %masked_sort3A = arith.constant dense<true> : vector<16xi1>
                  %masked_sort3A_975, %masked_sort3A_976, %masked_sort3A_977 = tpu.sort %get3A_959, %get3A_961 masked %masked_sort3A {descending = true} : (vector<16xf32>, vector<16xf32>, vector<16xi1>) -> (vector<16xi1>, vector<16xf32>, vector<16xf32>)
                  scf.yield %masked_sort3A_976, %masked_sort3A_977 : vector<16xf32>, vector<16xf32>
                } else {
                  scf.yield %get3A_959, %get3A_961 : vector<16xf32>, vector<16xf32>
                }
                %gt3A_970 = arith.constant 0 : i32
                %gt3A_971 = arith.cmpi sgt, %squeeze3A_953, %gt3A_970 : i32
                %convert_element_type3A_972 = arith.extui %gt3A_971 : i1 to i32
                %cond3A_973 = arith.constant 0 : i32
                %cond3A_974 = arith.cmpi ne, %convert_element_type3A_972, %cond3A_973 : i32
                scf.if %cond3A_974 {
                  %rev3A = arith.constant 15 : i32
                  %rev3A_975 = vector.broadcast %rev3A : i32 to vector<16xi32>
                  %rev3A_976 = tpu.iota {dimensions = array<i32: 0>} : vector<16xi32>
                  %rev3A_977 = arith.subi %rev3A_975, %rev3A_976 : vector<16xi32>
                  %rev3A_978 = tpu.dynamic_gather %cond3A_969#0[%rev3A_977] in [0] : vector<16xf32>, vector<16xi32> -> vector<16xf32>
                  %rev3A_979 = arith.constant 15 : i32
                  %rev3A_980 = vector.broadcast %rev3A_979 : i32 to vector<16xi32>
                  %rev3A_981 = tpu.iota {dimensions = array<i32: 0>} : vector<16xi32>
                  %rev3A_982 = arith.subi %rev3A_980, %rev3A_981 : vector<16xi32>
                  %rev3A_983 = tpu.dynamic_gather %cond3A_969#1[%rev3A_982] in [0] : vector<16xf32>, vector<16xi32> -> vector<16xf32>
                  %get3A_984 = arith.index_cast %multiple_of3A_285 : i32 to index
                  %get3A_985 = tpu.vector_load %arg9[%get3A_984] {strides = array<i32>} : memref<128xf32, #tpu.memory_space<vmem>>, vector<16xf32>,
                  %get3A_986 = arith.index_cast %multiple_of3A_285 : i32 to index
                  %get3A_987 = tpu.vector_load %arg10[%get3A_986] {strides = array<i32>} : memref<128xf32, #tpu.memory_space<vmem>>, vector<16xf32>,
                  %gt3A_988 = arith.cmpf ogt, %rev3A_978, %get3A_985 : vector<16xf32>
                  %select_n3A_989 = arith.select %gt3A_988, %rev3A_978, %get3A_985 : vector<16xi1>, vector<16xf32>
                  %select_n3A_990 = arith.select %gt3A_988, %rev3A_983, %get3A_987 : vector<16xi1>, vector<16xf32>
                  %masked_sort3A = arith.constant dense<true> : vector<16xi1>
                  %masked_sort3A_991, %masked_sort3A_992, %masked_sort3A_993 = tpu.sort %select_n3A_989, %select_n3A_990 masked %masked_sort3A {descending = true} : (vector<16xf32>, vector<16xf32>, vector<16xi1>) -> (vector<16xi1>, vector<16xf32>, vector<16xf32>)
                  %swap3A_994 = arith.index_cast %multiple_of3A_285 : i32 to index
                  %swap3A_995 = tpu.vector_load %arg9[%swap3A_994] {strides = array<i32>} : memref<128xf32, #tpu.memory_space<vmem>>, vector<16xf32>,
                  tpu.vector_store %arg9[%swap3A_994], %masked_sort3A_992 {strides = array<i32>} : memref<128xf32, #tpu.memory_space<vmem>>, vector<16xf32>,
                  %swap3A_996 = arith.index_cast %multiple_of3A_285 : i32 to index
                  %swap3A_997 = tpu.vector_load %arg10[%swap3A_996] {strides = array<i32>} : memref<128xf32, #tpu.memory_space<vmem>>, vector<16xf32>,
                  tpu.vector_store %arg10[%swap3A_996], %masked_sort3A_993 {strides = array<i32>} : memref<128xf32, #tpu.memory_space<vmem>>, vector<16xf32>,
                  %slice3A_998 = vector.extract_strided_slice %masked_sort3A_992 {offsets = [9], sizes = [1], strides = [1]} : vector<16xf32> to vector<1xf32>
                  %squeeze3A_999 = vector.extract %slice3A_998[0] : f32 from vector<1xf32>
                  %broadcast_in_dim3A_1000 = vector.broadcast %squeeze3A_999 : f32 to vector<16xf32>
                  %swap3A_1001 = arith.index_cast %multiple_of3A_285 : i32 to index
                  %swap3A_1002 = tpu.vector_load %arg11[%swap3A_1001] {strides = array<i32>} : memref<128xf32, #tpu.memory_space<vmem>>, vector<16xf32>,
                  tpu.vector_store %arg11[%swap3A_1001], %broadcast_in_dim3A_1000 {strides = array<i32>} : memref<128xf32, #tpu.memory_space<vmem>>, vector<16xf32>,
                } else {
                }
                scf.yield %select_n3A_929, %select_n3A_935 : vector<16xi32>, vector<16xi32>
              }
            } else {
            }
            %gt3A_612 = arith.constant 0 : i32
            %gt3A_613 = arith.cmpi sgt, %squeeze3A_600, %gt3A_612 : i32
            %convert_element_type3A_614 = arith.extui %gt3A_613 : i1 to i32
            %cond3A_615 = arith.constant 0 : i32
            %cond3A_616 = arith.cmpi ne, %convert_element_type3A_614, %cond3A_615 : i32
            scf.if %cond3A_616 {
              %broadcast_in_dim3A_617 = arith.constant 0 : i32
              %broadcast_in_dim3A_618 = vector.broadcast %broadcast_in_dim3A_617 : i32 to vector<16xi32>
              %broadcast_in_dim3A_619 = arith.constant 0 : i32
              %broadcast_in_dim3A_620 = vector.broadcast %broadcast_in_dim3A_619 : i32 to vector<16xi32>
              %add3A_621 = arith.constant 0 : i32
              %add3A_622 = arith.addi %multiple_of3A_296, %add3A_621 : i32
              %get3A_623 = arith.index_cast %add3A_287 : i32 to index
              %get3A_624 = arith.index_cast %add3A_622 : i32 to index
              %get3A_625 = tpu.vector_load %arg8[%get3A_623, %get3A_624] {strides = array<i32>} : memref<8x800xf32, #tpu.memory_space<vmem>>, vector<16xf32>,
              %gt3A_626 = arith.cmpf ogt, %get3A_625, %get3A_299 : vector<16xf32>
              %all_reduce_population_count3A_627 = tpu.all_reduce %gt3A_626 {dim = 0 : i64, kind = #tpu.reduction_kind<sum>} : vector<16xi1> -> vector<16xi32>
              %eq3A_628 = arith.constant 0 : i32
              %eq3A_629 = vector.broadcast %eq3A_628 : i32 to vector<16xi32>
              %eq3A_630 = arith.cmpi eq, %iota3A, %eq3A_629 : vector<16xi32>
              %select_n3A_631 = arith.select %eq3A_630, %all_reduce_population_count3A_627, %broadcast_in_dim3A_618 : vector<16xi1>, vector<16xi32>
              %add3A_632 = arith.constant 16 : i32
              %add3A_633 = arith.addi %multiple_of3A_296, %add3A_632 : i32
              %get3A_634 = arith.index_cast %add3A_287 : i32 to index
              %get3A_635 = arith.index_cast %add3A_633 : i32 to index
              %get3A_636 = tpu.vector_load %arg8[%get3A_634, %get3A_635] {strides = array<i32>} : memref<8x800xf32, #tpu.memory_space<vmem>>, vector<16xf32>,
              %gt3A_637 = arith.cmpf ogt, %get3A_636, %get3A_299 : vector<16xf32>
              %all_reduce_population_count3A_638 = tpu.all_reduce %gt3A_637 {dim = 0 : i64, kind = #tpu.reduction_kind<sum>} : vector<16xi1> -> vector<16xi32>
              %eq3A_639 = arith.constant 1 : i32
              %eq3A_640 = vector.broadcast %eq3A_639 : i32 to vector<16xi32>
              %eq3A_641 = arith.cmpi eq, %iota3A, %eq3A_640 : vector<16xi32>
              %select_n3A_642 = arith.select %eq3A_641, %all_reduce_population_count3A_638, %select_n3A_631 : vector<16xi1>, vector<16xi32>
              %add3A_643 = arith.constant 32 : i32
              %add3A_644 = arith.addi %multiple_of3A_296, %add3A_643 : i32
              %get3A_645 = arith.index_cast %add3A_287 : i32 to index
              %get3A_646 = arith.index_cast %add3A_644 : i32 to index
              %get3A_647 = tpu.vector_load %arg8[%get3A_645, %get3A_646] {strides = array<i32>} : memref<8x800xf32, #tpu.memory_space<vmem>>, vector<16xf32>,
              %gt3A_648 = arith.cmpf ogt, %get3A_647, %get3A_299 : vector<16xf32>
              %all_reduce_population_count3A_649 = tpu.all_reduce %gt3A_648 {dim = 0 : i64, kind = #tpu.reduction_kind<sum>} : vector<16xi1> -> vector<16xi32>
              %eq3A_650 = arith.constant 2 : i32
              %eq3A_651 = vector.broadcast %eq3A_650 : i32 to vector<16xi32>
              %eq3A_652 = arith.cmpi eq, %iota3A, %eq3A_651 : vector<16xi32>
              %select_n3A_653 = arith.select %eq3A_652, %all_reduce_population_count3A_649, %select_n3A_642 : vector<16xi1>, vector<16xi32>
              %add3A_654 = arith.constant 48 : i32
              %add3A_655 = arith.addi %multiple_of3A_296, %add3A_654 : i32
              %get3A_656 = arith.index_cast %add3A_287 : i32 to index
              %get3A_657 = arith.index_cast %add3A_655 : i32 to index
              %get3A_658 = tpu.vector_load %arg8[%get3A_656, %get3A_657] {strides = array<i32>} : memref<8x800xf32, #tpu.memory_space<vmem>>, vector<16xf32>,
              %gt3A_659 = arith.cmpf ogt, %get3A_658, %get3A_299 : vector<16xf32>
              %all_reduce_population_count3A_660 = tpu.all_reduce %gt3A_659 {dim = 0 : i64, kind = #tpu.reduction_kind<sum>} : vector<16xi1> -> vector<16xi32>
              %eq3A_661 = arith.constant 3 : i32
              %eq3A_662 = vector.broadcast %eq3A_661 : i32 to vector<16xi32>
              %eq3A_663 = arith.cmpi eq, %iota3A, %eq3A_662 : vector<16xi32>
              %select_n3A_664 = arith.select %eq3A_663, %all_reduce_population_count3A_660, %select_n3A_653 : vector<16xi1>, vector<16xi32>
              %add3A_665 = arith.constant 64 : i32
              %add3A_666 = arith.addi %multiple_of3A_296, %add3A_665 : i32
              %get3A_667 = arith.index_cast %add3A_287 : i32 to index
              %get3A_668 = arith.index_cast %add3A_666 : i32 to index
              %get3A_669 = tpu.vector_load %arg8[%get3A_667, %get3A_668] {strides = array<i32>} : memref<8x800xf32, #tpu.memory_space<vmem>>, vector<16xf32>,
              %gt3A_670 = arith.cmpf ogt, %get3A_669, %get3A_299 : vector<16xf32>
              %all_reduce_population_count3A_671 = tpu.all_reduce %gt3A_670 {dim = 0 : i64, kind = #tpu.reduction_kind<sum>} : vector<16xi1> -> vector<16xi32>
              %eq3A_672 = arith.constant 4 : i32
              %eq3A_673 = vector.broadcast %eq3A_672 : i32 to vector<16xi32>
              %eq3A_674 = arith.cmpi eq, %iota3A, %eq3A_673 : vector<16xi32>
              %select_n3A_675 = arith.select %eq3A_674, %all_reduce_population_count3A_671, %select_n3A_664 : vector<16xi1>, vector<16xi32>
              %add3A_676 = arith.constant 80 : i32
              %add3A_677 = arith.addi %multiple_of3A_296, %add3A_676 : i32
              %get3A_678 = arith.index_cast %add3A_287 : i32 to index
              %get3A_679 = arith.index_cast %add3A_677 : i32 to index
              %get3A_680 = tpu.vector_load %arg8[%get3A_678, %get3A_679] {strides = array<i32>} : memref<8x800xf32, #tpu.memory_space<vmem>>, vector<16xf32>,
              %gt3A_681 = arith.cmpf ogt, %get3A_680, %get3A_299 : vector<16xf32>
              %all_reduce_population_count3A_682 = tpu.all_reduce %gt3A_681 {dim = 0 : i64, kind = #tpu.reduction_kind<sum>} : vector<16xi1> -> vector<16xi32>
              %eq3A_683 = arith.constant 5 : i32
              %eq3A_684 = vector.broadcast %eq3A_683 : i32 to vector<16xi32>
              %eq3A_685 = arith.cmpi eq, %iota3A, %eq3A_684 : vector<16xi32>
              %select_n3A_686 = arith.select %eq3A_685, %all_reduce_population_count3A_682, %select_n3A_675 : vector<16xi1>, vector<16xi32>
              %add3A_687 = arith.constant 96 : i32
              %add3A_688 = arith.addi %multiple_of3A_296, %add3A_687 : i32
              %get3A_689 = arith.index_cast %add3A_287 : i32 to index
              %get3A_690 = arith.index_cast %add3A_688 : i32 to index
              %get3A_691 = tpu.vector_load %arg8[%get3A_689, %get3A_690] {strides = array<i32>} : memref<8x800xf32, #tpu.memory_space<vmem>>, vector<16xf32>,
              %gt3A_692 = arith.cmpf ogt, %get3A_691, %get3A_299 : vector<16xf32>
              %all_reduce_population_count3A_693 = tpu.all_reduce %gt3A_692 {dim = 0 : i64, kind = #tpu.reduction_kind<sum>} : vector<16xi1> -> vector<16xi32>
              %eq3A_694 = arith.constant 6 : i32
              %eq3A_695 = vector.broadcast %eq3A_694 : i32 to vector<16xi32>
              %eq3A_696 = arith.cmpi eq, %iota3A, %eq3A_695 : vector<16xi32>
              %select_n3A_697 = arith.select %eq3A_696, %all_reduce_population_count3A_693, %select_n3A_686 : vector<16xi1>, vector<16xi32>
              %add3A_698 = arith.constant 112 : i32
              %add3A_699 = arith.addi %multiple_of3A_296, %add3A_698 : i32
              %get3A_700 = arith.index_cast %add3A_287 : i32 to index
              %get3A_701 = arith.index_cast %add3A_699 : i32 to index
              %get3A_702 = tpu.vector_load %arg8[%get3A_700, %get3A_701] {strides = array<i32>} : memref<8x800xf32, #tpu.memory_space<vmem>>, vector<16xf32>,
              %gt3A_703 = arith.cmpf ogt, %get3A_702, %get3A_299 : vector<16xf32>
              %all_reduce_population_count3A_704 = tpu.all_reduce %gt3A_703 {dim = 0 : i64, kind = #tpu.reduction_kind<sum>} : vector<16xi1> -> vector<16xi32>
              %eq3A_705 = arith.constant 7 : i32
              %eq3A_706 = vector.broadcast %eq3A_705 : i32 to vector<16xi32>
              %eq3A_707 = arith.cmpi eq, %iota3A, %eq3A_706 : vector<16xi32>
              %select_n3A_708 = arith.select %eq3A_707, %all_reduce_population_count3A_704, %select_n3A_697 : vector<16xi1>, vector<16xi32>
              %add3A_709 = arith.constant 128 : i32
              %add3A_710 = arith.addi %multiple_of3A_296, %add3A_709 : i32
              %get3A_711 = arith.index_cast %add3A_287 : i32 to index
              %get3A_712 = arith.index_cast %add3A_710 : i32 to index
              %get3A_713 = tpu.vector_load %arg8[%get3A_711, %get3A_712] {strides = array<i32>} : memref<8x800xf32, #tpu.memory_space<vmem>>, vector<16xf32>,
              %gt3A_714 = arith.cmpf ogt, %get3A_713, %get3A_299 : vector<16xf32>
              %all_reduce_population_count3A_715 = tpu.all_reduce %gt3A_714 {dim = 0 : i64, kind = #tpu.reduction_kind<sum>} : vector<16xi1> -> vector<16xi32>
              %eq3A_716 = arith.constant 8 : i32
              %eq3A_717 = vector.broadcast %eq3A_716 : i32 to vector<16xi32>
              %eq3A_718 = arith.cmpi eq, %iota3A, %eq3A_717 : vector<16xi32>
              %select_n3A_719 = arith.select %eq3A_718, %all_reduce_population_count3A_715, %select_n3A_708 : vector<16xi1>, vector<16xi32>
              %add3A_720 = arith.constant 144 : i32
              %add3A_721 = arith.addi %multiple_of3A_296, %add3A_720 : i32
              %get3A_722 = arith.index_cast %add3A_287 : i32 to index
              %get3A_723 = arith.index_cast %add3A_721 : i32 to index
              %get3A_724 = tpu.vector_load %arg8[%get3A_722, %get3A_723] {strides = array<i32>} : memref<8x800xf32, #tpu.memory_space<vmem>>, vector<16xf32>,
              %gt3A_725 = arith.cmpf ogt, %get3A_724, %get3A_299 : vector<16xf32>
              %all_reduce_population_count3A_726 = tpu.all_reduce %gt3A_725 {dim = 0 : i64, kind = #tpu.reduction_kind<sum>} : vector<16xi1> -> vector<16xi32>
              %eq3A_727 = arith.constant 9 : i32
              %eq3A_728 = vector.broadcast %eq3A_727 : i32 to vector<16xi32>
              %eq3A_729 = arith.cmpi eq, %iota3A, %eq3A_728 : vector<16xi32>
              %select_n3A_730 = arith.select %eq3A_729, %all_reduce_population_count3A_726, %select_n3A_719 : vector<16xi1>, vector<16xi32>
              %add3A_731 = arith.constant 160 : i32
              %add3A_732 = arith.addi %multiple_of3A_296, %add3A_731 : i32
              %get3A_733 = arith.index_cast %add3A_287 : i32 to index
              %get3A_734 = arith.index_cast %add3A_732 : i32 to index
              %get3A_735 = tpu.vector_load %arg8[%get3A_733, %get3A_734] {strides = array<i32>} : memref<8x800xf32, #tpu.memory_space<vmem>>, vector<16xf32>,
              %gt3A_736 = arith.cmpf ogt, %get3A_735, %get3A_299 : vector<16xf32>
              %all_reduce_population_count3A_737 = tpu.all_reduce %gt3A_736 {dim = 0 : i64, kind = #tpu.reduction_kind<sum>} : vector<16xi1> -> vector<16xi32>
              %eq3A_738 = arith.constant 10 : i32
              %eq3A_739 = vector.broadcast %eq3A_738 : i32 to vector<16xi32>
              %eq3A_740 = arith.cmpi eq, %iota3A, %eq3A_739 : vector<16xi32>
              %select_n3A_741 = arith.select %eq3A_740, %all_reduce_population_count3A_737, %select_n3A_730 : vector<16xi1>, vector<16xi32>
              %add3A_742 = arith.constant 176 : i32
              %add3A_743 = arith.addi %multiple_of3A_296, %add3A_742 : i32
              %get3A_744 = arith.index_cast %add3A_287 : i32 to index
              %get3A_745 = arith.index_cast %add3A_743 : i32 to index
              %get3A_746 = tpu.vector_load %arg8[%get3A_744, %get3A_745] {strides = array<i32>} : memref<8x800xf32, #tpu.memory_space<vmem>>, vector<16xf32>,
              %gt3A_747 = arith.cmpf ogt, %get3A_746, %get3A_299 : vector<16xf32>
              %all_reduce_population_count3A_748 = tpu.all_reduce %gt3A_747 {dim = 0 : i64, kind = #tpu.reduction_kind<sum>} : vector<16xi1> -> vector<16xi32>
              %eq3A_749 = arith.constant 11 : i32
              %eq3A_750 = vector.broadcast %eq3A_749 : i32 to vector<16xi32>
              %eq3A_751 = arith.cmpi eq, %iota3A, %eq3A_750 : vector<16xi32>
              %select_n3A_752 = arith.select %eq3A_751, %all_reduce_population_count3A_748, %select_n3A_741 : vector<16xi1>, vector<16xi32>
              %add3A_753 = arith.constant 192 : i32
              %add3A_754 = arith.addi %multiple_of3A_296, %add3A_753 : i32
              %get3A_755 = arith.index_cast %add3A_287 : i32 to index
              %get3A_756 = arith.index_cast %add3A_754 : i32 to index
              %get3A_757 = tpu.vector_load %arg8[%get3A_755, %get3A_756] {strides = array<i32>} : memref<8x800xf32, #tpu.memory_space<vmem>>, vector<16xf32>,
              %gt3A_758 = arith.cmpf ogt, %get3A_757, %get3A_299 : vector<16xf32>
              %all_reduce_population_count3A_759 = tpu.all_reduce %gt3A_758 {dim = 0 : i64, kind = #tpu.reduction_kind<sum>} : vector<16xi1> -> vector<16xi32>
              %eq3A_760 = arith.constant 12 : i32
              %eq3A_761 = vector.broadcast %eq3A_760 : i32 to vector<16xi32>
              %eq3A_762 = arith.cmpi eq, %iota3A, %eq3A_761 : vector<16xi32>
              %select_n3A_763 = arith.select %eq3A_762, %all_reduce_population_count3A_759, %select_n3A_752 : vector<16xi1>, vector<16xi32>
              %add3A_764 = arith.constant 208 : i32
              %add3A_765 = arith.addi %multiple_of3A_296, %add3A_764 : i32
              %get3A_766 = arith.index_cast %add3A_287 : i32 to index
              %get3A_767 = arith.index_cast %add3A_765 : i32 to index
              %get3A_768 = tpu.vector_load %arg8[%get3A_766, %get3A_767] {strides = array<i32>} : memref<8x800xf32, #tpu.memory_space<vmem>>, vector<16xf32>,
              %gt3A_769 = arith.cmpf ogt, %get3A_768, %get3A_299 : vector<16xf32>
              %all_reduce_population_count3A_770 = tpu.all_reduce %gt3A_769 {dim = 0 : i64, kind = #tpu.reduction_kind<sum>} : vector<16xi1> -> vector<16xi32>
              %eq3A_771 = arith.constant 13 : i32
              %eq3A_772 = vector.broadcast %eq3A_771 : i32 to vector<16xi32>
              %eq3A_773 = arith.cmpi eq, %iota3A, %eq3A_772 : vector<16xi32>
              %select_n3A_774 = arith.select %eq3A_773, %all_reduce_population_count3A_770, %select_n3A_763 : vector<16xi1>, vector<16xi32>
              %add3A_775 = arith.constant 224 : i32
              %add3A_776 = arith.addi %multiple_of3A_296, %add3A_775 : i32
              %get3A_777 = arith.index_cast %add3A_287 : i32 to index
              %get3A_778 = arith.index_cast %add3A_776 : i32 to index
              %get3A_779 = tpu.vector_load %arg8[%get3A_777, %get3A_778] {strides = array<i32>} : memref<8x800xf32, #tpu.memory_space<vmem>>, vector<16xf32>,
              %gt3A_780 = arith.cmpf ogt, %get3A_779, %get3A_299 : vector<16xf32>
              %all_reduce_population_count3A_781 = tpu.all_reduce %gt3A_780 {dim = 0 : i64, kind = #tpu.reduction_kind<sum>} : vector<16xi1> -> vector<16xi32>
              %eq3A_782 = arith.constant 14 : i32
              %eq3A_783 = vector.broadcast %eq3A_782 : i32 to vector<16xi32>
              %eq3A_784 = arith.cmpi eq, %iota3A, %eq3A_783 : vector<16xi32>
              %select_n3A_785 = arith.select %eq3A_784, %all_reduce_population_count3A_781, %select_n3A_774 : vector<16xi1>, vector<16xi32>
              %add3A_786 = arith.constant 240 : i32
              %add3A_787 = arith.addi %multiple_of3A_296, %add3A_786 : i32
              %get3A_788 = arith.index_cast %add3A_287 : i32 to index
              %get3A_789 = arith.index_cast %add3A_787 : i32 to index
              %get3A_790 = tpu.vector_load %arg8[%get3A_788, %get3A_789] {strides = array<i32>} : memref<8x800xf32, #tpu.memory_space<vmem>>, vector<16xf32>,
              %gt3A_791 = arith.cmpf ogt, %get3A_790, %get3A_299 : vector<16xf32>
              %all_reduce_population_count3A_792 = tpu.all_reduce %gt3A_791 {dim = 0 : i64, kind = #tpu.reduction_kind<sum>} : vector<16xi1> -> vector<16xi32>
              %eq3A_793 = arith.constant 15 : i32
              %eq3A_794 = vector.broadcast %eq3A_793 : i32 to vector<16xi32>
              %eq3A_795 = arith.cmpi eq, %iota3A, %eq3A_794 : vector<16xi32>
              %select_n3A_796 = arith.select %eq3A_795, %all_reduce_population_count3A_792, %select_n3A_785 : vector<16xi1>, vector<16xi32>
              %add3A_797 = arith.constant 256 : i32
              %add3A_798 = arith.addi %multiple_of3A_296, %add3A_797 : i32
              %get3A_799 = arith.index_cast %add3A_287 : i32 to index
              %get3A_800 = arith.index_cast %add3A_798 : i32 to index
              %get3A_801 = tpu.vector_load %arg8[%get3A_799, %get3A_800] {strides = array<i32>} : memref<8x800xf32, #tpu.memory_space<vmem>>, vector<16xf32>,
              %gt3A_802 = arith.cmpf ogt, %get3A_801, %get3A_299 : vector<16xf32>
              %all_reduce_population_count3A_803 = tpu.all_reduce %gt3A_802 {dim = 0 : i64, kind = #tpu.reduction_kind<sum>} : vector<16xi1> -> vector<16xi32>
              %eq3A_804 = arith.constant 0 : i32
              %eq3A_805 = vector.broadcast %eq3A_804 : i32 to vector<16xi32>
              %eq3A_806 = arith.cmpi eq, %iota3A, %eq3A_805 : vector<16xi32>
              %select_n3A_807 = arith.select %eq3A_806, %all_reduce_population_count3A_803, %broadcast_in_dim3A_620 : vector<16xi1>, vector<16xi32>
              %add3A_808 = arith.constant 272 : i32
              %add3A_809 = arith.addi %multiple_of3A_296, %add3A_808 : i32
              %get3A_810 = arith.index_cast %add3A_287 : i32 to index
              %get3A_811 = arith.index_cast %add3A_809 : i32 to index
              %get3A_812 = tpu.vector_load %arg8[%get3A_810, %get3A_811] {strides = array<i32>} : memref<8x800xf32, #tpu.memory_space<vmem>>, vector<16xf32>,
              %gt3A_813 = arith.cmpf ogt, %get3A_812, %get3A_299 : vector<16xf32>
              %all_reduce_population_count3A_814 = tpu.all_reduce %gt3A_813 {dim = 0 : i64, kind = #tpu.reduction_kind<sum>} : vector<16xi1> -> vector<16xi32>
              %eq3A_815 = arith.constant 1 : i32
              %eq3A_816 = vector.broadcast %eq3A_815 : i32 to vector<16xi32>
              %eq3A_817 = arith.cmpi eq, %iota3A, %eq3A_816 : vector<16xi32>
              %select_n3A_818 = arith.select %eq3A_817, %all_reduce_population_count3A_814, %select_n3A_807 : vector<16xi1>, vector<16xi32>
              %add3A_819 = arith.constant 288 : i32
              %add3A_820 = arith.addi %multiple_of3A_296, %add3A_819 : i32
              %get3A_821 = arith.index_cast %add3A_287 : i32 to index
              %get3A_822 = arith.index_cast %add3A_820 : i32 to index
              %get3A_823 = tpu.vector_load %arg8[%get3A_821, %get3A_822] {strides = array<i32>} : memref<8x800xf32, #tpu.memory_space<vmem>>, vector<16xf32>,
              %gt3A_824 = arith.cmpf ogt, %get3A_823, %get3A_299 : vector<16xf32>
              %all_reduce_population_count3A_825 = tpu.all_reduce %gt3A_824 {dim = 0 : i64, kind = #tpu.reduction_kind<sum>} : vector<16xi1> -> vector<16xi32>
              %eq3A_826 = arith.constant 2 : i32
              %eq3A_827 = vector.broadcast %eq3A_826 : i32 to vector<16xi32>
              %eq3A_828 = arith.cmpi eq, %iota3A, %eq3A_827 : vector<16xi32>
              %select_n3A_829 = arith.select %eq3A_828, %all_reduce_population_count3A_825, %select_n3A_818 : vector<16xi1>, vector<16xi32>
              %add3A_830 = arith.constant 304 : i32
              %add3A_831 = arith.addi %multiple_of3A_296, %add3A_830 : i32
              %get3A_832 = arith.index_cast %add3A_287 : i32 to index
              %get3A_833 = arith.index_cast %add3A_831 : i32 to index
              %get3A_834 = tpu.vector_load %arg8[%get3A_832, %get3A_833] {strides = array<i32>} : memref<8x800xf32, #tpu.memory_space<vmem>>, vector<16xf32>,
              %gt3A_835 = arith.cmpf ogt, %get3A_834, %get3A_299 : vector<16xf32>
              %all_reduce_population_count3A_836 = tpu.all_reduce %gt3A_835 {dim = 0 : i64, kind = #tpu.reduction_kind<sum>} : vector<16xi1> -> vector<16xi32>
              %eq3A_837 = arith.constant 3 : i32
              %eq3A_838 = vector.broadcast %eq3A_837 : i32 to vector<16xi32>
              %eq3A_839 = arith.cmpi eq, %iota3A, %eq3A_838 : vector<16xi32>
              %select_n3A_840 = arith.select %eq3A_839, %all_reduce_population_count3A_836, %select_n3A_829 : vector<16xi1>, vector<16xi32>
              %add3A_841 = arith.constant 320 : i32
              %add3A_842 = arith.addi %multiple_of3A_296, %add3A_841 : i32
              %get3A_843 = arith.index_cast %add3A_287 : i32 to index
              %get3A_844 = arith.index_cast %add3A_842 : i32 to index
              %get3A_845 = tpu.vector_load %arg8[%get3A_843, %get3A_844] {strides = array<i32>} : memref<8x800xf32, #tpu.memory_space<vmem>>, vector<16xf32>,
              %gt3A_846 = arith.cmpf ogt, %get3A_845, %get3A_299 : vector<16xf32>
              %all_reduce_population_count3A_847 = tpu.all_reduce %gt3A_846 {dim = 0 : i64, kind = #tpu.reduction_kind<sum>} : vector<16xi1> -> vector<16xi32>
              %eq3A_848 = arith.constant 4 : i32
              %eq3A_849 = vector.broadcast %eq3A_848 : i32 to vector<16xi32>
              %eq3A_850 = arith.cmpi eq, %iota3A, %eq3A_849 : vector<16xi32>
              %select_n3A_851 = arith.select %eq3A_850, %all_reduce_population_count3A_847, %select_n3A_840 : vector<16xi1>, vector<16xi32>
              %add3A_852 = arith.constant 336 : i32
              %add3A_853 = arith.addi %multiple_of3A_296, %add3A_852 : i32
              %get3A_854 = arith.index_cast %add3A_287 : i32 to index
              %get3A_855 = arith.index_cast %add3A_853 : i32 to index
              %get3A_856 = tpu.vector_load %arg8[%get3A_854, %get3A_855] {strides = array<i32>} : memref<8x800xf32, #tpu.memory_space<vmem>>, vector<16xf32>,
              %gt3A_857 = arith.cmpf ogt, %get3A_856, %get3A_299 : vector<16xf32>
              %all_reduce_population_count3A_858 = tpu.all_reduce %gt3A_857 {dim = 0 : i64, kind = #tpu.reduction_kind<sum>} : vector<16xi1> -> vector<16xi32>
              %eq3A_859 = arith.constant 5 : i32
              %eq3A_860 = vector.broadcast %eq3A_859 : i32 to vector<16xi32>
              %eq3A_861 = arith.cmpi eq, %iota3A, %eq3A_860 : vector<16xi32>
              %select_n3A_862 = arith.select %eq3A_861, %all_reduce_population_count3A_858, %select_n3A_851 : vector<16xi1>, vector<16xi32>
              %add3A_863 = arith.constant 352 : i32
              %add3A_864 = arith.addi %multiple_of3A_296, %add3A_863 : i32
              %get3A_865 = arith.index_cast %add3A_287 : i32 to index
              %get3A_866 = arith.index_cast %add3A_864 : i32 to index
              %get3A_867 = tpu.vector_load %arg8[%get3A_865, %get3A_866] {strides = array<i32>} : memref<8x800xf32, #tpu.memory_space<vmem>>, vector<16xf32>,
              %gt3A_868 = arith.cmpf ogt, %get3A_867, %get3A_299 : vector<16xf32>
              %all_reduce_population_count3A_869 = tpu.all_reduce %gt3A_868 {dim = 0 : i64, kind = #tpu.reduction_kind<sum>} : vector<16xi1> -> vector<16xi32>
              %eq3A_870 = arith.constant 6 : i32
              %eq3A_871 = vector.broadcast %eq3A_870 : i32 to vector<16xi32>
              %eq3A_872 = arith.cmpi eq, %iota3A, %eq3A_871 : vector<16xi32>
              %select_n3A_873 = arith.select %eq3A_872, %all_reduce_population_count3A_869, %select_n3A_862 : vector<16xi1>, vector<16xi32>
              %add3A_874 = arith.constant 368 : i32
              %add3A_875 = arith.addi %multiple_of3A_296, %add3A_874 : i32
              %get3A_876 = arith.index_cast %add3A_287 : i32 to index
              %get3A_877 = arith.index_cast %add3A_875 : i32 to index
              %get3A_878 = tpu.vector_load %arg8[%get3A_876, %get3A_877] {strides = array<i32>} : memref<8x800xf32, #tpu.memory_space<vmem>>, vector<16xf32>,
              %gt3A_879 = arith.cmpf ogt, %get3A_878, %get3A_299 : vector<16xf32>
              %all_reduce_population_count3A_880 = tpu.all_reduce %gt3A_879 {dim = 0 : i64, kind = #tpu.reduction_kind<sum>} : vector<16xi1> -> vector<16xi32>
              %eq3A_881 = arith.constant 7 : i32
              %eq3A_882 = vector.broadcast %eq3A_881 : i32 to vector<16xi32>
              %eq3A_883 = arith.cmpi eq, %iota3A, %eq3A_882 : vector<16xi32>
              %select_n3A_884 = arith.select %eq3A_883, %all_reduce_population_count3A_880, %select_n3A_873 : vector<16xi1>, vector<16xi32>
              %add3A_885 = arith.constant 384 : i32
              %add3A_886 = arith.addi %multiple_of3A_296, %add3A_885 : i32
              %get3A_887 = arith.index_cast %add3A_287 : i32 to index
              %get3A_888 = arith.index_cast %add3A_886 : i32 to index
              %get3A_889 = tpu.vector_load %arg8[%get3A_887, %get3A_888] {strides = array<i32>} : memref<8x800xf32, #tpu.memory_space<vmem>>, vector<16xf32>,
              %gt3A_890 = arith.cmpf ogt, %get3A_889, %get3A_299 : vector<16xf32>
              %all_reduce_population_count3A_891 = tpu.all_reduce %gt3A_890 {dim = 0 : i64, kind = #tpu.reduction_kind<sum>} : vector<16xi1> -> vector<16xi32>
              %eq3A_892 = arith.constant 8 : i32
              %eq3A_893 = vector.broadcast %eq3A_892 : i32 to vector<16xi32>
              %eq3A_894 = arith.cmpi eq, %iota3A, %eq3A_893 : vector<16xi32>
              %select_n3A_895 = arith.select %eq3A_894, %all_reduce_population_count3A_891, %select_n3A_884 : vector<16xi1>, vector<16xi32>
              %while3A:2 = scf.while (%while3A_896 = %select_n3A_796, %while3A_897 = %select_n3A_895) : (vector<16xi32>, vector<16xi32>) -> (vector<16xi32>, vector<16xi32>) {
                %gt3A_898 = arith.constant 0 : i32
                %gt3A_899 = vector.broadcast %gt3A_898 : i32 to vector<16xi32>
                %gt3A_900 = arith.cmpi sgt, %while3A_896, %gt3A_899 : vector<16xi32>
                %reduce_or3A = arith.constant 1.000000e+00 : f32
                %reduce_or3A_901 = arith.constant 0.000000e+00 : f32
                %reduce_or3A_902 = vector.broadcast %reduce_or3A : f32 to vector<16xf32>
                %reduce_or3A_903 = vector.broadcast %reduce_or3A_901 : f32 to vector<16xf32>
                %reduce_or3A_904 = arith.select %gt3A_900, %reduce_or3A_902, %reduce_or3A_903 : vector<16xi1>, vector<16xf32>
                %reduce_or3A_905 = arith.constant true
                %reduce_or3A_906 = vector.broadcast %reduce_or3A_905 : i1 to vector<16xi1>
                %reduce_or3A_907 = tpu.scan <max>, %reduce_or3A_904 masked %reduce_or3A_906 : vector<16xf32>, vector<16xi1> -> vector<16xf32>
                %reduce_or3A_908 = vector.extract %reduce_or3A_907[15] : f32 from vector<16xf32>
                %reduce_or3A_909 = arith.constant 0.000000e+00 : f32
                %reduce_or3A_910 = arith.cmpf ogt, %reduce_or3A_908, %reduce_or3A_909 : f32
                %gt3A_911 = arith.constant 0 : i32
                %gt3A_912 = vector.broadcast %gt3A_911 : i32 to vector<16xi32>
                %gt3A_913 = arith.cmpi sgt, %while3A_897, %gt3A_912 : vector<16xi32>
                %reduce_or3A_914 = arith.constant 1.000000e+00 : f32
                %reduce_or3A_915 = arith.constant 0.000000e+00 : f32
                %reduce_or3A_916 = vector.broadcast %reduce_or3A_914 : f32 to vector<16xf32>
                %reduce_or3A_917 = vector.broadcast %reduce_or3A_915 : f32 to vector<16xf32>
                %reduce_or3A_918 = arith.select %gt3A_913, %reduce_or3A_916, %reduce_or3A_917 : vector<16xi1>, vector<16xf32>
                %reduce_or3A_919 = arith.constant true
                %reduce_or3A_920 = vector.broadcast %reduce_or3A_919 : i1 to vector<16xi1>
                %reduce_or3A_921 = tpu.scan <max>, %reduce_or3A_918 masked %reduce_or3A_920 : vector<16xf32>, vector<16xi1> -> vector<16xf32>
                %reduce_or3A_922 = vector.extract %reduce_or3A_921[15] : f32 from vector<16xf32>
                %reduce_or3A_923 = arith.constant 0.000000e+00 : f32
                %reduce_or3A_924 = arith.cmpf ogt, %reduce_or3A_922, %reduce_or3A_923 : f32
                %or3A = arith.ori %reduce_or3A_910, %reduce_or3A_924 : i1
                scf.condition(%or3A) %while3A_896, %while3A_897 : vector<16xi32>, vector<16xi32>
              } do {
              ^bb0(%while3A_896: vector<16xi32>, %while3A_897: vector<16xi32>):
                %gt3A_898 = arith.constant 0 : i32
                %gt3A_899 = vector.broadcast %gt3A_898 : i32 to vector<16xi32>
                %gt3A_900 = arith.cmpi sgt, %while3A_896, %gt3A_899 : vector<16xi32>
                %reduce_or3A = arith.constant 1.000000e+00 : f32
                %reduce_or3A_901 = arith.constant 0.000000e+00 : f32
                %reduce_or3A_902 = vector.broadcast %reduce_or3A : f32 to vector<16xf32>
                %reduce_or3A_903 = vector.broadcast %reduce_or3A_901 : f32 to vector<16xf32>
                %reduce_or3A_904 = arith.select %gt3A_900, %reduce_or3A_902, %reduce_or3A_903 : vector<16xi1>, vector<16xf32>
                %reduce_or3A_905 = arith.constant true
                %reduce_or3A_906 = vector.broadcast %reduce_or3A_905 : i1 to vector<16xi1>
                %reduce_or3A_907 = tpu.scan <max>, %reduce_or3A_904 masked %reduce_or3A_906 : vector<16xf32>, vector<16xi1> -> vector<16xf32>
                %reduce_or3A_908 = vector.extract %reduce_or3A_907[15] : f32 from vector<16xf32>
                %reduce_or3A_909 = arith.constant 0.000000e+00 : f32
                %reduce_or3A_910 = arith.cmpf ogt, %reduce_or3A_908, %reduce_or3A_909 : f32
                %gt3A_911 = arith.constant 0 : i32
                %gt3A_912 = vector.broadcast %gt3A_911 : i32 to vector<16xi32>
                %gt3A_913 = arith.cmpi sgt, %while3A_896, %gt3A_912 : vector<16xi32>
                %all_reduce_ffs3A = tpu.all_reduce %gt3A_913 {dim = 0 : i64, kind = #tpu.reduction_kind<find_first_set>} : vector<16xi1> -> vector<16xi32>
                %slice3A_914 = vector.extract_strided_slice %all_reduce_ffs3A {offsets = [0], sizes = [1], strides = [1]} : vector<16xi32> to vector<1xi32>
                %squeeze3A_915 = vector.extract %slice3A_914[0] : i32 from vector<1xi32>
                %gt3A_916 = arith.constant 0 : i32
                %gt3A_917 = vector.broadcast %gt3A_916 : i32 to vector<16xi32>
                %gt3A_918 = arith.cmpi sgt, %while3A_897, %gt3A_917 : vector<16xi32>
                %all_reduce_ffs3A_919 = tpu.all_reduce %gt3A_918 {dim = 0 : i64, kind = #tpu.reduction_kind<find_first_set>} : vector<16xi1> -> vector<16xi32>
                %slice3A_920 = vector.extract_strided_slice %all_reduce_ffs3A_919 {offsets = [0], sizes = [1], strides = [1]} : vector<16xi32> to vector<1xi32>
                %squeeze3A_921 = vector.extract %slice3A_920[0] : i32 from vector<1xi32>
                %add3A_922 = arith.constant 16 : i32
                %add3A_923 = arith.addi %squeeze3A_921, %add3A_922 : i32
                %select_n3A_924 = arith.select %reduce_or3A_910, %squeeze3A_915, %add3A_923 : i32
                %eq3A_925 = vector.broadcast %select_n3A_924 : i32 to vector<16xi32>
                %eq3A_926 = arith.cmpi eq, %iota3A, %eq3A_925 : vector<16xi32>
                %jit3A_927 = arith.constant 0 : i32
                %broadcast_in_dim3A_928 = vector.broadcast %jit3A_927 : i32 to vector<16xi32>
                %select_n3A_929 = arith.select %eq3A_926, %broadcast_in_dim3A_928, %while3A_896 : vector<16xi1>, vector<16xi32>
                %sub3A = arith.constant 16 : i32
                %sub3A_930 = arith.subi %select_n3A_924, %sub3A : i32
                %eq3A_931 = vector.broadcast %sub3A_930 : i32 to vector<16xi32>
                %eq3A_932 = arith.cmpi eq, %iota3A, %eq3A_931 : vector<16xi32>
                %jit3A_933 = arith.constant 0 : i32
                %broadcast_in_dim3A_934 = vector.broadcast %jit3A_933 : i32 to vector<16xi32>
                %select_n3A_935 = arith.select %eq3A_932, %broadcast_in_dim3A_934, %while3A_897 : vector<16xi1>, vector<16xi32>
                %mul3A_936 = arith.constant 16 : i32
                %mul3A_937 = arith.muli %mul3A_936, %select_n3A_924 : i32
                %add3A_938 = arith.addi %multiple_of3A_296, %mul3A_937 : i32
                %get3A_939 = arith.index_cast %add3A_287 : i32 to index
                %get3A_940 = arith.index_cast %add3A_938 : i32 to index
                %get3A_941 = tpu.vector_load %arg8[%get3A_939, %get3A_940] {strides = array<i32>} : memref<8x800xf32, #tpu.memory_space<vmem>>, vector<16xf32>,
                %get3A_942 = arith.index_cast %multiple_of3A_285 : i32 to index
                %get3A_943 = tpu.vector_load %arg13[%get3A_942] {strides = array<i32>} : memref<128xf32, #tpu.memory_space<vmem>>, vector<16xf32>,
                %gt3A_944 = arith.cmpf ogt, %get3A_941, %get3A_943 : vector<16xf32>
                %all_reduce_population_count3A_945 = tpu.all_reduce %gt3A_944 {dim = 0 : i64, kind = #tpu.reduction_kind<sum>} : vector<16xi1> -> vector<16xi32>
                %slice3A_946 = vector.extract_strided_slice %all_reduce_population_count3A_945 {offsets = [0], sizes = [1], strides = [1]} : vector<16xi32> to vector<1xi32>
                %squeeze3A_947 = vector.extract %slice3A_946[0] : i32 from vector<1xi32>
                %swap3A_948 = arith.constant 0 : index
                %swap3A_949 = tpu.vector_load %arg14[%swap3A_948] masked %gt3A_944 {strides = array<i32>} : memref<416xf32, #tpu.memory_space<vmem>>, vector<16xf32>, vector<16xi1>
                tpu.vector_store %arg14[%swap3A_948], %get3A_941 masked %gt3A_944 {strides = array<i32>} : memref<416xf32, #tpu.memory_space<vmem>>, vector<16xf32>, vector<16xi1>
                %get3A_950 = arith.constant 0 : index
                %get3A_951 = tpu.vector_load %arg14[%get3A_950] {strides = array<i32>} : memref<416xf32, #tpu.memory_space<vmem>>, vector<16xf32>,
                %swap3A_952 = arith.constant 0 : index
                %swap3A_953 = tpu.vector_load %arg14[%swap3A_952] {strides = array<i32>} : memref<416xf32, #tpu.memory_space<vmem>>, vector<16xf32>,
                tpu.vector_store %arg14[%swap3A_952], %broadcast_in_dim3A_60 {strides = array<i32>} : memref<416xf32, #tpu.memory_space<vmem>>, vector<16xf32>,
                %gt3A_954 = arith.constant 1 : i32
                %gt3A_955 = arith.cmpi sgt, %squeeze3A_947, %gt3A_954 : i32
                %convert_element_type3A_956 = arith.extui %gt3A_955 : i1 to i32
                %cond3A_957 = arith.constant 0 : i32
                %cond3A_958 = arith.cmpi ne, %convert_element_type3A_956, %cond3A_957 : i32
                %cond3A_959 = scf.if %cond3A_958 -> (vector<16xf32>) {
                  %masked_sort3A = arith.constant dense<true> : vector<16xi1>
                  %masked_sort3A_965, %masked_sort3A_966, %masked_sort3A_967 = tpu.sort %get3A_951, %get3A_951 masked %masked_sort3A {descending = true} : (vector<16xf32>, vector<16xf32>, vector<16xi1>) -> (vector<16xi1>, vector<16xf32>, vector<16xf32>)
                  scf.yield %masked_sort3A_966 : vector<16xf32>
                } else {
                  scf.yield %get3A_951 : vector<16xf32>
                }
                %gt3A_960 = arith.constant 0 : i32
                %gt3A_961 = arith.cmpi sgt, %squeeze3A_947, %gt3A_960 : i32
                %convert_element_type3A_962 = arith.extui %gt3A_961 : i1 to i32
                %cond3A_963 = arith.constant 0 : i32
                %cond3A_964 = arith.cmpi ne, %convert_element_type3A_962, %cond3A_963 : i32
                scf.if %cond3A_964 {
                  %rev3A = arith.constant 15 : i32
                  %rev3A_965 = vector.broadcast %rev3A : i32 to vector<16xi32>
                  %rev3A_966 = tpu.iota {dimensions = array<i32: 0>} : vector<16xi32>
                  %rev3A_967 = arith.subi %rev3A_965, %rev3A_966 : vector<16xi32>
                  %rev3A_968 = tpu.dynamic_gather %cond3A_959[%rev3A_967] in [0] : vector<16xf32>, vector<16xi32> -> vector<16xf32>
                  %get3A_969 = arith.index_cast %multiple_of3A_285 : i32 to index
                  %get3A_970 = tpu.vector_load %arg12[%get3A_969] {strides = array<i32>} : memref<128xf32, #tpu.memory_space<vmem>>, vector<16xf32>,
                  %gt3A_971 = arith.cmpf ogt, %rev3A_968, %get3A_970 : vector<16xf32>
                  %select_n3A_972 = arith.select %gt3A_971, %rev3A_968, %get3A_970 : vector<16xi1>, vector<16xf32>
                  %masked_sort3A = arith.constant dense<true> : vector<16xi1>
                  %masked_sort3A_973, %masked_sort3A_974, %masked_sort3A_975 = tpu.sort %select_n3A_972, %select_n3A_972 masked %masked_sort3A {descending = true} : (vector<16xf32>, vector<16xf32>, vector<16xi1>) -> (vector<16xi1>, vector<16xf32>, vector<16xf32>)
                  %swap3A_976 = arith.index_cast %multiple_of3A_285 : i32 to index
                  %swap3A_977 = tpu.vector_load %arg12[%swap3A_976] {strides = array<i32>} : memref<128xf32, #tpu.memory_space<vmem>>, vector<16xf32>,
                  tpu.vector_store %arg12[%swap3A_976], %masked_sort3A_974 {strides = array<i32>} : memref<128xf32, #tpu.memory_space<vmem>>, vector<16xf32>,
                  %slice3A_978 = vector.extract_strided_slice %masked_sort3A_974 {offsets = [9], sizes = [1], strides = [1]} : vector<16xf32> to vector<1xf32>
                  %squeeze3A_979 = vector.extract %slice3A_978[0] : f32 from vector<1xf32>
                  %broadcast_in_dim3A_980 = vector.broadcast %squeeze3A_979 : f32 to vector<16xf32>
                  %swap3A_981 = arith.index_cast %multiple_of3A_285 : i32 to index
                  %swap3A_982 = tpu.vector_load %arg13[%swap3A_981] {strides = array<i32>} : memref<128xf32, #tpu.memory_space<vmem>>, vector<16xf32>,
                  tpu.vector_store %arg13[%swap3A_981], %broadcast_in_dim3A_980 {strides = array<i32>} : memref<128xf32, #tpu.memory_space<vmem>>, vector<16xf32>,
                } else {
                }
                scf.yield %select_n3A_929, %select_n3A_935 : vector<16xi32>, vector<16xi32>
              }
            } else {
            }
          } else {
          }
        }
        %scan3A_292 = arith.constant 2 : i32
      }
      %scan3A_275 = arith.constant 8 : i32
      %scan3A_276 = arith.constant 0 : i32
      %scan3A_277 = arith.constant 0 : i32
      %scan3A_278 = arith.constant 8 : i32
      %scan3A_279 = arith.addi %scan3A_277, %scan3A_278 : i32
      %scan3A_280 = arith.constant 1 : i32
      scf.for %scan3A_282 = %scan3A_277 to %scan3A_279 step %scan3A_280  : i32 {
        %mul3A_283 = arith.constant 16 : i32
        %mul3A_284 = arith.muli %scan3A_282, %mul3A_283 : i32
        %multiple_of3A_285 = tpu.assume_multiple %mul3A_284, 16 : i32
        %lt3A_286 = arith.constant 10 : i32
        %lt3A_287 = vector.broadcast %lt3A_286 : i32 to vector<16xi32>
        %lt3A_288 = arith.cmpi slt, %iota3A, %lt3A_287 : vector<16xi32>
        %get3A = arith.index_cast %multiple_of3A_285 : i32 to index
        %get3A_289 = tpu.vector_load %arg10[%get3A] {strides = array<i32>} : memref<128xf32, #tpu.memory_space<vmem>>, vector<16xf32>,
        %mul3A_290 = arith.mulf %get3A_289, %select_n3A_58 : vector<16xf32>
        %jit3A_291 = arith.constant 0.000000e+00 : f32
        %broadcast_in_dim3A_292 = vector.broadcast %jit3A_291 : f32 to vector<16xf32>
        %select_n3A_293 = arith.select %lt3A_288, %mul3A_290, %broadcast_in_dim3A_292 : vector<16xi1>, vector<16xf32>
        %reduce_sum3A = arith.constant true
        %reduce_sum3A_294 = vector.broadcast %reduce_sum3A : i1 to vector<16xi1>
        %reduce_sum3A_295 = tpu.scan <sum>, %select_n3A_293 masked %reduce_sum3A_294 : vector<16xf32>, vector<16xi1> -> vector<16xf32>
        %reduce_sum3A_296 = vector.extract %reduce_sum3A_295[15] : f32 from vector<16xf32>
        %lt3A_297 = arith.constant 10 : i32
        %lt3A_298 = vector.broadcast %lt3A_297 : i32 to vector<16xi32>
        %lt3A_299 = arith.cmpi slt, %iota3A, %lt3A_298 : vector<16xi32>
        %get3A_300 = arith.index_cast %multiple_of3A_285 : i32 to index
        %get3A_301 = tpu.vector_load %arg12[%get3A_300] {strides = array<i32>} : memref<128xf32, #tpu.memory_space<vmem>>, vector<16xf32>,
        %mul3A_302 = arith.mulf %get3A_301, %select_n3A_58 : vector<16xf32>
        %jit3A_303 = arith.constant 0.000000e+00 : f32
        %broadcast_in_dim3A_304 = vector.broadcast %jit3A_303 : f32 to vector<16xf32>
        %select_n3A_305 = arith.select %lt3A_299, %mul3A_302, %broadcast_in_dim3A_304 : vector<16xi1>, vector<16xf32>
        %reduce_sum3A_306 = arith.constant true
        %reduce_sum3A_307 = vector.broadcast %reduce_sum3A_306 : i1 to vector<16xi1>
        %reduce_sum3A_308 = tpu.scan <sum>, %select_n3A_305 masked %reduce_sum3A_307 : vector<16xf32>, vector<16xi1> -> vector<16xf32>
        %reduce_sum3A_309 = vector.extract %reduce_sum3A_308[15] : f32 from vector<16xf32>
        %broadcast_in_dim3A_310 = vector.broadcast %reduce_sum3A_296 : f32 to vector<16xf32>
        %broadcast_in_dim3A_311 = vector.broadcast %reduce_sum3A_309 : f32 to vector<16xf32>
        %add3A_312 = arith.constant 9.99999993E-9 : f32
        %add3A_313 = vector.broadcast %add3A_312 : f32 to vector<16xf32>
        %add3A_314 = arith.addf %broadcast_in_dim3A_311, %add3A_313 : vector<16xf32>
        %div3A = arith.divf %broadcast_in_dim3A_310, %add3A_314 : vector<16xf32>
        %mul3A_315 = arith.constant 8 : i32
        %mul3A_316 = arith.muli %scan3A_140, %mul3A_315 : i32
        %add3A_317 = arith.addi %mul3A_316, %scan3A_282 : i32
        %broadcast_in_dim3A_318 = vector.broadcast %add3A_317 : i32 to vector<16xi32>
        %eq3A_319 = arith.constant 0 : i32
        %eq3A_320 = vector.broadcast %eq3A_319 : i32 to vector<16xi32>
        %eq3A_321 = arith.cmpi eq, %iota3A, %eq3A_320 : vector<16xi32>
        tpu.vector_store_idx %arg16[%broadcast_in_dim3A_318], %div3A masked %eq3A_321 : memref<32xf32, #tpu.memory_space<vmem>>[vector<16xi32>], vector<16xf32>, vector<16xi1>
      }
      %scan3A_281 = arith.constant 8 : i32
    }
    %scan3A_139 = arith.constant 4 : i32
    "tpu.region"() ({
      %run_scoped3A = tpu.sem_alloc : memref<!tpu.dma_semaphore, #tpu.memory_space<semaphore_mem>>
      %dma_start3A_140 = tpu.memref_slice %arg4[%mul3A_62] : memref<1024xf32, #tpu.memory_space<hbm>> -> memref<32xf32, #tpu.memory_space<hbm>>
      %dma_start3A_141 = tpu.memref_slice %arg4[%mul3A_62] : memref<1024xf32, #tpu.memory_space<hbm>> -> memref<32xf32, #tpu.memory_space<hbm>>
      tpu.enqueue_dma source(%arg16 : memref<32xf32, #tpu.memory_space<vmem>>) target(%dma_start3A_141 : memref<32xf32, #tpu.memory_space<hbm>>) target_semaphore(%run_scoped3A : memref<!tpu.dma_semaphore, #tpu.memory_space<semaphore_mem>>)
      %dma_wait3A = tpu.memref_slice %arg4[%mul3A_62] : memref<1024xf32, #tpu.memory_space<hbm>> -> memref<32xf32, #tpu.memory_space<hbm>>
      %dma_wait3A_142 = tpu.memref_slice %arg4[%mul3A_62] : memref<1024xf32, #tpu.memory_space<hbm>> -> memref<32xf32, #tpu.memory_space<hbm>>
      tpu.wait_dma2 semaphore(%run_scoped3A : memref<!tpu.dma_semaphore, #tpu.memory_space<semaphore_mem>>) src(%arg16 : memref<32xf32, #tpu.memory_space<vmem>>) dst(%dma_wait3A_142 : memref<32xf32, #tpu.memory_space<hbm>>)
      tpu.yield
    }) : () -> ()
    return
  }
}

</mosaic_0001>

<sc_bundles>
// kernel: kernel.3.cloned.1.call-start
scs
__scs_entry_jumppad:
0x0: {  	(pc) =	sbr.rel $0x88, $3  }
0x1: {  	(tag) =	ssettag $0x0;
	lr =	simm.s32 $0x1  }
0x2: {  	[smem:$0x3F9F] =	sst lr;
	_ =	strace $0xD0000000  }
0x3: {  	_ = 	snop  }
0x4: {  	_ = 	snop  }
0x5: {  	_ = 	snop  }
0x6: {  	_ = 	snop  }
0x7: {  	_ = 	snop  }
__scs_overlays_trampoline_lowered:
0x8: {  	[smem:$0x3FAE] =	sst s0  }
0x9: {  	[smem:$0x3FAF] =	sst s1  }
0xa: {  	[smem:$0x3FB0] =	sst s2  }
0xb: {  	[smem:$0x3FB1] =	sst s3  }
0xc: {  	[smem:$0x3FB2] =	sst s4  }
0xd: {  	[smem:$0x3FB3] =	sst s5  }
0xe: {  	[smem:$0x3FB4] =	sst s6  }
0xf: {  	[smem:$0x3FB5] =	sst s7  }
0x10: {  	[smem:$0x3FB6] =	sst s8  }
0x11: {  	[smem:$0x3FB7] =	sst s9;
	s0 =	simm.s32 @!p0 $0x0  }
0x12: {  	s1 =	sld [smem:$0x3F9D];
	s0 =	simm.s32 @p0 $0x1  }
0x13: {  	[smem:$0x3FB8] =	sst s0;
	s0 =	simm.s32 @!p1 $0x0  }
0x14: {  	s2 =	sld [smem:$0x3F9C];
	s0 =	simm.s32 @p1 $0x1  }
0x15: {  	[smem:$0x3FB9] =	sst s0;
	s0 =	simm.s32 @!p2 $0x0  }
0x16: {  	s3 =	sld [smem:$0x3FDB];
	s0 =	simm.s32 @p2 $0x1  }
0x17: {  	s4 =	simm.s32 $0x1BF5;
	[smem:$0x3FBB] =	sst s0  }
0x18: {  	s0 =	sld [smem:$0x3F9E];
	_ =	swait.ge [sflag:s4], $0x0  }
0x19: {  	s7 =	sld [smem:$0x3F9F]  }
0x1a: {  	s8 =	sadd.s32 $0xFFFFE003, lr  }
0x1b: {  	s9 =	sadd.s32 $0xFFFFFEF7, lr;
	s5 =	simm.s32 $0xFFFFFFFF;
	p2 =	slt.u32 s8, $0xFFFFF086  }
0x1c: {  	p1 =	slt.u32 s9, $0xF7A;
	s5 =	simm.s32 @!p2 $0x0  }
0x1d: {  	s5 =	simm.s32 @p1 $0x1;
	p0 =	seq.s32 s7, s2  }
0x1e: {  	s7 =	smul.u32 @!p0 $0xF7A, s2;
	p2 =	seq.s32 @!p0 s5, $0x0  }
0x1f: {  	s9 =	smul.u32 $0xF7A, s1;
	s8 =	simm.s32 @!p0 $0x1BF5;
	p2 =	por !p2, p0  }
0x20: {  	[sflag:s8] =	ssyncset.s32 @!p0 $0xFFFFF086;
	s6 =	sadd.s32 @!p0 s3, s7;
	s7 =	simm.s32 @!p0 $0x108  }
0x21: {  	s3 =	sadd.s32 s3, s9;
	s6 =	sadd.s32 @!p0 $0x88, s6;
	s7 =	simm.s32 @p2 $0x1082  }
0x22: {  	[simem:s7], [sflag:s8] =	dma.local @!p0 [hbm:s6], $0xF7A  }
0x23: {  	s9 =	sor.u32 $0xD0000000, s2;
	s6 =	simm.s32 $0x108;
	_ =	swait.ge @!p0 [sflag:s8], $0x0  }
0x24: {  	s3 =	sadd.s32 $0x88, s3;
	s6 =	simm.s32 @!p1 $0x1082;
	[sflag:s4] =	ssyncset.s32 $0xFFFFF086  }
0x25: {  	[simem:s6], [sflag:s4] =	dma.local [hbm:s3], $0xF7A  }
0x26: {  	[smem:$0x3F9F] =	sst s1;
	(tag) =	ssettag s2;
	_ =	strace s9  }
0x27: {  	s1 =	sld [smem:$0x3FAF]  }
0x28: {  	s2 =	sld [smem:$0x3FB0]  }
0x29: {  	s4 =	sld [smem:$0x3FB2]  }
0x2a: {  	p0 =	seq.s32 s5, $0x0;
	s5 =	sld [smem:$0x3FB3]  }
0x2b: {  	s6 =	sld [smem:$0x3FB4]  }
0x2c: {  	s7 =	sld [smem:$0x3FB5]  }
0x2d: {  	s3 =	simm.s32 $0x108;
	s8 =	sld [smem:$0x3FB6]  }
0x2e: {  	s3 =	simm.s32 @!p0 $0x1082;
	s9 =	sld [smem:$0x3FB7]  }
0x2f: {  	lr =	sadd.s32 s0, s3;
	s0 =	sld [smem:$0x3FAE]  }
0x30: {  	s3 =	sld [smem:$0x3FB1]  }
0x31: {  	[smem:$0x3FBA] =	sst s10  }
0x32: {  	s10 =	sld [smem:$0x3FB8];
	_ =	sdelay $0x3  }
0x33: {  	p0 =	seq.s32 s10, $0x1;
	s10 =	sld [smem:$0x3FBA];
	_ =	sdelay $0x3  }
0x34: {  	[smem:$0x3FBA] =	sst s10  }
0x35: {  	s10 =	sld [smem:$0x3FB9];
	_ =	sdelay $0x3  }
0x36: {  	p1 =	seq.s32 s10, $0x1;
	s10 =	sld [smem:$0x3FBA];
	_ =	sdelay $0x3  }
0x37: {  	[smem:$0x3FBA] =	sst s10  }
0x38: {  	s10 =	sld [smem:$0x3FBB]  }
0x39: {  	_ = 	snop;
	(pc) =	sbr.ind lr, $3  }
0x3a: {  	_ = 	snop  }
0x3b: {  	_ = 	snop  }
0x3c: {  	p2 =	seq.s32 s10, $0x1;
	s10 =	sld [smem:$0x3FBA]  }
0x3d: {  	_ =	shalt  }
0x3e: {  	_ =	shalt  }
0x3f: {  	_ =	shalt  }
0x40: {  	_ =	shalt  }
0x41: {  	_ =	shalt  }
0x42: {  	_ =	shalt  }
0x43: {  	_ =	shalt  }
0x44: {  	_ =	shalt  }
0x45: {  	_ =	shalt  }
0x46: {  	_ =	shalt  }
0x47: {  	_ =	shalt  }
0x48: {  	_ =	shalt  }
0x49: {  	_ =	shalt  }
0x4a: {  	_ =	shalt  }
0x4b: {  	_ =	shalt  }
0x4c: {  	_ =	shalt  }
0x4d: {  	_ =	shalt  }
0x4e: {  	_ =	shalt  }
0x4f: {  	_ =	shalt  }
0x50: {  	_ =	shalt  }
0x51: {  	_ =	shalt  }
0x52: {  	_ =	shalt  }
0x53: {  	_ =	shalt  }
0x54: {  	_ =	shalt  }
0x55: {  	_ =	shalt  }
0x56: {  	_ =	shalt  }
0x57: {  	_ =	shalt  }
0x58: {  	_ =	shalt  }
0x59: {  	_ =	shalt  }
0x5a: {  	_ =	shalt  }
0x5b: {  	_ =	shalt  }
0x5c: {  	_ =	shalt  }
0x5d: {  	_ =	shalt  }
0x5e: {  	_ =	shalt  }
0x5f: {  	_ =	shalt  }
0x60: {  	_ =	shalt  }
0x61: {  	_ =	shalt  }
0x62: {  	_ =	shalt  }
0x63: {  	_ =	shalt  }
0x64: {  	_ =	shalt  }
0x65: {  	_ =	shalt  }
0x66: {  	_ =	shalt  }
0x67: {  	_ =	shalt  }
0x68: {  	_ =	shalt  }
0x69: {  	_ =	shalt  }
0x6a: {  	_ =	shalt  }
0x6b: {  	_ =	shalt  }
0x6c: {  	_ =	shalt  }
0x6d: {  	_ =	shalt  }
0x6e: {  	_ =	shalt  }
0x6f: {  	_ =	shalt  }
0x70: {  	_ =	shalt  }
0x71: {  	_ =	shalt  }
0x72: {  	_ =	shalt  }
0x73: {  	_ =	shalt  }
0x74: {  	_ =	shalt  }
0x75: {  	_ =	shalt  }
0x76: {  	_ =	shalt  }
0x77: {  	_ =	shalt  }
0x78: {  	_ =	shalt  }
0x79: {  	_ =	shalt  }
0x7a: {  	_ =	shalt  }
0x7b: {  	_ =	shalt  }
0x7c: {  	_ =	shalt  }
0x7d: {  	_ =	shalt  }
0x7e: {  	_ =	shalt  }
0x7f: {  	_ =	shalt  }
0x80: {  	_ =	shalt  }
0x81: {  	_ =	shalt  }
0x82: {  	_ =	shalt  }
0x83: {  	_ =	shalt  }
0x84: {  	_ =	shalt  }
0x85: {  	_ =	shalt  }
0x86: {  	_ =	shalt  }
0x87: {  	_ =	shalt  }
.Lfunc_end0:
.L_simem_size_0:
called_computation_lowered:
.L_overlay_start_0:
0x88: {  	s2 =	sld [smem:$0x3FD9]  }
0x89: {  	s3 =	sld [smem:$0x3FFE];
	_ =	sdelay $0x1  }
0x8a: {  	s1 =	srdreg.scid  }
0x8b: {  	s0 =	sand.u32 $0x1, s1  }
0x8c: {  	s16 =	sshll.u32 s0, $0xA;
	s2 =	sadd.s32 s3, s2  }
0x8d: {  	s2 =	sadd.s32 s2, s16  }
0x8e: {  	[smem:$0x3FC6] =	sst s2  }
0x8f: {  	_ = 	snop  }
0x90: {  	(tm) =	ssettm $0x1  }
0x91: {  	s17 =	sld [smem:$0x3FFB];
	_ =	sdelay $0x3  }
0x92: {  	_ =	strace s17  }
0x93: {  	s2 =	sld [smem:$0x3FFC];
	_ =	sdelay $0x3  }
0x94: {  	_ =	strace s2  }
0x95: {  	s2 =	sld [smem:$0x3FFD];
	_ =	sdelay $0x3  }
0x96: {  	_ =	strace s2  }
0x97: {  	_ =	strace $0x8FFFFFFF  }
0x98: {  	s18 =	sld [smem:$0x3FDB];
	_ =	sdelay $0x1  }
0x99: {  	s19 =	simm.s32 $_scs_section_size  }
0x9a: {  	s4 =	simm.s32 $_size__tile_overlayer_lowered;
	s5 =	simm.s32 $_tile_overlayer_lowered  }
0x9b: {  	s22 =	simm.s32 $0x1BFF;
	s21 =	sshll.u32 s5, $0x1;
	s2 =	sadd.s32 s19, s18  }
0x9c: {  	s6 =	simm.s32 $0x0;
	s20 =	sshll.u32 s4, $0x1;
	s4 =	sadd.s32 s21, s2  }
0x9d: {  	[timem:s6], [sflag:s22] =	dma.local [hbm:s4], s20  }
0x9e: {  	_ =	swait.ge [sflag:s22], s20  }
0x9f: {  	s3 =	ssub.s32 $0x0, s20;
	[sflag:s22] =	ssyncset.done $0x0  }
0xa0: {  	[sflag:s22] =	ssyncadd.s32 s3;
	_ =	sdelay $0x1  }
0xa1: {  	s23 =	simm.s32 $0x1B8B  }
0xa2: {  	_ =	swait.ge [sflag:s23], $0x1  }
0xa3: {  	[sflag:s23] =	ssyncset.done $0x0  }
0xa4: {  	s25 =	simm.s32 $0x1B8E;
	s24 =	sld [smem:$0x3FFE];
	[sflag:s23] =	ssyncadd.s32 $0xFFFFFFFF  }
0xa5: {  	s26 =	simm.s32 $execute0_lowered;
	[smem:$0x3FD2] =	sst s25  }
0xa6: {  	s4 =	sshll.u32 s26, $0x1;
	_ =	strace $0x80000046;
	[dreg:$0x1] =	wrdreg $0xFFFFFFFF  }
0xa7: {  	s28 =	simm.s32 $_size_execute0_lowered;
	s2 =	sadd.s32 s2, s4;
	[dreg:$0x0] =	wrdreg $0x0  }
0xa8: {  	s4 =	sshll.u32 s28, $0x1;
	[dreg:$0x2] =	wrdreg s2  }
0xa9: {  	[dreg:$0x3] =	wrdreg s4  }
0xaa: {  	[dreg:$0x4] =	wrdreg $0xC0  }
0xab: {  	_ =	task [dreg:s6], $0x5FFFF  }
0xac: {  	[dreg:$0x1] =	wrdreg $0xFFFFFFFF  }
0xad: {  	[dreg:$0x0] =	wrdreg $0x60  }
0xae: {  	[dreg:$0x2] =	wrdreg s24  }
0xaf: {  	[dreg:$0x3] =	wrdreg $0x9  }
0xb0: {  	_ =	task.clear_ibuf [dreg:s6], $0x4FFFF;
	_ =	strace $0x90000046  }
0xb1: {  	s29 =	simm.s32 $0x9;
	_ =	strace $0x80000048  }
0xb2: {  	_ =	swait.ge [sflag:s29], $0x1  }
0xb3: {  	[sflag:s29] =	ssyncadd.s32 $0xFFFFFFFF  }
0xb4: {  	_ =	strace $0x90000048  }
0xb5: {  	_ =	sfence  }
0xb6: {  	s30 =	sld [smem:$0x0];
	_ =	sdelay $0x2  }
0xb7: {  	s31 =	sshll.u32 s1, $0xD;
	s1 =	sshrl.u32 s1, $0x2  }
0xb8: {  	s3 =	sand.u32 $0x4000, s31;
	s1 =	sadd.s32 s1, s30  }
0xb9: {  	s0 =	sor.u32 s3, s0;
	s1 =	sshll.u32 s1, $0x11  }
0xba: {  	s0 =	sor.u32 s1, s0  }
0xbb: {  	s0 =	sadd.s32 $0x8F2B, s0  }
0xbc: {  	[sflag:s0] =	ssyncadd.remote.s32 $0x1  }
0xbd: {  	_ =	sfence.sel $0xFFFF  }
0xbe: {  	[dreg:$0x0] =	wrdreg $0xFFFFFFFF;
	(pc) =	sbr.abs _section_cstart, $3  }
0xbf: {  	[dreg:$0x1] =	wrdreg $0xFFFFFFFF  }
0xc0: {  	_ =	task.clear_ibuf [dreg:s6], $0x2FFFF;
	_ =	strace $0x9FFFFFFF  }
0xc1: {  	(tm) =	ssettm $0x7FFFFFFF  }
tec
execute0_lowered:
.L_overlay_start_1:
0x0: {  	(tag) =	ssettag $0x1  }
0x1: {  	s4 =	rddreg [dreg:$0x0];
	s0 =	srdreg.scid;
	s5 =	simm.s32 $0x0  }
0x2: {  	s1 =	stileid.u32;
	s0 =	sand.u32 $0x1, s0;
	[smem:$0x7FF] =	sst s5  }
0x3: {  	vm0 =	vcmask $0x704;
	v0 =	vimm.f32 $1.000000000e+00;
	s1 =	sshll.u32 s1, $0x3;
	s7 =	sadd.s32 $0xC38000, s4;
	s2 =	sshll.u32 s0, $0x2  }
0x4: {  	vm1 =	vcmask $0xB08;
	v0 =	vsel vm0, $0x3F21849D, v0;
	_ =	strace $0x80000047;
	s0 =	ssub.s32 $0x2, s0;
	s6 =	sor.u32 s2, s1  }
0x5: {  	vm11 =	vcmask $0xF0C;
	v0 =	vsel vm1, $0x3F000000, v0;
	[dreg:$0x3] =	wrdreg s7;
	s28 =	sshrl.u32 s0, $0x1;
	s1 =	smul.u32 $0x18700, s6  }
0x6: {  	vm12 =	vcmask $0x1310;
	v0 =	vsel vm11, $0x3EDC81A3, v0;
	s3 =	sadd.s32 s6, s4;
	[dreg:$0x2] =	wrdreg s6;
	s31 =	sor.u32 $0x1, s6  }
0x7: {  	vm13 =	vcmask $0x1714;
	s0 =	ssub.s32 s0, s28;
	v0 =	vsel vm12, $0x3EC61192, v0;
	s30 =	sadd.s32 $0x1870000, s3;
	[dreg:$0x8] =	wrdreg s31  }
0x8: {  	v1 =	vimm.f32 $3.010300100e-01;
	vm14 =	vcmask $0x1B18;
	s0 =	smax.u32 s0, $0x1;
	v0 =	vsel vm13, $0x3EB660CA, v0;
	[dreg:$0x6] =	wrdreg s30  }
0x9: {  	vm15 =	vcmask $0x1F1C;
	v3 =	vsel vm0, $0x3E94004E, v1;
	s29 =	sadd.s32 s4, s1;
	[dreg:$0x7] =	wrdreg s0;
	v1 =	vsel vm14, $0x3EAAAAAB, v0  }
0xa: {  	v2 =	vlaneseq.u32;
	s1 =	sadd.s32 s7, s1;
	[dreg:$0x4] =	wrdreg s29;
	v4 =	vsel vm15, $0x3EA1849D, v1  }
0xb: {  	s2 =	simm.s32 $0x0;
	v0 =	vimm.f32 $-Inf;
	[dreg:$0x5] =	wrdreg s1;
	v1 =	vimm.f32 $0.0e+00;
	v3 =	vcombine.low v4, v3  }
.LBB2_1:
0xc: {  	[tilespmem:$0x1CA80] =	vst v0  }
0xd: {  	[tilespmem:$0x1CA90] =	vst v0  }
0xe: {  	[tilespmem:$0x1CAA0] =	vst v0  }
0xf: {  	[tilespmem:$0x1CAB0] =	vst v0  }
0x10: {  	[tilespmem:$0x1CAC0] =	vst v0  }
0x11: {  	[tilespmem:$0x1CAD0] =	vst v0  }
0x12: {  	[tilespmem:$0x1CAE0] =	vst v0  }
0x13: {  	[tilespmem:$0x1CAF0] =	vst v0  }
0x14: {  	[tilespmem:$0x1CB00] =	vst v0  }
0x15: {  	[tilespmem:$0x1CB10] =	vst v0  }
0x16: {  	[tilespmem:$0x1CB20] =	vst v0  }
0x17: {  	[tilespmem:$0x1CB30] =	vst v0  }
0x18: {  	[tilespmem:$0x1CB40] =	vst v0  }
0x19: {  	[tilespmem:$0x1CB50] =	vst v0  }
0x1a: {  	[tilespmem:$0x1CB60] =	vst v0  }
0x1b: {  	[tilespmem:$0x1CB70] =	vst v0  }
0x1c: {  	[tilespmem:$0x1CB80] =	vst v0  }
0x1d: {  	[tilespmem:$0x1CB90] =	vst v0  }
0x1e: {  	[tilespmem:$0x1CBA0] =	vst v0  }
0x1f: {  	[tilespmem:$0x1CBB0] =	vst v0  }
0x20: {  	[tilespmem:$0x1CBC0] =	vst v0  }
0x21: {  	[tilespmem:$0x1CBD0] =	vst v0  }
0x22: {  	[tilespmem:$0x1CBE0] =	vst v0  }
0x23: {  	[tilespmem:$0x1CBF0] =	vst v0  }
0x24: {  	[tilespmem:$0x1CC00] =	vst v0  }
0x25: {  	[tilespmem:$0x1CC10] =	vst v0;
	s0 =	rddreg [dreg:$0x4]  }
0x26: {  	[tilespmem:s5], [sflag:$0x1] =	stream.linear.gather [hbm4b:s0+s5], $0x6400, $0x38;
	[tilespmem:$0x1CF00] =	vst v63  }
0x27: {  	s31 =	rddreg [dreg:$0x5];
	s1 =	simm.s32 $0xC800  }
0x28: {  	[tilespmem:s1], [sflag:$0x2] =	stream.linear.gather [hbm4b:s31+s5], $0x6400, $0x38;
	[tilespmem:$0x1CF00] =	vst v63  }
0x29: {  	[dreg:$0x9] =	wrdreg s2;
	s4 =	simm.s32 $0x0;
	s1 =	simm.s32 $0x0  }
.LBB2_2:
0x2a: {  	[tilespmem:$0x1C800] =	vst v0  }
0x2b: {  	[tilespmem:$0x1C880] =	vst v1  }
0x2c: {  	[tilespmem:$0x1C900] =	vst v0  }
0x2d: {  	[tilespmem:$0x1C980] =	vst v0  }
0x2e: {  	[tilespmem:$0x1CA00] =	vst v0  }
0x2f: {  	[tilespmem:$0x1C810] =	vst v0  }
0x30: {  	[tilespmem:$0x1C890] =	vst v1  }
0x31: {  	[tilespmem:$0x1C910] =	vst v0  }
0x32: {  	[tilespmem:$0x1C990] =	vst v0  }
0x33: {  	[tilespmem:$0x1CA10] =	vst v0  }
0x34: {  	[tilespmem:$0x1C820] =	vst v0  }
0x35: {  	[tilespmem:$0x1C8A0] =	vst v1  }
0x36: {  	[tilespmem:$0x1C920] =	vst v0  }
0x37: {  	[tilespmem:$0x1C9A0] =	vst v0  }
0x38: {  	[tilespmem:$0x1CA20] =	vst v0  }
0x39: {  	[tilespmem:$0x1C830] =	vst v0  }
0x3a: {  	[tilespmem:$0x1C8B0] =	vst v1  }
0x3b: {  	[tilespmem:$0x1C930] =	vst v0  }
0x3c: {  	[tilespmem:$0x1C9B0] =	vst v0  }
0x3d: {  	[tilespmem:$0x1CA30] =	vst v0  }
0x3e: {  	[tilespmem:$0x1C840] =	vst v0  }
0x3f: {  	[tilespmem:$0x1C8C0] =	vst v1  }
0x40: {  	[tilespmem:$0x1C940] =	vst v0  }
0x41: {  	[tilespmem:$0x1C9C0] =	vst v0  }
0x42: {  	[tilespmem:$0x1CA40] =	vst v0  }
0x43: {  	[tilespmem:$0x1C850] =	vst v0  }
0x44: {  	[tilespmem:$0x1C8D0] =	vst v1  }
0x45: {  	[tilespmem:$0x1C950] =	vst v0  }
0x46: {  	[tilespmem:$0x1C9D0] =	vst v0  }
0x47: {  	[tilespmem:$0x1CA50] =	vst v0  }
0x48: {  	[tilespmem:$0x1C860] =	vst v0  }
0x49: {  	[tilespmem:$0x1C8E0] =	vst v1;
	s0 =	rddreg [dreg:$0x2]  }
0x4a: {  	[tilespmem:$0x1C960] =	vst v0;
	s0 =	sadd.s32 s1, s0  }
0x4b: {  	[dreg:$0xa] =	wrdreg s4;
	[tilespmem:$0x1C9E0] =	vst v0;
	s0 =	smul.u32 $0xC3800, s0  }
0x4c: {  	[tilespmem:$0x1CA60] =	vst v0;
	[dreg:$0xb] =	wrdreg s1  }
.Ltmp0:
0x4d: {  	[tilespmem:$0x1C870] =	vst v0;
	s30 =	rddreg [dreg:$0x0];
	s28 =	sshrl.u32 s0, $0x3;
	(pc) =	sbr.rel .LBB2_3-.Ltmp0, $4  }
0x4e: {  	[tilespmem:$0x1C8F0] =	vst v1;
	s31 =	rddreg [dreg:$0x3];
	s0 =	sadd.s32 $0x6400, s0;
	s29 =	sadd.s32 $0x18380, s28  }
0x4f: {  	[tilespmem:$0x1C970] =	vst v0;
	[dreg:$0xc] =	wrdreg s0;
	s1 =	sadd.s32 s30, s29  }
0x50: {  	[tilespmem:$0x1C9F0] =	vst v0;
	s0 =	sadd.s32 s31, s29;
	[dreg:$0xd] =	wrdreg s1  }
0x51: {  	[tilespmem:$0x1CA70] =	vst v0;
	s3 =	simm.s32 $0x0;
	[dreg:$0xe] =	wrdreg s0  }
.LBB2_14:
0x52: {  	s3 =	rddreg [dreg:$0xf]  }
0x53: {  	s3 =	sadd.s32 $0x1, s3  }
0x54: {  	p0 =	sne.s32 s3, $0x1F  }
.Ltmp1:
0x55: {  	_ = 	snop;
	(pc) =	sbr.rel @!p0 .LBB2_15-.Ltmp1, $1  }
0x56: {  	_ =	sdelay $0x3  }
.LBB2_3:
0x57: {  	s0 =	simm.s32 $0x1  }
0x58: {  	_ =	swait.ge [sflag:s0], $0x6400  }
0x59: {  	[sflag:s0] =	ssyncset.done $0x0  }
0x5a: {  	s28 =	simm.s32 $0x2;
	[sflag:s0] =	ssyncadd.s32 $0xFFFF9C00  }
0x5b: {  	p0 =	seq.s32 s3, $0x1E;
	_ =	swait.ge [sflag:s28], $0x6400  }
0x5c: {  	s1 =	simm.s32 @p0 $0x19000;
	[sflag:s28] =	ssyncset.done $0x0  }
0x5d: {  	s0 =	simm.s32 @p0 $0x0;
	s2 =	rddreg [dreg:$0xd];
	[sflag:s28] =	ssyncadd.s32 $0xFFFF9C00  }
0x5e: {  	[tilespmem:s1], [sflag:$0x1] =	stream.linear.gather @p0 [hbm4b:s2+s0], $0x1C00, $0x38;
	[tilespmem:$0x1CF00] =	vst v63  }
0x5f: {  	[dreg:$0xf] =	wrdreg s3;
	s1 =	sand.u32 $0x1, s3;
	s3 =	smul.u32 @!p0 $0x6400, s3  }
0x60: {  	s4 =	rddreg [dreg:$0xe];
	s2 =	simm.s32 @p0 $0x1AC00;
	s25 =	smul.u32 $0x6400, s1  }
0x61: {  	[tilespmem:s2], [sflag:$0x2] =	stream.linear.gather @p0 [hbm4b:s4+s0], $0x1C00, $0x38;
	[tilespmem:$0x1CF00] =	vst v63  }
0x62: {  	s0 =	sxor.u32 @!p0 $0x1, s1;
	s2 =	rddreg [dreg:$0xc];
	s4 =	simm.s32 @!p0 $0x0  }
0x63: {  	s2 =	sadd.s32 @!p0 s3, s2;
	s3 =	rddreg [dreg:$0x0];
	s29 =	sadd.s32 $0x400, s25  }
0x64: {  	s0 =	smul.u32 @!p0 $0x6400, s0;
	s30 =	sadd.s32 $0x800, s25;
	[dreg:$0x10] =	wrdreg s29  }
0x65: {  	s31 =	sadd.s32 $0xC00, s25;
	s2 =	sshrl.u32 @!p0 s2, $0x3;
	[dreg:$0x11] =	wrdreg s30  }
.Ltmp2:
0x66: {  	[dreg:$0x12] =	wrdreg s31;
	s3 =	sadd.s32 @!p0 s3, s2;
	(pc) =	sbr.rel .LBB2_4-.Ltmp2, $4  }
0x67: {  	[tilespmem:s0], [sflag:$0x1] =	stream.linear.gather @!p0 [hbm4b:s3+s4], $0x6400, $0x38;
	[tilespmem:$0x1CF00] =	vst v63  }
0x68: {  	s1 =	simm.s32 $0x0;
	s8 =	sadd.s32 $0xC800, s25;
	s3 =	rddreg [dreg:$0x3]  }
0x69: {  	[dreg:$0x13] =	wrdreg s8;
	s0 =	sadd.s32 @!p0 $0xC800, s0;
	s2 =	sadd.s32 @!p0 s3, s2  }
0x6a: {  	[tilespmem:s0], [sflag:$0x2] =	stream.linear.gather @!p0 [hbm4b:s2+s4], $0x6400, $0x38;
	[tilespmem:$0x1CF00] =	vst v63  }
.LBB2_13:
0x6b: {  	s1 =	rddreg [dreg:$0x14]  }
0x6c: {  	s1 =	sadd.s32 $0x1, s1  }
0x6d: {  	p0 =	sne.s32 s1, $0x8  }
.Ltmp3:
0x6e: {  	_ = 	snop;
	(pc) =	sbr.rel @!p0 .LBB2_14-.Ltmp3, $1  }
0x6f: {  	_ =	sdelay $0x3  }
.LBB2_4:
0x70: {  	[dreg:$0x14] =	wrdreg s1  }
0x71: {  	s2 =	rddreg [dreg:$0x10]  }
.Ltmp4:
0x72: {  	s19 =	sshll.u32 s1, $0x7;
	s30 =	rddreg [dreg:$0x11];
	(pc) =	sbr.rel .LBB2_5-.Ltmp4, $4  }
0x73: {  	s31 =	rddreg [dreg:$0x12];
	s2 =	sadd.s32 s19, s2  }
0x74: {  	[dreg:$0x15] =	wrdreg s2;
	s2 =	sadd.s32 s19, s30  }
0x75: {  	[dreg:$0x16] =	wrdreg s2;
	s2 =	sadd.s32 s19, s31  }
0x76: {  	s1 =	sshll.u32 s1, $0x4;
	v4 =	vmov s19;
	[dreg:$0x17] =	wrdreg s2;
	s2 =	simm.s32 $0x0  }
.LBB2_12:
0x77: {  	s2 =	rddreg [dreg:$0x18]  }
0x78: {  	s2 =	sadd.s32 $0x1, s2  }
0x79: {  	p0 =	sne.s32 s2, $0x8  }
.Ltmp5:
0x7a: {  	_ = 	snop;
	(pc) =	sbr.rel @!p0 .LBB2_13-.Ltmp5, $1  }
0x7b: {  	_ =	sdelay $0x3  }
.LBB2_5:
0x7c: {  	s17 =	smul.u32 $0xC80, s2  }
0x7d: {  	s9 =	smul.u32 $0x190, s2  }
0x7e: {  	[dreg:$0x18] =	wrdreg s2;
	s6 =	sand.u32 $0x7C00, s17  }
0x7f: {  	s3 =	sadd.s32 $0x10, s9;
	s7 =	sand.u32 $0x70, s9;
	s5 =	sadd.s32 $0x20, s9  }
0x80: {  	s10 =	sadd.s32 $0x30, s9;
	s12 =	sadd.s32 $0x40, s9;
	s22 =	sadd.s32 $0x50, s9  }
0x81: {  	s15 =	sadd.s32 $0x70, s9;
	s2 =	sadd.s32 s25, s6;
	s4 =	sshll.u32 s3, $0x3  }
0x82: {  	s3 =	sand.u32 $0x70, s3;
	s18 =	sshll.u32 s5, $0x3;
	s5 =	sand.u32 $0x70, s5  }
0x83: {  	s11 =	sshll.u32 s10, $0x3;
	s10 =	sand.u32 $0x70, s10;
	s13 =	sshll.u32 s12, $0x3  }
0x84: {  	s21 =	sand.u32 $0x70, s12;
	s23 =	sshll.u32 s22, $0x3;
	s0 =	sor.u32 s7, s2  }
0x85: {  	s4 =	sand.u32 $0xFC00, s4;
	s11 =	sand.u32 $0xFC00, s11;
	s20 =	sand.u32 $0xFC00, s13  }
0x86: {  	s2 =	sadd.s32 $0x60, s9;
	s4 =	sadd.s32 s25, s4;
	s11 =	sadd.s32 s25, s11  }
0x87: {  	s14 =	sshll.u32 s2, $0x3;
	v6 =	vld.idx.msk [tilespmem:v4+s0+$0x0 ss:$0x1], $0xffff;
	s8 =	sor.u32 s3, s4;
	s3 =	sand.u32 $0xFC00, s18  }
0x88: {  	s24 =	sor.u32 s10, s11;
	s14 =	sand.u32 $0xFC00, s14;
	s3 =	sadd.s32 s25, s3;
	v9 =	vld.idx.msk [tilespmem:v4+s8+$0x0 ss:$0x1], $0xffff  }
0x89: {  	s11 =	sand.u32 $0x70, s2;
	s14 =	sadd.s32 s25, s14;
	v16 =	vld.idx.msk [tilespmem:v4+s24+$0x0 ss:$0x1], $0xffff;
	s18 =	sor.u32 s5, s3  }
0x8a: {  	s17 =	sshll.u32 s15, $0x3;
	s3 =	sadd.s32 s25, s20;
	s20 =	sor.u32 s11, s14;
	v10 =	vld.idx.msk [tilespmem:v4+s18+$0x0 ss:$0x1], $0xffff  }
0x8b: {  	s12 =	rddreg [dreg:$0x15];
	s26 =	sor.u32 s21, s3;
	s3 =	sand.u32 $0xFC00, s23;
	v17 =	vld.idx.msk [tilespmem:v4+s20+$0x0 ss:$0x1], $0xffff  }
0x8c: {  	s13 =	sand.u32 $0x70, s22;
	s4 =	sand.u32 $0xFC00, s17;
	v36 =	vld.idx.msk [tilespmem:v4+s20+$0xC800 ss:$0x1], $0xffff;
	s3 =	sadd.s32 s25, s3  }
0x8d: {  	s5 =	sand.u32 $0x70, s15;
	v20 =	vld.idx.msk [tilespmem:v4+s26+$0x0 ss:$0x1], $0xffff;
	s16 =	sor.u32 s13, s3;
	s3 =	sadd.s32 s25, s4  }
0x8e: {  	[smem:$0x7FB] =	sst s0;
	s10 =	sadd.s32 $0x90, s9;
	s21 =	sor.u32 s5, s3;
	v11 =	vld.idx.msk [tilespmem:v4+s16+$0x0 ss:$0x1], $0xffff  }
0x8f: {  	s17 =	sadd.s32 $0xA0, s9;
	s13 =	sshll.u32 s10, $0x3;
	s3 =	sadd.s32 s12, s6;
	v21 =	vld.idx.msk [tilespmem:v4+s21+$0x0 ss:$0x1], $0xffff  }
0x90: {  	s23 =	sshll.u32 s17, $0x3;
	s15 =	sand.u32 $0xFC00, s13;
	s4 =	sor.u32 s7, s3;
	v37 =	vld.idx.msk [tilespmem:v4+s21+$0xC800 ss:$0x1], $0xffff  }
0x91: {  	s14 =	sand.u32 $0x70, s10;
	s2 =	sand.u32 $0xFC00, s23;
	s3 =	sadd.s32 s25, s15;
	v12 =	vld [tilespmem:s4+$0x0]  }
0x92: {  	s5 =	sadd.s32 $0xB0, s9;
	s12 =	sadd.s32 $0xC0, s9;
	s22 =	sor.u32 s14, s3;
	v38 =	vld [tilespmem:s4+$0xC800]  }
0x93: {  	s10 =	sshll.u32 s5, $0x3;
	s14 =	sand.u32 $0x70, s5;
	s5 =	smov.u32 s8;
	v18 =	vld.idx.msk [tilespmem:v4+s22+$0x0 ss:$0x1], $0xffff  }
0x94: {  	s11 =	sand.u32 $0x70, s17;
	s13 =	sshll.u32 s12, $0x3;
	s3 =	sadd.s32 s25, s2;
	v31 =	vld.idx.msk [tilespmem:v4+s5+$0xC800 ss:$0x1], $0xffff  }
0x95: {  	s0 =	sadd.s32 $0xD0, s9;
	s17 =	sand.u32 $0xFC00, s13;
	s23 =	sor.u32 s11, s3;
	v39 =	vld.idx.msk [tilespmem:v4+s22+$0xC800 ss:$0x1], $0xffff  }
0x96: {  	s13 =	sshll.u32 s0, $0x3;
	s11 =	sand.u32 $0xFC00, s10;
	s10 =	smov.u32 s18;
	v22 =	vld.idx.msk [tilespmem:v4+s23+$0x0 ss:$0x1], $0xffff  }
0x97: {  	s15 =	sand.u32 $0xFC00, s13;
	s13 =	smov.u32 s26;
	v32 =	vld.idx.msk [tilespmem:v4+s10+$0xC800 ss:$0x1], $0xffff  }
0x98: {  	[smem:$0x7FC] =	sst s16;
	v34 =	vld.idx.msk [tilespmem:v4+s13+$0xC800 ss:$0x1], $0xffff  }
0x99: {  	s3 =	sadd.s32 s25, s11;
	s11 =	sand.u32 $0x70, s12;
	s12 =	smov.u32 s24;
	v40 =	vld.idx.msk [tilespmem:v4+s23+$0xC800 ss:$0x1], $0xffff  }
0x9a: {  	s2 =	sor.u32 s14, s3;
	s3 =	sadd.s32 s25, s17;
	s17 =	sadd.s32 $0xE0, s9;
	v33 =	vld.idx.msk [tilespmem:v4+s12+$0xC800 ss:$0x1], $0xffff  }
0x9b: {  	s14 =	sand.u32 $0x70, s0;
	s0 =	sadd.s32 $0xF0, s9;
	s8 =	sor.u32 s11, s3;
	v13 =	vld.idx.msk [tilespmem:v4+s2+$0x0 ss:$0x1], $0xffff  }
0x9c: {  	s3 =	sadd.s32 s25, s15;
	s18 =	sshll.u32 s17, $0x3;
	s11 =	sand.u32 $0x70, s17;
	v41 =	vld.idx.msk [tilespmem:v4+s2+$0xC800 ss:$0x1], $0xffff  }
0x9d: {  	s17 =	sshll.u32 s0, $0x3;
	s26 =	sor.u32 s14, s3;
	s24 =	sand.u32 $0xFC00, s18;
	v19 =	vld.idx.msk [tilespmem:v4+s8+$0x0 ss:$0x1], $0xffff  }
0x9e: {  	s18 =	sand.u32 $0xFC00, s17;
	s14 =	sand.u32 $0x70, s0;
	s3 =	sadd.s32 s25, s24;
	v23 =	vld.idx.msk [tilespmem:v4+s26+$0x0 ss:$0x1], $0xffff  }
0x9f: {  	s17 =	rddreg [dreg:$0x16];
	s24 =	sadd.s32 $0x110, s9;
	v43 =	vld.idx.msk [tilespmem:v4+s26+$0xC800 ss:$0x1], $0xffff;
	s16 =	sor.u32 s11, s3  }
0xa0: {  	s3 =	sadd.s32 s25, s18;
	s0 =	sshll.u32 s24, $0x3;
	s11 =	sand.u32 $0x70, s24;
	v14 =	vld.idx.msk [tilespmem:v4+s16+$0x0 ss:$0x1], $0xffff  }
0xa1: {  	s24 =	sadd.s32 $0x120, s9;
	s28 =	sor.u32 s14, s3;
	s18 =	sand.u32 $0xFC00, s0;
	v44 =	vld.idx.msk [tilespmem:v4+s16+$0xC800 ss:$0x1], $0xffff  }
0xa2: {  	s3 =	sadd.s32 s17, s6;
	s17 =	sadd.s32 $0x130, s9;
	s14 =	sadd.s32 s25, s18;
	v7 =	vld.idx.msk [tilespmem:v4+s28+$0x0 ss:$0x1], $0xffff  }
0xa3: {  	s0 =	sor.u32 s7, s3;
	v48 =	vld.idx.msk [tilespmem:v4+s28+$0xC800 ss:$0x1], $0xffff;
	s29 =	sor.u32 s11, s14;
	s14 =	sshll.u32 s24, $0x3  }
0xa4: {  	s15 =	sand.u32 $0x70, s24;
	s18 =	sshll.u32 s17, $0x3;
	v28 =	vld [tilespmem:s0+$0x0];
	s3 =	sand.u32 $0xFC00, s14  }
0xa5: {  	s24 =	smov.u32 s8;
	s8 =	sadd.s32 $0x140, s9;
	v50 =	vld [tilespmem:s0+$0xC800];
	s3 =	sadd.s32 s25, s3  }
0xa6: {  	s11 =	sand.u32 $0xFC00, s18;
	v24 =	vld.idx.msk [tilespmem:v4+s29+$0x0 ss:$0x1], $0xffff;
	s31 =	sor.u32 s15, s3;
	s15 =	sshll.u32 s8, $0x3  }
0xa7: {  	s18 =	sadd.s32 $0x150, s9;
	v42 =	vld.idx.msk [tilespmem:v4+s24+$0xC800 ss:$0x1], $0xffff;
	s3 =	sadd.s32 s25, s11;
	s11 =	sand.u32 $0xFC00, s15  }
0xa8: {  	s14 =	sand.u32 $0x70, s17;
	s17 =	sand.u32 $0x70, s8;
	v51 =	vld.idx.msk [tilespmem:v4+s29+$0xC800 ss:$0x1], $0xffff;
	s8 =	sadd.s32 s25, s11  }
0xa9: {  	v26 =	vld.idx.msk [tilespmem:v4+s31+$0x0 ss:$0x1], $0xffff;
	s11 =	sor.u32 s14, s3;
	s14 =	sor.u32 s17, s8;
	s8 =	sshll.u32 s18, $0x3  }
0xaa: {  	s15 =	sand.u32 $0x70, s18;
	v52 =	vld.idx.msk [tilespmem:v4+s31+$0xC800 ss:$0x1], $0xffff;
	s17 =	sadd.s32 $0x160, s9;
	s3 =	sand.u32 $0xFC00, s8  }
0xab: {  	v29 =	vld.idx.msk [tilespmem:v4+s11+$0x0 ss:$0x1], $0xffff;
	s18 =	sshll.u32 s17, $0x3;
	s8 =	sadd.s32 $0x170, s9;
	s3 =	sadd.s32 s25, s3  }
0xac: {  	v53 =	vld.idx.msk [tilespmem:v4+s11+$0xC800 ss:$0x1], $0xffff;
	s30 =	sor.u32 s15, s3;
	s15 =	sand.u32 $0xFC00, s18;
	s18 =	sshll.u32 s8, $0x3  }
0xad: {  	v25 =	vld.idx.msk [tilespmem:v4+s14+$0x0 ss:$0x1], $0xffff;
	s3 =	sadd.s32 s25, s15;
	s15 =	sand.u32 $0xFC00, s18  }
0xae: {  	s17 =	sand.u32 $0x70, s17;
	v54 =	vld.idx.msk [tilespmem:v4+s14+$0xC800 ss:$0x1], $0xffff;
	s8 =	sand.u32 $0x70, s8;
	s15 =	sadd.s32 s25, s15  }
0xaf: {  	v47 =	vmax.f32 v10, v17;
	v45 =	vmax.f32 v6, v20;
	v27 =	vld.idx.msk [tilespmem:v4+s30+$0x0 ss:$0x1], $0xffff;
	s3 =	sor.u32 s17, s3;
	s17 =	sor.u32 s8, s15;
	s8 =	sld [smem:$0x7FB]  }
0xb0: {  	v46 =	vmax.f32 v9, v11;
	v49 =	vmax.f32 v16, v21;
	v45 =	vmax.f32 v45, v12;
	v30 =	vld.idx.msk [tilespmem:v4+s3+$0x0 ss:$0x1], $0xffff;
	s15 =	sld [smem:$0x7FC]  }
0xb1: {  	v46 =	vmax.f32 v46, v18;
	v47 =	vmax.f32 v47, v22;
	v32 =	vmax.f32 v32, v36;
	v56 =	vld.idx.msk [tilespmem:v4+s3+$0xC800 ss:$0x1], $0xffff  }
0xb2: {  	v33 =	vmax.f32 v33, v37;
	v32 =	vmax.f32 v32, v40;
	v49 =	vmax.f32 v49, v13;
	s18 =	rddreg [dreg:$0x17];
	v5 =	vld.idx.msk [tilespmem:v4+s8+$0xC800 ss:$0x1], $0xffff  }
0xb3: {  	v33 =	vmax.f32 v33, v41;
	v45 =	vmax.f32 v45, v19;
	v46 =	vmax.f32 v46, v23;
	s6 =	sadd.s32 s18, s6;
	v35 =	vld.idx.msk [tilespmem:v4+s15+$0xC800 ss:$0x1], $0xffff  }
0xb4: {  	v47 =	vmax.f32 v47, v14;
	v32 =	vmax.f32 v32, v44;
	v49 =	vmax.f32 v49, v7;
	s6 =	sor.u32 s7, s6;
	v15 =	vld.idx.msk [tilespmem:v4+s17+$0x0 ss:$0x1], $0xffff  }
0xb5: {  	v33 =	vmax.f32 v33, v48;
	v45 =	vmax.f32 v45, v28;
	v46 =	vmax.f32 v46, v24;
	v8 =	vld [tilespmem:s6+$0x0]  }
0xb6: {  	v47 =	vmax.f32 v47, v26;
	v32 =	vmax.f32 v32, v52;
	v49 =	vmax.f32 v49, v29;
	v57 =	vld.idx.msk [tilespmem:v4+s17+$0xC800 ss:$0x1], $0xffff  }
0xb7: {  	v55 =	vld.idx.msk [tilespmem:v4+s30+$0xC800 ss:$0x1], $0xffff;
	v33 =	vmax.f32 v33, v53;
	v45 =	vmax.f32 v45, v25;
	v46 =	vmax.f32 v46, v27  }
0xb8: {  	v58 =	vld [tilespmem:s6+$0xC800];
	v47 =	vmax.f32 v47, v30;
	v5 =	vmax.f32 v5, v34;
	v31 =	vmax.f32 v31, v35  }
0xb9: {  	v32 =	vmax.f32 v32, v56;
	v5 =	vmax.f32 v5, v38;
	v31 =	vmax.f32 v31, v39  }
0xba: {  	v49 =	vmax.f32 v49, v15;
	v5 =	vmax.f32 v5, v42;
	v59 =	vmax.f32 v31, v43;
	v31 =	vld [tilespmem:s1+$0x1C900]  }
0xbb: {  	v45 =	vmax.f32 v45, v8;
	v33 =	vmax.f32 v33, v57;
	v60 =	vmax.f32 v5, v50;
	v5 =	vld [tilespmem:s1+$0x1CA00]  }
0xbc: {  	v45 =	vmax.f32 v45, v46;
	v36 =	vmax.f32 v59, v51;
	v37 =	vmax.f32 v60, v54  }
0xbd: {  	v49 =	vmax.f32 v47, v49;
	v36 =	vmax.f32 v36, v55;
	v61 =	vmax.f32 v37, v58  }
0xbe: {  	v32 =	vmax.f32 v32, v33;
	v62 =	vmax.f32 v45, v49;
	v34 =	vmax.f32 v61, v36  }
0xbf: {  	v32 =	vmax.f32 v34, v32;
	vm0 =	vgt.f32 v62, v31  }
0xc0: {  	v63 =	vmpcnt.ones.xlane vm0;
	vm15 =	vgt.f32 v32, v5  }
0xc1: {  	v32 =	vmpcnt.ones.xlane vm15  }
0xc2: {  	(v2sf) =	vpush v63, $0x0  }
0xc3: {  	(v2sf) =	vpush v32, $0x0;
	_ =	sdelay $0xa  }
0xc4: {  	[dreg:$0x1a] =	wrdreg s4  }
0xc5: {  	[dreg:$0x1c] =	wrdreg s0  }
0xc6: {  	s31 =	sadd.s32 s19, s31;
	s7 =	sadd.s32 s19, s10;
	[smem:$0x7FD] =	sst s6  }
0xc7: {  	s18 =	sadd.s32 s19, s8;
	s8 =	sadd.s32 s19, s5;
	s6 =	spop (v2sf)  }
0xc8: {  	s5 =	sadd.s32 s19, s12;
	s10 =	sadd.s32 s19, s15;
	s4 =	spop (v2sf)  }
0xc9: {  	s12 =	sadd.s32 s19, s20;
	s20 =	sadd.s32 s19, s22;
	s0 =	sadd.s32 s6, s4  }
0xca: {  	s15 =	sadd.s32 s19, s23;
	s23 =	sadd.s32 s19, s24;
	p0 =	slt.s32 s0, $0x1  }
.Ltmp6:
0xcb: {  	s22 =	sadd.s32 s19, s26;
	s24 =	sadd.s32 s19, s16;
	(pc) =	sbr.rel @p0 .LBB2_12-.Ltmp6, $4  }
0xcc: {  	s16 =	sadd.s32 s19, s28;
	s26 =	sadd.s32 s19, s29;
	s28 =	sadd.s32 s19, s11  }
0xcd: {  	s11 =	sadd.s32 s19, s14;
	s29 =	sadd.s32 s19, s30;
	s30 =	sadd.s32 s19, s3  }
0xce: {  	s3 =	sadd.s32 s19, s17;
	s17 =	simm.s32 $0x1CA80;
	[dreg:$0x1e] =	wrdreg s8  }
0xcf: {  	s0 =	sadd.s32 s19, s13;
	s13 =	sadd.s32 s19, s21;
	s21 =	sadd.s32 s19, s2  }
0xd0: {  	p0 =	slt.s32 s6, $0x1  }
0xd1: {  	vm0 =	vgt.f32 @!p0 v6, v31;
	vm1 =	vgt.f32 @!p0 v9, v31  }
0xd2: {  	v6 =	vmpcnt.ones.xlane @!p0 vm0;
	v9 =	vmpcnt.ones.xlane @!p0 vm1  }
0xd3: {  	vm0 =	vmmov @!p0 $0x1;
	vm1 =	vgt.f32 @!p0 v10, v31  }
0xd4: {  	v6 =	vsel @!p0 vm0, v6, v9;
	v9 =	vmpcnt.ones.xlane @!p0 vm1;
	vm1 =	vgt.f32 @!p0 v16, v31  }
0xd5: {  	vm2 =	vmmov @!p0 $0x3;
	v10 =	vmpcnt.ones.xlane @!p0 vm1;
	vm1 =	vgt.f32 @!p0 v20, v31  }
0xd6: {  	v6 =	vsel @!p0 vm2, v6, v9;
	vm2 =	vmmov @!p0 $0x7;
	v9 =	vmpcnt.ones.xlane @!p0 vm1  }
0xd7: {  	vm1 =	vmmov @!p0 $0xf;
	v6 =	vsel @!p0 vm2, v6, v10;
	vm2 =	vgt.f32 @!p0 v11, v31  }
0xd8: {  	v6 =	vsel @!p0 vm1, v6, v9;
	v9 =	vmpcnt.ones.xlane @!p0 vm2;
	vm1 =	vgt.f32 @!p0 v17, v31  }
0xd9: {  	vm2 =	vmmov @!p0 $0x1f;
	v10 =	vmpcnt.ones.xlane @!p0 vm1;
	vm1 =	vgt.f32 @!p0 v21, v31  }
0xda: {  	v6 =	vsel @!p0 vm2, v6, v9;
	vm2 =	vmmov @!p0 $0x3f;
	v9 =	vmpcnt.ones.xlane @!p0 vm1  }
0xdb: {  	vm1 =	vmmov @!p0 $0x7f;
	v6 =	vsel @!p0 vm2, v6, v10;
	vm2 =	vgt.f32 @!p0 v12, v31  }
0xdc: {  	v6 =	vsel @!p0 vm1, v6, v9;
	v9 =	vmpcnt.ones.xlane @!p0 vm2;
	vm1 =	vgt.f32 @!p0 v18, v31  }
0xdd: {  	vm2 =	vmmov @!p0 $0xff;
	v10 =	vmpcnt.ones.xlane @!p0 vm1;
	vm1 =	vgt.f32 @!p0 v22, v31  }
0xde: {  	v6 =	vsel @!p0 vm2, v6, v9;
	vm2 =	vmmov @!p0 $0x1ff;
	v9 =	vmpcnt.ones.xlane @!p0 vm1  }
0xdf: {  	vm1 =	vmmov @!p0 $0x3ff;
	v6 =	vsel @!p0 vm2, v6, v10;
	vm2 =	vgt.f32 @!p0 v13, v31  }
0xe0: {  	v6 =	vsel @!p0 vm1, v6, v9;
	v9 =	vmpcnt.ones.xlane @!p0 vm2;
	vm1 =	vgt.f32 @!p0 v19, v31  }
0xe1: {  	vm2 =	vmmov @!p0 $0x7ff;
	v10 =	vmpcnt.ones.xlane @!p0 vm1;
	vm1 =	vgt.f32 @!p0 v23, v31  }
0xe2: {  	v6 =	vsel @!p0 vm2, v6, v9;
	vm2 =	vmmov @!p0 $0xfff;
	v9 =	vmpcnt.ones.xlane @!p0 vm1  }
0xe3: {  	vm1 =	vmmov @!p0 $0x1fff;
	v6 =	vsel @!p0 vm2, v6, v10;
	vm2 =	vgt.f32 @!p0 v14, v31  }
0xe4: {  	v6 =	vsel @!p0 vm1, v6, v9;
	v9 =	vmpcnt.ones.xlane @!p0 vm2;
	vm1 =	vgt.f32 @!p0 v28, v31  }
0xe5: {  	vm2 =	vmmov @!p0 $0x3fff;
	v10 =	vmpcnt.ones.xlane @!p0 vm1;
	vm1 =	vgt.f32 @!p0 v7, v31  }
0xe6: {  	v6 =	vsel @!p0 vm2, v6, v9;
	v7 =	vmpcnt.ones.xlane @!p0 vm1;
	vm1 =	vgt.f32 @!p0 v24, v31  }
0xe7: {  	v9 =	vnsel @!p0 vm0, $0x0, v10;
	v10 =	vmpcnt.ones.xlane @!p0 vm1;
	vm0 =	vgt.f32 @!p0 v26, v31  }
0xe8: {  	vm1 =	vcmask @!p0 $0x324;
	v11 =	vmpcnt.ones.xlane @!p0 vm0;
	vm0 =	vgt.f32 @!p0 v29, v31  }
0xe9: {  	v9 =	vsel @!p0 vm1, v9, v10;
	vm1 =	vcmask @!p0 $0x724;
	v10 =	vmpcnt.ones.xlane @!p0 vm0  }
0xea: {  	vm0 =	vcmask @!p0 $0xB24;
	v9 =	vsel @!p0 vm1, v9, v11;
	vm1 =	vgt.f32 @!p0 v25, v31  }
0xeb: {  	v9 =	vsel @!p0 vm0, v9, v10;
	v10 =	vmpcnt.ones.xlane @!p0 vm1;
	vm0 =	vgt.f32 @!p0 v27, v31  }
0xec: {  	vm1 =	vcmask @!p0 $0xF24;
	v11 =	vmpcnt.ones.xlane @!p0 vm0;
	vm0 =	vgt.f32 @!p0 v30, v31  }
0xed: {  	v9 =	vsel @!p0 vm1, v9, v10;
	vm1 =	vcmask @!p0 $0x1324;
	v10 =	vmpcnt.ones.xlane @!p0 vm0  }
0xee: {  	vm0 =	vmmov @!p0 $0x7fff;
	v9 =	vsel @!p0 vm1, v9, v11;
	vm1 =	vcmask @!p0 $0x1724  }
0xef: {  	v7 =	vsel @!p0 vm0, v6, v7;
	vm0 =	vgt.f32 @!p0 v15, v31;
	v6 =	vsel @!p0 vm1, v9, v10  }
0xf0: {  	v9 =	vmpcnt.ones.xlane @!p0 vm0;
	vm1 =	vcmask @!p0 $0x1B24;
	vm0 =	vgt.f32 @!p0 v8, v31  }
0xf1: {  	v10 =	vimm.f32 @!p0 $0.0e+00;
	v8 =	vmpcnt.ones.xlane @!p0 vm0;
	vm0 =	vgt.s32 @!p0 v7, $0x0  }
0xf2: {  	v6 =	vsel @!p0 vm1, v6, v9;
	vm1 =	vcmask @!p0 $0x1F24;
	v9 =	vsel @!p0 vm0, $0x3F800000, v10  }
0xf3: {  	v6 =	vsel @!p0 vm1, v6, v8;
	(xrf0) =	vmax.scan.msk.f32 @!p0 $0xffff, v9  }
0xf4: {  	vm1 =	vgt.s32 @!p0 v6, $0x0  }
0xf5: {  	v8 =	vsel @!p0 vm1, $0x3F800000, v10  }
0xf6: {  	(xrf0) =	vmax.scan.msk.f32 @!p0 $0xffff, v8;
	_ =	sdelay $0x2  }
0xf7: {  	v8, _, _ =	vpop @!p0 (xrf0)  }
0xf8: {  	(v2sf) =	vpush @!p0 v8, $0xF;
	_ =	sdelay $0x1  }
0xf9: {  	v8, _, _ =	vpop @!p0 (xrf0)  }
0xfa: {  	(v2sf) =	vpush @!p0 v8, $0xF;
	_ =	sdelay $0xb  }
0xfb: {  	[dreg:$0x1d] =	wrdreg s3;
	s3 =	spop @!p0 (v2sf)  }
0xfc: {  	p1 =	sgt.f32 @!p0 s3, $0.0e+00;
	_ =	sdelay $0x1  }
0xfd: {  	s3 =	spop @!p0 (v2sf);
	p2 =	por p1, p0  }
0xfe: {  	p2 =	sgt.f32 @!p2 s3, $0.0e+00;
	_ =	sdelay $0x1  }
0xff: {  	p2 =	por @!p0 p1, p2  }
0x100: {  	p2 =	por p0, !p2  }
.Ltmp7:
0x101: {  	_ = 	snop;
	(pc) =	sbr.rel @p2 .LBB2_9-.Ltmp7, $2  }
0x102: {  	_ =	sdelay $0x2  }
0x103: {  	s14 =	simm.s32 $0x1CC80  }
0x104: {  	p0 =	por !p1, p0  }
0x105: {  	vm1 =	vmmov @p0 vm1  }
0x106: {  	p1 =	por @!p0 p1, p1;
	vm0 =	vmmov @p0 vm0;
	v6 =	vpsel p0, v6, v6;
	v7 =	vpsel p0, v7, v7  }
.LBB2_8:
0x107: {  	v8 =	vmctz.xlane vm0  }
0x108: {  	v9 =	vmctz.xlane vm1  }
0x109: {  	(v2sf) =	vpush v8, $0x0  }
0x10a: {  	(v2sf) =	vpush v9, $0x0;
	_ =	sdelay $0xd  }
0x10b: {  	s3 =	spop (v2sf)  }
0x10c: {  	s6 =	spop (v2sf)  }
0x10d: {  	s6 =	sadd.s32 $0x10, s6  }
0x10e: {  	s6 =	smov.u32 @p1 s3  }
0x10f: {  	s3 =	sshll.u32 s6, $0x4  }
0x110: {  	s3 =	sadd.s32 s9, s3  }
0x111: {  	s8 =	sshll.u32 s3, $0x3  }
0x112: {  	s8 =	sand.u32 $0xFFFFFC00, s8  }
0x113: {  	s3 =	sand.u32 $0x70, s3;
	s8 =	sadd.s32 s25, s8  }
0x114: {  	v58 =	vld [tilespmem:s1+$0x1C900];
	s3 =	sor.u32 s3, s8  }
0x115: {  	v8 =	vld.idx.msk [tilespmem:v4+s3+$0x0 ss:$0x1], $0xffff;
	_ =	sdelay $0x4  }
0x116: {  	vm0 =	vgt.f32 v8, v58  }
0x117: {  	v9 =	vmpcnt.ones.xlane vm0;
	_ =	sdelay $0x1  }
0x118: {  	(v2sf) =	vpush v9, $0x0;
	_ =	sdelay $0x4  }
0x119: {  	v59 =	vld.idx.msk [tilespmem:v4+s3+$0xC800 ss:$0x1], $0xffff;
	_ =	sdelay $0x3  }
0x11a: {  	[tilespmem:s17+$0x0] =	vst.msk vm0, v8  }
0x11b: {  	[tilespmem:s14+$0x0] =	vst.msk vm0, v59  }
0x11c: {  	v8 =	vld [tilespmem:$0x1CA80]  }
0x11d: {  	v9 =	vld [tilespmem:$0x1CC80];
	_ =	sdelay $0x2  }
0x11e: {  	s3 =	spop (v2sf)  }
0x11f: {  	p0 =	slt.s32 s3, $0x1  }
0x120: {  	v10 =	vmov s6;
	(xrf1) =	vsort.dscd.msk.f32 @!p0 $0xffff, v8, v9  }
0x121: {  	s6 =	sadd.s32 $0xFFFFFFF0, s6;
	vm0 =	veq.s32 v10, v2  }
0x122: {  	v60 =	vmov s6;
	v7 =	vsel vm0, $0x0, v7  }
0x123: {  	vm1 =	veq.s32 v60, v2;
	vm0 =	vgt.s32 v7, $0x0  }
0x124: {  	v6 =	vsel vm1, $0x0, v6;
	v61 =	vsel vm0, $0x3F800000, v1  }
0x125: {  	vm1 =	vgt.s32 v6, $0x0;
	(xrf0) =	vmax.scan.msk.f32 $0xffff, v61  }
0x126: {  	v62 =	vsel vm1, $0x3F800000, v1  }
0x127: {  	(xrf0) =	vmax.scan.msk.f32 $0xffff, v62;
	_ =	sdelay $0x3  }
0x128: {  	v15, _, _ =	vpop (xrf0)  }
0x129: {  	[tilespmem:$0x1CA80] =	vst v0;
	(v2sf) =	vpush v15, $0xF;
	v10 =	vlaneseq.u32 @!p0  }
0x12a: {  	v63, _, _ =	vpop (xrf0);
	p1 =	seq.s32 @!p0 s3, $0x1;
	v11 =	vld @!p0 [tilespmem:s1+$0x1C800];
	v10 =	vmul.u32 @!p0 $0xFFFFFFFF, v10  }
0x12b: {  	(v2sf) =	vpush v63, $0xF;
	v14 =	vld @!p0 [tilespmem:s1+$0x1C880];
	p1 =	por !p1, p0;
	v12, v13, _ =	vpop @!p0 (xrf1)  }
0x12c: {  	v10 =	vadd.s32 @!p0 $0xF, v10;
	v8 =	vpsel p1, v12, v8  }
0x12d: {  	v9 =	vpsel p1, v13, v9;
	v8 =	vperm.xlane @!p0 v8, v10  }
0x12e: {  	v9 =	vperm.xlane @!p0 v9, v10  }
0x12f: {  	vm2 =	vgt.f32 @!p0 v8, v11  }
0x130: {  	v8 =	vsel @!p0 vm2, v8, v11;
	v9 =	vsel @!p0 vm2, v9, v14  }
0x131: {  	(xrf1) =	vsort.dscd.msk.f32 @!p0 $0xffff, v8, v9;
	_ =	sdelay $0x6  }
0x132: {  	s8 =	spop (v2sf)  }
0x133: {  	p2 =	sgt.f32 s8, $0.0e+00  }
0x134: {  	s3 =	spop (v2sf)  }
0x135: {  	p1 =	sgt.f32 @!p2 s3, $0.0e+00;
	_ =	sdelay $0x1  }
0x136: {  	p3 =	por p2, p1  }
.Ltmp8:
0x137: {  	_ = 	snop;
	(pc) =	sbr.rel @p3 .LBB2_8-.Ltmp8, $4  }
0x138: {  	v8, v9, _ =	vpop @!p0 (xrf1)  }
0x139: {  	[tilespmem:s1+$0x1C800] =	vst @!p0 v8;
	v8 =	vbroadcast @!p0 v8, $0x9  }
0x13a: {  	vm1 =	vmmov @p2 vm1;
	p1 =	por p2, p2;
	[tilespmem:s1+$0x1C880] =	vst @!p0 v9  }
0x13b: {  	vm0 =	vmmov @p2 vm0;
	v6 =	vpsel p2, v6, v6;
	v7 =	vpsel p2, v7, v7;
	p1 =	por @!p2 p2, p2;
	[tilespmem:s1+$0x1C900] =	vst @!p0 v8  }
.LBB2_9:
0x13c: {  	p0 =	slt.s32 s4, $0x1  }
0x13d: {  	s2 =	rddreg [dreg:$0x1e];
	v6 =	vld @!p0 [tilespmem:s18+$0xC800]  }
0x13e: {  	v7 =	vld @!p0 [tilespmem:s2+$0xC800]  }
0x13f: {  	v8 =	vld @!p0 [tilespmem:s7+$0xC800]  }
0x140: {  	v9 =	vld @!p0 [tilespmem:s5+$0xC800];
	_ =	sdelay $0x1  }
0x141: {  	v10 =	vld @!p0 [tilespmem:s0+$0xC800]  }
0x142: {  	vm0 =	vgt.f32 @!p0 v6, v5;
	vm1 =	vgt.f32 @!p0 v7, v5;
	v6 =	vld @!p0 [tilespmem:s10+$0xC800]  }
0x143: {  	v7 =	vmpcnt.ones.xlane @!p0 vm0;
	v11 =	vmpcnt.ones.xlane @!p0 vm1;
	vm1 =	vgt.f32 @!p0 v8, v5;
	v8 =	vld @!p0 [tilespmem:s12+$0xC800]  }
0x144: {  	vm0 =	vmmov @!p0 $0x1;
	v12 =	vmpcnt.ones.xlane @!p0 vm1;
	vm1 =	vgt.f32 @!p0 v9, v5  }
0x145: {  	vm2 =	vmmov @!p0 $0x3;
	s2 =	rddreg [dreg:$0x1a];
	v7 =	vsel @!p0 vm0, v7, v11;
	v9 =	vmpcnt.ones.xlane @!p0 vm1;
	v11 =	vld @!p0 [tilespmem:s13+$0xC800]  }
0x146: {  	vm1 =	vmmov @!p0 $0x7;
	v7 =	vsel @!p0 vm2, v7, v12;
	vm2 =	vgt.f32 @!p0 v10, v5;
	v10 =	vld @!p0 [tilespmem:s2+$0xC800]  }
0x147: {  	v7 =	vsel @!p0 vm1, v7, v9;
	v9 =	vmpcnt.ones.xlane @!p0 vm2;
	vm1 =	vgt.f32 @!p0 v6, v5;
	v6 =	vld @!p0 [tilespmem:s20+$0xC800]  }
0x148: {  	vm2 =	vmmov @!p0 $0xf;
	v12 =	vmpcnt.ones.xlane @!p0 vm1;
	vm1 =	vgt.f32 @!p0 v8, v5  }
0x149: {  	v7 =	vsel @!p0 vm2, v7, v9;
	vm2 =	vmmov @!p0 $0x1f;
	v8 =	vmpcnt.ones.xlane @!p0 vm1;
	v9 =	vld @!p0 [tilespmem:s15+$0xC800]  }
0x14a: {  	vm1 =	vmmov @!p0 $0x3f;
	v7 =	vsel @!p0 vm2, v7, v12;
	vm2 =	vgt.f32 @!p0 v11, v5;
	v11 =	vld @!p0 [tilespmem:s21+$0xC800]  }
0x14b: {  	v7 =	vsel @!p0 vm1, v7, v8;
	v8 =	vmpcnt.ones.xlane @!p0 vm2;
	vm1 =	vgt.f32 @!p0 v10, v5;
	v10 =	vld @!p0 [tilespmem:s23+$0xC800]  }
0x14c: {  	vm2 =	vmmov @!p0 $0x7f;
	v12 =	vmpcnt.ones.xlane @!p0 vm1;
	vm1 =	vgt.f32 @!p0 v6, v5  }
0x14d: {  	v6 =	vsel @!p0 vm2, v7, v8;
	vm2 =	vmmov @!p0 $0xff;
	v7 =	vmpcnt.ones.xlane @!p0 vm1;
	v8 =	vld @!p0 [tilespmem:s22+$0xC800]  }
0x14e: {  	s0 =	rddreg [dreg:$0x1c];
	vm1 =	vmmov @!p0 $0x1ff;
	v6 =	vsel @!p0 vm2, v6, v12;
	vm2 =	vgt.f32 @!p0 v9, v5;
	v9 =	vld @!p0 [tilespmem:s24+$0xC800]  }
0x14f: {  	v6 =	vsel @!p0 vm1, v6, v7;
	v7 =	vmpcnt.ones.xlane @!p0 vm2;
	vm1 =	vgt.f32 @!p0 v11, v5;
	v11 =	vld @!p0 [tilespmem:s0+$0xC800]  }
0x150: {  	vm2 =	vmmov @!p0 $0x3ff;
	v12 =	vmpcnt.ones.xlane @!p0 vm1;
	vm1 =	vgt.f32 @!p0 v10, v5;
	v10 =	vld @!p0 [tilespmem:s26+$0xC800]  }
0x151: {  	v6 =	vsel @!p0 vm2, v6, v7;
	vm2 =	vmmov @!p0 $0x7ff;
	v7 =	vmpcnt.ones.xlane @!p0 vm1  }
0x152: {  	vm1 =	vmmov @!p0 $0xfff;
	v6 =	vsel @!p0 vm2, v6, v12;
	v12 =	vld @!p0 [tilespmem:s31+$0xC800]  }
0x153: {  	v6 =	vsel @!p0 vm1, v6, v7;
	vm1 =	vgt.f32 @!p0 v8, v5;
	v7 =	vld @!p0 [tilespmem:s28+$0xC800]  }
0x154: {  	vm3 =	vgt.f32 @!p0 v9, v5;
	v8 =	vmpcnt.ones.xlane @!p0 vm1;
	vm2 =	vgt.f32 @!p0 v11, v5;
	v11 =	vld @!p0 [tilespmem:s11+$0xC800]  }
0x155: {  	vm1 =	vmmov @!p0 $0x1fff;
	v9 =	vmpcnt.ones.xlane @!p0 vm2;
	vm2 =	vgt.f32 @!p0 v10, v5  }
0x156: {  	v6 =	vsel @!p0 vm1, v6, v8;
	v13 =	vmpcnt.ones.xlane @!p0 vm2  }
0x157: {  	v9 =	vnsel @!p0 vm0, $0x0, v9;
	vm0 =	vcmask @!p0 $0x324;
	vm1 =	vgt.f32 @!p0 v12, v5  }
0x158: {  	v10 =	vld @!p0 [tilespmem:s16+$0xC800];
	v9 =	vsel @!p0 vm0, v9, v13;
	v13 =	vmpcnt.ones.xlane @!p0 vm1;
	vm0 =	vgt.f32 @!p0 v7, v5  }
0x159: {  	v12 =	vld @!p0 [tilespmem:s29+$0xC800];
	vm1 =	vgt.f32 @!p0 v11, v5;
	v11 =	vmpcnt.ones.xlane @!p0 vm0;
	vm0 =	vcmask @!p0 $0x724  }
0x15a: {  	s0 =	rddreg [dreg:$0x1d];
	v7 =	vld @!p0 [tilespmem:s30+$0xC800];
	v9 =	vsel @!p0 vm0, v9, v13;
	vm0 =	vcmask @!p0 $0xB24  }
0x15b: {  	v9 =	vsel @!p0 vm0, v9, v11;
	v11 =	vld @!p0 [tilespmem:s0+$0xC800];
	s0 =	sld [smem:$0x7FD]  }
0x15c: {  	v8 =	vmpcnt.ones.xlane @!p0 vm3;
	v13 =	vmpcnt.ones.xlane @!p0 vm1  }
0x15d: {  	vm1 =	vmmov @!p0 $0x3fff;
	vm0 =	vcmask @!p0 $0xF24  }
0x15e: {  	v6 =	vsel @!p0 vm1, v6, v8;
	v8 =	vsel @!p0 vm0, v9, v13;
	vm0 =	vgt.f32 @!p0 v12, v5;
	v9 =	vld @!p0 [tilespmem:s0+$0xC800]  }
0x15f: {  	vm1 =	vgt.f32 @!p0 v10, v5;
	v10 =	vmpcnt.ones.xlane @!p0 vm0;
	vm0 =	vgt.f32 @!p0 v7, v5  }
0x160: {  	v7 =	vmpcnt.ones.xlane @!p0 vm1;
	vm1 =	vcmask @!p0 $0x1324;
	v12 =	vmpcnt.ones.xlane @!p0 vm0  }
0x161: {  	vm0 =	vmmov @!p0 $0x7fff;
	v8 =	vsel @!p0 vm1, v8, v10;
	vm1 =	vcmask @!p0 $0x1724  }
0x162: {  	v6 =	vsel @!p0 vm0, v6, v7;
	v7 =	vsel @!p0 vm1, v8, v12;
	vm0 =	vgt.f32 @!p0 v11, v5  }
0x163: {  	vm1 =	vcmask @!p0 $0x1B24;
	v8 =	vmpcnt.ones.xlane @!p0 vm0;
	vm0 =	vgt.f32 @!p0 v9, v5  }
0x164: {  	v9 =	vimm.f32 @!p0 $0.0e+00;
	v5 =	vmpcnt.ones.xlane @!p0 vm0;
	vm0 =	vgt.s32 @!p0 v6, $0x0  }
0x165: {  	v7 =	vsel @!p0 vm1, v7, v8;
	vm1 =	vcmask @!p0 $0x1F24;
	v8 =	vsel @!p0 vm0, $0x3F800000, v9  }
0x166: {  	v5 =	vsel @!p0 vm1, v7, v5;
	(xrf0) =	vmax.scan.msk.f32 @!p0 $0xffff, v8  }
0x167: {  	vm1 =	vgt.s32 @!p0 v5, $0x0  }
0x168: {  	v7 =	vsel @!p0 vm1, $0x3F800000, v9  }
0x169: {  	(xrf0) =	vmax.scan.msk.f32 @!p0 $0xffff, v7;
	_ =	sdelay $0x2  }
0x16a: {  	v7, _, _ =	vpop @!p0 (xrf0)  }
0x16b: {  	(v2sf) =	vpush @!p0 v7, $0xF;
	_ =	sdelay $0x1  }
0x16c: {  	v7, _, _ =	vpop @!p0 (xrf0)  }
0x16d: {  	(v2sf) =	vpush @!p0 v7, $0xF;
	_ =	sdelay $0xb  }
0x16e: {  	s2 =	spop @!p0 (v2sf)  }
0x16f: {  	p1 =	sgt.f32 @!p0 s2, $0.0e+00;
	_ =	sdelay $0x1  }
0x170: {  	s2 =	spop @!p0 (v2sf);
	p2 =	por p1, p0  }
0x171: {  	p2 =	sgt.f32 @!p2 s2, $0.0e+00;
	_ =	sdelay $0x1  }
0x172: {  	p2 =	por @!p0 p1, p2  }
0x173: {  	p2 =	por p0, !p2  }
.Ltmp9:
0x174: {  	_ = 	snop;
	(pc) =	sbr.rel @p2 .LBB2_12-.Ltmp9, $2  }
0x175: {  	_ =	sdelay $0x2  }
0x176: {  	s8 =	rddreg [dreg:$0x13]  }
0x177: {  	p0 =	por !p1, p0  }
0x178: {  	vm1 =	vmmov @p0 vm1  }
0x179: {  	p1 =	por @!p0 p1, p1;
	vm0 =	vmmov @p0 vm0;
	v5 =	vpsel p0, v5, v5;
	v6 =	vpsel p0, v6, v6  }
.LBB2_11:
0x17a: {  	v7 =	vmctz.xlane vm0  }
0x17b: {  	v8 =	vmctz.xlane vm1  }
0x17c: {  	(v2sf) =	vpush v7, $0x0  }
0x17d: {  	(v2sf) =	vpush v8, $0x0;
	_ =	sdelay $0xd  }
0x17e: {  	s2 =	spop (v2sf)  }
0x17f: {  	s3 =	spop (v2sf)  }
0x180: {  	s3 =	sadd.s32 $0x10, s3  }
0x181: {  	s3 =	smov.u32 @p1 s2  }
0x182: {  	s2 =	sshll.u32 s3, $0x4  }
0x183: {  	s2 =	sadd.s32 s9, s2  }
0x184: {  	s4 =	sshll.u32 s2, $0x3  }
0x185: {  	s4 =	sand.u32 $0xFFFFFC00, s4  }
0x186: {  	s2 =	sand.u32 $0x70, s2;
	s4 =	sadd.s32 s4, s8  }
0x187: {  	v8 =	vld [tilespmem:s1+$0x1CA00];
	s2 =	sadd.s32 s2, s4  }
0x188: {  	v7 =	vld.idx.msk [tilespmem:v4+s2+$0x0 ss:$0x1], $0xffff;
	_ =	sdelay $0x4  }
0x189: {  	vm0 =	vgt.f32 v7, v8  }
0x18a: {  	v8 =	vmpcnt.ones.xlane vm0;
	_ =	sdelay $0x1  }
0x18b: {  	(v2sf) =	vpush v8, $0x0;
	_ =	sdelay $0xa  }
0x18c: {  	[tilespmem:s17+$0x0] =	vst.msk vm0, v7  }
0x18d: {  	v7 =	vld [tilespmem:$0x1CA80];
	_ =	sdelay $0x2  }
0x18e: {  	s2 =	spop (v2sf)  }
0x18f: {  	p0 =	slt.s32 s2, $0x1  }
0x190: {  	(xrf1) =	vsort.dscd.msk.f32 @!p0 $0xffff, v7, v7;
	_ =	sdelay $0x1  }
0x191: {  	v8 =	vmov s3  }
0x192: {  	vm0 =	veq.s32 v8, v2  }
0x193: {  	s3 =	sadd.s32 $0xFFFFFFF0, s3;
	v6 =	vsel vm0, $0x0, v6  }
0x194: {  	v8 =	vmov s3;
	vm0 =	vgt.s32 v6, $0x0  }
0x195: {  	vm1 =	veq.s32 v8, v2;
	v8 =	vsel vm0, $0x3F800000, v1  }
0x196: {  	v5 =	vsel vm1, $0x0, v5;
	(xrf0) =	vmax.scan.msk.f32 $0xffff, v8  }
0x197: {  	vm1 =	vgt.s32 v5, $0x0  }
0x198: {  	v8 =	vsel vm1, $0x3F800000, v1  }
0x199: {  	(xrf0) =	vmax.scan.msk.f32 $0xffff, v8;
	v8 =	vlaneseq.u32 @!p0  }
0x19a: {  	v8 =	vmul.u32 @!p0 $0xFFFFFFFF, v8;
	_ =	sdelay $0x1  }
0x19b: {  	v11, _, _ =	vpop (xrf0);
	p1 =	seq.s32 @!p0 s2, $0x1;
	v8 =	vadd.s32 @!p0 $0xF, v8  }
0x19c: {  	p1 =	por !p1, p0;
	v10, _, _ =	vpop @!p0 (xrf1)  }
0x19d: {  	[tilespmem:$0x1CA80] =	vst v0;
	(v2sf) =	vpush v11, $0xF;
	v7 =	vpsel p1, v10, v7  }
0x19e: {  	v9 =	vld @!p0 [tilespmem:s1+$0x1C980];
	v7 =	vperm.xlane @!p0 v7, v8;
	v8, _, _ =	vpop (xrf0)  }
0x19f: {  	(v2sf) =	vpush v8, $0xF;
	_ =	sdelay $0x3  }
0x1a0: {  	vm2 =	vgt.f32 @!p0 v7, v9  }
0x1a1: {  	v7 =	vsel @!p0 vm2, v7, v9  }
0x1a2: {  	(xrf1) =	vsort.dscd.msk.f32 @!p0 $0xffff, v7, v7;
	_ =	sdelay $0x6  }
0x1a3: {  	s31 =	spop (v2sf)  }
0x1a4: {  	p2 =	sgt.f32 s31, $0.0e+00  }
0x1a5: {  	s2 =	spop (v2sf)  }
0x1a6: {  	p1 =	sgt.f32 @!p2 s2, $0.0e+00;
	_ =	sdelay $0x1  }
0x1a7: {  	p3 =	por p2, p1  }
.Ltmp10:
0x1a8: {  	_ = 	snop;
	(pc) =	sbr.rel @p3 .LBB2_11-.Ltmp10, $4  }
0x1a9: {  	v7, _, _ =	vpop @!p0 (xrf1)  }
0x1aa: {  	v8 =	vbroadcast @!p0 v7, $0x9  }
0x1ab: {  	vm1 =	vmmov @p2 vm1;
	[tilespmem:s1+$0x1C980] =	vst @!p0 v7;
	p1 =	por p2, p2  }
0x1ac: {  	vm0 =	vmmov @p2 vm0;
	v5 =	vpsel p2, v5, v5;
	v6 =	vpsel p2, v6, v6;
	p1 =	por @!p2 p2, p2;
	[tilespmem:s1+$0x1CA00] =	vst @!p0 v8  }
.Ltmp11:
0x1ad: {  	_ = 	snop;
	(pc) =	sbr.rel .LBB2_12-.Ltmp11, $1  }
0x1ae: {  	_ =	sdelay $0x3  }
.LBB2_15:
0x1af: {  	s0 =	simm.s32 $0x1  }
0x1b0: {  	_ =	swait.ge [sflag:s0], $0x1C00  }
0x1b1: {  	[sflag:s0] =	ssyncset.done $0x0  }
0x1b2: {  	s31 =	simm.s32 $0x2;
	s1 =	rddreg [dreg:$0xb];
	[sflag:s0] =	ssyncadd.s32 $0xFFFFE400  }
0x1b3: {  	p0 =	seq.s32 s1, $0x3;
	s0 =	rddreg [dreg:$0x8];
	_ =	swait.ge [sflag:s31], $0x1C00  }
0x1b4: {  	s0 =	sadd.s32 @!p0 s1, s0;
	[sflag:s31] =	ssyncset.done $0x0  }
0x1b5: {  	s0 =	smul.u32 @!p0 $0x18700, s0;
	[sflag:s31] =	ssyncadd.s32 $0xFFFFE400  }
0x1b6: {  	s1 =	rddreg [dreg:$0x0]  }
0x1b7: {  	s2 =	simm.s32 @!p0 $0x0;
	s1 =	sadd.s32 @!p0 s1, s0  }
0x1b8: {  	[tilespmem:s2], [sflag:$0x1] =	stream.linear.gather @!p0 [hbm4b:s1+s2], $0x6400, $0x38;
	[tilespmem:$0x1CF00] =	vst v63  }
.Ltmp12:
0x1b9: {  	_ = 	snop;
	(pc) =	sbr.rel .LBB2_16-.Ltmp12, $4  }
0x1ba: {  	s1 =	rddreg [dreg:$0x3]  }
0x1bb: {  	s0 =	sadd.s32 @!p0 s1, s0;
	s1 =	simm.s32 @!p0 $0xC800  }
0x1bc: {  	[tilespmem:s1], [sflag:$0x2] =	stream.linear.gather @!p0 [hbm4b:s0+s2], $0x6400, $0x38;
	[tilespmem:$0x1CF00] =	vst v63  }
0x1bd: {  	s0 =	simm.s32 $0x0  }
.LBB2_25:
0x1be: {  	s0 =	rddreg [dreg:$0x19]  }
0x1bf: {  	s0 =	sadd.s32 $0x1, s0  }
0x1c0: {  	p0 =	sne.s32 s0, $0x8  }
.Ltmp13:
0x1c1: {  	_ = 	snop;
	(pc) =	sbr.rel @!p0 .LBB2_26-.Ltmp13, $1  }
0x1c2: {  	_ =	sdelay $0x3  }
.LBB2_16:
.Ltmp14:
0x1c3: {  	(pc) =	sbr.rel .LBB2_17-.Ltmp14, $3  }
0x1c4: {  	_ =	sdelay $0x1  }
0x1c5: {  	s1 =	sshll.u32 s0, $0x7;
	[dreg:$0x19] =	wrdreg s0  }
0x1c6: {  	s6 =	sshll.u32 s0, $0x4;
	p1 =	por $0x1, $0x1;
	s2 =	simm.s32 $0x0;
	v4 =	vmov s1  }
.LBB2_24:
.Ltmp15:
0x1c7: {  	(pc) =	sbr.rel @!p0 .LBB2_25-.Ltmp15, $2  }
0x1c8: {  	_ =	sdelay $0x2  }
0x1c9: {  	s2 =	simm.s32 $0x1;
	p1 =	por $0x0, $0x0  }
.LBB2_17:
0x1ca: {  	s7 =	smul.u32 $0x190, s2  }
0x1cb: {  	s11 =	smul.u32 $0xC80, s2  }
0x1cc: {  	s4 =	sand.u32 $0x70, s7  }
0x1cd: {  	s2 =	sand.u32 $0xC00, s11;
	s10 =	sadd.s32 $0x20, s7;
	s5 =	sor.u32 s1, s4  }
0x1ce: {  	s13 =	sshll.u32 s10, $0x3;
	s0 =	sor.u32 s2, s5  }
0x1cf: {  	s15 =	sand.u32 $0x1C00, s13;
	s13 =	sadd.s32 $0x50, s7;
	v7 =	vld [tilespmem:s0+$0x19000]  }
0x1d0: {  	s23 =	sshll.u32 s13, $0x3;
	s24 =	sand.u32 $0x70, s13;
	s13 =	sor.u32 s4, s2;
	v5 =	vld [tilespmem:s0+$0x1AC00]  }
0x1d1: {  	v13 =	vld.idx.msk [tilespmem:v4+s13+$0x19400 ss:$0x1], $0xffff  }
0x1d2: {  	s3 =	sadd.s32 $0x10, s7;
	v29 =	vld.idx.msk [tilespmem:v4+s13+$0x19800 ss:$0x1], $0xffff  }
0x1d3: {  	s11 =	sadd.s32 $0x30, s7;
	s8 =	sshll.u32 s3, $0x3;
	v6 =	vld.idx.msk [tilespmem:v4+s13+$0x19C00 ss:$0x1], $0xffff  }
0x1d4: {  	s9 =	sand.u32 $0x70, s3;
	s14 =	sand.u32 $0x70, s10;
	s8 =	sand.u32 $0x1C00, s8;
	v38 =	vld.idx.msk [tilespmem:v4+s13+$0x1B000 ss:$0x1], $0xffff  }
0x1d5: {  	s17 =	sshll.u32 s11, $0x3;
	s18 =	sand.u32 $0x70, s11;
	s12 =	sor.u32 s8, s9;
	v50 =	vld.idx.msk [tilespmem:v4+s13+$0x1B400 ss:$0x1], $0xffff  }
0x1d6: {  	s19 =	sand.u32 $0x1C00, s17;
	s16 =	sor.u32 s15, s14;
	s8 =	sor.u32 s1, s12;
	v58 =	vld.idx.msk [tilespmem:v4+s13+$0x1B800 ss:$0x1], $0xffff  }
0x1d7: {  	s20 =	sor.u32 s19, s18;
	s9 =	sor.u32 s1, s16;
	v10 =	vld [tilespmem:s8+$0x19000]  }
0x1d8: {  	s12 =	sadd.s32 $0x40, s7;
	s11 =	sor.u32 s1, s20;
	v11 =	vld [tilespmem:s9+$0x19000]  }
0x1d9: {  	s26 =	sadd.s32 $0x70, s7;
	s21 =	sshll.u32 s12, $0x3;
	v16 =	vld [tilespmem:s11+$0x19000]  }
0x1da: {  	s14 =	sshll.u32 s26, $0x3;
	s12 =	sand.u32 $0x70, s12;
	v31 =	vld [tilespmem:s8+$0x1AC00];
	s10 =	sand.u32 $0x1C00, s21  }
0x1db: {  	s14 =	sand.u32 $0x1C00, s14;
	s20 =	sadd.s32 $0xA0, s7;
	v32 =	vld [tilespmem:s9+$0x1AC00];
	s22 =	sor.u32 s10, s12  }
0x1dc: {  	s4 =	sand.u32 $0x70, s20;
	v33 =	vld [tilespmem:s11+$0x1AC00];
	s10 =	sand.u32 $0x1C00, s23;
	s22 =	sor.u32 s1, s22  }
0x1dd: {  	s21 =	sshll.u32 s20, $0x3;
	s12 =	sand.u32 $0x70, s26;
	s5 =	sor.u32 s10, s24;
	v20 =	vld [tilespmem:s22+$0x19000]  }
0x1de: {  	s23 =	sand.u32 $0x1C00, s21;
	s16 =	sor.u32 s14, s12;
	s18 =	sor.u32 s1, s5;
	v34 =	vld [tilespmem:s22+$0x1AC00]  }
0x1df: {  	s17 =	sadd.s32 $0x90, s7;
	s26 =	sor.u32 s23, s4;
	s24 =	sor.u32 s1, s16;
	v12 =	vld [tilespmem:s18+$0x19000]  }
0x1e0: {  	s25 =	sadd.s32 $0x60, s7;
	s19 =	sshll.u32 s17, $0x3;
	s23 =	sor.u32 s1, s26;
	v21 =	vld [tilespmem:s24+$0x19000]  }
0x1e1: {  	s3 =	sand.u32 $0x70, s25;
	s2 =	sand.u32 $0x1C00, s19;
	s10 =	sshll.u32 s25, $0x3;
	v22 =	vld [tilespmem:s23+$0x19000]  }
0x1e2: {  	s21 =	sadd.s32 $0xE0, s7;
	s10 =	sand.u32 $0x1C00, s10;
	s5 =	sand.u32 $0x70, s17;
	v35 =	vld [tilespmem:s18+$0x1AC00]  }
0x1e3: {  	s15 =	sor.u32 s10, s3;
	s2 =	sor.u32 s2, s5;
	s3 =	sadd.s32 $0xB0, s7;
	v37 =	vld [tilespmem:s24+$0x1AC00]  }
0x1e4: {  	s10 =	sadd.s32 $0xC0, s7;
	v40 =	vld [tilespmem:s23+$0x1AC00];
	s25 =	sor.u32 s1, s15;
	s17 =	sor.u32 s1, s2  }
0x1e5: {  	s5 =	sshll.u32 s3, $0x3;
	s4 =	sand.u32 $0x70, s3;
	s12 =	sshll.u32 s10, $0x3;
	v17 =	vld [tilespmem:s25+$0x19000]  }
0x1e6: {  	s14 =	sand.u32 $0x70, s10;
	s3 =	sshll.u32 s21, $0x3;
	s2 =	sand.u32 $0x1C00, s5;
	v18 =	vld [tilespmem:s17+$0x19000]  }
0x1e7: {  	s15 =	sand.u32 $0x1C00, s12;
	s5 =	sand.u32 $0x70, s21;
	v36 =	vld [tilespmem:s25+$0x1AC00];
	s2 =	sor.u32 s2, s4  }
0x1e8: {  	s10 =	sand.u32 $0x1C00, s3;
	v39 =	vld [tilespmem:s17+$0x1AC00];
	s16 =	sor.u32 s15, s14;
	s26 =	sor.u32 s1, s2  }
0x1e9: {  	s12 =	sor.u32 s10, s5;
	s28 =	sor.u32 s1, s16;
	v14 =	vld [tilespmem:s26+$0x19000]  }
0x1ea: {  	s19 =	sadd.s32 $0xD0, s7;
	s30 =	sor.u32 s1, s12;
	v19 =	vld [tilespmem:s28+$0x19000]  }
0x1eb: {  	s20 =	sshll.u32 s19, $0x3;
	s14 =	sadd.s32 $0xF0, s7;
	v15 =	vld [tilespmem:s30+$0x19000]  }
0x1ec: {  	s4 =	sand.u32 $0x70, s19;
	s2 =	sand.u32 $0x1C00, s20;
	s15 =	sshll.u32 s14, $0x3;
	v41 =	vld [tilespmem:s26+$0x1AC00]  }
0x1ed: {  	s16 =	sadd.s32 $0x110, s7;
	s2 =	sor.u32 s2, s4;
	s4 =	sand.u32 $0x70, s14;
	v42 =	vld [tilespmem:s28+$0x1AC00]  }
0x1ee: {  	s19 =	sshll.u32 s16, $0x3;
	v44 =	vld [tilespmem:s30+$0x1AC00];
	s29 =	sor.u32 s1, s2;
	s2 =	sand.u32 $0x1C00, s15  }
0x1ef: {  	s20 =	sand.u32 $0x70, s16;
	s3 =	sand.u32 $0x1C00, s19;
	s2 =	sor.u32 s2, s4;
	v23 =	vld [tilespmem:s29+$0x19000]  }
0x1f0: {  	s5 =	sadd.s32 $0x120, s7;
	s4 =	sor.u32 s3, s20;
	v43 =	vld [tilespmem:s29+$0x1AC00];
	s21 =	sor.u32 s1, s2  }
0x1f1: {  	s10 =	sshll.u32 s5, $0x3;
	s12 =	sadd.s32 $0x130, s7;
	s31 =	sor.u32 s1, s4;
	v9 =	vld [tilespmem:s21+$0x19000]  }
0x1f2: {  	s14 =	sshll.u32 s12, $0x3;
	s4 =	sand.u32 $0x70, s5;
	s2 =	sand.u32 $0x1C00, s10;
	v24 =	vld [tilespmem:s31+$0x19000]  }
0x1f3: {  	s5 =	sand.u32 $0x70, s12;
	s10 =	sand.u32 $0x1C00, s14;
	s2 =	sor.u32 s2, s4;
	v48 =	vld [tilespmem:s21+$0x1AC00]  }
0x1f4: {  	s16 =	sadd.s32 $0x140, s7;
	s15 =	sor.u32 s10, s5;
	v51 =	vld [tilespmem:s31+$0x1AC00];
	s4 =	sor.u32 s1, s2  }
0x1f5: {  	s19 =	sshll.u32 s16, $0x3;
	s20 =	sadd.s32 $0x150, s7;
	s10 =	sor.u32 s1, s15;
	v26 =	vld [tilespmem:s4+$0x19000]  }
0x1f6: {  	s3 =	sshll.u32 s20, $0x3;
	s5 =	sand.u32 $0x70, s16;
	s2 =	sand.u32 $0x1C00, s19;
	v30 =	vld [tilespmem:s10+$0x19000]  }
0x1f7: {  	v45 =	vmax.f32 v7, v20;
	v5 =	vmax.f32 v5, v34;
	s12 =	sand.u32 $0x70, s20;
	s15 =	sand.u32 $0x1C00, s3;
	s2 =	sor.u32 s2, s5;
	v52 =	vld [tilespmem:s4+$0x1AC00]  }
0x1f8: {  	v46 =	vmax.f32 v10, v12;
	v49 =	vmax.f32 v16, v21;
	v45 =	vmax.f32 v45, v13;
	s16 =	sadd.s32 $0x160, s7;
	s5 =	sor.u32 s15, s12;
	v53 =	vld [tilespmem:s10+$0x1AC00];
	s2 =	sor.u32 s1, s2  }
0x1f9: {  	v31 =	vmax.f32 v31, v35;
	v33 =	vmax.f32 v33, v37;
	v5 =	vmax.f32 v5, v38;
	s20 =	sshll.u32 s16, $0x3;
	s3 =	sadd.s32 $0x170, s7;
	s19 =	sor.u32 s1, s5;
	v25 =	vld [tilespmem:s2+$0x19000]  }
0x1fa: {  	v47 =	vmax.f32 v11, v17;
	v46 =	vmax.f32 v46, v18;
	v32 =	vmax.f32 v32, v36;
	s12 =	sand.u32 $0x70, s16;
	s15 =	sshll.u32 s3, $0x3;
	s5 =	sand.u32 $0x1C00, s20;
	v27 =	vld [tilespmem:s19+$0x19000]  }
0x1fb: {  	v31 =	vmax.f32 v31, v39;
	v47 =	vmax.f32 v47, v22;
	v32 =	vmax.f32 v32, v40;
	s14 =	sand.u32 $0x70, s3;
	s15 =	sand.u32 $0x1C00, s15;
	s5 =	sor.u32 s5, s12;
	v54 =	vld [tilespmem:s2+$0x1AC00]  }
0x1fc: {  	v49 =	vmax.f32 v49, v14;
	v45 =	vmax.f32 v45, v19;
	v47 =	vmax.f32 v47, v15;
	s12 =	sor.u32 s15, s14;
	v55 =	vld [tilespmem:s19+$0x1AC00];
	s5 =	sor.u32 s1, s5  }
0x1fd: {  	v33 =	vmax.f32 v33, v41;
	v5 =	vmax.f32 v5, v42;
	v32 =	vmax.f32 v32, v44;
	s20 =	sor.u32 s1, s12;
	v28 =	vld [tilespmem:s5+$0x19000]  }
0x1fe: {  	v45 =	vmax.f32 v45, v29;
	v60 =	vmax.f32 v5, v50;
	v46 =	vmax.f32 v46, v23;
	v8 =	vld [tilespmem:s20+$0x19000]  }
0x1ff: {  	v59 =	vmax.f32 v31, v43;
	v49 =	vmax.f32 v49, v9;
	v46 =	vmax.f32 v46, v24;
	v56 =	vld [tilespmem:s5+$0x1AC00]  }
0x200: {  	v33 =	vmax.f32 v33, v48;
	v36 =	vmax.f32 v59, v51;
	v57 =	vld [tilespmem:s20+$0x1AC00];
	v47 =	vmax.f32 v47, v26  }
0x201: {  	v49 =	vmax.f32 v49, v30;
	v32 =	vmax.f32 v32, v52;
	v33 =	vmax.f32 v33, v53  }
0x202: {  	v31 =	vld [tilespmem:s6+$0x1C900];
	v45 =	vmax.f32 v45, v25;
	v46 =	vmax.f32 v46, v27;
	v37 =	vmax.f32 v60, v54  }
0x203: {  	v5 =	vld [tilespmem:s6+$0x1CA00];
	v36 =	vmax.f32 v36, v55;
	v45 =	vmax.f32 v45, v6;
	v61 =	vmax.f32 v37, v58  }
0x204: {  	v47 =	vmax.f32 v47, v28;
	v49 =	vmax.f32 v49, v8;
	v45 =	vmax.f32 v45, v46  }
0x205: {  	v32 =	vmax.f32 v32, v56;
	v33 =	vmax.f32 v33, v57;
	v49 =	vmax.f32 v47, v49  }
0x206: {  	v34 =	vmax.f32 v61, v36;
	v32 =	vmax.f32 v32, v33;
	v62 =	vmax.f32 v45, v49  }
0x207: {  	v32 =	vmax.f32 v34, v32;
	vm0 =	vgt.f32 v62, v31  }
0x208: {  	vm15 =	vgt.f32 v32, v5;
	v63 =	vmpcnt.ones.xlane vm0  }
0x209: {  	v32 =	vmpcnt.ones.xlane vm15  }
0x20a: {  	(v2sf) =	vpush v63, $0x0  }
0x20b: {  	(v2sf) =	vpush v32, $0x0;
	_ =	sdelay $0xd  }
0x20c: {  	s14 =	spop (v2sf)  }
0x20d: {  	s12 =	spop (v2sf)  }
0x20e: {  	s16 =	sadd.s32 s14, s12  }
0x20f: {  	p2 =	slt.s32 s16, $0x1  }
.Ltmp16:
0x210: {  	_ = 	snop;
	(pc) =	sbr.rel @p2 .LBB2_24-.Ltmp16, $2  }
0x211: {  	_ =	sdelay $0x2  }
0x212: {  	p0 =	por p1, p1;
	s13 =	sadd.s32 s1, s13  }
0x213: {  	p1 =	slt.s32 s14, $0x1  }
0x214: {  	vm0 =	vgt.f32 @!p1 v7, v31;
	vm1 =	vgt.f32 @!p1 v10, v31  }
0x215: {  	v7 =	vmpcnt.ones.xlane @!p1 vm0;
	v10 =	vmpcnt.ones.xlane @!p1 vm1  }
0x216: {  	vm0 =	vmmov @!p1 $0x1;
	vm1 =	vgt.f32 @!p1 v11, v31  }
0x217: {  	v7 =	vsel @!p1 vm0, v7, v10;
	v10 =	vmpcnt.ones.xlane @!p1 vm1;
	vm1 =	vgt.f32 @!p1 v16, v31  }
0x218: {  	vm2 =	vmmov @!p1 $0x3;
	v11 =	vmpcnt.ones.xlane @!p1 vm1;
	vm1 =	vgt.f32 @!p1 v20, v31  }
0x219: {  	v7 =	vsel @!p1 vm2, v7, v10;
	vm2 =	vmmov @!p1 $0x7;
	v10 =	vmpcnt.ones.xlane @!p1 vm1  }
0x21a: {  	vm1 =	vmmov @!p1 $0xf;
	v7 =	vsel @!p1 vm2, v7, v11;
	vm2 =	vgt.f32 @!p1 v12, v31  }
0x21b: {  	v7 =	vsel @!p1 vm1, v7, v10;
	v10 =	vmpcnt.ones.xlane @!p1 vm2;
	vm1 =	vgt.f32 @!p1 v17, v31  }
0x21c: {  	vm2 =	vmmov @!p1 $0x1f;
	v11 =	vmpcnt.ones.xlane @!p1 vm1;
	vm1 =	vgt.f32 @!p1 v21, v31  }
0x21d: {  	v7 =	vsel @!p1 vm2, v7, v10;
	vm2 =	vmmov @!p1 $0x3f;
	v10 =	vmpcnt.ones.xlane @!p1 vm1  }
0x21e: {  	vm1 =	vmmov @!p1 $0x7f;
	v7 =	vsel @!p1 vm2, v7, v11;
	vm2 =	vgt.f32 @!p1 v13, v31  }
0x21f: {  	v7 =	vsel @!p1 vm1, v7, v10;
	v10 =	vmpcnt.ones.xlane @!p1 vm2;
	vm1 =	vgt.f32 @!p1 v18, v31  }
0x220: {  	vm2 =	vmmov @!p1 $0xff;
	v11 =	vmpcnt.ones.xlane @!p1 vm1;
	vm1 =	vgt.f32 @!p1 v22, v31  }
0x221: {  	v7 =	vsel @!p1 vm2, v7, v10;
	vm2 =	vmmov @!p1 $0x1ff;
	v10 =	vmpcnt.ones.xlane @!p1 vm1  }
0x222: {  	vm1 =	vmmov @!p1 $0x3ff;
	v7 =	vsel @!p1 vm2, v7, v11;
	vm2 =	vgt.f32 @!p1 v14, v31  }
0x223: {  	v7 =	vsel @!p1 vm1, v7, v10;
	v10 =	vmpcnt.ones.xlane @!p1 vm2;
	vm1 =	vgt.f32 @!p1 v19, v31  }
0x224: {  	vm2 =	vmmov @!p1 $0x7ff;
	v11 =	vmpcnt.ones.xlane @!p1 vm1;
	vm1 =	vgt.f32 @!p1 v23, v31  }
0x225: {  	v7 =	vsel @!p1 vm2, v7, v10;
	vm2 =	vmmov @!p1 $0xfff;
	v10 =	vmpcnt.ones.xlane @!p1 vm1  }
0x226: {  	vm1 =	vmmov @!p1 $0x1fff;
	v7 =	vsel @!p1 vm2, v7, v11;
	vm2 =	vgt.f32 @!p1 v15, v31  }
0x227: {  	v7 =	vsel @!p1 vm1, v7, v10;
	v10 =	vmpcnt.ones.xlane @!p1 vm2;
	vm1 =	vgt.f32 @!p1 v29, v31  }
0x228: {  	vm2 =	vmmov @!p1 $0x3fff;
	v11 =	vmpcnt.ones.xlane @!p1 vm1;
	vm1 =	vgt.f32 @!p1 v9, v31  }
0x229: {  	v7 =	vsel @!p1 vm2, v7, v10;
	v9 =	vmpcnt.ones.xlane @!p1 vm1;
	vm1 =	vgt.f32 @!p1 v24, v31  }
0x22a: {  	v10 =	vnsel @!p1 vm0, $0x0, v11;
	v11 =	vmpcnt.ones.xlane @!p1 vm1;
	vm0 =	vgt.f32 @!p1 v26, v31  }
0x22b: {  	vm1 =	vcmask @!p1 $0x324;
	v12 =	vmpcnt.ones.xlane @!p1 vm0;
	vm0 =	vgt.f32 @!p1 v30, v31  }
0x22c: {  	v10 =	vsel @!p1 vm1, v10, v11;
	vm1 =	vcmask @!p1 $0x724;
	v11 =	vmpcnt.ones.xlane @!p1 vm0  }
0x22d: {  	vm0 =	vcmask @!p1 $0xB24;
	v10 =	vsel @!p1 vm1, v10, v12;
	vm1 =	vgt.f32 @!p1 v25, v31  }
0x22e: {  	v10 =	vsel @!p1 vm0, v10, v11;
	v11 =	vmpcnt.ones.xlane @!p1 vm1;
	vm0 =	vgt.f32 @!p1 v27, v31  }
0x22f: {  	vm1 =	vcmask @!p1 $0xF24;
	v12 =	vmpcnt.ones.xlane @!p1 vm0;
	vm0 =	vgt.f32 @!p1 v28, v31  }
0x230: {  	v10 =	vsel @!p1 vm1, v10, v11;
	vm1 =	vcmask @!p1 $0x1324;
	v11 =	vmpcnt.ones.xlane @!p1 vm0  }
0x231: {  	vm0 =	vmmov @!p1 $0x7fff;
	v10 =	vsel @!p1 vm1, v10, v12;
	vm1 =	vcmask @!p1 $0x1724  }
0x232: {  	v7 =	vsel @!p1 vm0, v7, v9;
	vm0 =	vgt.f32 @!p1 v8, v31;
	v9 =	vsel @!p1 vm1, v10, v11  }
0x233: {  	v8 =	vmpcnt.ones.xlane @!p1 vm0;
	vm1 =	vcmask @!p1 $0x1B24;
	vm0 =	vgt.f32 @!p1 v6, v31  }
0x234: {  	v10 =	vimm.f32 @!p1 $0.0e+00;
	v6 =	vmpcnt.ones.xlane @!p1 vm0;
	vm0 =	vgt.s32 @!p1 v7, $0x0  }
0x235: {  	v8 =	vsel @!p1 vm1, v9, v8;
	vm1 =	vcmask @!p1 $0x1F24;
	v9 =	vsel @!p1 vm0, $0x3F800000, v10  }
0x236: {  	v6 =	vsel @!p1 vm1, v8, v6;
	(xrf0) =	vmax.scan.msk.f32 @!p1 $0xffff, v9  }
0x237: {  	vm1 =	vgt.s32 @!p1 v6, $0x0  }
0x238: {  	v8 =	vsel @!p1 vm1, $0x3F800000, v10  }
0x239: {  	(xrf0) =	vmax.scan.msk.f32 @!p1 $0xffff, v8;
	_ =	sdelay $0x2  }
0x23a: {  	v8, _, _ =	vpop @!p1 (xrf0)  }
0x23b: {  	(v2sf) =	vpush @!p1 v8, $0xF;
	_ =	sdelay $0x1  }
0x23c: {  	v8, _, _ =	vpop @!p1 (xrf0)  }
0x23d: {  	(v2sf) =	vpush @!p1 v8, $0xF;
	_ =	sdelay $0xb  }
0x23e: {  	s14 =	spop @!p1 (v2sf)  }
0x23f: {  	p2 =	sgt.f32 @!p1 s14, $0.0e+00;
	_ =	sdelay $0x1  }
0x240: {  	s14 =	spop @!p1 (v2sf);
	p3 =	por p2, p1  }
0x241: {  	p3 =	sgt.f32 @!p3 s14, $0.0e+00;
	_ =	sdelay $0x1  }
0x242: {  	p3 =	por @!p1 p2, p3  }
0x243: {  	p3 =	por p1, !p3  }
.Ltmp17:
0x244: {  	_ = 	snop;
	(pc) =	sbr.rel @p3 .LBB2_21-.Ltmp17, $4  }
0x245: {  	_ = 	snop  }
0x246: {  	[dreg:$0x1b] =	wrdreg s0;
	s16 =	sadd.s32 $0xC00, s13  }
0x247: {  	s15 =	sadd.s32 $0x400, s13;
	[dreg:$0x1f] =	wrdreg s16;
	s14 =	sadd.s32 $0x800, s13  }
0x248: {  	s3 =	simm.s32 $0x1CC80;
	[smem:$0x7FA] =	sst s14;
	s14 =	simm.s32 $0x1CA80  }
0x249: {  	p1 =	por !p2, p1  }
0x24a: {  	vm1 =	vmmov @p1 vm1  }
0x24b: {  	p2 =	por @!p1 p2, p2;
	vm0 =	vmmov @p1 vm0;
	v6 =	vpsel p1, v6, v6;
	v7 =	vpsel p1, v7, v7  }
.LBB2_20:
0x24c: {  	v8 =	vmctz.xlane vm0  }
0x24d: {  	v9 =	vmctz.xlane vm1  }
0x24e: {  	(v2sf) =	vpush v8, $0x0  }
0x24f: {  	(v2sf) =	vpush v9, $0x0;
	_ =	sdelay $0xd  }
0x250: {  	s16 =	spop (v2sf)  }
0x251: {  	s0 =	spop (v2sf)  }
0x252: {  	s0 =	sadd.s32 $0x10, s0  }
0x253: {  	s0 =	smov.u32 @p2 s16  }
0x254: {  	s16 =	sshll.u32 s0, $0x4  }
0x255: {  	s16 =	sadd.s32 s7, s16  }
0x256: {  	s13 =	sshll.u32 s16, $0x3  }
0x257: {  	s16 =	sand.u32 $0x70, s16;
	s13 =	sand.u32 $0xFFFFFC00, s13  }
0x258: {  	s13 =	sor.u32 s13, s16  }
0x259: {  	v58 =	vld [tilespmem:s6+$0x1C900];
	s13 =	sor.u32 s1, s13  }
0x25a: {  	v8 =	vld [tilespmem:s13+$0x19000];
	_ =	sdelay $0x4  }
0x25b: {  	vm0 =	vgt.f32 v8, v58  }
0x25c: {  	v9 =	vmpcnt.ones.xlane vm0;
	_ =	sdelay $0x1  }
0x25d: {  	(v2sf) =	vpush v9, $0x0;
	_ =	sdelay $0x4  }
0x25e: {  	v59 =	vld [tilespmem:s13+$0x1AC00];
	_ =	sdelay $0x3  }
0x25f: {  	[tilespmem:s14+$0x0] =	vst.msk vm0, v8  }
0x260: {  	[tilespmem:s3+$0x0] =	vst.msk vm0, v59  }
0x261: {  	v8 =	vld [tilespmem:$0x1CA80]  }
0x262: {  	v9 =	vld [tilespmem:$0x1CC80];
	_ =	sdelay $0x2  }
0x263: {  	s13 =	spop (v2sf)  }
0x264: {  	p1 =	slt.s32 s13, $0x1  }
0x265: {  	v10 =	vmov s0;
	(xrf1) =	vsort.dscd.msk.f32 @!p1 $0xffff, v8, v9  }
0x266: {  	s0 =	sadd.s32 $0xFFFFFFF0, s0;
	vm0 =	veq.s32 v10, v2  }
0x267: {  	v60 =	vmov s0;
	v7 =	vsel vm0, $0x0, v7  }
0x268: {  	vm1 =	veq.s32 v60, v2;
	vm0 =	vgt.s32 v7, $0x0  }
0x269: {  	v6 =	vsel vm1, $0x0, v6;
	v61 =	vsel vm0, $0x3F800000, v1  }
0x26a: {  	vm1 =	vgt.s32 v6, $0x0;
	(xrf0) =	vmax.scan.msk.f32 $0xffff, v61  }
0x26b: {  	v62 =	vsel vm1, $0x3F800000, v1  }
0x26c: {  	(xrf0) =	vmax.scan.msk.f32 $0xffff, v62;
	_ =	sdelay $0x3  }
0x26d: {  	v15, _, _ =	vpop (xrf0)  }
0x26e: {  	[tilespmem:$0x1CA80] =	vst v0;
	(v2sf) =	vpush v15, $0xF;
	v10 =	vlaneseq.u32 @!p1  }
0x26f: {  	v63, _, _ =	vpop (xrf0);
	p2 =	seq.s32 @!p1 s13, $0x1;
	v11 =	vld @!p1 [tilespmem:s6+$0x1C800];
	v10 =	vmul.u32 @!p1 $0xFFFFFFFF, v10  }
0x270: {  	(v2sf) =	vpush v63, $0xF;
	v14 =	vld @!p1 [tilespmem:s6+$0x1C880];
	p2 =	por !p2, p1;
	v12, v13, _ =	vpop @!p1 (xrf1)  }
0x271: {  	v10 =	vadd.s32 @!p1 $0xF, v10;
	v8 =	vpsel p2, v12, v8  }
0x272: {  	v9 =	vpsel p2, v13, v9;
	v8 =	vperm.xlane @!p1 v8, v10  }
0x273: {  	v9 =	vperm.xlane @!p1 v9, v10  }
0x274: {  	vm2 =	vgt.f32 @!p1 v8, v11  }
0x275: {  	v8 =	vsel @!p1 vm2, v8, v11;
	v9 =	vsel @!p1 vm2, v9, v14  }
0x276: {  	(xrf1) =	vsort.dscd.msk.f32 @!p1 $0xffff, v8, v9;
	_ =	sdelay $0x6  }
0x277: {  	s16 =	spop (v2sf)  }
0x278: {  	p3 =	sgt.f32 s16, $0.0e+00  }
0x279: {  	s0 =	spop (v2sf)  }
0x27a: {  	p2 =	sgt.f32 @!p3 s0, $0.0e+00;
	_ =	sdelay $0x1  }
0x27b: {  	p4 =	por p3, p2  }
.Ltmp18:
0x27c: {  	_ = 	snop;
	(pc) =	sbr.rel @p4 .LBB2_20-.Ltmp18, $4  }
0x27d: {  	v8, v9, _ =	vpop @!p1 (xrf1)  }
0x27e: {  	[tilespmem:s6+$0x1C800] =	vst @!p1 v8;
	v8 =	vbroadcast @!p1 v8, $0x9  }
0x27f: {  	vm1 =	vmmov @p3 vm1;
	p2 =	por p3, p3;
	[tilespmem:s6+$0x1C880] =	vst @!p1 v9  }
0x280: {  	vm0 =	vmmov @p3 vm0;
	v6 =	vpsel p3, v6, v6;
	v7 =	vpsel p3, v7, v7;
	p2 =	por @!p3 p3, p3;
	[tilespmem:s6+$0x1C900] =	vst @!p1 v8  }
.LBB2_21:
0x281: {  	p1 =	slt.s32 s12, $0x1;
	s0 =	rddreg [dreg:$0x1b]  }
0x282: {  	v6 =	vld @!p1 [tilespmem:s0+$0x1AC00]  }
0x283: {  	v7 =	vld @!p1 [tilespmem:s8+$0x1AC00]  }
0x284: {  	v8 =	vld @!p1 [tilespmem:s9+$0x1AC00]  }
0x285: {  	v9 =	vld @!p1 [tilespmem:s11+$0x1AC00];
	_ =	sdelay $0x1  }
0x286: {  	v10 =	vld @!p1 [tilespmem:s22+$0x1AC00]  }
0x287: {  	vm0 =	vgt.f32 @!p1 v6, v5;
	vm1 =	vgt.f32 @!p1 v7, v5;
	v6 =	vld @!p1 [tilespmem:s18+$0x1AC00]  }
0x288: {  	v7 =	vmpcnt.ones.xlane @!p1 vm0;
	v11 =	vmpcnt.ones.xlane @!p1 vm1;
	vm1 =	vgt.f32 @!p1 v8, v5;
	v8 =	vld @!p1 [tilespmem:s25+$0x1AC00]  }
0x289: {  	vm0 =	vmmov @!p1 $0x1;
	v12 =	vmpcnt.ones.xlane @!p1 vm1;
	vm1 =	vgt.f32 @!p1 v9, v5  }
0x28a: {  	vm2 =	vmmov @!p1 $0x3;
	v7 =	vsel @!p1 vm0, v7, v11;
	v9 =	vmpcnt.ones.xlane @!p1 vm1;
	v11 =	vld @!p1 [tilespmem:s24+$0x1AC00]  }
0x28b: {  	vm1 =	vmmov @!p1 $0x7;
	v7 =	vsel @!p1 vm2, v7, v12;
	vm2 =	vgt.f32 @!p1 v10, v5;
	v10 =	vld @!p1 [tilespmem:s15+$0x1AC00]  }
0x28c: {  	v7 =	vsel @!p1 vm1, v7, v9;
	v9 =	vmpcnt.ones.xlane @!p1 vm2;
	vm1 =	vgt.f32 @!p1 v6, v5;
	v6 =	vld @!p1 [tilespmem:s17+$0x1AC00]  }
0x28d: {  	vm2 =	vmmov @!p1 $0xf;
	v12 =	vmpcnt.ones.xlane @!p1 vm1;
	vm1 =	vgt.f32 @!p1 v8, v5  }
0x28e: {  	v7 =	vsel @!p1 vm2, v7, v9;
	vm2 =	vmmov @!p1 $0x1f;
	v8 =	vmpcnt.ones.xlane @!p1 vm1;
	v9 =	vld @!p1 [tilespmem:s23+$0x1AC00]  }
0x28f: {  	vm1 =	vmmov @!p1 $0x3f;
	v7 =	vsel @!p1 vm2, v7, v12;
	vm2 =	vgt.f32 @!p1 v11, v5;
	v11 =	vld @!p1 [tilespmem:s26+$0x1AC00]  }
0x290: {  	v7 =	vsel @!p1 vm1, v7, v8;
	v8 =	vmpcnt.ones.xlane @!p1 vm2;
	vm1 =	vgt.f32 @!p1 v10, v5;
	v10 =	vld @!p1 [tilespmem:s28+$0x1AC00]  }
0x291: {  	s0 =	sld [smem:$0x7FA];
	vm2 =	vmmov @!p1 $0x7f;
	v12 =	vmpcnt.ones.xlane @!p1 vm1;
	vm1 =	vgt.f32 @!p1 v6, v5  }
0x292: {  	v6 =	vsel @!p1 vm2, v7, v8;
	vm2 =	vmmov @!p1 $0xff;
	v7 =	vmpcnt.ones.xlane @!p1 vm1;
	v8 =	vld @!p1 [tilespmem:s29+$0x1AC00]  }
0x293: {  	vm1 =	vmmov @!p1 $0x1ff;
	v6 =	vsel @!p1 vm2, v6, v12;
	vm2 =	vgt.f32 @!p1 v9, v5;
	v9 =	vld @!p1 [tilespmem:s30+$0x1AC00]  }
0x294: {  	v6 =	vsel @!p1 vm1, v6, v7;
	v7 =	vmpcnt.ones.xlane @!p1 vm2;
	vm1 =	vgt.f32 @!p1 v11, v5;
	v11 =	vld @!p1 [tilespmem:s0+$0x1AC00]  }
0x295: {  	vm2 =	vmmov @!p1 $0x3ff;
	v12 =	vmpcnt.ones.xlane @!p1 vm1;
	vm1 =	vgt.f32 @!p1 v10, v5;
	v10 =	vld @!p1 [tilespmem:s31+$0x1AC00]  }
0x296: {  	v6 =	vsel @!p1 vm2, v6, v7;
	vm2 =	vmmov @!p1 $0x7ff;
	v7 =	vmpcnt.ones.xlane @!p1 vm1  }
0x297: {  	vm1 =	vmmov @!p1 $0xfff;
	v6 =	vsel @!p1 vm2, v6, v12;
	v12 =	vld @!p1 [tilespmem:s4+$0x1AC00]  }
0x298: {  	v6 =	vsel @!p1 vm1, v6, v7;
	vm1 =	vgt.f32 @!p1 v8, v5;
	v7 =	vld @!p1 [tilespmem:s10+$0x1AC00]  }
0x299: {  	vm3 =	vgt.f32 @!p1 v9, v5;
	v8 =	vmpcnt.ones.xlane @!p1 vm1;
	vm2 =	vgt.f32 @!p1 v11, v5;
	v11 =	vld @!p1 [tilespmem:s2+$0x1AC00]  }
0x29a: {  	vm1 =	vmmov @!p1 $0x1fff;
	v9 =	vmpcnt.ones.xlane @!p1 vm2;
	vm2 =	vgt.f32 @!p1 v10, v5  }
0x29b: {  	v10 =	vld @!p1 [tilespmem:s21+$0x1AC00];
	v6 =	vsel @!p1 vm1, v6, v8;
	v8 =	vmpcnt.ones.xlane @!p1 vm3;
	v13 =	vmpcnt.ones.xlane @!p1 vm2  }
0x29c: {  	v9 =	vnsel @!p1 vm0, $0x0, v9;
	vm0 =	vcmask @!p1 $0x324;
	vm1 =	vgt.f32 @!p1 v12, v5;
	v12 =	vld @!p1 [tilespmem:s19+$0x1AC00]  }
0x29d: {  	v9 =	vsel @!p1 vm0, v9, v13;
	v13 =	vmpcnt.ones.xlane @!p1 vm1;
	vm0 =	vgt.f32 @!p1 v7, v5;
	v7 =	vld @!p1 [tilespmem:s5+$0x1AC00]  }
0x29e: {  	vm1 =	vgt.f32 @!p1 v11, v5;
	v11 =	vmpcnt.ones.xlane @!p1 vm0;
	vm0 =	vcmask @!p1 $0x724  }
0x29f: {  	v9 =	vsel @!p1 vm0, v9, v13;
	vm0 =	vcmask @!p1 $0xB24;
	v13 =	vmpcnt.ones.xlane @!p1 vm1  }
0x2a0: {  	s0 =	rddreg [dreg:$0x1f];
	vm1 =	vmmov @!p1 $0x3fff;
	v9 =	vsel @!p1 vm0, v9, v11;
	vm0 =	vcmask @!p1 $0xF24;
	v11 =	vld @!p1 [tilespmem:s20+$0x1AC00]  }
0x2a1: {  	v6 =	vsel @!p1 vm1, v6, v8;
	v8 =	vsel @!p1 vm0, v9, v13;
	vm0 =	vgt.f32 @!p1 v12, v5;
	v9 =	vld @!p1 [tilespmem:s0+$0x1AC00]  }
0x2a2: {  	vm1 =	vgt.f32 @!p1 v10, v5;
	v10 =	vmpcnt.ones.xlane @!p1 vm0;
	vm0 =	vgt.f32 @!p1 v7, v5  }
0x2a3: {  	v7 =	vmpcnt.ones.xlane @!p1 vm1;
	vm1 =	vcmask @!p1 $0x1324;
	v12 =	vmpcnt.ones.xlane @!p1 vm0  }
0x2a4: {  	vm0 =	vmmov @!p1 $0x7fff;
	v8 =	vsel @!p1 vm1, v8, v10;
	vm1 =	vcmask @!p1 $0x1724  }
0x2a5: {  	v6 =	vsel @!p1 vm0, v6, v7;
	v7 =	vsel @!p1 vm1, v8, v12;
	vm0 =	vgt.f32 @!p1 v11, v5  }
0x2a6: {  	vm1 =	vcmask @!p1 $0x1B24;
	v8 =	vmpcnt.ones.xlane @!p1 vm0;
	vm0 =	vgt.f32 @!p1 v9, v5  }
0x2a7: {  	v9 =	vimm.f32 @!p1 $0.0e+00;
	v5 =	vmpcnt.ones.xlane @!p1 vm0;
	vm0 =	vgt.s32 @!p1 v6, $0x0  }
0x2a8: {  	v7 =	vsel @!p1 vm1, v7, v8;
	vm1 =	vcmask @!p1 $0x1F24;
	v8 =	vsel @!p1 vm0, $0x3F800000, v9  }
0x2a9: {  	v5 =	vsel @!p1 vm1, v7, v5;
	(xrf0) =	vmax.scan.msk.f32 @!p1 $0xffff, v8  }
0x2aa: {  	vm1 =	vgt.s32 @!p1 v5, $0x0  }
0x2ab: {  	v7 =	vsel @!p1 vm1, $0x3F800000, v9  }
0x2ac: {  	(xrf0) =	vmax.scan.msk.f32 @!p1 $0xffff, v7;
	_ =	sdelay $0x2  }
0x2ad: {  	v7, _, _ =	vpop @!p1 (xrf0)  }
0x2ae: {  	(v2sf) =	vpush @!p1 v7, $0xF;
	_ =	sdelay $0x1  }
0x2af: {  	v7, _, _ =	vpop @!p1 (xrf0)  }
0x2b0: {  	(v2sf) =	vpush @!p1 v7, $0xF;
	_ =	sdelay $0xb  }
0x2b1: {  	s0 =	spop @!p1 (v2sf)  }
0x2b2: {  	p2 =	sgt.f32 @!p1 s0, $0.0e+00;
	_ =	sdelay $0x1  }
0x2b3: {  	s0 =	spop @!p1 (v2sf);
	p3 =	por p2, p1  }
0x2b4: {  	p3 =	sgt.f32 @!p3 s0, $0.0e+00;
	_ =	sdelay $0x1  }
0x2b5: {  	p3 =	por @!p1 p2, p3  }
0x2b6: {  	p3 =	por p1, !p3  }
.Ltmp19:
0x2b7: {  	_ = 	snop;
	(pc) =	sbr.rel @p3 .LBB2_24-.Ltmp19, $2  }
0x2b8: {  	_ =	sdelay $0x2  }
0x2b9: {  	s13 =	simm.s32 $0x1CA80  }
0x2ba: {  	p1 =	por !p2, p1  }
0x2bb: {  	vm1 =	vmmov @p1 vm1  }
0x2bc: {  	p2 =	por @!p1 p2, p2;
	vm0 =	vmmov @p1 vm0;
	v5 =	vpsel p1, v5, v5;
	v6 =	vpsel p1, v6, v6  }
.LBB2_23:
0x2bd: {  	v7 =	vmctz.xlane vm0  }
0x2be: {  	v8 =	vmctz.xlane vm1  }
0x2bf: {  	(v2sf) =	vpush v7, $0x0  }
0x2c0: {  	(v2sf) =	vpush v8, $0x0;
	_ =	sdelay $0xd  }
0x2c1: {  	s0 =	spop (v2sf)  }
0x2c2: {  	s2 =	spop (v2sf)  }
0x2c3: {  	s2 =	sadd.s32 $0x10, s2  }
0x2c4: {  	s2 =	smov.u32 @p2 s0  }
0x2c5: {  	s0 =	sshll.u32 s2, $0x4  }
0x2c6: {  	s0 =	sadd.s32 s7, s0  }
0x2c7: {  	s3 =	sshll.u32 s0, $0x3  }
0x2c8: {  	s0 =	sand.u32 $0x70, s0;
	s3 =	sand.u32 $0xFFFFFC00, s3  }
0x2c9: {  	v8 =	vld [tilespmem:s6+$0x1CA00];
	s0 =	sor.u32 s0, s3  }
0x2ca: {  	v7 =	vld.idx.msk [tilespmem:v4+s0+$0x1AC00 ss:$0x1], $0xffff;
	_ =	sdelay $0x4  }
0x2cb: {  	vm0 =	vgt.f32 v7, v8  }
0x2cc: {  	v8 =	vmpcnt.ones.xlane vm0;
	_ =	sdelay $0x1  }
0x2cd: {  	(v2sf) =	vpush v8, $0x0;
	_ =	sdelay $0xa  }
0x2ce: {  	[tilespmem:s13+$0x0] =	vst.msk vm0, v7  }
0x2cf: {  	v7 =	vld [tilespmem:$0x1CA80];
	_ =	sdelay $0x2  }
0x2d0: {  	s0 =	spop (v2sf)  }
0x2d1: {  	p1 =	slt.s32 s0, $0x1  }
0x2d2: {  	(xrf1) =	vsort.dscd.msk.f32 @!p1 $0xffff, v7, v7;
	_ =	sdelay $0x1  }
0x2d3: {  	v8 =	vmov s2  }
0x2d4: {  	vm0 =	veq.s32 v8, v2  }
0x2d5: {  	s2 =	sadd.s32 $0xFFFFFFF0, s2;
	v6 =	vsel vm0, $0x0, v6  }
0x2d6: {  	v8 =	vmov s2;
	vm0 =	vgt.s32 v6, $0x0  }
0x2d7: {  	vm1 =	veq.s32 v8, v2;
	v8 =	vsel vm0, $0x3F800000, v1  }
0x2d8: {  	v5 =	vsel vm1, $0x0, v5;
	(xrf0) =	vmax.scan.msk.f32 $0xffff, v8  }
0x2d9: {  	vm1 =	vgt.s32 v5, $0x0  }
0x2da: {  	v8 =	vsel vm1, $0x3F800000, v1  }
0x2db: {  	(xrf0) =	vmax.scan.msk.f32 $0xffff, v8;
	v8 =	vlaneseq.u32 @!p1  }
0x2dc: {  	v8 =	vmul.u32 @!p1 $0xFFFFFFFF, v8;
	_ =	sdelay $0x1  }
0x2dd: {  	v11, _, _ =	vpop (xrf0);
	p2 =	seq.s32 @!p1 s0, $0x1;
	v8 =	vadd.s32 @!p1 $0xF, v8  }
0x2de: {  	p2 =	por !p2, p1;
	v10, _, _ =	vpop @!p1 (xrf1)  }
0x2df: {  	[tilespmem:$0x1CA80] =	vst v0;
	(v2sf) =	vpush v11, $0xF;
	v7 =	vpsel p2, v10, v7  }
0x2e0: {  	v9 =	vld @!p1 [tilespmem:s6+$0x1C980];
	v7 =	vperm.xlane @!p1 v7, v8;
	v8, _, _ =	vpop (xrf0)  }
0x2e1: {  	(v2sf) =	vpush v8, $0xF;
	_ =	sdelay $0x3  }
0x2e2: {  	vm2 =	vgt.f32 @!p1 v7, v9  }
0x2e3: {  	v7 =	vsel @!p1 vm2, v7, v9  }
0x2e4: {  	(xrf1) =	vsort.dscd.msk.f32 @!p1 $0xffff, v7, v7;
	_ =	sdelay $0x6  }
0x2e5: {  	s31 =	spop (v2sf)  }
0x2e6: {  	p3 =	sgt.f32 s31, $0.0e+00  }
0x2e7: {  	s0 =	spop (v2sf)  }
0x2e8: {  	p2 =	sgt.f32 @!p3 s0, $0.0e+00;
	_ =	sdelay $0x1  }
0x2e9: {  	p4 =	por p3, p2  }
.Ltmp20:
0x2ea: {  	_ = 	snop;
	(pc) =	sbr.rel @p4 .LBB2_23-.Ltmp20, $4  }
0x2eb: {  	v7, _, _ =	vpop @!p1 (xrf1)  }
0x2ec: {  	v8 =	vbroadcast @!p1 v7, $0x9  }
0x2ed: {  	vm1 =	vmmov @p3 vm1;
	[tilespmem:s6+$0x1C980] =	vst @!p1 v7;
	p2 =	por p3, p3  }
0x2ee: {  	vm0 =	vmmov @p3 vm0;
	v5 =	vpsel p3, v5, v5;
	v6 =	vpsel p3, v6, v6;
	p2 =	por @!p3 p3, p3;
	[tilespmem:s6+$0x1CA00] =	vst @!p1 v8  }
.Ltmp21:
0x2ef: {  	_ = 	snop;
	(pc) =	sbr.rel .LBB2_24-.Ltmp21, $1  }
0x2f0: {  	_ =	sdelay $0x3  }
.LBB2_26:
0x2f1: {  	s0 =	simm.s32 $0x0  }
0x2f2: {  	v4 =	vld [tilespmem:s0+$0x1C980];
	_ =	sdelay $0x4  }
0x2f3: {  	v4 =	vmul.f32 v3, v4  }
0x2f4: {  	vm0 =	vmmov $0x3ff  }
0x2f5: {  	v4 =	vnsel vm0, $0x0, v4  }
0x2f6: {  	(xrf2) =	vadd.scan.msk.f32 $0xffff, v4;
	_ =	sdelay $0x3  }
0x2f7: {  	v4 =	vld [tilespmem:s0+$0x1C880];
	_ =	sdelay $0x4  }
0x2f8: {  	v4 =	vmul.f32 v3, v4  }
0x2f9: {  	v5, _, _ =	vpop (xrf2)  }
0x2fa: {  	v4 =	vnsel vm0, $0x0, v4;
	v5 =	vadd.f32 $9.999999930e-09, v5  }
0x2fb: {  	(xrf2) =	vadd.scan.msk.f32 $0xffff, v4  }
0x2fc: {  	v4 =	vbroadcast v5, $0xF;
	_ =	sdelay $0x1  }
0x2fd: {  	(erf) = vrcp.f32 v4;
	_ =	sdelay $0x5  }
0x2fe: {  	s4 =	rddreg [dreg:$0xa]  }
0x2ff: {  	v4 =	vmov s4;
	v5, _, _ =	vpop (xrf2)  }
0x300: {  	v5 =	vbroadcast v5, $0xF  }
0x301: {  	v6 =	vpop (erf)  }
0x302: {  	v5 =	vmul.f32 v6, v5  }
0x303: {  	s3 =	simm.s32 $0x1CE80  }
0x304: {  	s2 =	simm.s32 $0x10;
	s1 =	simm.s32 $0x80;
	s0 =	smov.u32 s4;
	[tilespmem:v4+s3+$0x0] =	vst.idx.msk $0x1, v5  }
.LBB2_27:
0x305: {  	p0 =	sne.s32 s1, $0x1C0;
	v4 =	vld [tilespmem:s2+$0x1C980];
	_ =	sdelay $0x4  }
0x306: {  	v4 =	vmul.f32 v3, v4;
	_ =	sdelay $0x1  }
0x307: {  	v4 =	vnsel vm0, $0x0, v4  }
0x308: {  	(xrf2) =	vadd.scan.msk.f32 $0xffff, v4;
	_ =	sdelay $0x3  }
0x309: {  	v4 =	vld [tilespmem:s2+$0x1C880];
	_ =	sdelay $0x4  }
0x30a: {  	v4 =	vmul.f32 v3, v4  }
0x30b: {  	v5, _, _ =	vpop (xrf2)  }
0x30c: {  	v4 =	vnsel vm0, $0x0, v4;
	v5 =	vadd.f32 $9.999999930e-09, v5  }
0x30d: {  	(xrf2) =	vadd.scan.msk.f32 $0xffff, v4  }
0x30e: {  	v4 =	vbroadcast v5, $0xF;
	_ =	sdelay $0x1  }
0x30f: {  	(erf) = vrcp.f32 v4;
	_ =	sdelay $0x5  }
0x310: {  	s0 =	sadd.s32 $0x1, s0  }
0x311: {  	v4 =	vmov s0;
	v5, _, _ =	vpop (xrf2)  }
.Ltmp22:
0x312: {  	v5 =	vbroadcast v5, $0xF;
	(pc) =	sbr.rel @p0 .LBB2_27-.Ltmp22, $3  }
0x313: {  	v6 =	vpop (erf)  }
0x314: {  	v5 =	vmul.f32 v6, v5;
	_ =	sdelay $0x1  }
0x315: {  	s2 =	sshra.s32 s1, $0x2;
	s1 =	sadd.s32 $0x40, s1;
	[tilespmem:v4+s3+$0x0] =	vst.idx.msk $0x1, v5  }
0x316: {  	v4 =	vld [tilespmem:s2+$0x1C980];
	_ =	sdelay $0x4  }
0x317: {  	v4 =	vmul.f32 v3, v4;
	_ =	sdelay $0x1  }
0x318: {  	v4 =	vnsel vm0, $0x0, v4  }
0x319: {  	(xrf2) =	vadd.scan.msk.f32 $0xffff, v4;
	_ =	sdelay $0x3  }
0x31a: {  	v4 =	vld [tilespmem:s2+$0x1C880];
	_ =	sdelay $0x4  }
0x31b: {  	v4 =	vmul.f32 v3, v4  }
0x31c: {  	v5, _, _ =	vpop (xrf2)  }
0x31d: {  	v4 =	vnsel vm0, $0x0, v4;
	v5 =	vadd.f32 $9.999999930e-09, v5  }
0x31e: {  	(xrf2) =	vadd.scan.msk.f32 $0xffff, v4  }
0x31f: {  	v4 =	vbroadcast v5, $0xF;
	_ =	sdelay $0x1  }
0x320: {  	(erf) = vrcp.f32 v4;
	_ =	sdelay $0x4  }
0x321: {  	s1 =	rddreg [dreg:$0xb]  }
0x322: {  	s0 =	sadd.s32 $0x1, s0;
	s1 =	sadd.s32 $0x1, s1  }
0x323: {  	p0 =	sne.s32 s1, $0x4;
	v4 =	vmov s0;
	v5, _, _ =	vpop (xrf2)  }
.Ltmp23:
0x324: {  	v5 =	vbroadcast v5, $0xF;
	(pc) =	sbr.rel @p0 .LBB2_2-.Ltmp23, $3  }
0x325: {  	v6 =	vpop (erf)  }
0x326: {  	v5 =	vmul.f32 v6, v5;
	_ =	sdelay $0x1  }
0x327: {  	s4 =	sadd.s32 $0x8, s4;
	[tilespmem:v4+s3+$0x0] =	vst.idx.msk $0x1, v5  }
0x328: {  	s5 =	simm.s32 $0x0;
	s0 =	rddreg [dreg:$0x6];
	s1 =	simm.s32 $0x3  }
0x329: {  	[hbm4b:s0+s5] =	stream.linear.scatter [tilespmem:s3], [sflag:$0x3], $0x20, $0x38;
	[tilespmem:$0x1CF00] =	vst v63  }
0x32a: {  	_ =	swait.ge [sflag:s1], $0x20  }
0x32b: {  	s2 =	rddreg [dreg:$0x9]  }
0x32c: {  	s31 =	rddreg [dreg:$0x7];
	s2 =	sadd.s32 $0x1, s2  }
0x32d: {  	p0 =	sne.s32 s2, s31  }
.Ltmp24:
0x32e: {  	_ = 	snop;
	(pc) =	sbr.rel @p0 .LBB2_1-.Ltmp24, $3  }
0x32f: {  	_ =	sdelay $0x1  }
0x330: {  	[sflag:s1] =	ssyncset.done $0x0  }
0x331: {  	[sflag:s1] =	ssyncadd.s32 $0xFFFFFFE0  }
0x332: {  	_ =	sfence.sel $0x180000  }
0x333: {  	[bflag:$0x0] =	sbarrier.arrive $0xFFFF  }
0x334: {  	_ =	strace $0x90000047  }
0x335: {  	s0 =	stileid.u32;
	[bflag:$0x2] =	sbarrier.arrive $0xFFFF  }
0x336: {  	p0 =	sne.s32 s0, $0x0;
	s0 =	rddreg [dreg:$0x1]  }
0x337: {  	s0 =	sadd.s32 @!p0 $0x100000, s0  }
0x338: {  	[sflag:s0] =	ssyncadd.tile.s32 @!p0 $0x1;
	_ =	shalt  }
.Lfunc_end2:
_tile_overlayer_lowered:
.L_overlay_start_2:
0x339: {  	(tag) =	ssettag $0x2  }
0x33a: {  	s0 =	rddreg [dreg:$0x0];
	s2 =	stileid.u32  }
0x33b: {  	s1 =	rddreg [dreg:$0x1];
	p0 =	sne.s32 s2, $0x0  }
0x33c: {  	s3 =	rddreg [dreg:$0x2];
	[bflag:$0x3] =	sbarrier.arrive $0xFFFF;
	s2 =	simm.s32 @!p0 $0x1C03  }
0x33d: {  	[timem:s3], [sflag:s2] =	dma.local @!p0 [hbm:s0], s1  }
0x33e: {  	s0 =	simm.s32 @!p0 $0x3  }
0x33f: {  	_ =	swait.ge @!p0 [sflag:s0], s1  }
0x340: {  	s1 =	ssub.s32 @!p0 $0x0, s1;
	[sflag:s0] =	ssyncset.done @!p0 $0x0  }
0x341: {  	[sflag:s0] =	ssyncadd.s32 @!p0 s1  }
0x342: {  	[bflag:$0x3] =	sbarrier.arrive $0xFFFF  }
0x343: {  	_ =	shalt  }

</sc_bundles>
